<compile_context>
chip_gen: v7x
topology: tpu7x:2x2x1
jax: 0.10.2.dev20260603
libtpu: 0.0.44.dev20260713+nightly
codegen_flags: <defaults>
</compile_context>

<pallas_src>
import dataclasses
import functools

import jax
import jax.numpy as jnp
from jax import lax
from jax.experimental import pallas as pl
from jax.experimental.pallas import tpu as pltpu
from jax.experimental.pallas import tpu_sc as plsc

N = 10000
E = 320000
D = 128

NC = 2
NS = 16
NW = NC * NS
B = 80
NB = 126
EPW = NB * B
E2 = NW * EPW
NPAD = 10240
RPS = NPAD // NS


@functools.cache
def _mesh():
    return plsc.VectorSubcoreMesh(
        core_axis_name="c", subcore_axis_name="s",
        num_cores=NC, num_subcores=NS,
    )


_CP = pltpu.CompilerParams()
if "needs_layout_passes" in pltpu.CompilerParams.__dataclass_fields__:
    _CP = dataclasses.replace(_CP, needs_layout_passes=False)


def _sc_deg(col3, ew, zeros128):

    @functools.partial(
        pl.kernel,
        out_type=jax.ShapeDtypeStruct((NC, NPAD, D), jnp.float32),
        mesh=_mesh(),
        scratch_types=[
            pltpu.VMEM((NB, B), jnp.int32),
            [pltpu.VMEM((B,), jnp.float32) for _ in range(3)],
            [pltpu.VMEM((B, D), jnp.float32) for _ in range(3)],
            pltpu.VMEM_SHARED((NPAD, D), jnp.float32),
            [pltpu.SemaphoreType.DMA for _ in range(3)],
            [pltpu.SemaphoreType.DMA for _ in range(3)],
        ],
        compiler_params=_CP,
    )
    def k(col_hbm, ew_hbm, z_hbm, out_hbm, colv, ewv, mb, acc, isem, ssem):
        c = lax.axis_index("c")
        s = lax.axis_index("s")
        wid = s * NC + c
        base = wid * EPW
        pltpu.sync_copy(col_hbm.at[wid], colv)
        pltpu.sync_copy(z_hbm, acc.at[pl.ds(s * RPS, RPS)])
        plsc.subcore_barrier()

        def istart(m, q):
            pltpu.async_copy(ew_hbm.at[pl.ds(base + m * B, B)], ewv[q],
                             isem[q])

        def iwait(q):
            pltpu.make_async_copy(ew_hbm.at[pl.ds(0, B)], ewv[q],
                                  isem[q]).wait()

        def swait(q):
            pltpu.make_async_copy(z_hbm.at[pl.ds(0, B)], mb[q],
                                  ssem[q]).wait()

        def phase(m, q):
            @pl.when(m + 2 <= NB - 1)
            def _():
                istart(m + 2, (q + 2) % 3)

            @pl.when(m >= 3)
            def _():
                swait(q)

            iwait(q)

            @plsc.parallel_loop(0, B, unroll=4)
            def _(e):
                w = plsc.load_gather(ewv[q], [lax.broadcast(e, (16,))])
                for kk in range(D // 16):
                    mb[q][e, pl.ds(kk * 16, 16)] = w

            pltpu.async_copy(mb[q], acc.at[colv.at[m]], ssem[q], add=True)

        istart(0, 0)
        istart(1, 1)

        @pl.loop(0, NB // 3)
        def _(j):
            m = 3 * j
            phase(m, 0)
            phase(m + 1, 1)
            phase(m + 2, 2)

        for q in range(3):
            swait(q)

        plsc.subcore_barrier()
        pltpu.sync_copy(acc.at[pl.ds(s * RPS, RPS)],
                        out_hbm.at[c, pl.ds(s * RPS, RPS)])

    return k(col3, ew, zeros128)


def _sc_pass(g, row, col3, ew, zeros128):

    @functools.partial(
        pl.kernel,
        out_type=jax.ShapeDtypeStruct((NC, NPAD, D), jnp.float32),
        mesh=_mesh(),
        scratch_types=[
            pltpu.VMEM((NB, B), jnp.int32),
            [pltpu.VMEM((B,), jnp.int32) for _ in range(3)],
            [pltpu.VMEM((B,), jnp.float32) for _ in range(3)],
            [pltpu.VMEM((B, D), jnp.float32) for _ in range(3)],
            pltpu.VMEM_SHARED((NPAD, D), jnp.float32),
            [pltpu.SemaphoreType.DMA for _ in range(3)],
            [pltpu.SemaphoreType.DMA for _ in range(3)],
            [pltpu.SemaphoreType.DMA for _ in range(3)],
        ],
        compiler_params=_CP,
    )
    def k(g_hbm, row_hbm, col_hbm, ew_hbm, z_hbm, out_hbm,
          colv, rowv, ewv, buf, acc, isem, gsem, ssem):
        c = lax.axis_index("c")
        s = lax.axis_index("s")
        wid = s * NC + c
        base = wid * EPW
        pltpu.sync_copy(col_hbm.at[wid], colv)
        pltpu.sync_copy(z_hbm, acc.at[pl.ds(s * RPS, RPS)])
        plsc.subcore_barrier()

        def istart(m, q):
            off = base + m * B
            pltpu.async_copy(row_hbm.at[pl.ds(off, B)], rowv[q], isem[q])
            pltpu.async_copy(ew_hbm.at[pl.ds(off, B)], ewv[q], isem[q])

        def iwait(q):
            pltpu.make_async_copy(row_hbm.at[pl.ds(0, B)], rowv[q],
                                  isem[q]).wait()
            pltpu.make_async_copy(ew_hbm.at[pl.ds(0, B)], ewv[q],
                                  isem[q]).wait()

        def gstart(q):
            pltpu.async_copy(g_hbm.at[rowv[q]], buf[q], gsem[q])

        def gwait(q):
            pltpu.make_async_copy(g_hbm.at[rowv[q]], buf[q], gsem[q]).wait()

        def swait(q):
            pltpu.make_async_copy(z_hbm.at[pl.ds(0, B)], buf[q],
                                  ssem[q]).wait()

        def phase(m, q, q1, q2):
            @pl.when(m + 2 <= NB - 1)
            def _():
                istart(m + 2, q2)

            @pl.when(m + 1 <= NB - 1)
            def _():
                @pl.when(m >= 2)
                def _():
                    swait(q1)

                iwait(q1)
                gstart(q1)

            gwait(q)

            @plsc.parallel_loop(0, B, unroll=4)
            def _(e):
                w = plsc.load_gather(ewv[q], [lax.broadcast(e, (16,))])
                for kk in range(D // 16):
                    sl = (e, pl.ds(kk * 16, 16))
                    buf[q][sl] = buf[q][sl] * w

            pltpu.async_copy(buf[q], acc.at[colv.at[m]], ssem[q], add=True)

        istart(0, 0)
        istart(1, 1)
        iwait(0)
        gstart(0)

        @pl.loop(0, NB // 3)
        def _(j):
            m = 3 * j
            phase(m, 0, 1, 2)
            phase(m + 1, 1, 2, 0)
            phase(m + 2, 2, 0, 1)

        for q in range(3):
            swait(q)

        plsc.subcore_barrier()
        pltpu.sync_copy(acc.at[pl.ds(s * RPS, RPS)],
                        out_hbm.at[c, pl.ds(s * RPS, RPS)])

    return k(g, row, col3, ew, zeros128)


BM = 2000


def _tc_matmul(x, W):
    def body(x_ref, w_ref, o_ref):
        o_ref[...] = jnp.dot(x_ref[...], w_ref[...],
                             preferred_element_type=jnp.float32)

    return pl.pallas_call(
        body,
        grid=(N // BM,),
        in_specs=[pl.BlockSpec((BM, D), lambda i: (i, 0)),
                  pl.BlockSpec((D, D), lambda i: (0, 0))],
        out_specs=pl.BlockSpec((BM, D), lambda i: (i, 0)),
        out_shape=jax.ShapeDtypeStruct((N, D), jnp.float32),
    )(x, W)


def _tc_prep(degp, h1):

    def body(d_ref, h_ref, dis_ref, g_ref):
        dis1 = lax.rsqrt(1.0 + d_ref[0, :, 0:1] + d_ref[1, :, 0:1])
        dis_ref[...] = jnp.broadcast_to(dis1, (BM, 16))
        g_ref[...] = h_ref[...] * dis1

    return pl.pallas_call(
        body,
        grid=(N // BM,),
        in_specs=[pl.BlockSpec((NC, BM, D), lambda i: (0, i, 0)),
                  pl.BlockSpec((BM, D), lambda i: (i, 0))],
        out_specs=[pl.BlockSpec((BM, 16), lambda i: (i, 0)),
                   pl.BlockSpec((BM, D), lambda i: (i, 0))],
        out_shape=[jax.ShapeDtypeStruct((N, 16), jnp.float32),
                   jax.ShapeDtypeStruct((N, D), jnp.float32)],
    )(degp, h1)


def _tc_mid(s1, g1, dis, b1, W2):

    def body(s_ref, g_ref, dis_ref, b_ref, w_ref, o_ref):
        dis1 = dis_ref[:, 0:1]
        h = dis1 * (s_ref[0] + s_ref[1] + g_ref[...]) + b_ref[...]
        h = jnp.maximum(h, 0.0)
        o_ref[...] = dis1 * jnp.dot(h, w_ref[...],
                                    preferred_element_type=jnp.float32)

    return pl.pallas_call(
        body,
        grid=(N // BM,),
        in_specs=[pl.BlockSpec((NC, BM, D), lambda i: (0, i, 0)),
                  pl.BlockSpec((BM, D), lambda i: (i, 0)),
                  pl.BlockSpec((BM, 16), lambda i: (i, 0)),
                  pl.BlockSpec((1, D), lambda i: (0, 0)),
                  pl.BlockSpec((D, D), lambda i: (0, 0))],
        out_specs=pl.BlockSpec((BM, D), lambda i: (i, 0)),
        out_shape=jax.ShapeDtypeStruct((N, D), jnp.float32),
    )(s1, g1, dis, b1, W2)


def _tc_final(s2, g2, dis, b2):

    def body(s_ref, g_ref, dis_ref, b_ref, o_ref):
        dis1 = dis_ref[:, 0:1]
        o_ref[...] = dis1 * (s_ref[0] + s_ref[1] + g_ref[...]) + b_ref[...]

    return pl.pallas_call(
        body,
        grid=(N // BM,),
        in_specs=[pl.BlockSpec((NC, BM, D), lambda i: (0, i, 0)),
                  pl.BlockSpec((BM, D), lambda i: (i, 0)),
                  pl.BlockSpec((BM, 16), lambda i: (i, 0)),
                  pl.BlockSpec((1, D), lambda i: (0, 0))],
        out_specs=pl.BlockSpec((BM, D), lambda i: (i, 0)),
        out_shape=jax.ShapeDtypeStruct((N, D), jnp.float32),
    )(s2, g2, dis, b2)


def kernel(x, edge_index, edge_attr, W1, b1, W2, b2):
    pad = E2 - E
    row = jnp.concatenate([edge_index[0], jnp.zeros((pad,), jnp.int32)])
    col = jnp.concatenate([edge_index[1], jnp.zeros((pad,), jnp.int32)])
    ew = jnp.concatenate([edge_attr, jnp.zeros((pad,), jnp.float32)])
    col3 = col.reshape(NW, NB, B)
    zeros128 = jnp.zeros((RPS, D), jnp.float32)
    b1r = b1.reshape(1, D)
    b2r = b2.reshape(1, D)

    degp = _sc_deg(col3, ew, zeros128)
    h1 = _tc_matmul(x, W1)
    dis, g1 = _tc_prep(degp, h1)
    s1 = _sc_pass(g1, row, col3, ew, zeros128)
    g2 = _tc_mid(s1, g1, dis, b1r, W2)
    s2 = _sc_pass(g2, row, col3, ew, zeros128)
    return _tc_final(s2, g2, dis, b2r)

# --- scband reference (transcript-rebuilt; emitter-appended) ---
"""Pipeline reference for scband-gcn-46720654246026 (READ-ONLY COPY).

The authoritative reference and input builder live on the scoring server;
editing this copy changes nothing except your own understanding.
"""

import jax, jax.numpy as jnp
import numpy as np

N = 10000
E = 320000
D_IN = 128
D_HID = 128
D_OUT = 128


def setup_inputs(seed: int = 0) -> dict:
    key = jax.random.key(seed)
    ks = jax.random.split(key, 8)
    x = jax.random.normal(ks[0], (N, D_IN), dtype=jnp.float32)
    edge_index = jax.random.randint(ks[1], (2, E), 0, N, dtype=jnp.int32)
    edge_attr = jax.random.uniform(ks[2], (E,), dtype=jnp.float32)
    W1 = jax.random.normal(ks[3], (D_IN, D_HID), dtype=jnp.float32) * (1.0 / np.sqrt(D_IN))
    b1 = jnp.zeros((D_HID,), dtype=jnp.float32)
    W2 = jax.random.normal(ks[4], (D_HID, D_OUT), dtype=jnp.float32) * (1.0 / np.sqrt(D_HID))
    b2 = jnp.zeros((D_OUT,), dtype=jnp.float32)
    return {"x": x, "edge_index": edge_index, "edge_attr": edge_attr,
            "W1": W1, "b1": b1, "W2": W2, "b2": b2}


def _gcn_conv(x, edge_index, edge_weight, W, b):
    # PyG GCNConv: add self-loops (weight 1), symmetric normalization, then
    # out = D^-1/2 (A+I) D^-1/2 X W + b
    row = edge_index[0]
    col = edge_index[1]
    loop = jnp.arange(N, dtype=row.dtype)
    row_f = jnp.concatenate([row, loop])
    col_f = jnp.concatenate([col, loop])
    ew_f = jnp.concatenate([edge_weight, jnp.ones((N,), dtype=edge_weight.dtype)])
    deg = jax.ops.segment_sum(ew_f, col_f, num_segments=N)
    deg_inv_sqrt = jnp.where(deg > 0, 1.0 / jnp.sqrt(deg), 0.0)
    norm = deg_inv_sqrt[row_f] * ew_f * deg_inv_sqrt[col_f]
    h = x @ W
    msg = h[row_f] * norm[:, None]
    out = jax.ops.segment_sum(msg, col_f, num_segments=N)
    return out + b


def reference(x, edge_index, edge_attr, W1, b1, W2, b2):
    h = _gcn_conv(x, edge_index, edge_attr, W1, b1)
    h = jax.nn.relu(h)
    out = _gcn_conv(h, edge_index, edge_attr, W2, b2)
    return out

if __name__ == "__main__":
    import jax
    _d = setup_inputs()
    print(jax.jit(kernel)(*tuple(_d.values())))

</pallas_src>

<mosaic_0001>
#map = affine_map<(d0, d1) -> (0, 0, 0)>
#map1 = affine_map<(d0, d1) -> (0)>
#map2 = affine_map<(d0, d1) -> (0, 0)>
module attributes {stable_mosaic.version = 14 : i64} {
  func.func @k(%arg0: i32, %arg1: i32, %arg2: memref<32x126x80xi32, #tpu.memory_space<hbm>>, %arg3: memref<322560xf32, #tpu.memory_space<hbm>>, %arg4: memref<640x128xf32, #tpu.memory_space<hbm>>, %arg5: memref<2x10240x128xf32, #tpu.memory_space<hbm>>, %arg6: memref<126x80xi32, #tpu.memory_space<vmem>>, %arg7: memref<80xf32, #tpu.memory_space<vmem>>, %arg8: memref<80xf32, #tpu.memory_space<vmem>>, %arg9: memref<80xf32, #tpu.memory_space<vmem>>, %arg10: memref<80x128xf32, #tpu.memory_space<vmem>>, %arg11: memref<80x128xf32, #tpu.memory_space<vmem>>, %arg12: memref<80x128xf32, #tpu.memory_space<vmem>>, %arg13: memref<10240x128xf32, #tpu.memory_space<vmem_shared>>, %arg14: memref<!tpu.dma_semaphore, #tpu.memory_space<semaphore_mem>>, %arg15: memref<!tpu.dma_semaphore, #tpu.memory_space<semaphore_mem>>, %arg16: memref<!tpu.dma_semaphore, #tpu.memory_space<semaphore_mem>>, %arg17: memref<!tpu.dma_semaphore, #tpu.memory_space<semaphore_mem>>, %arg18: memref<!tpu.dma_semaphore, #tpu.memory_space<semaphore_mem>>, %arg19: memref<!tpu.dma_semaphore, #tpu.memory_space<semaphore_mem>>) attributes {dimension_semantics = [#tpu.dimension_semantics<core_parallel>, #tpu.dimension_semantics<subcore_parallel>], iteration_bounds = array<i64: 2, 16>, scalar_prefetch = 0 : i64, scratch_operands = 14 : i64, tpu.core_type = #tpu.core_type<sc_vector_subcore>, window_params = [{transform_indices = #map}, {transform_indices = #map1}, {transform_indices = #map2}, {transform_indices = #map}]} {
    %mul3A = arith.constant 2 : i32
    %mul3A_0 = arith.muli %arg1, %mul3A : i32
    %add3A = arith.addi %mul3A_0, %arg0 : i32
    %mul3A_1 = arith.constant 10080 : i32
    %mul3A_2 = arith.muli %add3A, %mul3A_1 : i32
    "tpu.region"() ({
      %run_scoped3A = tpu.sem_alloc : memref<!tpu.dma_semaphore, #tpu.memory_space<semaphore_mem>>
      %dma_start3A_38 = arith.constant 0 : i32
      %dma_start3A_39 = arith.constant 0 : i32
      %dma_start3A_40 = tpu.memref_slice %arg2[%add3A, %dma_start3A_38, %dma_start3A_39] : memref<32x126x80xi32, #tpu.memory_space<hbm>> -> memref<1x126x80xi32, #tpu.memory_space<hbm>>
      %dma_start3A_41 = tpu.memref_squeeze %dma_start3A_40 : memref<1x126x80xi32, #tpu.memory_space<hbm>> -> memref<126x80xi32, #tpu.memory_space<hbm>>
      %dma_start3A_42 = arith.constant 0 : i32
      %dma_start3A_43 = arith.constant 0 : i32
      %dma_start3A_44 = tpu.memref_slice %arg2[%add3A, %dma_start3A_42, %dma_start3A_43] : memref<32x126x80xi32, #tpu.memory_space<hbm>> -> memref<1x126x80xi32, #tpu.memory_space<hbm>>
      %dma_start3A_45 = tpu.memref_squeeze %dma_start3A_44 : memref<1x126x80xi32, #tpu.memory_space<hbm>> -> memref<126x80xi32, #tpu.memory_space<hbm>>
      tpu.enqueue_dma source(%dma_start3A_45 : memref<126x80xi32, #tpu.memory_space<hbm>>) target(%arg6 : memref<126x80xi32, #tpu.memory_space<vmem>>) target_semaphore(%run_scoped3A : memref<!tpu.dma_semaphore, #tpu.memory_space<semaphore_mem>>)
      %dma_wait3A_46 = arith.constant 0 : i32
      %dma_wait3A_47 = arith.constant 0 : i32
      %dma_wait3A_48 = tpu.memref_slice %arg2[%add3A, %dma_wait3A_46, %dma_wait3A_47] : memref<32x126x80xi32, #tpu.memory_space<hbm>> -> memref<1x126x80xi32, #tpu.memory_space<hbm>>
      %dma_wait3A_49 = tpu.memref_squeeze %dma_wait3A_48 : memref<1x126x80xi32, #tpu.memory_space<hbm>> -> memref<126x80xi32, #tpu.memory_space<hbm>>
      %dma_wait3A_50 = arith.constant 0 : i32
      %dma_wait3A_51 = arith.constant 0 : i32
      %dma_wait3A_52 = tpu.memref_slice %arg2[%add3A, %dma_wait3A_50, %dma_wait3A_51] : memref<32x126x80xi32, #tpu.memory_space<hbm>> -> memref<1x126x80xi32, #tpu.memory_space<hbm>>
      %dma_wait3A_53 = tpu.memref_squeeze %dma_wait3A_52 : memref<1x126x80xi32, #tpu.memory_space<hbm>> -> memref<126x80xi32, #tpu.memory_space<hbm>>
      tpu.wait_dma2 semaphore(%run_scoped3A : memref<!tpu.dma_semaphore, #tpu.memory_space<semaphore_mem>>) src(%dma_wait3A_53 : memref<126x80xi32, #tpu.memory_space<hbm>>) dst(%arg6 : memref<126x80xi32, #tpu.memory_space<vmem>>)
      tpu.yield
    }) : () -> ()
    %mul3A_3 = arith.constant 640 : i32
    %mul3A_4 = arith.muli %arg1, %mul3A_3 : i32
    "tpu.region"() ({
      %run_scoped3A = tpu.sem_alloc : memref<!tpu.dma_semaphore, #tpu.memory_space<semaphore_mem>>
      %dma_start3A_38 = arith.constant 0 : i32
      %dma_start3A_39 = tpu.memref_slice %arg13[%mul3A_4, %dma_start3A_38] : memref<10240x128xf32, #tpu.memory_space<vmem_shared>> -> memref<640x128xf32, #tpu.memory_space<vmem_shared>>
      tpu.enqueue_dma source(%arg4 : memref<640x128xf32, #tpu.memory_space<hbm>>) target(%dma_start3A_39 : memref<640x128xf32, #tpu.memory_space<vmem_shared>>) target_semaphore(%run_scoped3A : memref<!tpu.dma_semaphore, #tpu.memory_space<semaphore_mem>>)
      %dma_wait3A_40 = arith.constant 0 : i32
      %dma_wait3A_41 = tpu.memref_slice %arg13[%mul3A_4, %dma_wait3A_40] : memref<10240x128xf32, #tpu.memory_space<vmem_shared>> -> memref<640x128xf32, #tpu.memory_space<vmem_shared>>
      tpu.wait_dma2 semaphore(%run_scoped3A : memref<!tpu.dma_semaphore, #tpu.memory_space<semaphore_mem>>) src(%arg4 : memref<640x128xf32, #tpu.memory_space<hbm>>) dst(%dma_wait3A_41 : memref<640x128xf32, #tpu.memory_space<vmem_shared>>)
      tpu.yield
    }) : () -> ()
    %barrier3A = arith.constant 0 : index
    tpu.barrier barrier_id(%barrier3A)
    %add3A_5 = arith.constant 0 : i32
    %add3A_6 = arith.addi %mul3A_2, %add3A_5 : i32
    %dma_start3A = tpu.memref_slice %arg3[%add3A_6] : memref<322560xf32, #tpu.memory_space<hbm>> -> memref<80xf32, #tpu.memory_space<hbm>>
    %dma_start3A_7 = tpu.memref_slice %arg3[%add3A_6] : memref<322560xf32, #tpu.memory_space<hbm>> -> memref<80xf32, #tpu.memory_space<hbm>>
    tpu.enqueue_dma source(%dma_start3A_7 : memref<80xf32, #tpu.memory_space<hbm>>) target(%arg7 : memref<80xf32, #tpu.memory_space<vmem>>) target_semaphore(%arg14 : memref<!tpu.dma_semaphore, #tpu.memory_space<semaphore_mem>>)
    %add3A_8 = arith.constant 80 : i32
    %add3A_9 = arith.addi %mul3A_2, %add3A_8 : i32
    %dma_start3A_10 = tpu.memref_slice %arg3[%add3A_9] : memref<322560xf32, #tpu.memory_space<hbm>> -> memref<80xf32, #tpu.memory_space<hbm>>
    %dma_start3A_11 = tpu.memref_slice %arg3[%add3A_9] : memref<322560xf32, #tpu.memory_space<hbm>> -> memref<80xf32, #tpu.memory_space<hbm>>
    tpu.enqueue_dma source(%dma_start3A_11 : memref<80xf32, #tpu.memory_space<hbm>>) target(%arg8 : memref<80xf32, #tpu.memory_space<vmem>>) target_semaphore(%arg15 : memref<!tpu.dma_semaphore, #tpu.memory_space<semaphore_mem>>)
    %scan3A = arith.constant 0 : i32
    %scan3A_12 = arith.constant 42 : i32
    %scan3A_13 = arith.addi %scan3A, %scan3A_12 : i32
    %scan3A_14 = arith.constant 1 : i32
    scf.for %scan3A_38 = %scan3A to %scan3A_13 step %scan3A_14  : i32 {
      %mul3A_39 = arith.constant 1 : i32
      %mul3A_40 = arith.muli %scan3A_38, %mul3A_39 : i32
      %add3A_41 = arith.constant 0 : i32
      %add3A_42 = arith.addi %add3A_41, %mul3A_40 : i32
      %mul3A_43 = arith.constant 3 : i32
      %mul3A_44 = arith.muli %mul3A_43, %add3A_42 : i32
      %add3A_45 = arith.constant 2 : i32
      %add3A_46 = arith.addi %mul3A_44, %add3A_45 : i32
      %le3A = arith.constant 125 : i32
      %le3A_47 = arith.cmpi sle, %add3A_46, %le3A : i32
      %convert_element_type3A = arith.extui %le3A_47 : i1 to i32
      %cond3A = arith.constant 0 : i32
      %cond3A_48 = arith.cmpi ne, %convert_element_type3A, %cond3A : i32
      scf.if %cond3A_48 {
        %add3A_119 = arith.constant 2 : i32
        %add3A_120 = arith.addi %mul3A_44, %add3A_119 : i32
        %mul3A_121 = arith.constant 80 : i32
        %mul3A_122 = arith.muli %add3A_120, %mul3A_121 : i32
        %add3A_123 = arith.addi %mul3A_2, %mul3A_122 : i32
        %dma_start3A_124 = tpu.memref_slice %arg3[%add3A_123] : memref<322560xf32, #tpu.memory_space<hbm>> -> memref<80xf32, #tpu.memory_space<hbm>>
        %dma_start3A_125 = tpu.memref_slice %arg3[%add3A_123] : memref<322560xf32, #tpu.memory_space<hbm>> -> memref<80xf32, #tpu.memory_space<hbm>>
        tpu.enqueue_dma source(%dma_start3A_125 : memref<80xf32, #tpu.memory_space<hbm>>) target(%arg9 : memref<80xf32, #tpu.memory_space<vmem>>) target_semaphore(%arg16 : memref<!tpu.dma_semaphore, #tpu.memory_space<semaphore_mem>>)
      } else {
      }
      %ge3A = arith.constant 3 : i32
      %ge3A_49 = arith.cmpi sge, %mul3A_44, %ge3A : i32
      %convert_element_type3A_50 = arith.extui %ge3A_49 : i1 to i32
      %cond3A_51 = arith.constant 0 : i32
      %cond3A_52 = arith.cmpi ne, %convert_element_type3A_50, %cond3A_51 : i32
      scf.if %cond3A_52 {
        %dma_wait3A_119 = arith.constant 0 : i32
        %dma_wait3A_120 = arith.constant 0 : i32
        %dma_wait3A_121 = tpu.memref_slice %arg4[%dma_wait3A_119, %dma_wait3A_120] : memref<640x128xf32, #tpu.memory_space<hbm>> -> memref<80x128xf32, #tpu.memory_space<hbm>>
        %dma_wait3A_122 = arith.constant 0 : i32
        %dma_wait3A_123 = arith.constant 0 : i32
        %dma_wait3A_124 = tpu.memref_slice %arg4[%dma_wait3A_122, %dma_wait3A_123] : memref<640x128xf32, #tpu.memory_space<hbm>> -> memref<80x128xf32, #tpu.memory_space<hbm>>
        tpu.wait_dma2 semaphore(%arg17 : memref<!tpu.dma_semaphore, #tpu.memory_space<semaphore_mem>>) src(%dma_wait3A_124 : memref<80x128xf32, #tpu.memory_space<hbm>>) dst(%arg10 : memref<80x128xf32, #tpu.memory_space<vmem>>)
      } else {
      }
      %dma_wait3A_53 = arith.constant 0 : i32
      %dma_wait3A_54 = tpu.memref_slice %arg3[%dma_wait3A_53] : memref<322560xf32, #tpu.memory_space<hbm>> -> memref<80xf32, #tpu.memory_space<hbm>>
      %dma_wait3A_55 = arith.constant 0 : i32
      %dma_wait3A_56 = tpu.memref_slice %arg3[%dma_wait3A_55] : memref<322560xf32, #tpu.memory_space<hbm>> -> memref<80xf32, #tpu.memory_space<hbm>>
      tpu.wait_dma2 semaphore(%arg14 : memref<!tpu.dma_semaphore, #tpu.memory_space<semaphore_mem>>) src(%dma_wait3A_56 : memref<80xf32, #tpu.memory_space<hbm>>) dst(%arg7 : memref<80xf32, #tpu.memory_space<vmem>>)
      %parallel_loop3A = arith.constant 0 : i32
      %parallel_loop3A_57 = arith.constant 80 : i32
      %parallel_loop3A_58 = arith.constant 1 : i32
      scf.for %parallel_loop3A_119 = %parallel_loop3A to %parallel_loop3A_57 step %parallel_loop3A_58  : i32 {
        %parallel_loop3A_120 = vector.broadcast %parallel_loop3A_119 : i32 to vector<16xi32>
        %parallel_loop3A_121 = tpu.vector_load_idx %arg7[%parallel_loop3A_120] : memref<80xf32, #tpu.memory_space<vmem>>[vector<16xi32>], vector<16xf32>,
        %parallel_loop3A_122 = arith.index_cast %parallel_loop3A_119 : i32 to index
        %parallel_loop3A_123 = arith.constant 0 : index
        %parallel_loop3A_124 = tpu.vector_load %arg10[%parallel_loop3A_122, %parallel_loop3A_123] {strides = array<i32>} : memref<80x128xf32, #tpu.memory_space<vmem>>, vector<16xf32>,
        tpu.vector_store %arg10[%parallel_loop3A_122, %parallel_loop3A_123], %parallel_loop3A_121 {strides = array<i32>} : memref<80x128xf32, #tpu.memory_space<vmem>>, vector<16xf32>,
        %parallel_loop3A_125 = arith.index_cast %parallel_loop3A_119 : i32 to index
        %parallel_loop3A_126 = arith.constant 16 : index
        %parallel_loop3A_127 = tpu.vector_load %arg10[%parallel_loop3A_125, %parallel_loop3A_126] {strides = array<i32>} : memref<80x128xf32, #tpu.memory_space<vmem>>, vector<16xf32>,
        tpu.vector_store %arg10[%parallel_loop3A_125, %parallel_loop3A_126], %parallel_loop3A_121 {strides = array<i32>} : memref<80x128xf32, #tpu.memory_space<vmem>>, vector<16xf32>,
        %parallel_loop3A_128 = arith.index_cast %parallel_loop3A_119 : i32 to index
        %parallel_loop3A_129 = arith.constant 32 : index
        %parallel_loop3A_130 = tpu.vector_load %arg10[%parallel_loop3A_128, %parallel_loop3A_129] {strides = array<i32>} : memref<80x128xf32, #tpu.memory_space<vmem>>, vector<16xf32>,
        tpu.vector_store %arg10[%parallel_loop3A_128, %parallel_loop3A_129], %parallel_loop3A_121 {strides = array<i32>} : memref<80x128xf32, #tpu.memory_space<vmem>>, vector<16xf32>,
        %parallel_loop3A_131 = arith.index_cast %parallel_loop3A_119 : i32 to index
        %parallel_loop3A_132 = arith.constant 48 : index
        %parallel_loop3A_133 = tpu.vector_load %arg10[%parallel_loop3A_131, %parallel_loop3A_132] {strides = array<i32>} : memref<80x128xf32, #tpu.memory_space<vmem>>, vector<16xf32>,
        tpu.vector_store %arg10[%parallel_loop3A_131, %parallel_loop3A_132], %parallel_loop3A_121 {strides = array<i32>} : memref<80x128xf32, #tpu.memory_space<vmem>>, vector<16xf32>,
        %parallel_loop3A_134 = arith.index_cast %parallel_loop3A_119 : i32 to index
        %parallel_loop3A_135 = arith.constant 64 : index
        %parallel_loop3A_136 = tpu.vector_load %arg10[%parallel_loop3A_134, %parallel_loop3A_135] {strides = array<i32>} : memref<80x128xf32, #tpu.memory_space<vmem>>, vector<16xf32>,
        tpu.vector_store %arg10[%parallel_loop3A_134, %parallel_loop3A_135], %parallel_loop3A_121 {strides = array<i32>} : memref<80x128xf32, #tpu.memory_space<vmem>>, vector<16xf32>,
        %parallel_loop3A_137 = arith.index_cast %parallel_loop3A_119 : i32 to index
        %parallel_loop3A_138 = arith.constant 80 : index
        %parallel_loop3A_139 = tpu.vector_load %arg10[%parallel_loop3A_137, %parallel_loop3A_138] {strides = array<i32>} : memref<80x128xf32, #tpu.memory_space<vmem>>, vector<16xf32>,
        tpu.vector_store %arg10[%parallel_loop3A_137, %parallel_loop3A_138], %parallel_loop3A_121 {strides = array<i32>} : memref<80x128xf32, #tpu.memory_space<vmem>>, vector<16xf32>,
        %parallel_loop3A_140 = arith.index_cast %parallel_loop3A_119 : i32 to index
        %parallel_loop3A_141 = arith.constant 96 : index
        %parallel_loop3A_142 = tpu.vector_load %arg10[%parallel_loop3A_140, %parallel_loop3A_141] {strides = array<i32>} : memref<80x128xf32, #tpu.memory_space<vmem>>, vector<16xf32>,
        tpu.vector_store %arg10[%parallel_loop3A_140, %parallel_loop3A_141], %parallel_loop3A_121 {strides = array<i32>} : memref<80x128xf32, #tpu.memory_space<vmem>>, vector<16xf32>,
        %parallel_loop3A_143 = arith.index_cast %parallel_loop3A_119 : i32 to index
        %parallel_loop3A_144 = arith.constant 112 : index
        %parallel_loop3A_145 = tpu.vector_load %arg10[%parallel_loop3A_143, %parallel_loop3A_144] {strides = array<i32>} : memref<80x128xf32, #tpu.memory_space<vmem>>, vector<16xf32>,
        tpu.vector_store %arg10[%parallel_loop3A_143, %parallel_loop3A_144], %parallel_loop3A_121 {strides = array<i32>} : memref<80x128xf32, #tpu.memory_space<vmem>>, vector<16xf32>,
      } {sc.loop_unroll_factor = 4 : i64, sc.parallel_access}
      %dma_start3A_59 = arith.constant 0 : i32
      %dma_start3A_60 = tpu.memref_slice %arg6[%mul3A_44, %dma_start3A_59] : memref<126x80xi32, #tpu.memory_space<vmem>> -> memref<1x80xi32, #tpu.memory_space<vmem>>
      %dma_start3A_61 = tpu.memref_squeeze %dma_start3A_60 : memref<1x80xi32, #tpu.memory_space<vmem>> -> memref<80xi32, #tpu.memory_space<vmem>>
      %dma_start3A_62 = arith.constant 0 : i32
      %dma_start3A_63 = arith.constant 0 : i32
      %dma_start3A_64 = tpu.memref_slice %arg13[%dma_start3A_62, %dma_start3A_63] : memref<10240x128xf32, #tpu.memory_space<vmem_shared>> -> memref<10240x128xf32, #tpu.memory_space<vmem_shared>>
      tpu.enqueue_indirect_dma source(%arg10 : memref<80x128xf32, #tpu.memory_space<vmem>>) target(%dma_start3A_64 : memref<10240x128xf32, #tpu.memory_space<vmem_shared>>) offsets(%dma_start3A_61 : memref<80xi32, #tpu.memory_space<vmem>>) semaphore(%arg17 : memref<!tpu.dma_semaphore, #tpu.memory_space<semaphore_mem>>) {add = true}
      %add3A_65 = arith.constant 1 : i32
      %add3A_66 = arith.addi %mul3A_44, %add3A_65 : i32
      %add3A_67 = arith.constant 2 : i32
      %add3A_68 = arith.addi %add3A_66, %add3A_67 : i32
      %le3A_69 = arith.constant 125 : i32
      %le3A_70 = arith.cmpi sle, %add3A_68, %le3A_69 : i32
      %convert_element_type3A_71 = arith.extui %le3A_70 : i1 to i32
      %cond3A_72 = arith.constant 0 : i32
      %cond3A_73 = arith.cmpi ne, %convert_element_type3A_71, %cond3A_72 : i32
      scf.if %cond3A_73 {
        %add3A_119 = arith.constant 2 : i32
        %add3A_120 = arith.addi %add3A_66, %add3A_119 : i32
        %mul3A_121 = arith.constant 80 : i32
        %mul3A_122 = arith.muli %add3A_120, %mul3A_121 : i32
        %add3A_123 = arith.addi %mul3A_2, %mul3A_122 : i32
        %dma_start3A_124 = tpu.memref_slice %arg3[%add3A_123] : memref<322560xf32, #tpu.memory_space<hbm>> -> memref<80xf32, #tpu.memory_space<hbm>>
        %dma_start3A_125 = tpu.memref_slice %arg3[%add3A_123] : memref<322560xf32, #tpu.memory_space<hbm>> -> memref<80xf32, #tpu.memory_space<hbm>>
        tpu.enqueue_dma source(%dma_start3A_125 : memref<80xf32, #tpu.memory_space<hbm>>) target(%arg7 : memref<80xf32, #tpu.memory_space<vmem>>) target_semaphore(%arg14 : memref<!tpu.dma_semaphore, #tpu.memory_space<semaphore_mem>>)
      } else {
      }
      %ge3A_74 = arith.constant 3 : i32
      %ge3A_75 = arith.cmpi sge, %add3A_66, %ge3A_74 : i32
      %convert_element_type3A_76 = arith.extui %ge3A_75 : i1 to i32
      %cond3A_77 = arith.constant 0 : i32
      %cond3A_78 = arith.cmpi ne, %convert_element_type3A_76, %cond3A_77 : i32
      scf.if %cond3A_78 {
        %dma_wait3A_119 = arith.constant 0 : i32
        %dma_wait3A_120 = arith.constant 0 : i32
        %dma_wait3A_121 = tpu.memref_slice %arg4[%dma_wait3A_119, %dma_wait3A_120] : memref<640x128xf32, #tpu.memory_space<hbm>> -> memref<80x128xf32, #tpu.memory_space<hbm>>
        %dma_wait3A_122 = arith.constant 0 : i32
        %dma_wait3A_123 = arith.constant 0 : i32
        %dma_wait3A_124 = tpu.memref_slice %arg4[%dma_wait3A_122, %dma_wait3A_123] : memref<640x128xf32, #tpu.memory_space<hbm>> -> memref<80x128xf32, #tpu.memory_space<hbm>>
        tpu.wait_dma2 semaphore(%arg18 : memref<!tpu.dma_semaphore, #tpu.memory_space<semaphore_mem>>) src(%dma_wait3A_124 : memref<80x128xf32, #tpu.memory_space<hbm>>) dst(%arg11 : memref<80x128xf32, #tpu.memory_space<vmem>>)
      } else {
      }
      %dma_wait3A_79 = arith.constant 0 : i32
      %dma_wait3A_80 = tpu.memref_slice %arg3[%dma_wait3A_79] : memref<322560xf32, #tpu.memory_space<hbm>> -> memref<80xf32, #tpu.memory_space<hbm>>
      %dma_wait3A_81 = arith.constant 0 : i32
      %dma_wait3A_82 = tpu.memref_slice %arg3[%dma_wait3A_81] : memref<322560xf32, #tpu.memory_space<hbm>> -> memref<80xf32, #tpu.memory_space<hbm>>
      tpu.wait_dma2 semaphore(%arg15 : memref<!tpu.dma_semaphore, #tpu.memory_space<semaphore_mem>>) src(%dma_wait3A_82 : memref<80xf32, #tpu.memory_space<hbm>>) dst(%arg8 : memref<80xf32, #tpu.memory_space<vmem>>)
      %parallel_loop3A_83 = arith.constant 0 : i32
      %parallel_loop3A_84 = arith.constant 80 : i32
      %parallel_loop3A_85 = arith.constant 1 : i32
      scf.for %parallel_loop3A_119 = %parallel_loop3A_83 to %parallel_loop3A_84 step %parallel_loop3A_85  : i32 {
        %parallel_loop3A_120 = vector.broadcast %parallel_loop3A_119 : i32 to vector<16xi32>
        %parallel_loop3A_121 = tpu.vector_load_idx %arg8[%parallel_loop3A_120] : memref<80xf32, #tpu.memory_space<vmem>>[vector<16xi32>], vector<16xf32>,
        %parallel_loop3A_122 = arith.index_cast %parallel_loop3A_119 : i32 to index
        %parallel_loop3A_123 = arith.constant 0 : index
        %parallel_loop3A_124 = tpu.vector_load %arg11[%parallel_loop3A_122, %parallel_loop3A_123] {strides = array<i32>} : memref<80x128xf32, #tpu.memory_space<vmem>>, vector<16xf32>,
        tpu.vector_store %arg11[%parallel_loop3A_122, %parallel_loop3A_123], %parallel_loop3A_121 {strides = array<i32>} : memref<80x128xf32, #tpu.memory_space<vmem>>, vector<16xf32>,
        %parallel_loop3A_125 = arith.index_cast %parallel_loop3A_119 : i32 to index
        %parallel_loop3A_126 = arith.constant 16 : index
        %parallel_loop3A_127 = tpu.vector_load %arg11[%parallel_loop3A_125, %parallel_loop3A_126] {strides = array<i32>} : memref<80x128xf32, #tpu.memory_space<vmem>>, vector<16xf32>,
        tpu.vector_store %arg11[%parallel_loop3A_125, %parallel_loop3A_126], %parallel_loop3A_121 {strides = array<i32>} : memref<80x128xf32, #tpu.memory_space<vmem>>, vector<16xf32>,
        %parallel_loop3A_128 = arith.index_cast %parallel_loop3A_119 : i32 to index
        %parallel_loop3A_129 = arith.constant 32 : index
        %parallel_loop3A_130 = tpu.vector_load %arg11[%parallel_loop3A_128, %parallel_loop3A_129] {strides = array<i32>} : memref<80x128xf32, #tpu.memory_space<vmem>>, vector<16xf32>,
        tpu.vector_store %arg11[%parallel_loop3A_128, %parallel_loop3A_129], %parallel_loop3A_121 {strides = array<i32>} : memref<80x128xf32, #tpu.memory_space<vmem>>, vector<16xf32>,
        %parallel_loop3A_131 = arith.index_cast %parallel_loop3A_119 : i32 to index
        %parallel_loop3A_132 = arith.constant 48 : index
        %parallel_loop3A_133 = tpu.vector_load %arg11[%parallel_loop3A_131, %parallel_loop3A_132] {strides = array<i32>} : memref<80x128xf32, #tpu.memory_space<vmem>>, vector<16xf32>,
        tpu.vector_store %arg11[%parallel_loop3A_131, %parallel_loop3A_132], %parallel_loop3A_121 {strides = array<i32>} : memref<80x128xf32, #tpu.memory_space<vmem>>, vector<16xf32>,
        %parallel_loop3A_134 = arith.index_cast %parallel_loop3A_119 : i32 to index
        %parallel_loop3A_135 = arith.constant 64 : index
        %parallel_loop3A_136 = tpu.vector_load %arg11[%parallel_loop3A_134, %parallel_loop3A_135] {strides = array<i32>} : memref<80x128xf32, #tpu.memory_space<vmem>>, vector<16xf32>,
        tpu.vector_store %arg11[%parallel_loop3A_134, %parallel_loop3A_135], %parallel_loop3A_121 {strides = array<i32>} : memref<80x128xf32, #tpu.memory_space<vmem>>, vector<16xf32>,
        %parallel_loop3A_137 = arith.index_cast %parallel_loop3A_119 : i32 to index
        %parallel_loop3A_138 = arith.constant 80 : index
        %parallel_loop3A_139 = tpu.vector_load %arg11[%parallel_loop3A_137, %parallel_loop3A_138] {strides = array<i32>} : memref<80x128xf32, #tpu.memory_space<vmem>>, vector<16xf32>,
        tpu.vector_store %arg11[%parallel_loop3A_137, %parallel_loop3A_138], %parallel_loop3A_121 {strides = array<i32>} : memref<80x128xf32, #tpu.memory_space<vmem>>, vector<16xf32>,
        %parallel_loop3A_140 = arith.index_cast %parallel_loop3A_119 : i32 to index
        %parallel_loop3A_141 = arith.constant 96 : index
        %parallel_loop3A_142 = tpu.vector_load %arg11[%parallel_loop3A_140, %parallel_loop3A_141] {strides = array<i32>} : memref<80x128xf32, #tpu.memory_space<vmem>>, vector<16xf32>,
        tpu.vector_store %arg11[%parallel_loop3A_140, %parallel_loop3A_141], %parallel_loop3A_121 {strides = array<i32>} : memref<80x128xf32, #tpu.memory_space<vmem>>, vector<16xf32>,
        %parallel_loop3A_143 = arith.index_cast %parallel_loop3A_119 : i32 to index
        %parallel_loop3A_144 = arith.constant 112 : index
        %parallel_loop3A_145 = tpu.vector_load %arg11[%parallel_loop3A_143, %parallel_loop3A_144] {strides = array<i32>} : memref<80x128xf32, #tpu.memory_space<vmem>>, vector<16xf32>,
        tpu.vector_store %arg11[%parallel_loop3A_143, %parallel_loop3A_144], %parallel_loop3A_121 {strides = array<i32>} : memref<80x128xf32, #tpu.memory_space<vmem>>, vector<16xf32>,
      } {sc.loop_unroll_factor = 4 : i64, sc.parallel_access}
      %dma_start3A_86 = arith.constant 0 : i32
      %dma_start3A_87 = tpu.memref_slice %arg6[%add3A_66, %dma_start3A_86] : memref<126x80xi32, #tpu.memory_space<vmem>> -> memref<1x80xi32, #tpu.memory_space<vmem>>
      %dma_start3A_88 = tpu.memref_squeeze %dma_start3A_87 : memref<1x80xi32, #tpu.memory_space<vmem>> -> memref<80xi32, #tpu.memory_space<vmem>>
      %dma_start3A_89 = arith.constant 0 : i32
      %dma_start3A_90 = arith.constant 0 : i32
      %dma_start3A_91 = tpu.memref_slice %arg13[%dma_start3A_89, %dma_start3A_90] : memref<10240x128xf32, #tpu.memory_space<vmem_shared>> -> memref<10240x128xf32, #tpu.memory_space<vmem_shared>>
      tpu.enqueue_indirect_dma source(%arg11 : memref<80x128xf32, #tpu.memory_space<vmem>>) target(%dma_start3A_91 : memref<10240x128xf32, #tpu.memory_space<vmem_shared>>) offsets(%dma_start3A_88 : memref<80xi32, #tpu.memory_space<vmem>>) semaphore(%arg18 : memref<!tpu.dma_semaphore, #tpu.memory_space<semaphore_mem>>) {add = true}
      %add3A_92 = arith.constant 2 : i32
      %add3A_93 = arith.addi %mul3A_44, %add3A_92 : i32
      %add3A_94 = arith.constant 2 : i32
      %add3A_95 = arith.addi %add3A_93, %add3A_94 : i32
      %le3A_96 = arith.constant 125 : i32
      %le3A_97 = arith.cmpi sle, %add3A_95, %le3A_96 : i32
      %convert_element_type3A_98 = arith.extui %le3A_97 : i1 to i32
      %cond3A_99 = arith.constant 0 : i32
      %cond3A_100 = arith.cmpi ne, %convert_element_type3A_98, %cond3A_99 : i32
      scf.if %cond3A_100 {
        %add3A_119 = arith.constant 2 : i32
        %add3A_120 = arith.addi %add3A_93, %add3A_119 : i32
        %mul3A_121 = arith.constant 80 : i32
        %mul3A_122 = arith.muli %add3A_120, %mul3A_121 : i32
        %add3A_123 = arith.addi %mul3A_2, %mul3A_122 : i32
        %dma_start3A_124 = tpu.memref_slice %arg3[%add3A_123] : memref<322560xf32, #tpu.memory_space<hbm>> -> memref<80xf32, #tpu.memory_space<hbm>>
        %dma_start3A_125 = tpu.memref_slice %arg3[%add3A_123] : memref<322560xf32, #tpu.memory_space<hbm>> -> memref<80xf32, #tpu.memory_space<hbm>>
        tpu.enqueue_dma source(%dma_start3A_125 : memref<80xf32, #tpu.memory_space<hbm>>) target(%arg8 : memref<80xf32, #tpu.memory_space<vmem>>) target_semaphore(%arg15 : memref<!tpu.dma_semaphore, #tpu.memory_space<semaphore_mem>>)
      } else {
      }
      %ge3A_101 = arith.constant 3 : i32
      %ge3A_102 = arith.cmpi sge, %add3A_93, %ge3A_101 : i32
      %convert_element_type3A_103 = arith.extui %ge3A_102 : i1 to i32
      %cond3A_104 = arith.constant 0 : i32
      %cond3A_105 = arith.cmpi ne, %convert_element_type3A_103, %cond3A_104 : i32
      scf.if %cond3A_105 {
        %dma_wait3A_119 = arith.constant 0 : i32
        %dma_wait3A_120 = arith.constant 0 : i32
        %dma_wait3A_121 = tpu.memref_slice %arg4[%dma_wait3A_119, %dma_wait3A_120] : memref<640x128xf32, #tpu.memory_space<hbm>> -> memref<80x128xf32, #tpu.memory_space<hbm>>
        %dma_wait3A_122 = arith.constant 0 : i32
        %dma_wait3A_123 = arith.constant 0 : i32
        %dma_wait3A_124 = tpu.memref_slice %arg4[%dma_wait3A_122, %dma_wait3A_123] : memref<640x128xf32, #tpu.memory_space<hbm>> -> memref<80x128xf32, #tpu.memory_space<hbm>>
        tpu.wait_dma2 semaphore(%arg19 : memref<!tpu.dma_semaphore, #tpu.memory_space<semaphore_mem>>) src(%dma_wait3A_124 : memref<80x128xf32, #tpu.memory_space<hbm>>) dst(%arg12 : memref<80x128xf32, #tpu.memory_space<vmem>>)
      } else {
      }
      %dma_wait3A_106 = arith.constant 0 : i32
      %dma_wait3A_107 = tpu.memref_slice %arg3[%dma_wait3A_106] : memref<322560xf32, #tpu.memory_space<hbm>> -> memref<80xf32, #tpu.memory_space<hbm>>
      %dma_wait3A_108 = arith.constant 0 : i32
      %dma_wait3A_109 = tpu.memref_slice %arg3[%dma_wait3A_108] : memref<322560xf32, #tpu.memory_space<hbm>> -> memref<80xf32, #tpu.memory_space<hbm>>
      tpu.wait_dma2 semaphore(%arg16 : memref<!tpu.dma_semaphore, #tpu.memory_space<semaphore_mem>>) src(%dma_wait3A_109 : memref<80xf32, #tpu.memory_space<hbm>>) dst(%arg9 : memref<80xf32, #tpu.memory_space<vmem>>)
      %parallel_loop3A_110 = arith.constant 0 : i32
      %parallel_loop3A_111 = arith.constant 80 : i32
      %parallel_loop3A_112 = arith.constant 1 : i32
      scf.for %parallel_loop3A_119 = %parallel_loop3A_110 to %parallel_loop3A_111 step %parallel_loop3A_112  : i32 {
        %parallel_loop3A_120 = vector.broadcast %parallel_loop3A_119 : i32 to vector<16xi32>
        %parallel_loop3A_121 = tpu.vector_load_idx %arg9[%parallel_loop3A_120] : memref<80xf32, #tpu.memory_space<vmem>>[vector<16xi32>], vector<16xf32>,
        %parallel_loop3A_122 = arith.index_cast %parallel_loop3A_119 : i32 to index
        %parallel_loop3A_123 = arith.constant 0 : index
        %parallel_loop3A_124 = tpu.vector_load %arg12[%parallel_loop3A_122, %parallel_loop3A_123] {strides = array<i32>} : memref<80x128xf32, #tpu.memory_space<vmem>>, vector<16xf32>,
        tpu.vector_store %arg12[%parallel_loop3A_122, %parallel_loop3A_123], %parallel_loop3A_121 {strides = array<i32>} : memref<80x128xf32, #tpu.memory_space<vmem>>, vector<16xf32>,
        %parallel_loop3A_125 = arith.index_cast %parallel_loop3A_119 : i32 to index
        %parallel_loop3A_126 = arith.constant 16 : index
        %parallel_loop3A_127 = tpu.vector_load %arg12[%parallel_loop3A_125, %parallel_loop3A_126] {strides = array<i32>} : memref<80x128xf32, #tpu.memory_space<vmem>>, vector<16xf32>,
        tpu.vector_store %arg12[%parallel_loop3A_125, %parallel_loop3A_126], %parallel_loop3A_121 {strides = array<i32>} : memref<80x128xf32, #tpu.memory_space<vmem>>, vector<16xf32>,
        %parallel_loop3A_128 = arith.index_cast %parallel_loop3A_119 : i32 to index
        %parallel_loop3A_129 = arith.constant 32 : index
        %parallel_loop3A_130 = tpu.vector_load %arg12[%parallel_loop3A_128, %parallel_loop3A_129] {strides = array<i32>} : memref<80x128xf32, #tpu.memory_space<vmem>>, vector<16xf32>,
        tpu.vector_store %arg12[%parallel_loop3A_128, %parallel_loop3A_129], %parallel_loop3A_121 {strides = array<i32>} : memref<80x128xf32, #tpu.memory_space<vmem>>, vector<16xf32>,
        %parallel_loop3A_131 = arith.index_cast %parallel_loop3A_119 : i32 to index
        %parallel_loop3A_132 = arith.constant 48 : index
        %parallel_loop3A_133 = tpu.vector_load %arg12[%parallel_loop3A_131, %parallel_loop3A_132] {strides = array<i32>} : memref<80x128xf32, #tpu.memory_space<vmem>>, vector<16xf32>,
        tpu.vector_store %arg12[%parallel_loop3A_131, %parallel_loop3A_132], %parallel_loop3A_121 {strides = array<i32>} : memref<80x128xf32, #tpu.memory_space<vmem>>, vector<16xf32>,
        %parallel_loop3A_134 = arith.index_cast %parallel_loop3A_119 : i32 to index
        %parallel_loop3A_135 = arith.constant 64 : index
        %parallel_loop3A_136 = tpu.vector_load %arg12[%parallel_loop3A_134, %parallel_loop3A_135] {strides = array<i32>} : memref<80x128xf32, #tpu.memory_space<vmem>>, vector<16xf32>,
        tpu.vector_store %arg12[%parallel_loop3A_134, %parallel_loop3A_135], %parallel_loop3A_121 {strides = array<i32>} : memref<80x128xf32, #tpu.memory_space<vmem>>, vector<16xf32>,
        %parallel_loop3A_137 = arith.index_cast %parallel_loop3A_119 : i32 to index
        %parallel_loop3A_138 = arith.constant 80 : index
        %parallel_loop3A_139 = tpu.vector_load %arg12[%parallel_loop3A_137, %parallel_loop3A_138] {strides = array<i32>} : memref<80x128xf32, #tpu.memory_space<vmem>>, vector<16xf32>,
        tpu.vector_store %arg12[%parallel_loop3A_137, %parallel_loop3A_138], %parallel_loop3A_121 {strides = array<i32>} : memref<80x128xf32, #tpu.memory_space<vmem>>, vector<16xf32>,
        %parallel_loop3A_140 = arith.index_cast %parallel_loop3A_119 : i32 to index
        %parallel_loop3A_141 = arith.constant 96 : index
        %parallel_loop3A_142 = tpu.vector_load %arg12[%parallel_loop3A_140, %parallel_loop3A_141] {strides = array<i32>} : memref<80x128xf32, #tpu.memory_space<vmem>>, vector<16xf32>,
        tpu.vector_store %arg12[%parallel_loop3A_140, %parallel_loop3A_141], %parallel_loop3A_121 {strides = array<i32>} : memref<80x128xf32, #tpu.memory_space<vmem>>, vector<16xf32>,
        %parallel_loop3A_143 = arith.index_cast %parallel_loop3A_119 : i32 to index
        %parallel_loop3A_144 = arith.constant 112 : index
        %parallel_loop3A_145 = tpu.vector_load %arg12[%parallel_loop3A_143, %parallel_loop3A_144] {strides = array<i32>} : memref<80x128xf32, #tpu.memory_space<vmem>>, vector<16xf32>,
        tpu.vector_store %arg12[%parallel_loop3A_143, %parallel_loop3A_144], %parallel_loop3A_121 {strides = array<i32>} : memref<80x128xf32, #tpu.memory_space<vmem>>, vector<16xf32>,
      } {sc.loop_unroll_factor = 4 : i64, sc.parallel_access}
      %dma_start3A_113 = arith.constant 0 : i32
      %dma_start3A_114 = tpu.memref_slice %arg6[%add3A_93, %dma_start3A_113] : memref<126x80xi32, #tpu.memory_space<vmem>> -> memref<1x80xi32, #tpu.memory_space<vmem>>
      %dma_start3A_115 = tpu.memref_squeeze %dma_start3A_114 : memref<1x80xi32, #tpu.memory_space<vmem>> -> memref<80xi32, #tpu.memory_space<vmem>>
      %dma_start3A_116 = arith.constant 0 : i32
      %dma_start3A_117 = arith.constant 0 : i32
      %dma_start3A_118 = tpu.memref_slice %arg13[%dma_start3A_116, %dma_start3A_117] : memref<10240x128xf32, #tpu.memory_space<vmem_shared>> -> memref<10240x128xf32, #tpu.memory_space<vmem_shared>>
      tpu.enqueue_indirect_dma source(%arg12 : memref<80x128xf32, #tpu.memory_space<vmem>>) target(%dma_start3A_118 : memref<10240x128xf32, #tpu.memory_space<vmem_shared>>) offsets(%dma_start3A_115 : memref<80xi32, #tpu.memory_space<vmem>>) semaphore(%arg19 : memref<!tpu.dma_semaphore, #tpu.memory_space<semaphore_mem>>) {add = true}
    }
    %scan3A_15 = arith.constant 42 : i32
    %dma_wait3A = arith.constant 0 : i32
    %dma_wait3A_16 = arith.constant 0 : i32
    %dma_wait3A_17 = tpu.memref_slice %arg4[%dma_wait3A, %dma_wait3A_16] : memref<640x128xf32, #tpu.memory_space<hbm>> -> memref<80x128xf32, #tpu.memory_space<hbm>>
    %dma_wait3A_18 = arith.constant 0 : i32
    %dma_wait3A_19 = arith.constant 0 : i32
    %dma_wait3A_20 = tpu.memref_slice %arg4[%dma_wait3A_18, %dma_wait3A_19] : memref<640x128xf32, #tpu.memory_space<hbm>> -> memref<80x128xf32, #tpu.memory_space<hbm>>
    tpu.wait_dma2 semaphore(%arg17 : memref<!tpu.dma_semaphore, #tpu.memory_space<semaphore_mem>>) src(%dma_wait3A_20 : memref<80x128xf32, #tpu.memory_space<hbm>>) dst(%arg10 : memref<80x128xf32, #tpu.memory_space<vmem>>)
    %dma_wait3A_21 = arith.constant 0 : i32
    %dma_wait3A_22 = arith.constant 0 : i32
    %dma_wait3A_23 = tpu.memref_slice %arg4[%dma_wait3A_21, %dma_wait3A_22] : memref<640x128xf32, #tpu.memory_space<hbm>> -> memref<80x128xf32, #tpu.memory_space<hbm>>
    %dma_wait3A_24 = arith.constant 0 : i32
    %dma_wait3A_25 = arith.constant 0 : i32
    %dma_wait3A_26 = tpu.memref_slice %arg4[%dma_wait3A_24, %dma_wait3A_25] : memref<640x128xf32, #tpu.memory_space<hbm>> -> memref<80x128xf32, #tpu.memory_space<hbm>>
    tpu.wait_dma2 semaphore(%arg18 : memref<!tpu.dma_semaphore, #tpu.memory_space<semaphore_mem>>) src(%dma_wait3A_26 : memref<80x128xf32, #tpu.memory_space<hbm>>) dst(%arg11 : memref<80x128xf32, #tpu.memory_space<vmem>>)
    %dma_wait3A_27 = arith.constant 0 : i32
    %dma_wait3A_28 = arith.constant 0 : i32
    %dma_wait3A_29 = tpu.memref_slice %arg4[%dma_wait3A_27, %dma_wait3A_28] : memref<640x128xf32, #tpu.memory_space<hbm>> -> memref<80x128xf32, #tpu.memory_space<hbm>>
    %dma_wait3A_30 = arith.constant 0 : i32
    %dma_wait3A_31 = arith.constant 0 : i32
    %dma_wait3A_32 = tpu.memref_slice %arg4[%dma_wait3A_30, %dma_wait3A_31] : memref<640x128xf32, #tpu.memory_space<hbm>> -> memref<80x128xf32, #tpu.memory_space<hbm>>
    tpu.wait_dma2 semaphore(%arg19 : memref<!tpu.dma_semaphore, #tpu.memory_space<semaphore_mem>>) src(%dma_wait3A_32 : memref<80x128xf32, #tpu.memory_space<hbm>>) dst(%arg12 : memref<80x128xf32, #tpu.memory_space<vmem>>)
    %barrier3A_33 = arith.constant 0 : index
    tpu.barrier barrier_id(%barrier3A_33)
    %mul3A_34 = arith.constant 640 : i32
    %mul3A_35 = arith.muli %arg1, %mul3A_34 : i32
    %mul3A_36 = arith.constant 640 : i32
    %mul3A_37 = arith.muli %arg1, %mul3A_36 : i32
    "tpu.region"() ({
      %run_scoped3A = tpu.sem_alloc : memref<!tpu.dma_semaphore, #tpu.memory_space<semaphore_mem>>
      %dma_start3A_38 = arith.constant 0 : i32
      %dma_start3A_39 = tpu.memref_slice %arg5[%arg0, %mul3A_37, %dma_start3A_38] : memref<2x10240x128xf32, #tpu.memory_space<hbm>> -> memref<1x640x128xf32, #tpu.memory_space<hbm>>
      %dma_start3A_40 = tpu.memref_squeeze %dma_start3A_39 : memref<1x640x128xf32, #tpu.memory_space<hbm>> -> memref<640x128xf32, #tpu.memory_space<hbm>>
      %dma_start3A_41 = arith.constant 0 : i32
      %dma_start3A_42 = tpu.memref_slice %arg13[%mul3A_35, %dma_start3A_41] : memref<10240x128xf32, #tpu.memory_space<vmem_shared>> -> memref<640x128xf32, #tpu.memory_space<vmem_shared>>
      tpu.enqueue_dma source(%dma_start3A_42 : memref<640x128xf32, #tpu.memory_space<vmem_shared>>) target(%dma_start3A_40 : memref<640x128xf32, #tpu.memory_space<hbm>>) target_semaphore(%run_scoped3A : memref<!tpu.dma_semaphore, #tpu.memory_space<semaphore_mem>>)
      %dma_wait3A_43 = arith.constant 0 : i32
      %dma_wait3A_44 = tpu.memref_slice %arg5[%arg0, %mul3A_37, %dma_wait3A_43] : memref<2x10240x128xf32, #tpu.memory_space<hbm>> -> memref<1x640x128xf32, #tpu.memory_space<hbm>>
      %dma_wait3A_45 = tpu.memref_squeeze %dma_wait3A_44 : memref<1x640x128xf32, #tpu.memory_space<hbm>> -> memref<640x128xf32, #tpu.memory_space<hbm>>
      %dma_wait3A_46 = arith.constant 0 : i32
      %dma_wait3A_47 = tpu.memref_slice %arg13[%mul3A_35, %dma_wait3A_46] : memref<10240x128xf32, #tpu.memory_space<vmem_shared>> -> memref<640x128xf32, #tpu.memory_space<vmem_shared>>
      tpu.wait_dma2 semaphore(%run_scoped3A : memref<!tpu.dma_semaphore, #tpu.memory_space<semaphore_mem>>) src(%dma_wait3A_47 : memref<640x128xf32, #tpu.memory_space<vmem_shared>>) dst(%dma_wait3A_45 : memref<640x128xf32, #tpu.memory_space<hbm>>)
      tpu.yield
    }) : () -> ()
    return
  }
}

#map = affine_map<(d0, d1) -> (0, 0)>
#map1 = affine_map<(d0, d1) -> (0)>
#map2 = affine_map<(d0, d1) -> (0, 0, 0)>
module attributes {stable_mosaic.version = 14 : i64} {
  func.func @k(%arg0: i32, %arg1: i32, %arg2: memref<10000x128xf32, #tpu.memory_space<hbm>>, %arg3: memref<322560xi32, #tpu.memory_space<hbm>>, %arg4: memref<32x126x80xi32, #tpu.memory_space<hbm>>, %arg5: memref<322560xf32, #tpu.memory_space<hbm>>, %arg6: memref<640x128xf32, #tpu.memory_space<hbm>>, %arg7: memref<2x10240x128xf32, #tpu.memory_space<hbm>>, %arg8: memref<126x80xi32, #tpu.memory_space<vmem>>, %arg9: memref<80xi32, #tpu.memory_space<vmem>>, %arg10: memref<80xi32, #tpu.memory_space<vmem>>, %arg11: memref<80xi32, #tpu.memory_space<vmem>>, %arg12: memref<80xf32, #tpu.memory_space<vmem>>, %arg13: memref<80xf32, #tpu.memory_space<vmem>>, %arg14: memref<80xf32, #tpu.memory_space<vmem>>, %arg15: memref<80x128xf32, #tpu.memory_space<vmem>>, %arg16: memref<80x128xf32, #tpu.memory_space<vmem>>, %arg17: memref<80x128xf32, #tpu.memory_space<vmem>>, %arg18: memref<10240x128xf32, #tpu.memory_space<vmem_shared>>, %arg19: memref<!tpu.dma_semaphore, #tpu.memory_space<semaphore_mem>>, %arg20: memref<!tpu.dma_semaphore, #tpu.memory_space<semaphore_mem>>, %arg21: memref<!tpu.dma_semaphore, #tpu.memory_space<semaphore_mem>>, %arg22: memref<!tpu.dma_semaphore, #tpu.memory_space<semaphore_mem>>, %arg23: memref<!tpu.dma_semaphore, #tpu.memory_space<semaphore_mem>>, %arg24: memref<!tpu.dma_semaphore, #tpu.memory_space<semaphore_mem>>, %arg25: memref<!tpu.dma_semaphore, #tpu.memory_space<semaphore_mem>>, %arg26: memref<!tpu.dma_semaphore, #tpu.memory_space<semaphore_mem>>, %arg27: memref<!tpu.dma_semaphore, #tpu.memory_space<semaphore_mem>>) attributes {dimension_semantics = [#tpu.dimension_semantics<core_parallel>, #tpu.dimension_semantics<subcore_parallel>], iteration_bounds = array<i64: 2, 16>, scalar_prefetch = 0 : i64, scratch_operands = 20 : i64, tpu.core_type = #tpu.core_type<sc_vector_subcore>, window_params = [{transform_indices = #map}, {transform_indices = #map1}, {transform_indices = #map2}, {transform_indices = #map1}, {transform_indices = #map}, {transform_indices = #map2}]} {
    %mul3A = arith.constant 2 : i32
    %mul3A_0 = arith.muli %arg1, %mul3A : i32
    %add3A = arith.addi %mul3A_0, %arg0 : i32
    %mul3A_1 = arith.constant 10080 : i32
    %mul3A_2 = arith.muli %add3A, %mul3A_1 : i32
    "tpu.region"() ({
      %run_scoped3A = tpu.sem_alloc : memref<!tpu.dma_semaphore, #tpu.memory_space<semaphore_mem>>
      %dma_start3A_53 = arith.constant 0 : i32
      %dma_start3A_54 = arith.constant 0 : i32
      %dma_start3A_55 = tpu.memref_slice %arg4[%add3A, %dma_start3A_53, %dma_start3A_54] : memref<32x126x80xi32, #tpu.memory_space<hbm>> -> memref<1x126x80xi32, #tpu.memory_space<hbm>>
      %dma_start3A_56 = tpu.memref_squeeze %dma_start3A_55 : memref<1x126x80xi32, #tpu.memory_space<hbm>> -> memref<126x80xi32, #tpu.memory_space<hbm>>
      %dma_start3A_57 = arith.constant 0 : i32
      %dma_start3A_58 = arith.constant 0 : i32
      %dma_start3A_59 = tpu.memref_slice %arg4[%add3A, %dma_start3A_57, %dma_start3A_58] : memref<32x126x80xi32, #tpu.memory_space<hbm>> -> memref<1x126x80xi32, #tpu.memory_space<hbm>>
      %dma_start3A_60 = tpu.memref_squeeze %dma_start3A_59 : memref<1x126x80xi32, #tpu.memory_space<hbm>> -> memref<126x80xi32, #tpu.memory_space<hbm>>
      tpu.enqueue_dma source(%dma_start3A_60 : memref<126x80xi32, #tpu.memory_space<hbm>>) target(%arg8 : memref<126x80xi32, #tpu.memory_space<vmem>>) target_semaphore(%run_scoped3A : memref<!tpu.dma_semaphore, #tpu.memory_space<semaphore_mem>>)
      %dma_wait3A_61 = arith.constant 0 : i32
      %dma_wait3A_62 = arith.constant 0 : i32
      %dma_wait3A_63 = tpu.memref_slice %arg4[%add3A, %dma_wait3A_61, %dma_wait3A_62] : memref<32x126x80xi32, #tpu.memory_space<hbm>> -> memref<1x126x80xi32, #tpu.memory_space<hbm>>
      %dma_wait3A_64 = tpu.memref_squeeze %dma_wait3A_63 : memref<1x126x80xi32, #tpu.memory_space<hbm>> -> memref<126x80xi32, #tpu.memory_space<hbm>>
      %dma_wait3A_65 = arith.constant 0 : i32
      %dma_wait3A_66 = arith.constant 0 : i32
      %dma_wait3A_67 = tpu.memref_slice %arg4[%add3A, %dma_wait3A_65, %dma_wait3A_66] : memref<32x126x80xi32, #tpu.memory_space<hbm>> -> memref<1x126x80xi32, #tpu.memory_space<hbm>>
      %dma_wait3A_68 = tpu.memref_squeeze %dma_wait3A_67 : memref<1x126x80xi32, #tpu.memory_space<hbm>> -> memref<126x80xi32, #tpu.memory_space<hbm>>
      tpu.wait_dma2 semaphore(%run_scoped3A : memref<!tpu.dma_semaphore, #tpu.memory_space<semaphore_mem>>) src(%dma_wait3A_68 : memref<126x80xi32, #tpu.memory_space<hbm>>) dst(%arg8 : memref<126x80xi32, #tpu.memory_space<vmem>>)
      tpu.yield
    }) : () -> ()
    %mul3A_3 = arith.constant 640 : i32
    %mul3A_4 = arith.muli %arg1, %mul3A_3 : i32
    "tpu.region"() ({
      %run_scoped3A = tpu.sem_alloc : memref<!tpu.dma_semaphore, #tpu.memory_space<semaphore_mem>>
      %dma_start3A_53 = arith.constant 0 : i32
      %dma_start3A_54 = tpu.memref_slice %arg18[%mul3A_4, %dma_start3A_53] : memref<10240x128xf32, #tpu.memory_space<vmem_shared>> -> memref<640x128xf32, #tpu.memory_space<vmem_shared>>
      tpu.enqueue_dma source(%arg6 : memref<640x128xf32, #tpu.memory_space<hbm>>) target(%dma_start3A_54 : memref<640x128xf32, #tpu.memory_space<vmem_shared>>) target_semaphore(%run_scoped3A : memref<!tpu.dma_semaphore, #tpu.memory_space<semaphore_mem>>)
      %dma_wait3A_55 = arith.constant 0 : i32
      %dma_wait3A_56 = tpu.memref_slice %arg18[%mul3A_4, %dma_wait3A_55] : memref<10240x128xf32, #tpu.memory_space<vmem_shared>> -> memref<640x128xf32, #tpu.memory_space<vmem_shared>>
      tpu.wait_dma2 semaphore(%run_scoped3A : memref<!tpu.dma_semaphore, #tpu.memory_space<semaphore_mem>>) src(%arg6 : memref<640x128xf32, #tpu.memory_space<hbm>>) dst(%dma_wait3A_56 : memref<640x128xf32, #tpu.memory_space<vmem_shared>>)
      tpu.yield
    }) : () -> ()
    %barrier3A = arith.constant 0 : index
    tpu.barrier barrier_id(%barrier3A)
    %add3A_5 = arith.constant 0 : i32
    %add3A_6 = arith.addi %mul3A_2, %add3A_5 : i32
    %dma_start3A = tpu.memref_slice %arg3[%add3A_6] : memref<322560xi32, #tpu.memory_space<hbm>> -> memref<80xi32, #tpu.memory_space<hbm>>
    %dma_start3A_7 = tpu.memref_slice %arg3[%add3A_6] : memref<322560xi32, #tpu.memory_space<hbm>> -> memref<80xi32, #tpu.memory_space<hbm>>
    tpu.enqueue_dma source(%dma_start3A_7 : memref<80xi32, #tpu.memory_space<hbm>>) target(%arg9 : memref<80xi32, #tpu.memory_space<vmem>>) target_semaphore(%arg19 : memref<!tpu.dma_semaphore, #tpu.memory_space<semaphore_mem>>)
    %dma_start3A_8 = tpu.memref_slice %arg5[%add3A_6] : memref<322560xf32, #tpu.memory_space<hbm>> -> memref<80xf32, #tpu.memory_space<hbm>>
    %dma_start3A_9 = tpu.memref_slice %arg5[%add3A_6] : memref<322560xf32, #tpu.memory_space<hbm>> -> memref<80xf32, #tpu.memory_space<hbm>>
    tpu.enqueue_dma source(%dma_start3A_9 : memref<80xf32, #tpu.memory_space<hbm>>) target(%arg12 : memref<80xf32, #tpu.memory_space<vmem>>) target_semaphore(%arg19 : memref<!tpu.dma_semaphore, #tpu.memory_space<semaphore_mem>>)
    %add3A_10 = arith.constant 80 : i32
    %add3A_11 = arith.addi %mul3A_2, %add3A_10 : i32
    %dma_start3A_12 = tpu.memref_slice %arg3[%add3A_11] : memref<322560xi32, #tpu.memory_space<hbm>> -> memref<80xi32, #tpu.memory_space<hbm>>
    %dma_start3A_13 = tpu.memref_slice %arg3[%add3A_11] : memref<322560xi32, #tpu.memory_space<hbm>> -> memref<80xi32, #tpu.memory_space<hbm>>
    tpu.enqueue_dma source(%dma_start3A_13 : memref<80xi32, #tpu.memory_space<hbm>>) target(%arg10 : memref<80xi32, #tpu.memory_space<vmem>>) target_semaphore(%arg20 : memref<!tpu.dma_semaphore, #tpu.memory_space<semaphore_mem>>)
    %dma_start3A_14 = tpu.memref_slice %arg5[%add3A_11] : memref<322560xf32, #tpu.memory_space<hbm>> -> memref<80xf32, #tpu.memory_space<hbm>>
    %dma_start3A_15 = tpu.memref_slice %arg5[%add3A_11] : memref<322560xf32, #tpu.memory_space<hbm>> -> memref<80xf32, #tpu.memory_space<hbm>>
    tpu.enqueue_dma source(%dma_start3A_15 : memref<80xf32, #tpu.memory_space<hbm>>) target(%arg13 : memref<80xf32, #tpu.memory_space<vmem>>) target_semaphore(%arg20 : memref<!tpu.dma_semaphore, #tpu.memory_space<semaphore_mem>>)
    %dma_wait3A = arith.constant 0 : i32
    %dma_wait3A_16 = tpu.memref_slice %arg3[%dma_wait3A] : memref<322560xi32, #tpu.memory_space<hbm>> -> memref<80xi32, #tpu.memory_space<hbm>>
    %dma_wait3A_17 = arith.constant 0 : i32
    %dma_wait3A_18 = tpu.memref_slice %arg3[%dma_wait3A_17] : memref<322560xi32, #tpu.memory_space<hbm>> -> memref<80xi32, #tpu.memory_space<hbm>>
    tpu.wait_dma2 semaphore(%arg19 : memref<!tpu.dma_semaphore, #tpu.memory_space<semaphore_mem>>) src(%dma_wait3A_18 : memref<80xi32, #tpu.memory_space<hbm>>) dst(%arg9 : memref<80xi32, #tpu.memory_space<vmem>>)
    %dma_wait3A_19 = arith.constant 0 : i32
    %dma_wait3A_20 = tpu.memref_slice %arg5[%dma_wait3A_19] : memref<322560xf32, #tpu.memory_space<hbm>> -> memref<80xf32, #tpu.memory_space<hbm>>
    %dma_wait3A_21 = arith.constant 0 : i32
    %dma_wait3A_22 = tpu.memref_slice %arg5[%dma_wait3A_21] : memref<322560xf32, #tpu.memory_space<hbm>> -> memref<80xf32, #tpu.memory_space<hbm>>
    tpu.wait_dma2 semaphore(%arg19 : memref<!tpu.dma_semaphore, #tpu.memory_space<semaphore_mem>>) src(%dma_wait3A_22 : memref<80xf32, #tpu.memory_space<hbm>>) dst(%arg12 : memref<80xf32, #tpu.memory_space<vmem>>)
    %dma_start3A_23 = arith.constant 0 : i32
    %dma_start3A_24 = arith.constant 0 : i32
    %dma_start3A_25 = tpu.memref_slice %arg2[%dma_start3A_23, %dma_start3A_24] : memref<10000x128xf32, #tpu.memory_space<hbm>> -> memref<10000x128xf32, #tpu.memory_space<hbm>>
    tpu.enqueue_indirect_dma source(%dma_start3A_25 : memref<10000x128xf32, #tpu.memory_space<hbm>>) target(%arg15 : memref<80x128xf32, #tpu.memory_space<vmem>>) offsets(%arg9 : memref<80xi32, #tpu.memory_space<vmem>>) semaphore(%arg22 : memref<!tpu.dma_semaphore, #tpu.memory_space<semaphore_mem>>)
    %scan3A = arith.constant 0 : i32
    %scan3A_26 = arith.constant 42 : i32
    %scan3A_27 = arith.addi %scan3A, %scan3A_26 : i32
    %scan3A_28 = arith.constant 1 : i32
    scf.for %scan3A_53 = %scan3A to %scan3A_27 step %scan3A_28  : i32 {
      %mul3A_54 = arith.constant 1 : i32
      %mul3A_55 = arith.muli %scan3A_53, %mul3A_54 : i32
      %add3A_56 = arith.constant 0 : i32
      %add3A_57 = arith.addi %add3A_56, %mul3A_55 : i32
      %mul3A_58 = arith.constant 3 : i32
      %mul3A_59 = arith.muli %mul3A_58, %add3A_57 : i32
      %add3A_60 = arith.constant 2 : i32
      %add3A_61 = arith.addi %mul3A_59, %add3A_60 : i32
      %le3A = arith.constant 125 : i32
      %le3A_62 = arith.cmpi sle, %add3A_61, %le3A : i32
      %convert_element_type3A = arith.extui %le3A_62 : i1 to i32
      %cond3A = arith.constant 0 : i32
      %cond3A_63 = arith.cmpi ne, %convert_element_type3A, %cond3A : i32
      scf.if %cond3A_63 {
        %add3A_138 = arith.constant 2 : i32
        %add3A_139 = arith.addi %mul3A_59, %add3A_138 : i32
        %mul3A_140 = arith.constant 80 : i32
        %mul3A_141 = arith.muli %add3A_139, %mul3A_140 : i32
        %add3A_142 = arith.addi %mul3A_2, %mul3A_141 : i32
        %dma_start3A_143 = tpu.memref_slice %arg3[%add3A_142] : memref<322560xi32, #tpu.memory_space<hbm>> -> memref<80xi32, #tpu.memory_space<hbm>>
        %dma_start3A_144 = tpu.memref_slice %arg3[%add3A_142] : memref<322560xi32, #tpu.memory_space<hbm>> -> memref<80xi32, #tpu.memory_space<hbm>>
        tpu.enqueue_dma source(%dma_start3A_144 : memref<80xi32, #tpu.memory_space<hbm>>) target(%arg11 : memref<80xi32, #tpu.memory_space<vmem>>) target_semaphore(%arg21 : memref<!tpu.dma_semaphore, #tpu.memory_space<semaphore_mem>>)
        %dma_start3A_145 = tpu.memref_slice %arg5[%add3A_142] : memref<322560xf32, #tpu.memory_space<hbm>> -> memref<80xf32, #tpu.memory_space<hbm>>
        %dma_start3A_146 = tpu.memref_slice %arg5[%add3A_142] : memref<322560xf32, #tpu.memory_space<hbm>> -> memref<80xf32, #tpu.memory_space<hbm>>
        tpu.enqueue_dma source(%dma_start3A_146 : memref<80xf32, #tpu.memory_space<hbm>>) target(%arg14 : memref<80xf32, #tpu.memory_space<vmem>>) target_semaphore(%arg21 : memref<!tpu.dma_semaphore, #tpu.memory_space<semaphore_mem>>)
      } else {
      }
      %add3A_64 = arith.constant 1 : i32
      %add3A_65 = arith.addi %mul3A_59, %add3A_64 : i32
      %le3A_66 = arith.constant 125 : i32
      %le3A_67 = arith.cmpi sle, %add3A_65, %le3A_66 : i32
      %convert_element_type3A_68 = arith.extui %le3A_67 : i1 to i32
      %cond3A_69 = arith.constant 0 : i32
      %cond3A_70 = arith.cmpi ne, %convert_element_type3A_68, %cond3A_69 : i32
      scf.if %cond3A_70 {
        %ge3A = arith.constant 2 : i32
        %ge3A_138 = arith.cmpi sge, %mul3A_59, %ge3A : i32
        %convert_element_type3A_139 = arith.extui %ge3A_138 : i1 to i32
        %cond3A_140 = arith.constant 0 : i32
        %cond3A_141 = arith.cmpi ne, %convert_element_type3A_139, %cond3A_140 : i32
        scf.if %cond3A_141 {
          %dma_wait3A_153 = arith.constant 0 : i32
          %dma_wait3A_154 = arith.constant 0 : i32
          %dma_wait3A_155 = tpu.memref_slice %arg6[%dma_wait3A_153, %dma_wait3A_154] : memref<640x128xf32, #tpu.memory_space<hbm>> -> memref<80x128xf32, #tpu.memory_space<hbm>>
          %dma_wait3A_156 = arith.constant 0 : i32
          %dma_wait3A_157 = arith.constant 0 : i32
          %dma_wait3A_158 = tpu.memref_slice %arg6[%dma_wait3A_156, %dma_wait3A_157] : memref<640x128xf32, #tpu.memory_space<hbm>> -> memref<80x128xf32, #tpu.memory_space<hbm>>
          tpu.wait_dma2 semaphore(%arg26 : memref<!tpu.dma_semaphore, #tpu.memory_space<semaphore_mem>>) src(%dma_wait3A_158 : memref<80x128xf32, #tpu.memory_space<hbm>>) dst(%arg16 : memref<80x128xf32, #tpu.memory_space<vmem>>)
        } else {
        }
        %dma_wait3A_142 = arith.constant 0 : i32
        %dma_wait3A_143 = tpu.memref_slice %arg3[%dma_wait3A_142] : memref<322560xi32, #tpu.memory_space<hbm>> -> memref<80xi32, #tpu.memory_space<hbm>>
        %dma_wait3A_144 = arith.constant 0 : i32
        %dma_wait3A_145 = tpu.memref_slice %arg3[%dma_wait3A_144] : memref<322560xi32, #tpu.memory_space<hbm>> -> memref<80xi32, #tpu.memory_space<hbm>>
        tpu.wait_dma2 semaphore(%arg20 : memref<!tpu.dma_semaphore, #tpu.memory_space<semaphore_mem>>) src(%dma_wait3A_145 : memref<80xi32, #tpu.memory_space<hbm>>) dst(%arg10 : memref<80xi32, #tpu.memory_space<vmem>>)
        %dma_wait3A_146 = arith.constant 0 : i32
        %dma_wait3A_147 = tpu.memref_slice %arg5[%dma_wait3A_146] : memref<322560xf32, #tpu.memory_space<hbm>> -> memref<80xf32, #tpu.memory_space<hbm>>
        %dma_wait3A_148 = arith.constant 0 : i32
        %dma_wait3A_149 = tpu.memref_slice %arg5[%dma_wait3A_148] : memref<322560xf32, #tpu.memory_space<hbm>> -> memref<80xf32, #tpu.memory_space<hbm>>
        tpu.wait_dma2 semaphore(%arg20 : memref<!tpu.dma_semaphore, #tpu.memory_space<semaphore_mem>>) src(%dma_wait3A_149 : memref<80xf32, #tpu.memory_space<hbm>>) dst(%arg13 : memref<80xf32, #tpu.memory_space<vmem>>)
        %dma_start3A_150 = arith.constant 0 : i32
        %dma_start3A_151 = arith.constant 0 : i32
        %dma_start3A_152 = tpu.memref_slice %arg2[%dma_start3A_150, %dma_start3A_151] : memref<10000x128xf32, #tpu.memory_space<hbm>> -> memref<10000x128xf32, #tpu.memory_space<hbm>>
        tpu.enqueue_indirect_dma source(%dma_start3A_152 : memref<10000x128xf32, #tpu.memory_space<hbm>>) target(%arg16 : memref<80x128xf32, #tpu.memory_space<vmem>>) offsets(%arg10 : memref<80xi32, #tpu.memory_space<vmem>>) semaphore(%arg23 : memref<!tpu.dma_semaphore, #tpu.memory_space<semaphore_mem>>)
      } else {
      }
      %dma_wait3A_71 = arith.constant 0 : i32
      %dma_wait3A_72 = arith.constant 0 : i32
      %dma_wait3A_73 = tpu.memref_slice %arg2[%dma_wait3A_71, %dma_wait3A_72] : memref<10000x128xf32, #tpu.memory_space<hbm>> -> memref<10000x128xf32, #tpu.memory_space<hbm>>
      tpu.wait_indirect_dma semaphore(%arg22 : memref<!tpu.dma_semaphore, #tpu.memory_space<semaphore_mem>>) src(%dma_wait3A_73 : memref<10000x128xf32, #tpu.memory_space<hbm>>) dst(%arg15 : memref<80x128xf32, #tpu.memory_space<vmem>>)
      %parallel_loop3A = arith.constant 0 : i32
      %parallel_loop3A_74 = arith.constant 80 : i32
      %parallel_loop3A_75 = arith.constant 1 : i32
      scf.for %parallel_loop3A_138 = %parallel_loop3A to %parallel_loop3A_74 step %parallel_loop3A_75  : i32 {
        %parallel_loop3A_139 = vector.broadcast %parallel_loop3A_138 : i32 to vector<16xi32>
        %parallel_loop3A_140 = tpu.vector_load_idx %arg12[%parallel_loop3A_139] : memref<80xf32, #tpu.memory_space<vmem>>[vector<16xi32>], vector<16xf32>,
        %parallel_loop3A_141 = arith.index_cast %parallel_loop3A_138 : i32 to index
        %parallel_loop3A_142 = arith.constant 0 : index
        %parallel_loop3A_143 = tpu.vector_load %arg15[%parallel_loop3A_141, %parallel_loop3A_142] {strides = array<i32>} : memref<80x128xf32, #tpu.memory_space<vmem>>, vector<16xf32>,
        %parallel_loop3A_144 = arith.mulf %parallel_loop3A_143, %parallel_loop3A_140 : vector<16xf32>
        %parallel_loop3A_145 = arith.index_cast %parallel_loop3A_138 : i32 to index
        %parallel_loop3A_146 = arith.constant 0 : index
        %parallel_loop3A_147 = tpu.vector_load %arg15[%parallel_loop3A_145, %parallel_loop3A_146] {strides = array<i32>} : memref<80x128xf32, #tpu.memory_space<vmem>>, vector<16xf32>,
        tpu.vector_store %arg15[%parallel_loop3A_145, %parallel_loop3A_146], %parallel_loop3A_144 {strides = array<i32>} : memref<80x128xf32, #tpu.memory_space<vmem>>, vector<16xf32>,
        %parallel_loop3A_148 = arith.index_cast %parallel_loop3A_138 : i32 to index
        %parallel_loop3A_149 = arith.constant 16 : index
        %parallel_loop3A_150 = tpu.vector_load %arg15[%parallel_loop3A_148, %parallel_loop3A_149] {strides = array<i32>} : memref<80x128xf32, #tpu.memory_space<vmem>>, vector<16xf32>,
        %parallel_loop3A_151 = arith.mulf %parallel_loop3A_150, %parallel_loop3A_140 : vector<16xf32>
        %parallel_loop3A_152 = arith.index_cast %parallel_loop3A_138 : i32 to index
        %parallel_loop3A_153 = arith.constant 16 : index
        %parallel_loop3A_154 = tpu.vector_load %arg15[%parallel_loop3A_152, %parallel_loop3A_153] {strides = array<i32>} : memref<80x128xf32, #tpu.memory_space<vmem>>, vector<16xf32>,
        tpu.vector_store %arg15[%parallel_loop3A_152, %parallel_loop3A_153], %parallel_loop3A_151 {strides = array<i32>} : memref<80x128xf32, #tpu.memory_space<vmem>>, vector<16xf32>,
        %parallel_loop3A_155 = arith.index_cast %parallel_loop3A_138 : i32 to index
        %parallel_loop3A_156 = arith.constant 32 : index
        %parallel_loop3A_157 = tpu.vector_load %arg15[%parallel_loop3A_155, %parallel_loop3A_156] {strides = array<i32>} : memref<80x128xf32, #tpu.memory_space<vmem>>, vector<16xf32>,
        %parallel_loop3A_158 = arith.mulf %parallel_loop3A_157, %parallel_loop3A_140 : vector<16xf32>
        %parallel_loop3A_159 = arith.index_cast %parallel_loop3A_138 : i32 to index
        %parallel_loop3A_160 = arith.constant 32 : index
        %parallel_loop3A_161 = tpu.vector_load %arg15[%parallel_loop3A_159, %parallel_loop3A_160] {strides = array<i32>} : memref<80x128xf32, #tpu.memory_space<vmem>>, vector<16xf32>,
        tpu.vector_store %arg15[%parallel_loop3A_159, %parallel_loop3A_160], %parallel_loop3A_158 {strides = array<i32>} : memref<80x128xf32, #tpu.memory_space<vmem>>, vector<16xf32>,
        %parallel_loop3A_162 = arith.index_cast %parallel_loop3A_138 : i32 to index
        %parallel_loop3A_163 = arith.constant 48 : index
        %parallel_loop3A_164 = tpu.vector_load %arg15[%parallel_loop3A_162, %parallel_loop3A_163] {strides = array<i32>} : memref<80x128xf32, #tpu.memory_space<vmem>>, vector<16xf32>,
        %parallel_loop3A_165 = arith.mulf %parallel_loop3A_164, %parallel_loop3A_140 : vector<16xf32>
        %parallel_loop3A_166 = arith.index_cast %parallel_loop3A_138 : i32 to index
        %parallel_loop3A_167 = arith.constant 48 : index
        %parallel_loop3A_168 = tpu.vector_load %arg15[%parallel_loop3A_166, %parallel_loop3A_167] {strides = array<i32>} : memref<80x128xf32, #tpu.memory_space<vmem>>, vector<16xf32>,
        tpu.vector_store %arg15[%parallel_loop3A_166, %parallel_loop3A_167], %parallel_loop3A_165 {strides = array<i32>} : memref<80x128xf32, #tpu.memory_space<vmem>>, vector<16xf32>,
        %parallel_loop3A_169 = arith.index_cast %parallel_loop3A_138 : i32 to index
        %parallel_loop3A_170 = arith.constant 64 : index
        %parallel_loop3A_171 = tpu.vector_load %arg15[%parallel_loop3A_169, %parallel_loop3A_170] {strides = array<i32>} : memref<80x128xf32, #tpu.memory_space<vmem>>, vector<16xf32>,
        %parallel_loop3A_172 = arith.mulf %parallel_loop3A_171, %parallel_loop3A_140 : vector<16xf32>
        %parallel_loop3A_173 = arith.index_cast %parallel_loop3A_138 : i32 to index
        %parallel_loop3A_174 = arith.constant 64 : index
        %parallel_loop3A_175 = tpu.vector_load %arg15[%parallel_loop3A_173, %parallel_loop3A_174] {strides = array<i32>} : memref<80x128xf32, #tpu.memory_space<vmem>>, vector<16xf32>,
        tpu.vector_store %arg15[%parallel_loop3A_173, %parallel_loop3A_174], %parallel_loop3A_172 {strides = array<i32>} : memref<80x128xf32, #tpu.memory_space<vmem>>, vector<16xf32>,
        %parallel_loop3A_176 = arith.index_cast %parallel_loop3A_138 : i32 to index
        %parallel_loop3A_177 = arith.constant 80 : index
        %parallel_loop3A_178 = tpu.vector_load %arg15[%parallel_loop3A_176, %parallel_loop3A_177] {strides = array<i32>} : memref<80x128xf32, #tpu.memory_space<vmem>>, vector<16xf32>,
        %parallel_loop3A_179 = arith.mulf %parallel_loop3A_178, %parallel_loop3A_140 : vector<16xf32>
        %parallel_loop3A_180 = arith.index_cast %parallel_loop3A_138 : i32 to index
        %parallel_loop3A_181 = arith.constant 80 : index
        %parallel_loop3A_182 = tpu.vector_load %arg15[%parallel_loop3A_180, %parallel_loop3A_181] {strides = array<i32>} : memref<80x128xf32, #tpu.memory_space<vmem>>, vector<16xf32>,
        tpu.vector_store %arg15[%parallel_loop3A_180, %parallel_loop3A_181], %parallel_loop3A_179 {strides = array<i32>} : memref<80x128xf32, #tpu.memory_space<vmem>>, vector<16xf32>,
        %parallel_loop3A_183 = arith.index_cast %parallel_loop3A_138 : i32 to index
        %parallel_loop3A_184 = arith.constant 96 : index
        %parallel_loop3A_185 = tpu.vector_load %arg15[%parallel_loop3A_183, %parallel_loop3A_184] {strides = array<i32>} : memref<80x128xf32, #tpu.memory_space<vmem>>, vector<16xf32>,
        %parallel_loop3A_186 = arith.mulf %parallel_loop3A_185, %parallel_loop3A_140 : vector<16xf32>
        %parallel_loop3A_187 = arith.index_cast %parallel_loop3A_138 : i32 to index
        %parallel_loop3A_188 = arith.constant 96 : index
        %parallel_loop3A_189 = tpu.vector_load %arg15[%parallel_loop3A_187, %parallel_loop3A_188] {strides = array<i32>} : memref<80x128xf32, #tpu.memory_space<vmem>>, vector<16xf32>,
        tpu.vector_store %arg15[%parallel_loop3A_187, %parallel_loop3A_188], %parallel_loop3A_186 {strides = array<i32>} : memref<80x128xf32, #tpu.memory_space<vmem>>, vector<16xf32>,
        %parallel_loop3A_190 = arith.index_cast %parallel_loop3A_138 : i32 to index
        %parallel_loop3A_191 = arith.constant 112 : index
        %parallel_loop3A_192 = tpu.vector_load %arg15[%parallel_loop3A_190, %parallel_loop3A_191] {strides = array<i32>} : memref<80x128xf32, #tpu.memory_space<vmem>>, vector<16xf32>,
        %parallel_loop3A_193 = arith.mulf %parallel_loop3A_192, %parallel_loop3A_140 : vector<16xf32>
        %parallel_loop3A_194 = arith.index_cast %parallel_loop3A_138 : i32 to index
        %parallel_loop3A_195 = arith.constant 112 : index
        %parallel_loop3A_196 = tpu.vector_load %arg15[%parallel_loop3A_194, %parallel_loop3A_195] {strides = array<i32>} : memref<80x128xf32, #tpu.memory_space<vmem>>, vector<16xf32>,
        tpu.vector_store %arg15[%parallel_loop3A_194, %parallel_loop3A_195], %parallel_loop3A_193 {strides = array<i32>} : memref<80x128xf32, #tpu.memory_space<vmem>>, vector<16xf32>,
      } {sc.loop_unroll_factor = 4 : i64, sc.parallel_access}
      %dma_start3A_76 = arith.constant 0 : i32
      %dma_start3A_77 = tpu.memref_slice %arg8[%mul3A_59, %dma_start3A_76] : memref<126x80xi32, #tpu.memory_space<vmem>> -> memref<1x80xi32, #tpu.memory_space<vmem>>
      %dma_start3A_78 = tpu.memref_squeeze %dma_start3A_77 : memref<1x80xi32, #tpu.memory_space<vmem>> -> memref<80xi32, #tpu.memory_space<vmem>>
      %dma_start3A_79 = arith.constant 0 : i32
      %dma_start3A_80 = arith.constant 0 : i32
      %dma_start3A_81 = tpu.memref_slice %arg18[%dma_start3A_79, %dma_start3A_80] : memref<10240x128xf32, #tpu.memory_space<vmem_shared>> -> memref<10240x128xf32, #tpu.memory_space<vmem_shared>>
      tpu.enqueue_indirect_dma source(%arg15 : memref<80x128xf32, #tpu.memory_space<vmem>>) target(%dma_start3A_81 : memref<10240x128xf32, #tpu.memory_space<vmem_shared>>) offsets(%dma_start3A_78 : memref<80xi32, #tpu.memory_space<vmem>>) semaphore(%arg25 : memref<!tpu.dma_semaphore, #tpu.memory_space<semaphore_mem>>) {add = true}
      %add3A_82 = arith.constant 1 : i32
      %add3A_83 = arith.addi %mul3A_59, %add3A_82 : i32
      %add3A_84 = arith.constant 2 : i32
      %add3A_85 = arith.addi %add3A_83, %add3A_84 : i32
      %le3A_86 = arith.constant 125 : i32
      %le3A_87 = arith.cmpi sle, %add3A_85, %le3A_86 : i32
      %convert_element_type3A_88 = arith.extui %le3A_87 : i1 to i32
      %cond3A_89 = arith.constant 0 : i32
      %cond3A_90 = arith.cmpi ne, %convert_element_type3A_88, %cond3A_89 : i32
      scf.if %cond3A_90 {
        %add3A_138 = arith.constant 2 : i32
        %add3A_139 = arith.addi %add3A_83, %add3A_138 : i32
        %mul3A_140 = arith.constant 80 : i32
        %mul3A_141 = arith.muli %add3A_139, %mul3A_140 : i32
        %add3A_142 = arith.addi %mul3A_2, %mul3A_141 : i32
        %dma_start3A_143 = tpu.memref_slice %arg3[%add3A_142] : memref<322560xi32, #tpu.memory_space<hbm>> -> memref<80xi32, #tpu.memory_space<hbm>>
        %dma_start3A_144 = tpu.memref_slice %arg3[%add3A_142] : memref<322560xi32, #tpu.memory_space<hbm>> -> memref<80xi32, #tpu.memory_space<hbm>>
        tpu.enqueue_dma source(%dma_start3A_144 : memref<80xi32, #tpu.memory_space<hbm>>) target(%arg9 : memref<80xi32, #tpu.memory_space<vmem>>) target_semaphore(%arg19 : memref<!tpu.dma_semaphore, #tpu.memory_space<semaphore_mem>>)
        %dma_start3A_145 = tpu.memref_slice %arg5[%add3A_142] : memref<322560xf32, #tpu.memory_space<hbm>> -> memref<80xf32, #tpu.memory_space<hbm>>
        %dma_start3A_146 = tpu.memref_slice %arg5[%add3A_142] : memref<322560xf32, #tpu.memory_space<hbm>> -> memref<80xf32, #tpu.memory_space<hbm>>
        tpu.enqueue_dma source(%dma_start3A_146 : memref<80xf32, #tpu.memory_space<hbm>>) target(%arg12 : memref<80xf32, #tpu.memory_space<vmem>>) target_semaphore(%arg19 : memref<!tpu.dma_semaphore, #tpu.memory_space<semaphore_mem>>)
      } else {
      }
      %add3A_91 = arith.constant 1 : i32
      %add3A_92 = arith.addi %add3A_83, %add3A_91 : i32
      %le3A_93 = arith.constant 125 : i32
      %le3A_94 = arith.cmpi sle, %add3A_92, %le3A_93 : i32
      %convert_element_type3A_95 = arith.extui %le3A_94 : i1 to i32
      %cond3A_96 = arith.constant 0 : i32
      %cond3A_97 = arith.cmpi ne, %convert_element_type3A_95, %cond3A_96 : i32
      scf.if %cond3A_97 {
        %ge3A = arith.constant 2 : i32
        %ge3A_138 = arith.cmpi sge, %add3A_83, %ge3A : i32
        %convert_element_type3A_139 = arith.extui %ge3A_138 : i1 to i32
        %cond3A_140 = arith.constant 0 : i32
        %cond3A_141 = arith.cmpi ne, %convert_element_type3A_139, %cond3A_140 : i32
        scf.if %cond3A_141 {
          %dma_wait3A_153 = arith.constant 0 : i32
          %dma_wait3A_154 = arith.constant 0 : i32
          %dma_wait3A_155 = tpu.memref_slice %arg6[%dma_wait3A_153, %dma_wait3A_154] : memref<640x128xf32, #tpu.memory_space<hbm>> -> memref<80x128xf32, #tpu.memory_space<hbm>>
          %dma_wait3A_156 = arith.constant 0 : i32
          %dma_wait3A_157 = arith.constant 0 : i32
          %dma_wait3A_158 = tpu.memref_slice %arg6[%dma_wait3A_156, %dma_wait3A_157] : memref<640x128xf32, #tpu.memory_space<hbm>> -> memref<80x128xf32, #tpu.memory_space<hbm>>
          tpu.wait_dma2 semaphore(%arg27 : memref<!tpu.dma_semaphore, #tpu.memory_space<semaphore_mem>>) src(%dma_wait3A_158 : memref<80x128xf32, #tpu.memory_space<hbm>>) dst(%arg17 : memref<80x128xf32, #tpu.memory_space<vmem>>)
        } else {
        }
        %dma_wait3A_142 = arith.constant 0 : i32
        %dma_wait3A_143 = tpu.memref_slice %arg3[%dma_wait3A_142] : memref<322560xi32, #tpu.memory_space<hbm>> -> memref<80xi32, #tpu.memory_space<hbm>>
        %dma_wait3A_144 = arith.constant 0 : i32
        %dma_wait3A_145 = tpu.memref_slice %arg3[%dma_wait3A_144] : memref<322560xi32, #tpu.memory_space<hbm>> -> memref<80xi32, #tpu.memory_space<hbm>>
        tpu.wait_dma2 semaphore(%arg21 : memref<!tpu.dma_semaphore, #tpu.memory_space<semaphore_mem>>) src(%dma_wait3A_145 : memref<80xi32, #tpu.memory_space<hbm>>) dst(%arg11 : memref<80xi32, #tpu.memory_space<vmem>>)
        %dma_wait3A_146 = arith.constant 0 : i32
        %dma_wait3A_147 = tpu.memref_slice %arg5[%dma_wait3A_146] : memref<322560xf32, #tpu.memory_space<hbm>> -> memref<80xf32, #tpu.memory_space<hbm>>
        %dma_wait3A_148 = arith.constant 0 : i32
        %dma_wait3A_149 = tpu.memref_slice %arg5[%dma_wait3A_148] : memref<322560xf32, #tpu.memory_space<hbm>> -> memref<80xf32, #tpu.memory_space<hbm>>
        tpu.wait_dma2 semaphore(%arg21 : memref<!tpu.dma_semaphore, #tpu.memory_space<semaphore_mem>>) src(%dma_wait3A_149 : memref<80xf32, #tpu.memory_space<hbm>>) dst(%arg14 : memref<80xf32, #tpu.memory_space<vmem>>)
        %dma_start3A_150 = arith.constant 0 : i32
        %dma_start3A_151 = arith.constant 0 : i32
        %dma_start3A_152 = tpu.memref_slice %arg2[%dma_start3A_150, %dma_start3A_151] : memref<10000x128xf32, #tpu.memory_space<hbm>> -> memref<10000x128xf32, #tpu.memory_space<hbm>>
        tpu.enqueue_indirect_dma source(%dma_start3A_152 : memref<10000x128xf32, #tpu.memory_space<hbm>>) target(%arg17 : memref<80x128xf32, #tpu.memory_space<vmem>>) offsets(%arg11 : memref<80xi32, #tpu.memory_space<vmem>>) semaphore(%arg24 : memref<!tpu.dma_semaphore, #tpu.memory_space<semaphore_mem>>)
      } else {
      }
      %dma_wait3A_98 = arith.constant 0 : i32
      %dma_wait3A_99 = arith.constant 0 : i32
      %dma_wait3A_100 = tpu.memref_slice %arg2[%dma_wait3A_98, %dma_wait3A_99] : memref<10000x128xf32, #tpu.memory_space<hbm>> -> memref<10000x128xf32, #tpu.memory_space<hbm>>
      tpu.wait_indirect_dma semaphore(%arg23 : memref<!tpu.dma_semaphore, #tpu.memory_space<semaphore_mem>>) src(%dma_wait3A_100 : memref<10000x128xf32, #tpu.memory_space<hbm>>) dst(%arg16 : memref<80x128xf32, #tpu.memory_space<vmem>>)
      %parallel_loop3A_101 = arith.constant 0 : i32
      %parallel_loop3A_102 = arith.constant 80 : i32
      %parallel_loop3A_103 = arith.constant 1 : i32
      scf.for %parallel_loop3A_138 = %parallel_loop3A_101 to %parallel_loop3A_102 step %parallel_loop3A_103  : i32 {
        %parallel_loop3A_139 = vector.broadcast %parallel_loop3A_138 : i32 to vector<16xi32>
        %parallel_loop3A_140 = tpu.vector_load_idx %arg13[%parallel_loop3A_139] : memref<80xf32, #tpu.memory_space<vmem>>[vector<16xi32>], vector<16xf32>,
        %parallel_loop3A_141 = arith.index_cast %parallel_loop3A_138 : i32 to index
        %parallel_loop3A_142 = arith.constant 0 : index
        %parallel_loop3A_143 = tpu.vector_load %arg16[%parallel_loop3A_141, %parallel_loop3A_142] {strides = array<i32>} : memref<80x128xf32, #tpu.memory_space<vmem>>, vector<16xf32>,
        %parallel_loop3A_144 = arith.mulf %parallel_loop3A_143, %parallel_loop3A_140 : vector<16xf32>
        %parallel_loop3A_145 = arith.index_cast %parallel_loop3A_138 : i32 to index
        %parallel_loop3A_146 = arith.constant 0 : index
        %parallel_loop3A_147 = tpu.vector_load %arg16[%parallel_loop3A_145, %parallel_loop3A_146] {strides = array<i32>} : memref<80x128xf32, #tpu.memory_space<vmem>>, vector<16xf32>,
        tpu.vector_store %arg16[%parallel_loop3A_145, %parallel_loop3A_146], %parallel_loop3A_144 {strides = array<i32>} : memref<80x128xf32, #tpu.memory_space<vmem>>, vector<16xf32>,
        %parallel_loop3A_148 = arith.index_cast %parallel_loop3A_138 : i32 to index
        %parallel_loop3A_149 = arith.constant 16 : index
        %parallel_loop3A_150 = tpu.vector_load %arg16[%parallel_loop3A_148, %parallel_loop3A_149] {strides = array<i32>} : memref<80x128xf32, #tpu.memory_space<vmem>>, vector<16xf32>,
        %parallel_loop3A_151 = arith.mulf %parallel_loop3A_150, %parallel_loop3A_140 : vector<16xf32>
        %parallel_loop3A_152 = arith.index_cast %parallel_loop3A_138 : i32 to index
        %parallel_loop3A_153 = arith.constant 16 : index
        %parallel_loop3A_154 = tpu.vector_load %arg16[%parallel_loop3A_152, %parallel_loop3A_153] {strides = array<i32>} : memref<80x128xf32, #tpu.memory_space<vmem>>, vector<16xf32>,
        tpu.vector_store %arg16[%parallel_loop3A_152, %parallel_loop3A_153], %parallel_loop3A_151 {strides = array<i32>} : memref<80x128xf32, #tpu.memory_space<vmem>>, vector<16xf32>,
        %parallel_loop3A_155 = arith.index_cast %parallel_loop3A_138 : i32 to index
        %parallel_loop3A_156 = arith.constant 32 : index
        %parallel_loop3A_157 = tpu.vector_load %arg16[%parallel_loop3A_155, %parallel_loop3A_156] {strides = array<i32>} : memref<80x128xf32, #tpu.memory_space<vmem>>, vector<16xf32>,
        %parallel_loop3A_158 = arith.mulf %parallel_loop3A_157, %parallel_loop3A_140 : vector<16xf32>
        %parallel_loop3A_159 = arith.index_cast %parallel_loop3A_138 : i32 to index
        %parallel_loop3A_160 = arith.constant 32 : index
        %parallel_loop3A_161 = tpu.vector_load %arg16[%parallel_loop3A_159, %parallel_loop3A_160] {strides = array<i32>} : memref<80x128xf32, #tpu.memory_space<vmem>>, vector<16xf32>,
        tpu.vector_store %arg16[%parallel_loop3A_159, %parallel_loop3A_160], %parallel_loop3A_158 {strides = array<i32>} : memref<80x128xf32, #tpu.memory_space<vmem>>, vector<16xf32>,
        %parallel_loop3A_162 = arith.index_cast %parallel_loop3A_138 : i32 to index
        %parallel_loop3A_163 = arith.constant 48 : index
        %parallel_loop3A_164 = tpu.vector_load %arg16[%parallel_loop3A_162, %parallel_loop3A_163] {strides = array<i32>} : memref<80x128xf32, #tpu.memory_space<vmem>>, vector<16xf32>,
        %parallel_loop3A_165 = arith.mulf %parallel_loop3A_164, %parallel_loop3A_140 : vector<16xf32>
        %parallel_loop3A_166 = arith.index_cast %parallel_loop3A_138 : i32 to index
        %parallel_loop3A_167 = arith.constant 48 : index
        %parallel_loop3A_168 = tpu.vector_load %arg16[%parallel_loop3A_166, %parallel_loop3A_167] {strides = array<i32>} : memref<80x128xf32, #tpu.memory_space<vmem>>, vector<16xf32>,
        tpu.vector_store %arg16[%parallel_loop3A_166, %parallel_loop3A_167], %parallel_loop3A_165 {strides = array<i32>} : memref<80x128xf32, #tpu.memory_space<vmem>>, vector<16xf32>,
        %parallel_loop3A_169 = arith.index_cast %parallel_loop3A_138 : i32 to index
        %parallel_loop3A_170 = arith.constant 64 : index
        %parallel_loop3A_171 = tpu.vector_load %arg16[%parallel_loop3A_169, %parallel_loop3A_170] {strides = array<i32>} : memref<80x128xf32, #tpu.memory_space<vmem>>, vector<16xf32>,
        %parallel_loop3A_172 = arith.mulf %parallel_loop3A_171, %parallel_loop3A_140 : vector<16xf32>
        %parallel_loop3A_173 = arith.index_cast %parallel_loop3A_138 : i32 to index
        %parallel_loop3A_174 = arith.constant 64 : index
        %parallel_loop3A_175 = tpu.vector_load %arg16[%parallel_loop3A_173, %parallel_loop3A_174] {strides = array<i32>} : memref<80x128xf32, #tpu.memory_space<vmem>>, vector<16xf32>,
        tpu.vector_store %arg16[%parallel_loop3A_173, %parallel_loop3A_174], %parallel_loop3A_172 {strides = array<i32>} : memref<80x128xf32, #tpu.memory_space<vmem>>, vector<16xf32>,
        %parallel_loop3A_176 = arith.index_cast %parallel_loop3A_138 : i32 to index
        %parallel_loop3A_177 = arith.constant 80 : index
        %parallel_loop3A_178 = tpu.vector_load %arg16[%parallel_loop3A_176, %parallel_loop3A_177] {strides = array<i32>} : memref<80x128xf32, #tpu.memory_space<vmem>>, vector<16xf32>,
        %parallel_loop3A_179 = arith.mulf %parallel_loop3A_178, %parallel_loop3A_140 : vector<16xf32>
        %parallel_loop3A_180 = arith.index_cast %parallel_loop3A_138 : i32 to index
        %parallel_loop3A_181 = arith.constant 80 : index
        %parallel_loop3A_182 = tpu.vector_load %arg16[%parallel_loop3A_180, %parallel_loop3A_181] {strides = array<i32>} : memref<80x128xf32, #tpu.memory_space<vmem>>, vector<16xf32>,
        tpu.vector_store %arg16[%parallel_loop3A_180, %parallel_loop3A_181], %parallel_loop3A_179 {strides = array<i32>} : memref<80x128xf32, #tpu.memory_space<vmem>>, vector<16xf32>,
        %parallel_loop3A_183 = arith.index_cast %parallel_loop3A_138 : i32 to index
        %parallel_loop3A_184 = arith.constant 96 : index
        %parallel_loop3A_185 = tpu.vector_load %arg16[%parallel_loop3A_183, %parallel_loop3A_184] {strides = array<i32>} : memref<80x128xf32, #tpu.memory_space<vmem>>, vector<16xf32>,
        %parallel_loop3A_186 = arith.mulf %parallel_loop3A_185, %parallel_loop3A_140 : vector<16xf32>
        %parallel_loop3A_187 = arith.index_cast %parallel_loop3A_138 : i32 to index
        %parallel_loop3A_188 = arith.constant 96 : index
        %parallel_loop3A_189 = tpu.vector_load %arg16[%parallel_loop3A_187, %parallel_loop3A_188] {strides = array<i32>} : memref<80x128xf32, #tpu.memory_space<vmem>>, vector<16xf32>,
        tpu.vector_store %arg16[%parallel_loop3A_187, %parallel_loop3A_188], %parallel_loop3A_186 {strides = array<i32>} : memref<80x128xf32, #tpu.memory_space<vmem>>, vector<16xf32>,
        %parallel_loop3A_190 = arith.index_cast %parallel_loop3A_138 : i32 to index
        %parallel_loop3A_191 = arith.constant 112 : index
        %parallel_loop3A_192 = tpu.vector_load %arg16[%parallel_loop3A_190, %parallel_loop3A_191] {strides = array<i32>} : memref<80x128xf32, #tpu.memory_space<vmem>>, vector<16xf32>,
        %parallel_loop3A_193 = arith.mulf %parallel_loop3A_192, %parallel_loop3A_140 : vector<16xf32>
        %parallel_loop3A_194 = arith.index_cast %parallel_loop3A_138 : i32 to index
        %parallel_loop3A_195 = arith.constant 112 : index
        %parallel_loop3A_196 = tpu.vector_load %arg16[%parallel_loop3A_194, %parallel_loop3A_195] {strides = array<i32>} : memref<80x128xf32, #tpu.memory_space<vmem>>, vector<16xf32>,
        tpu.vector_store %arg16[%parallel_loop3A_194, %parallel_loop3A_195], %parallel_loop3A_193 {strides = array<i32>} : memref<80x128xf32, #tpu.memory_space<vmem>>, vector<16xf32>,
      } {sc.loop_unroll_factor = 4 : i64, sc.parallel_access}
      %dma_start3A_104 = arith.constant 0 : i32
      %dma_start3A_105 = tpu.memref_slice %arg8[%add3A_83, %dma_start3A_104] : memref<126x80xi32, #tpu.memory_space<vmem>> -> memref<1x80xi32, #tpu.memory_space<vmem>>
      %dma_start3A_106 = tpu.memref_squeeze %dma_start3A_105 : memref<1x80xi32, #tpu.memory_space<vmem>> -> memref<80xi32, #tpu.memory_space<vmem>>
      %dma_start3A_107 = arith.constant 0 : i32
      %dma_start3A_108 = arith.constant 0 : i32
      %dma_start3A_109 = tpu.memref_slice %arg18[%dma_start3A_107, %dma_start3A_108] : memref<10240x128xf32, #tpu.memory_space<vmem_shared>> -> memref<10240x128xf32, #tpu.memory_space<vmem_shared>>
      tpu.enqueue_indirect_dma source(%arg16 : memref<80x128xf32, #tpu.memory_space<vmem>>) target(%dma_start3A_109 : memref<10240x128xf32, #tpu.memory_space<vmem_shared>>) offsets(%dma_start3A_106 : memref<80xi32, #tpu.memory_space<vmem>>) semaphore(%arg26 : memref<!tpu.dma_semaphore, #tpu.memory_space<semaphore_mem>>) {add = true}
      %add3A_110 = arith.constant 2 : i32
      %add3A_111 = arith.addi %mul3A_59, %add3A_110 : i32
      %add3A_112 = arith.constant 2 : i32
      %add3A_113 = arith.addi %add3A_111, %add3A_112 : i32
      %le3A_114 = arith.constant 125 : i32
      %le3A_115 = arith.cmpi sle, %add3A_113, %le3A_114 : i32
      %convert_element_type3A_116 = arith.extui %le3A_115 : i1 to i32
      %cond3A_117 = arith.constant 0 : i32
      %cond3A_118 = arith.cmpi ne, %convert_element_type3A_116, %cond3A_117 : i32
      scf.if %cond3A_118 {
        %add3A_138 = arith.constant 2 : i32
        %add3A_139 = arith.addi %add3A_111, %add3A_138 : i32
        %mul3A_140 = arith.constant 80 : i32
        %mul3A_141 = arith.muli %add3A_139, %mul3A_140 : i32
        %add3A_142 = arith.addi %mul3A_2, %mul3A_141 : i32
        %dma_start3A_143 = tpu.memref_slice %arg3[%add3A_142] : memref<322560xi32, #tpu.memory_space<hbm>> -> memref<80xi32, #tpu.memory_space<hbm>>
        %dma_start3A_144 = tpu.memref_slice %arg3[%add3A_142] : memref<322560xi32, #tpu.memory_space<hbm>> -> memref<80xi32, #tpu.memory_space<hbm>>
        tpu.enqueue_dma source(%dma_start3A_144 : memref<80xi32, #tpu.memory_space<hbm>>) target(%arg10 : memref<80xi32, #tpu.memory_space<vmem>>) target_semaphore(%arg20 : memref<!tpu.dma_semaphore, #tpu.memory_space<semaphore_mem>>)
        %dma_start3A_145 = tpu.memref_slice %arg5[%add3A_142] : memref<322560xf32, #tpu.memory_space<hbm>> -> memref<80xf32, #tpu.memory_space<hbm>>
        %dma_start3A_146 = tpu.memref_slice %arg5[%add3A_142] : memref<322560xf32, #tpu.memory_space<hbm>> -> memref<80xf32, #tpu.memory_space<hbm>>
        tpu.enqueue_dma source(%dma_start3A_146 : memref<80xf32, #tpu.memory_space<hbm>>) target(%arg13 : memref<80xf32, #tpu.memory_space<vmem>>) target_semaphore(%arg20 : memref<!tpu.dma_semaphore, #tpu.memory_space<semaphore_mem>>)
      } else {
      }
      %add3A_119 = arith.constant 1 : i32
      %add3A_120 = arith.addi %add3A_111, %add3A_119 : i32
      %le3A_121 = arith.constant 125 : i32
      %le3A_122 = arith.cmpi sle, %add3A_120, %le3A_121 : i32
      %convert_element_type3A_123 = arith.extui %le3A_122 : i1 to i32
      %cond3A_124 = arith.constant 0 : i32
      %cond3A_125 = arith.cmpi ne, %convert_element_type3A_123, %cond3A_124 : i32
      scf.if %cond3A_125 {
        %ge3A = arith.constant 2 : i32
        %ge3A_138 = arith.cmpi sge, %add3A_111, %ge3A : i32
        %convert_element_type3A_139 = arith.extui %ge3A_138 : i1 to i32
        %cond3A_140 = arith.constant 0 : i32
        %cond3A_141 = arith.cmpi ne, %convert_element_type3A_139, %cond3A_140 : i32
        scf.if %cond3A_141 {
          %dma_wait3A_153 = arith.constant 0 : i32
          %dma_wait3A_154 = arith.constant 0 : i32
          %dma_wait3A_155 = tpu.memref_slice %arg6[%dma_wait3A_153, %dma_wait3A_154] : memref<640x128xf32, #tpu.memory_space<hbm>> -> memref<80x128xf32, #tpu.memory_space<hbm>>
          %dma_wait3A_156 = arith.constant 0 : i32
          %dma_wait3A_157 = arith.constant 0 : i32
          %dma_wait3A_158 = tpu.memref_slice %arg6[%dma_wait3A_156, %dma_wait3A_157] : memref<640x128xf32, #tpu.memory_space<hbm>> -> memref<80x128xf32, #tpu.memory_space<hbm>>
          tpu.wait_dma2 semaphore(%arg25 : memref<!tpu.dma_semaphore, #tpu.memory_space<semaphore_mem>>) src(%dma_wait3A_158 : memref<80x128xf32, #tpu.memory_space<hbm>>) dst(%arg15 : memref<80x128xf32, #tpu.memory_space<vmem>>)
        } else {
        }
        %dma_wait3A_142 = arith.constant 0 : i32
        %dma_wait3A_143 = tpu.memref_slice %arg3[%dma_wait3A_142] : memref<322560xi32, #tpu.memory_space<hbm>> -> memref<80xi32, #tpu.memory_space<hbm>>
        %dma_wait3A_144 = arith.constant 0 : i32
        %dma_wait3A_145 = tpu.memref_slice %arg3[%dma_wait3A_144] : memref<322560xi32, #tpu.memory_space<hbm>> -> memref<80xi32, #tpu.memory_space<hbm>>
        tpu.wait_dma2 semaphore(%arg19 : memref<!tpu.dma_semaphore, #tpu.memory_space<semaphore_mem>>) src(%dma_wait3A_145 : memref<80xi32, #tpu.memory_space<hbm>>) dst(%arg9 : memref<80xi32, #tpu.memory_space<vmem>>)
        %dma_wait3A_146 = arith.constant 0 : i32
        %dma_wait3A_147 = tpu.memref_slice %arg5[%dma_wait3A_146] : memref<322560xf32, #tpu.memory_space<hbm>> -> memref<80xf32, #tpu.memory_space<hbm>>
        %dma_wait3A_148 = arith.constant 0 : i32
        %dma_wait3A_149 = tpu.memref_slice %arg5[%dma_wait3A_148] : memref<322560xf32, #tpu.memory_space<hbm>> -> memref<80xf32, #tpu.memory_space<hbm>>
        tpu.wait_dma2 semaphore(%arg19 : memref<!tpu.dma_semaphore, #tpu.memory_space<semaphore_mem>>) src(%dma_wait3A_149 : memref<80xf32, #tpu.memory_space<hbm>>) dst(%arg12 : memref<80xf32, #tpu.memory_space<vmem>>)
        %dma_start3A_150 = arith.constant 0 : i32
        %dma_start3A_151 = arith.constant 0 : i32
        %dma_start3A_152 = tpu.memref_slice %arg2[%dma_start3A_150, %dma_start3A_151] : memref<10000x128xf32, #tpu.memory_space<hbm>> -> memref<10000x128xf32, #tpu.memory_space<hbm>>
        tpu.enqueue_indirect_dma source(%dma_start3A_152 : memref<10000x128xf32, #tpu.memory_space<hbm>>) target(%arg15 : memref<80x128xf32, #tpu.memory_space<vmem>>) offsets(%arg9 : memref<80xi32, #tpu.memory_space<vmem>>) semaphore(%arg22 : memref<!tpu.dma_semaphore, #tpu.memory_space<semaphore_mem>>)
      } else {
      }
      %dma_wait3A_126 = arith.constant 0 : i32
      %dma_wait3A_127 = arith.constant 0 : i32
      %dma_wait3A_128 = tpu.memref_slice %arg2[%dma_wait3A_126, %dma_wait3A_127] : memref<10000x128xf32, #tpu.memory_space<hbm>> -> memref<10000x128xf32, #tpu.memory_space<hbm>>
      tpu.wait_indirect_dma semaphore(%arg24 : memref<!tpu.dma_semaphore, #tpu.memory_space<semaphore_mem>>) src(%dma_wait3A_128 : memref<10000x128xf32, #tpu.memory_space<hbm>>) dst(%arg17 : memref<80x128xf32, #tpu.memory_space<vmem>>)
      %parallel_loop3A_129 = arith.constant 0 : i32
      %parallel_loop3A_130 = arith.constant 80 : i32
      %parallel_loop3A_131 = arith.constant 1 : i32
      scf.for %parallel_loop3A_138 = %parallel_loop3A_129 to %parallel_loop3A_130 step %parallel_loop3A_131  : i32 {
        %parallel_loop3A_139 = vector.broadcast %parallel_loop3A_138 : i32 to vector<16xi32>
        %parallel_loop3A_140 = tpu.vector_load_idx %arg14[%parallel_loop3A_139] : memref<80xf32, #tpu.memory_space<vmem>>[vector<16xi32>], vector<16xf32>,
        %parallel_loop3A_141 = arith.index_cast %parallel_loop3A_138 : i32 to index
        %parallel_loop3A_142 = arith.constant 0 : index
        %parallel_loop3A_143 = tpu.vector_load %arg17[%parallel_loop3A_141, %parallel_loop3A_142] {strides = array<i32>} : memref<80x128xf32, #tpu.memory_space<vmem>>, vector<16xf32>,
        %parallel_loop3A_144 = arith.mulf %parallel_loop3A_143, %parallel_loop3A_140 : vector<16xf32>
        %parallel_loop3A_145 = arith.index_cast %parallel_loop3A_138 : i32 to index
        %parallel_loop3A_146 = arith.constant 0 : index
        %parallel_loop3A_147 = tpu.vector_load %arg17[%parallel_loop3A_145, %parallel_loop3A_146] {strides = array<i32>} : memref<80x128xf32, #tpu.memory_space<vmem>>, vector<16xf32>,
        tpu.vector_store %arg17[%parallel_loop3A_145, %parallel_loop3A_146], %parallel_loop3A_144 {strides = array<i32>} : memref<80x128xf32, #tpu.memory_space<vmem>>, vector<16xf32>,
        %parallel_loop3A_148 = arith.index_cast %parallel_loop3A_138 : i32 to index
        %parallel_loop3A_149 = arith.constant 16 : index
        %parallel_loop3A_150 = tpu.vector_load %arg17[%parallel_loop3A_148, %parallel_loop3A_149] {strides = array<i32>} : memref<80x128xf32, #tpu.memory_space<vmem>>, vector<16xf32>,
        %parallel_loop3A_151 = arith.mulf %parallel_loop3A_150, %parallel_loop3A_140 : vector<16xf32>
        %parallel_loop3A_152 = arith.index_cast %parallel_loop3A_138 : i32 to index
        %parallel_loop3A_153 = arith.constant 16 : index
        %parallel_loop3A_154 = tpu.vector_load %arg17[%parallel_loop3A_152, %parallel_loop3A_153] {strides = array<i32>} : memref<80x128xf32, #tpu.memory_space<vmem>>, vector<16xf32>,
        tpu.vector_store %arg17[%parallel_loop3A_152, %parallel_loop3A_153], %parallel_loop3A_151 {strides = array<i32>} : memref<80x128xf32, #tpu.memory_space<vmem>>, vector<16xf32>,
        %parallel_loop3A_155 = arith.index_cast %parallel_loop3A_138 : i32 to index
        %parallel_loop3A_156 = arith.constant 32 : index
        %parallel_loop3A_157 = tpu.vector_load %arg17[%parallel_loop3A_155, %parallel_loop3A_156] {strides = array<i32>} : memref<80x128xf32, #tpu.memory_space<vmem>>, vector<16xf32>,
        %parallel_loop3A_158 = arith.mulf %parallel_loop3A_157, %parallel_loop3A_140 : vector<16xf32>
        %parallel_loop3A_159 = arith.index_cast %parallel_loop3A_138 : i32 to index
        %parallel_loop3A_160 = arith.constant 32 : index
        %parallel_loop3A_161 = tpu.vector_load %arg17[%parallel_loop3A_159, %parallel_loop3A_160] {strides = array<i32>} : memref<80x128xf32, #tpu.memory_space<vmem>>, vector<16xf32>,
        tpu.vector_store %arg17[%parallel_loop3A_159, %parallel_loop3A_160], %parallel_loop3A_158 {strides = array<i32>} : memref<80x128xf32, #tpu.memory_space<vmem>>, vector<16xf32>,
        %parallel_loop3A_162 = arith.index_cast %parallel_loop3A_138 : i32 to index
        %parallel_loop3A_163 = arith.constant 48 : index
        %parallel_loop3A_164 = tpu.vector_load %arg17[%parallel_loop3A_162, %parallel_loop3A_163] {strides = array<i32>} : memref<80x128xf32, #tpu.memory_space<vmem>>, vector<16xf32>,
        %parallel_loop3A_165 = arith.mulf %parallel_loop3A_164, %parallel_loop3A_140 : vector<16xf32>
        %parallel_loop3A_166 = arith.index_cast %parallel_loop3A_138 : i32 to index
        %parallel_loop3A_167 = arith.constant 48 : index
        %parallel_loop3A_168 = tpu.vector_load %arg17[%parallel_loop3A_166, %parallel_loop3A_167] {strides = array<i32>} : memref<80x128xf32, #tpu.memory_space<vmem>>, vector<16xf32>,
        tpu.vector_store %arg17[%parallel_loop3A_166, %parallel_loop3A_167], %parallel_loop3A_165 {strides = array<i32>} : memref<80x128xf32, #tpu.memory_space<vmem>>, vector<16xf32>,
        %parallel_loop3A_169 = arith.index_cast %parallel_loop3A_138 : i32 to index
        %parallel_loop3A_170 = arith.constant 64 : index
        %parallel_loop3A_171 = tpu.vector_load %arg17[%parallel_loop3A_169, %parallel_loop3A_170] {strides = array<i32>} : memref<80x128xf32, #tpu.memory_space<vmem>>, vector<16xf32>,
        %parallel_loop3A_172 = arith.mulf %parallel_loop3A_171, %parallel_loop3A_140 : vector<16xf32>
        %parallel_loop3A_173 = arith.index_cast %parallel_loop3A_138 : i32 to index
        %parallel_loop3A_174 = arith.constant 64 : index
        %parallel_loop3A_175 = tpu.vector_load %arg17[%parallel_loop3A_173, %parallel_loop3A_174] {strides = array<i32>} : memref<80x128xf32, #tpu.memory_space<vmem>>, vector<16xf32>,
        tpu.vector_store %arg17[%parallel_loop3A_173, %parallel_loop3A_174], %parallel_loop3A_172 {strides = array<i32>} : memref<80x128xf32, #tpu.memory_space<vmem>>, vector<16xf32>,
        %parallel_loop3A_176 = arith.index_cast %parallel_loop3A_138 : i32 to index
        %parallel_loop3A_177 = arith.constant 80 : index
        %parallel_loop3A_178 = tpu.vector_load %arg17[%parallel_loop3A_176, %parallel_loop3A_177] {strides = array<i32>} : memref<80x128xf32, #tpu.memory_space<vmem>>, vector<16xf32>,
        %parallel_loop3A_179 = arith.mulf %parallel_loop3A_178, %parallel_loop3A_140 : vector<16xf32>
        %parallel_loop3A_180 = arith.index_cast %parallel_loop3A_138 : i32 to index
        %parallel_loop3A_181 = arith.constant 80 : index
        %parallel_loop3A_182 = tpu.vector_load %arg17[%parallel_loop3A_180, %parallel_loop3A_181] {strides = array<i32>} : memref<80x128xf32, #tpu.memory_space<vmem>>, vector<16xf32>,
        tpu.vector_store %arg17[%parallel_loop3A_180, %parallel_loop3A_181], %parallel_loop3A_179 {strides = array<i32>} : memref<80x128xf32, #tpu.memory_space<vmem>>, vector<16xf32>,
        %parallel_loop3A_183 = arith.index_cast %parallel_loop3A_138 : i32 to index
        %parallel_loop3A_184 = arith.constant 96 : index
        %parallel_loop3A_185 = tpu.vector_load %arg17[%parallel_loop3A_183, %parallel_loop3A_184] {strides = array<i32>} : memref<80x128xf32, #tpu.memory_space<vmem>>, vector<16xf32>,
        %parallel_loop3A_186 = arith.mulf %parallel_loop3A_185, %parallel_loop3A_140 : vector<16xf32>
        %parallel_loop3A_187 = arith.index_cast %parallel_loop3A_138 : i32 to index
        %parallel_loop3A_188 = arith.constant 96 : index
        %parallel_loop3A_189 = tpu.vector_load %arg17[%parallel_loop3A_187, %parallel_loop3A_188] {strides = array<i32>} : memref<80x128xf32, #tpu.memory_space<vmem>>, vector<16xf32>,
        tpu.vector_store %arg17[%parallel_loop3A_187, %parallel_loop3A_188], %parallel_loop3A_186 {strides = array<i32>} : memref<80x128xf32, #tpu.memory_space<vmem>>, vector<16xf32>,
        %parallel_loop3A_190 = arith.index_cast %parallel_loop3A_138 : i32 to index
        %parallel_loop3A_191 = arith.constant 112 : index
        %parallel_loop3A_192 = tpu.vector_load %arg17[%parallel_loop3A_190, %parallel_loop3A_191] {strides = array<i32>} : memref<80x128xf32, #tpu.memory_space<vmem>>, vector<16xf32>,
        %parallel_loop3A_193 = arith.mulf %parallel_loop3A_192, %parallel_loop3A_140 : vector<16xf32>
        %parallel_loop3A_194 = arith.index_cast %parallel_loop3A_138 : i32 to index
        %parallel_loop3A_195 = arith.constant 112 : index
        %parallel_loop3A_196 = tpu.vector_load %arg17[%parallel_loop3A_194, %parallel_loop3A_195] {strides = array<i32>} : memref<80x128xf32, #tpu.memory_space<vmem>>, vector<16xf32>,
        tpu.vector_store %arg17[%parallel_loop3A_194, %parallel_loop3A_195], %parallel_loop3A_193 {strides = array<i32>} : memref<80x128xf32, #tpu.memory_space<vmem>>, vector<16xf32>,
      } {sc.loop_unroll_factor = 4 : i64, sc.parallel_access}
      %dma_start3A_132 = arith.constant 0 : i32
      %dma_start3A_133 = tpu.memref_slice %arg8[%add3A_111, %dma_start3A_132] : memref<126x80xi32, #tpu.memory_space<vmem>> -> memref<1x80xi32, #tpu.memory_space<vmem>>
      %dma_start3A_134 = tpu.memref_squeeze %dma_start3A_133 : memref<1x80xi32, #tpu.memory_space<vmem>> -> memref<80xi32, #tpu.memory_space<vmem>>
      %dma_start3A_135 = arith.constant 0 : i32
      %dma_start3A_136 = arith.constant 0 : i32
      %dma_start3A_137 = tpu.memref_slice %arg18[%dma_start3A_135, %dma_start3A_136] : memref<10240x128xf32, #tpu.memory_space<vmem_shared>> -> memref<10240x128xf32, #tpu.memory_space<vmem_shared>>
      tpu.enqueue_indirect_dma source(%arg17 : memref<80x128xf32, #tpu.memory_space<vmem>>) target(%dma_start3A_137 : memref<10240x128xf32, #tpu.memory_space<vmem_shared>>) offsets(%dma_start3A_134 : memref<80xi32, #tpu.memory_space<vmem>>) semaphore(%arg27 : memref<!tpu.dma_semaphore, #tpu.memory_space<semaphore_mem>>) {add = true}
    }
    %scan3A_29 = arith.constant 42 : i32
    %dma_wait3A_30 = arith.constant 0 : i32
    %dma_wait3A_31 = arith.constant 0 : i32
    %dma_wait3A_32 = tpu.memref_slice %arg6[%dma_wait3A_30, %dma_wait3A_31] : memref<640x128xf32, #tpu.memory_space<hbm>> -> memref<80x128xf32, #tpu.memory_space<hbm>>
    %dma_wait3A_33 = arith.constant 0 : i32
    %dma_wait3A_34 = arith.constant 0 : i32
    %dma_wait3A_35 = tpu.memref_slice %arg6[%dma_wait3A_33, %dma_wait3A_34] : memref<640x128xf32, #tpu.memory_space<hbm>> -> memref<80x128xf32, #tpu.memory_space<hbm>>
    tpu.wait_dma2 semaphore(%arg25 : memref<!tpu.dma_semaphore, #tpu.memory_space<semaphore_mem>>) src(%dma_wait3A_35 : memref<80x128xf32, #tpu.memory_space<hbm>>) dst(%arg15 : memref<80x128xf32, #tpu.memory_space<vmem>>)
    %dma_wait3A_36 = arith.constant 0 : i32
    %dma_wait3A_37 = arith.constant 0 : i32
    %dma_wait3A_38 = tpu.memref_slice %arg6[%dma_wait3A_36, %dma_wait3A_37] : memref<640x128xf32, #tpu.memory_space<hbm>> -> memref<80x128xf32, #tpu.memory_space<hbm>>
    %dma_wait3A_39 = arith.constant 0 : i32
    %dma_wait3A_40 = arith.constant 0 : i32
    %dma_wait3A_41 = tpu.memref_slice %arg6[%dma_wait3A_39, %dma_wait3A_40] : memref<640x128xf32, #tpu.memory_space<hbm>> -> memref<80x128xf32, #tpu.memory_space<hbm>>
    tpu.wait_dma2 semaphore(%arg26 : memref<!tpu.dma_semaphore, #tpu.memory_space<semaphore_mem>>) src(%dma_wait3A_41 : memref<80x128xf32, #tpu.memory_space<hbm>>) dst(%arg16 : memref<80x128xf32, #tpu.memory_space<vmem>>)
    %dma_wait3A_42 = arith.constant 0 : i32
    %dma_wait3A_43 = arith.constant 0 : i32
    %dma_wait3A_44 = tpu.memref_slice %arg6[%dma_wait3A_42, %dma_wait3A_43] : memref<640x128xf32, #tpu.memory_space<hbm>> -> memref<80x128xf32, #tpu.memory_space<hbm>>
    %dma_wait3A_45 = arith.constant 0 : i32
    %dma_wait3A_46 = arith.constant 0 : i32
    %dma_wait3A_47 = tpu.memref_slice %arg6[%dma_wait3A_45, %dma_wait3A_46] : memref<640x128xf32, #tpu.memory_space<hbm>> -> memref<80x128xf32, #tpu.memory_space<hbm>>
    tpu.wait_dma2 semaphore(%arg27 : memref<!tpu.dma_semaphore, #tpu.memory_space<semaphore_mem>>) src(%dma_wait3A_47 : memref<80x128xf32, #tpu.memory_space<hbm>>) dst(%arg17 : memref<80x128xf32, #tpu.memory_space<vmem>>)
    %barrier3A_48 = arith.constant 0 : index
    tpu.barrier barrier_id(%barrier3A_48)
    %mul3A_49 = arith.constant 640 : i32
    %mul3A_50 = arith.muli %arg1, %mul3A_49 : i32
    %mul3A_51 = arith.constant 640 : i32
    %mul3A_52 = arith.muli %arg1, %mul3A_51 : i32
    "tpu.region"() ({
      %run_scoped3A = tpu.sem_alloc : memref<!tpu.dma_semaphore, #tpu.memory_space<semaphore_mem>>
      %dma_start3A_53 = arith.constant 0 : i32
      %dma_start3A_54 = tpu.memref_slice %arg7[%arg0, %mul3A_52, %dma_start3A_53] : memref<2x10240x128xf32, #tpu.memory_space<hbm>> -> memref<1x640x128xf32, #tpu.memory_space<hbm>>
      %dma_start3A_55 = tpu.memref_squeeze %dma_start3A_54 : memref<1x640x128xf32, #tpu.memory_space<hbm>> -> memref<640x128xf32, #tpu.memory_space<hbm>>
      %dma_start3A_56 = arith.constant 0 : i32
      %dma_start3A_57 = tpu.memref_slice %arg18[%mul3A_50, %dma_start3A_56] : memref<10240x128xf32, #tpu.memory_space<vmem_shared>> -> memref<640x128xf32, #tpu.memory_space<vmem_shared>>
      tpu.enqueue_dma source(%dma_start3A_57 : memref<640x128xf32, #tpu.memory_space<vmem_shared>>) target(%dma_start3A_55 : memref<640x128xf32, #tpu.memory_space<hbm>>) target_semaphore(%run_scoped3A : memref<!tpu.dma_semaphore, #tpu.memory_space<semaphore_mem>>)
      %dma_wait3A_58 = arith.constant 0 : i32
      %dma_wait3A_59 = tpu.memref_slice %arg7[%arg0, %mul3A_52, %dma_wait3A_58] : memref<2x10240x128xf32, #tpu.memory_space<hbm>> -> memref<1x640x128xf32, #tpu.memory_space<hbm>>
      %dma_wait3A_60 = tpu.memref_squeeze %dma_wait3A_59 : memref<1x640x128xf32, #tpu.memory_space<hbm>> -> memref<640x128xf32, #tpu.memory_space<hbm>>
      %dma_wait3A_61 = arith.constant 0 : i32
      %dma_wait3A_62 = tpu.memref_slice %arg18[%mul3A_50, %dma_wait3A_61] : memref<10240x128xf32, #tpu.memory_space<vmem_shared>> -> memref<640x128xf32, #tpu.memory_space<vmem_shared>>
      tpu.wait_dma2 semaphore(%run_scoped3A : memref<!tpu.dma_semaphore, #tpu.memory_space<semaphore_mem>>) src(%dma_wait3A_62 : memref<640x128xf32, #tpu.memory_space<vmem_shared>>) dst(%dma_wait3A_60 : memref<640x128xf32, #tpu.memory_space<hbm>>)
      tpu.yield
    }) : () -> ()
    return
  }
}

#map = affine_map<(d0, d1) -> (0, 0)>
#map1 = affine_map<(d0, d1) -> (0)>
#map2 = affine_map<(d0, d1) -> (0, 0, 0)>
module attributes {stable_mosaic.version = 14 : i64} {
  func.func @k(%arg0: i32, %arg1: i32, %arg2: memref<10000x128xf32, #tpu.memory_space<hbm>>, %arg3: memref<322560xi32, #tpu.memory_space<hbm>>, %arg4: memref<32x126x80xi32, #tpu.memory_space<hbm>>, %arg5: memref<322560xf32, #tpu.memory_space<hbm>>, %arg6: memref<640x128xf32, #tpu.memory_space<hbm>>, %arg7: memref<2x10240x128xf32, #tpu.memory_space<hbm>>, %arg8: memref<126x80xi32, #tpu.memory_space<vmem>>, %arg9: memref<80xi32, #tpu.memory_space<vmem>>, %arg10: memref<80xi32, #tpu.memory_space<vmem>>, %arg11: memref<80xi32, #tpu.memory_space<vmem>>, %arg12: memref<80xf32, #tpu.memory_space<vmem>>, %arg13: memref<80xf32, #tpu.memory_space<vmem>>, %arg14: memref<80xf32, #tpu.memory_space<vmem>>, %arg15: memref<80x128xf32, #tpu.memory_space<vmem>>, %arg16: memref<80x128xf32, #tpu.memory_space<vmem>>, %arg17: memref<80x128xf32, #tpu.memory_space<vmem>>, %arg18: memref<10240x128xf32, #tpu.memory_space<vmem_shared>>, %arg19: memref<!tpu.dma_semaphore, #tpu.memory_space<semaphore_mem>>, %arg20: memref<!tpu.dma_semaphore, #tpu.memory_space<semaphore_mem>>, %arg21: memref<!tpu.dma_semaphore, #tpu.memory_space<semaphore_mem>>, %arg22: memref<!tpu.dma_semaphore, #tpu.memory_space<semaphore_mem>>, %arg23: memref<!tpu.dma_semaphore, #tpu.memory_space<semaphore_mem>>, %arg24: memref<!tpu.dma_semaphore, #tpu.memory_space<semaphore_mem>>, %arg25: memref<!tpu.dma_semaphore, #tpu.memory_space<semaphore_mem>>, %arg26: memref<!tpu.dma_semaphore, #tpu.memory_space<semaphore_mem>>, %arg27: memref<!tpu.dma_semaphore, #tpu.memory_space<semaphore_mem>>) attributes {dimension_semantics = [#tpu.dimension_semantics<core_parallel>, #tpu.dimension_semantics<subcore_parallel>], iteration_bounds = array<i64: 2, 16>, scalar_prefetch = 0 : i64, scratch_operands = 20 : i64, tpu.core_type = #tpu.core_type<sc_vector_subcore>, window_params = [{transform_indices = #map}, {transform_indices = #map1}, {transform_indices = #map2}, {transform_indices = #map1}, {transform_indices = #map}, {transform_indices = #map2}]} {
    %mul3A = arith.constant 2 : i32
    %mul3A_0 = arith.muli %arg1, %mul3A : i32
    %add3A = arith.addi %mul3A_0, %arg0 : i32
    %mul3A_1 = arith.constant 10080 : i32
    %mul3A_2 = arith.muli %add3A, %mul3A_1 : i32
    "tpu.region"() ({
      %run_scoped3A = tpu.sem_alloc : memref<!tpu.dma_semaphore, #tpu.memory_space<semaphore_mem>>
      %dma_start3A_53 = arith.constant 0 : i32
      %dma_start3A_54 = arith.constant 0 : i32
      %dma_start3A_55 = tpu.memref_slice %arg4[%add3A, %dma_start3A_53, %dma_start3A_54] : memref<32x126x80xi32, #tpu.memory_space<hbm>> -> memref<1x126x80xi32, #tpu.memory_space<hbm>>
      %dma_start3A_56 = tpu.memref_squeeze %dma_start3A_55 : memref<1x126x80xi32, #tpu.memory_space<hbm>> -> memref<126x80xi32, #tpu.memory_space<hbm>>
      %dma_start3A_57 = arith.constant 0 : i32
      %dma_start3A_58 = arith.constant 0 : i32
      %dma_start3A_59 = tpu.memref_slice %arg4[%add3A, %dma_start3A_57, %dma_start3A_58] : memref<32x126x80xi32, #tpu.memory_space<hbm>> -> memref<1x126x80xi32, #tpu.memory_space<hbm>>
      %dma_start3A_60 = tpu.memref_squeeze %dma_start3A_59 : memref<1x126x80xi32, #tpu.memory_space<hbm>> -> memref<126x80xi32, #tpu.memory_space<hbm>>
      tpu.enqueue_dma source(%dma_start3A_60 : memref<126x80xi32, #tpu.memory_space<hbm>>) target(%arg8 : memref<126x80xi32, #tpu.memory_space<vmem>>) target_semaphore(%run_scoped3A : memref<!tpu.dma_semaphore, #tpu.memory_space<semaphore_mem>>)
      %dma_wait3A_61 = arith.constant 0 : i32
      %dma_wait3A_62 = arith.constant 0 : i32
      %dma_wait3A_63 = tpu.memref_slice %arg4[%add3A, %dma_wait3A_61, %dma_wait3A_62] : memref<32x126x80xi32, #tpu.memory_space<hbm>> -> memref<1x126x80xi32, #tpu.memory_space<hbm>>
      %dma_wait3A_64 = tpu.memref_squeeze %dma_wait3A_63 : memref<1x126x80xi32, #tpu.memory_space<hbm>> -> memref<126x80xi32, #tpu.memory_space<hbm>>
      %dma_wait3A_65 = arith.constant 0 : i32
      %dma_wait3A_66 = arith.constant 0 : i32
      %dma_wait3A_67 = tpu.memref_slice %arg4[%add3A, %dma_wait3A_65, %dma_wait3A_66] : memref<32x126x80xi32, #tpu.memory_space<hbm>> -> memref<1x126x80xi32, #tpu.memory_space<hbm>>
      %dma_wait3A_68 = tpu.memref_squeeze %dma_wait3A_67 : memref<1x126x80xi32, #tpu.memory_space<hbm>> -> memref<126x80xi32, #tpu.memory_space<hbm>>
      tpu.wait_dma2 semaphore(%run_scoped3A : memref<!tpu.dma_semaphore, #tpu.memory_space<semaphore_mem>>) src(%dma_wait3A_68 : memref<126x80xi32, #tpu.memory_space<hbm>>) dst(%arg8 : memref<126x80xi32, #tpu.memory_space<vmem>>)
      tpu.yield
    }) : () -> ()
    %mul3A_3 = arith.constant 640 : i32
    %mul3A_4 = arith.muli %arg1, %mul3A_3 : i32
    "tpu.region"() ({
      %run_scoped3A = tpu.sem_alloc : memref<!tpu.dma_semaphore, #tpu.memory_space<semaphore_mem>>
      %dma_start3A_53 = arith.constant 0 : i32
      %dma_start3A_54 = tpu.memref_slice %arg18[%mul3A_4, %dma_start3A_53] : memref<10240x128xf32, #tpu.memory_space<vmem_shared>> -> memref<640x128xf32, #tpu.memory_space<vmem_shared>>
      tpu.enqueue_dma source(%arg6 : memref<640x128xf32, #tpu.memory_space<hbm>>) target(%dma_start3A_54 : memref<640x128xf32, #tpu.memory_space<vmem_shared>>) target_semaphore(%run_scoped3A : memref<!tpu.dma_semaphore, #tpu.memory_space<semaphore_mem>>)
      %dma_wait3A_55 = arith.constant 0 : i32
      %dma_wait3A_56 = tpu.memref_slice %arg18[%mul3A_4, %dma_wait3A_55] : memref<10240x128xf32, #tpu.memory_space<vmem_shared>> -> memref<640x128xf32, #tpu.memory_space<vmem_shared>>
      tpu.wait_dma2 semaphore(%run_scoped3A : memref<!tpu.dma_semaphore, #tpu.memory_space<semaphore_mem>>) src(%arg6 : memref<640x128xf32, #tpu.memory_space<hbm>>) dst(%dma_wait3A_56 : memref<640x128xf32, #tpu.memory_space<vmem_shared>>)
      tpu.yield
    }) : () -> ()
    %barrier3A = arith.constant 0 : index
    tpu.barrier barrier_id(%barrier3A)
    %add3A_5 = arith.constant 0 : i32
    %add3A_6 = arith.addi %mul3A_2, %add3A_5 : i32
    %dma_start3A = tpu.memref_slice %arg3[%add3A_6] : memref<322560xi32, #tpu.memory_space<hbm>> -> memref<80xi32, #tpu.memory_space<hbm>>
    %dma_start3A_7 = tpu.memref_slice %arg3[%add3A_6] : memref<322560xi32, #tpu.memory_space<hbm>> -> memref<80xi32, #tpu.memory_space<hbm>>
    tpu.enqueue_dma source(%dma_start3A_7 : memref<80xi32, #tpu.memory_space<hbm>>) target(%arg9 : memref<80xi32, #tpu.memory_space<vmem>>) target_semaphore(%arg19 : memref<!tpu.dma_semaphore, #tpu.memory_space<semaphore_mem>>)
    %dma_start3A_8 = tpu.memref_slice %arg5[%add3A_6] : memref<322560xf32, #tpu.memory_space<hbm>> -> memref<80xf32, #tpu.memory_space<hbm>>
    %dma_start3A_9 = tpu.memref_slice %arg5[%add3A_6] : memref<322560xf32, #tpu.memory_space<hbm>> -> memref<80xf32, #tpu.memory_space<hbm>>
    tpu.enqueue_dma source(%dma_start3A_9 : memref<80xf32, #tpu.memory_space<hbm>>) target(%arg12 : memref<80xf32, #tpu.memory_space<vmem>>) target_semaphore(%arg19 : memref<!tpu.dma_semaphore, #tpu.memory_space<semaphore_mem>>)
    %add3A_10 = arith.constant 80 : i32
    %add3A_11 = arith.addi %mul3A_2, %add3A_10 : i32
    %dma_start3A_12 = tpu.memref_slice %arg3[%add3A_11] : memref<322560xi32, #tpu.memory_space<hbm>> -> memref<80xi32, #tpu.memory_space<hbm>>
    %dma_start3A_13 = tpu.memref_slice %arg3[%add3A_11] : memref<322560xi32, #tpu.memory_space<hbm>> -> memref<80xi32, #tpu.memory_space<hbm>>
    tpu.enqueue_dma source(%dma_start3A_13 : memref<80xi32, #tpu.memory_space<hbm>>) target(%arg10 : memref<80xi32, #tpu.memory_space<vmem>>) target_semaphore(%arg20 : memref<!tpu.dma_semaphore, #tpu.memory_space<semaphore_mem>>)
    %dma_start3A_14 = tpu.memref_slice %arg5[%add3A_11] : memref<322560xf32, #tpu.memory_space<hbm>> -> memref<80xf32, #tpu.memory_space<hbm>>
    %dma_start3A_15 = tpu.memref_slice %arg5[%add3A_11] : memref<322560xf32, #tpu.memory_space<hbm>> -> memref<80xf32, #tpu.memory_space<hbm>>
    tpu.enqueue_dma source(%dma_start3A_15 : memref<80xf32, #tpu.memory_space<hbm>>) target(%arg13 : memref<80xf32, #tpu.memory_space<vmem>>) target_semaphore(%arg20 : memref<!tpu.dma_semaphore, #tpu.memory_space<semaphore_mem>>)
    %dma_wait3A = arith.constant 0 : i32
    %dma_wait3A_16 = tpu.memref_slice %arg3[%dma_wait3A] : memref<322560xi32, #tpu.memory_space<hbm>> -> memref<80xi32, #tpu.memory_space<hbm>>
    %dma_wait3A_17 = arith.constant 0 : i32
    %dma_wait3A_18 = tpu.memref_slice %arg3[%dma_wait3A_17] : memref<322560xi32, #tpu.memory_space<hbm>> -> memref<80xi32, #tpu.memory_space<hbm>>
    tpu.wait_dma2 semaphore(%arg19 : memref<!tpu.dma_semaphore, #tpu.memory_space<semaphore_mem>>) src(%dma_wait3A_18 : memref<80xi32, #tpu.memory_space<hbm>>) dst(%arg9 : memref<80xi32, #tpu.memory_space<vmem>>)
    %dma_wait3A_19 = arith.constant 0 : i32
    %dma_wait3A_20 = tpu.memref_slice %arg5[%dma_wait3A_19] : memref<322560xf32, #tpu.memory_space<hbm>> -> memref<80xf32, #tpu.memory_space<hbm>>
    %dma_wait3A_21 = arith.constant 0 : i32
    %dma_wait3A_22 = tpu.memref_slice %arg5[%dma_wait3A_21] : memref<322560xf32, #tpu.memory_space<hbm>> -> memref<80xf32, #tpu.memory_space<hbm>>
    tpu.wait_dma2 semaphore(%arg19 : memref<!tpu.dma_semaphore, #tpu.memory_space<semaphore_mem>>) src(%dma_wait3A_22 : memref<80xf32, #tpu.memory_space<hbm>>) dst(%arg12 : memref<80xf32, #tpu.memory_space<vmem>>)
    %dma_start3A_23 = arith.constant 0 : i32
    %dma_start3A_24 = arith.constant 0 : i32
    %dma_start3A_25 = tpu.memref_slice %arg2[%dma_start3A_23, %dma_start3A_24] : memref<10000x128xf32, #tpu.memory_space<hbm>> -> memref<10000x128xf32, #tpu.memory_space<hbm>>
    tpu.enqueue_indirect_dma source(%dma_start3A_25 : memref<10000x128xf32, #tpu.memory_space<hbm>>) target(%arg15 : memref<80x128xf32, #tpu.memory_space<vmem>>) offsets(%arg9 : memref<80xi32, #tpu.memory_space<vmem>>) semaphore(%arg22 : memref<!tpu.dma_semaphore, #tpu.memory_space<semaphore_mem>>)
    %scan3A = arith.constant 0 : i32
    %scan3A_26 = arith.constant 42 : i32
    %scan3A_27 = arith.addi %scan3A, %scan3A_26 : i32
    %scan3A_28 = arith.constant 1 : i32
    scf.for %scan3A_53 = %scan3A to %scan3A_27 step %scan3A_28  : i32 {
      %mul3A_54 = arith.constant 1 : i32
      %mul3A_55 = arith.muli %scan3A_53, %mul3A_54 : i32
      %add3A_56 = arith.constant 0 : i32
      %add3A_57 = arith.addi %add3A_56, %mul3A_55 : i32
      %mul3A_58 = arith.constant 3 : i32
      %mul3A_59 = arith.muli %mul3A_58, %add3A_57 : i32
      %add3A_60 = arith.constant 2 : i32
      %add3A_61 = arith.addi %mul3A_59, %add3A_60 : i32
      %le3A = arith.constant 125 : i32
      %le3A_62 = arith.cmpi sle, %add3A_61, %le3A : i32
      %convert_element_type3A = arith.extui %le3A_62 : i1 to i32
      %cond3A = arith.constant 0 : i32
      %cond3A_63 = arith.cmpi ne, %convert_element_type3A, %cond3A : i32
      scf.if %cond3A_63 {
        %add3A_138 = arith.constant 2 : i32
        %add3A_139 = arith.addi %mul3A_59, %add3A_138 : i32
        %mul3A_140 = arith.constant 80 : i32
        %mul3A_141 = arith.muli %add3A_139, %mul3A_140 : i32
        %add3A_142 = arith.addi %mul3A_2, %mul3A_141 : i32
        %dma_start3A_143 = tpu.memref_slice %arg3[%add3A_142] : memref<322560xi32, #tpu.memory_space<hbm>> -> memref<80xi32, #tpu.memory_space<hbm>>
        %dma_start3A_144 = tpu.memref_slice %arg3[%add3A_142] : memref<322560xi32, #tpu.memory_space<hbm>> -> memref<80xi32, #tpu.memory_space<hbm>>
        tpu.enqueue_dma source(%dma_start3A_144 : memref<80xi32, #tpu.memory_space<hbm>>) target(%arg11 : memref<80xi32, #tpu.memory_space<vmem>>) target_semaphore(%arg21 : memref<!tpu.dma_semaphore, #tpu.memory_space<semaphore_mem>>)
        %dma_start3A_145 = tpu.memref_slice %arg5[%add3A_142] : memref<322560xf32, #tpu.memory_space<hbm>> -> memref<80xf32, #tpu.memory_space<hbm>>
        %dma_start3A_146 = tpu.memref_slice %arg5[%add3A_142] : memref<322560xf32, #tpu.memory_space<hbm>> -> memref<80xf32, #tpu.memory_space<hbm>>
        tpu.enqueue_dma source(%dma_start3A_146 : memref<80xf32, #tpu.memory_space<hbm>>) target(%arg14 : memref<80xf32, #tpu.memory_space<vmem>>) target_semaphore(%arg21 : memref<!tpu.dma_semaphore, #tpu.memory_space<semaphore_mem>>)
      } else {
      }
      %add3A_64 = arith.constant 1 : i32
      %add3A_65 = arith.addi %mul3A_59, %add3A_64 : i32
      %le3A_66 = arith.constant 125 : i32
      %le3A_67 = arith.cmpi sle, %add3A_65, %le3A_66 : i32
      %convert_element_type3A_68 = arith.extui %le3A_67 : i1 to i32
      %cond3A_69 = arith.constant 0 : i32
      %cond3A_70 = arith.cmpi ne, %convert_element_type3A_68, %cond3A_69 : i32
      scf.if %cond3A_70 {
        %ge3A = arith.constant 2 : i32
        %ge3A_138 = arith.cmpi sge, %mul3A_59, %ge3A : i32
        %convert_element_type3A_139 = arith.extui %ge3A_138 : i1 to i32
        %cond3A_140 = arith.constant 0 : i32
        %cond3A_141 = arith.cmpi ne, %convert_element_type3A_139, %cond3A_140 : i32
        scf.if %cond3A_141 {
          %dma_wait3A_153 = arith.constant 0 : i32
          %dma_wait3A_154 = arith.constant 0 : i32
          %dma_wait3A_155 = tpu.memref_slice %arg6[%dma_wait3A_153, %dma_wait3A_154] : memref<640x128xf32, #tpu.memory_space<hbm>> -> memref<80x128xf32, #tpu.memory_space<hbm>>
          %dma_wait3A_156 = arith.constant 0 : i32
          %dma_wait3A_157 = arith.constant 0 : i32
          %dma_wait3A_158 = tpu.memref_slice %arg6[%dma_wait3A_156, %dma_wait3A_157] : memref<640x128xf32, #tpu.memory_space<hbm>> -> memref<80x128xf32, #tpu.memory_space<hbm>>
          tpu.wait_dma2 semaphore(%arg26 : memref<!tpu.dma_semaphore, #tpu.memory_space<semaphore_mem>>) src(%dma_wait3A_158 : memref<80x128xf32, #tpu.memory_space<hbm>>) dst(%arg16 : memref<80x128xf32, #tpu.memory_space<vmem>>)
        } else {
        }
        %dma_wait3A_142 = arith.constant 0 : i32
        %dma_wait3A_143 = tpu.memref_slice %arg3[%dma_wait3A_142] : memref<322560xi32, #tpu.memory_space<hbm>> -> memref<80xi32, #tpu.memory_space<hbm>>
        %dma_wait3A_144 = arith.constant 0 : i32
        %dma_wait3A_145 = tpu.memref_slice %arg3[%dma_wait3A_144] : memref<322560xi32, #tpu.memory_space<hbm>> -> memref<80xi32, #tpu.memory_space<hbm>>
        tpu.wait_dma2 semaphore(%arg20 : memref<!tpu.dma_semaphore, #tpu.memory_space<semaphore_mem>>) src(%dma_wait3A_145 : memref<80xi32, #tpu.memory_space<hbm>>) dst(%arg10 : memref<80xi32, #tpu.memory_space<vmem>>)
        %dma_wait3A_146 = arith.constant 0 : i32
        %dma_wait3A_147 = tpu.memref_slice %arg5[%dma_wait3A_146] : memref<322560xf32, #tpu.memory_space<hbm>> -> memref<80xf32, #tpu.memory_space<hbm>>
        %dma_wait3A_148 = arith.constant 0 : i32
        %dma_wait3A_149 = tpu.memref_slice %arg5[%dma_wait3A_148] : memref<322560xf32, #tpu.memory_space<hbm>> -> memref<80xf32, #tpu.memory_space<hbm>>
        tpu.wait_dma2 semaphore(%arg20 : memref<!tpu.dma_semaphore, #tpu.memory_space<semaphore_mem>>) src(%dma_wait3A_149 : memref<80xf32, #tpu.memory_space<hbm>>) dst(%arg13 : memref<80xf32, #tpu.memory_space<vmem>>)
        %dma_start3A_150 = arith.constant 0 : i32
        %dma_start3A_151 = arith.constant 0 : i32
        %dma_start3A_152 = tpu.memref_slice %arg2[%dma_start3A_150, %dma_start3A_151] : memref<10000x128xf32, #tpu.memory_space<hbm>> -> memref<10000x128xf32, #tpu.memory_space<hbm>>
        tpu.enqueue_indirect_dma source(%dma_start3A_152 : memref<10000x128xf32, #tpu.memory_space<hbm>>) target(%arg16 : memref<80x128xf32, #tpu.memory_space<vmem>>) offsets(%arg10 : memref<80xi32, #tpu.memory_space<vmem>>) semaphore(%arg23 : memref<!tpu.dma_semaphore, #tpu.memory_space<semaphore_mem>>)
      } else {
      }
      %dma_wait3A_71 = arith.constant 0 : i32
      %dma_wait3A_72 = arith.constant 0 : i32
      %dma_wait3A_73 = tpu.memref_slice %arg2[%dma_wait3A_71, %dma_wait3A_72] : memref<10000x128xf32, #tpu.memory_space<hbm>> -> memref<10000x128xf32, #tpu.memory_space<hbm>>
      tpu.wait_indirect_dma semaphore(%arg22 : memref<!tpu.dma_semaphore, #tpu.memory_space<semaphore_mem>>) src(%dma_wait3A_73 : memref<10000x128xf32, #tpu.memory_space<hbm>>) dst(%arg15 : memref<80x128xf32, #tpu.memory_space<vmem>>)
      %parallel_loop3A = arith.constant 0 : i32
      %parallel_loop3A_74 = arith.constant 80 : i32
      %parallel_loop3A_75 = arith.constant 1 : i32
      scf.for %parallel_loop3A_138 = %parallel_loop3A to %parallel_loop3A_74 step %parallel_loop3A_75  : i32 {
        %parallel_loop3A_139 = vector.broadcast %parallel_loop3A_138 : i32 to vector<16xi32>
        %parallel_loop3A_140 = tpu.vector_load_idx %arg12[%parallel_loop3A_139] : memref<80xf32, #tpu.memory_space<vmem>>[vector<16xi32>], vector<16xf32>,
        %parallel_loop3A_141 = arith.index_cast %parallel_loop3A_138 : i32 to index
        %parallel_loop3A_142 = arith.constant 0 : index
        %parallel_loop3A_143 = tpu.vector_load %arg15[%parallel_loop3A_141, %parallel_loop3A_142] {strides = array<i32>} : memref<80x128xf32, #tpu.memory_space<vmem>>, vector<16xf32>,
        %parallel_loop3A_144 = arith.mulf %parallel_loop3A_143, %parallel_loop3A_140 : vector<16xf32>
        %parallel_loop3A_145 = arith.index_cast %parallel_loop3A_138 : i32 to index
        %parallel_loop3A_146 = arith.constant 0 : index
        %parallel_loop3A_147 = tpu.vector_load %arg15[%parallel_loop3A_145, %parallel_loop3A_146] {strides = array<i32>} : memref<80x128xf32, #tpu.memory_space<vmem>>, vector<16xf32>,
        tpu.vector_store %arg15[%parallel_loop3A_145, %parallel_loop3A_146], %parallel_loop3A_144 {strides = array<i32>} : memref<80x128xf32, #tpu.memory_space<vmem>>, vector<16xf32>,
        %parallel_loop3A_148 = arith.index_cast %parallel_loop3A_138 : i32 to index
        %parallel_loop3A_149 = arith.constant 16 : index
        %parallel_loop3A_150 = tpu.vector_load %arg15[%parallel_loop3A_148, %parallel_loop3A_149] {strides = array<i32>} : memref<80x128xf32, #tpu.memory_space<vmem>>, vector<16xf32>,
        %parallel_loop3A_151 = arith.mulf %parallel_loop3A_150, %parallel_loop3A_140 : vector<16xf32>
        %parallel_loop3A_152 = arith.index_cast %parallel_loop3A_138 : i32 to index
        %parallel_loop3A_153 = arith.constant 16 : index
        %parallel_loop3A_154 = tpu.vector_load %arg15[%parallel_loop3A_152, %parallel_loop3A_153] {strides = array<i32>} : memref<80x128xf32, #tpu.memory_space<vmem>>, vector<16xf32>,
        tpu.vector_store %arg15[%parallel_loop3A_152, %parallel_loop3A_153], %parallel_loop3A_151 {strides = array<i32>} : memref<80x128xf32, #tpu.memory_space<vmem>>, vector<16xf32>,
        %parallel_loop3A_155 = arith.index_cast %parallel_loop3A_138 : i32 to index
        %parallel_loop3A_156 = arith.constant 32 : index
        %parallel_loop3A_157 = tpu.vector_load %arg15[%parallel_loop3A_155, %parallel_loop3A_156] {strides = array<i32>} : memref<80x128xf32, #tpu.memory_space<vmem>>, vector<16xf32>,
        %parallel_loop3A_158 = arith.mulf %parallel_loop3A_157, %parallel_loop3A_140 : vector<16xf32>
        %parallel_loop3A_159 = arith.index_cast %parallel_loop3A_138 : i32 to index
        %parallel_loop3A_160 = arith.constant 32 : index
        %parallel_loop3A_161 = tpu.vector_load %arg15[%parallel_loop3A_159, %parallel_loop3A_160] {strides = array<i32>} : memref<80x128xf32, #tpu.memory_space<vmem>>, vector<16xf32>,
        tpu.vector_store %arg15[%parallel_loop3A_159, %parallel_loop3A_160], %parallel_loop3A_158 {strides = array<i32>} : memref<80x128xf32, #tpu.memory_space<vmem>>, vector<16xf32>,
        %parallel_loop3A_162 = arith.index_cast %parallel_loop3A_138 : i32 to index
        %parallel_loop3A_163 = arith.constant 48 : index
        %parallel_loop3A_164 = tpu.vector_load %arg15[%parallel_loop3A_162, %parallel_loop3A_163] {strides = array<i32>} : memref<80x128xf32, #tpu.memory_space<vmem>>, vector<16xf32>,
        %parallel_loop3A_165 = arith.mulf %parallel_loop3A_164, %parallel_loop3A_140 : vector<16xf32>
        %parallel_loop3A_166 = arith.index_cast %parallel_loop3A_138 : i32 to index
        %parallel_loop3A_167 = arith.constant 48 : index
        %parallel_loop3A_168 = tpu.vector_load %arg15[%parallel_loop3A_166, %parallel_loop3A_167] {strides = array<i32>} : memref<80x128xf32, #tpu.memory_space<vmem>>, vector<16xf32>,
        tpu.vector_store %arg15[%parallel_loop3A_166, %parallel_loop3A_167], %parallel_loop3A_165 {strides = array<i32>} : memref<80x128xf32, #tpu.memory_space<vmem>>, vector<16xf32>,
        %parallel_loop3A_169 = arith.index_cast %parallel_loop3A_138 : i32 to index
        %parallel_loop3A_170 = arith.constant 64 : index
        %parallel_loop3A_171 = tpu.vector_load %arg15[%parallel_loop3A_169, %parallel_loop3A_170] {strides = array<i32>} : memref<80x128xf32, #tpu.memory_space<vmem>>, vector<16xf32>,
        %parallel_loop3A_172 = arith.mulf %parallel_loop3A_171, %parallel_loop3A_140 : vector<16xf32>
        %parallel_loop3A_173 = arith.index_cast %parallel_loop3A_138 : i32 to index
        %parallel_loop3A_174 = arith.constant 64 : index
        %parallel_loop3A_175 = tpu.vector_load %arg15[%parallel_loop3A_173, %parallel_loop3A_174] {strides = array<i32>} : memref<80x128xf32, #tpu.memory_space<vmem>>, vector<16xf32>,
        tpu.vector_store %arg15[%parallel_loop3A_173, %parallel_loop3A_174], %parallel_loop3A_172 {strides = array<i32>} : memref<80x128xf32, #tpu.memory_space<vmem>>, vector<16xf32>,
        %parallel_loop3A_176 = arith.index_cast %parallel_loop3A_138 : i32 to index
        %parallel_loop3A_177 = arith.constant 80 : index
        %parallel_loop3A_178 = tpu.vector_load %arg15[%parallel_loop3A_176, %parallel_loop3A_177] {strides = array<i32>} : memref<80x128xf32, #tpu.memory_space<vmem>>, vector<16xf32>,
        %parallel_loop3A_179 = arith.mulf %parallel_loop3A_178, %parallel_loop3A_140 : vector<16xf32>
        %parallel_loop3A_180 = arith.index_cast %parallel_loop3A_138 : i32 to index
        %parallel_loop3A_181 = arith.constant 80 : index
        %parallel_loop3A_182 = tpu.vector_load %arg15[%parallel_loop3A_180, %parallel_loop3A_181] {strides = array<i32>} : memref<80x128xf32, #tpu.memory_space<vmem>>, vector<16xf32>,
        tpu.vector_store %arg15[%parallel_loop3A_180, %parallel_loop3A_181], %parallel_loop3A_179 {strides = array<i32>} : memref<80x128xf32, #tpu.memory_space<vmem>>, vector<16xf32>,
        %parallel_loop3A_183 = arith.index_cast %parallel_loop3A_138 : i32 to index
        %parallel_loop3A_184 = arith.constant 96 : index
        %parallel_loop3A_185 = tpu.vector_load %arg15[%parallel_loop3A_183, %parallel_loop3A_184] {strides = array<i32>} : memref<80x128xf32, #tpu.memory_space<vmem>>, vector<16xf32>,
        %parallel_loop3A_186 = arith.mulf %parallel_loop3A_185, %parallel_loop3A_140 : vector<16xf32>
        %parallel_loop3A_187 = arith.index_cast %parallel_loop3A_138 : i32 to index
        %parallel_loop3A_188 = arith.constant 96 : index
        %parallel_loop3A_189 = tpu.vector_load %arg15[%parallel_loop3A_187, %parallel_loop3A_188] {strides = array<i32>} : memref<80x128xf32, #tpu.memory_space<vmem>>, vector<16xf32>,
        tpu.vector_store %arg15[%parallel_loop3A_187, %parallel_loop3A_188], %parallel_loop3A_186 {strides = array<i32>} : memref<80x128xf32, #tpu.memory_space<vmem>>, vector<16xf32>,
        %parallel_loop3A_190 = arith.index_cast %parallel_loop3A_138 : i32 to index
        %parallel_loop3A_191 = arith.constant 112 : index
        %parallel_loop3A_192 = tpu.vector_load %arg15[%parallel_loop3A_190, %parallel_loop3A_191] {strides = array<i32>} : memref<80x128xf32, #tpu.memory_space<vmem>>, vector<16xf32>,
        %parallel_loop3A_193 = arith.mulf %parallel_loop3A_192, %parallel_loop3A_140 : vector<16xf32>
        %parallel_loop3A_194 = arith.index_cast %parallel_loop3A_138 : i32 to index
        %parallel_loop3A_195 = arith.constant 112 : index
        %parallel_loop3A_196 = tpu.vector_load %arg15[%parallel_loop3A_194, %parallel_loop3A_195] {strides = array<i32>} : memref<80x128xf32, #tpu.memory_space<vmem>>, vector<16xf32>,
        tpu.vector_store %arg15[%parallel_loop3A_194, %parallel_loop3A_195], %parallel_loop3A_193 {strides = array<i32>} : memref<80x128xf32, #tpu.memory_space<vmem>>, vector<16xf32>,
      } {sc.loop_unroll_factor = 4 : i64, sc.parallel_access}
      %dma_start3A_76 = arith.constant 0 : i32
      %dma_start3A_77 = tpu.memref_slice %arg8[%mul3A_59, %dma_start3A_76] : memref<126x80xi32, #tpu.memory_space<vmem>> -> memref<1x80xi32, #tpu.memory_space<vmem>>
      %dma_start3A_78 = tpu.memref_squeeze %dma_start3A_77 : memref<1x80xi32, #tpu.memory_space<vmem>> -> memref<80xi32, #tpu.memory_space<vmem>>
      %dma_start3A_79 = arith.constant 0 : i32
      %dma_start3A_80 = arith.constant 0 : i32
      %dma_start3A_81 = tpu.memref_slice %arg18[%dma_start3A_79, %dma_start3A_80] : memref<10240x128xf32, #tpu.memory_space<vmem_shared>> -> memref<10240x128xf32, #tpu.memory_space<vmem_shared>>
      tpu.enqueue_indirect_dma source(%arg15 : memref<80x128xf32, #tpu.memory_space<vmem>>) target(%dma_start3A_81 : memref<10240x128xf32, #tpu.memory_space<vmem_shared>>) offsets(%dma_start3A_78 : memref<80xi32, #tpu.memory_space<vmem>>) semaphore(%arg25 : memref<!tpu.dma_semaphore, #tpu.memory_space<semaphore_mem>>) {add = true}
      %add3A_82 = arith.constant 1 : i32
      %add3A_83 = arith.addi %mul3A_59, %add3A_82 : i32
      %add3A_84 = arith.constant 2 : i32
      %add3A_85 = arith.addi %add3A_83, %add3A_84 : i32
      %le3A_86 = arith.constant 125 : i32
      %le3A_87 = arith.cmpi sle, %add3A_85, %le3A_86 : i32
      %convert_element_type3A_88 = arith.extui %le3A_87 : i1 to i32
      %cond3A_89 = arith.constant 0 : i32
      %cond3A_90 = arith.cmpi ne, %convert_element_type3A_88, %cond3A_89 : i32
      scf.if %cond3A_90 {
        %add3A_138 = arith.constant 2 : i32
        %add3A_139 = arith.addi %add3A_83, %add3A_138 : i32
        %mul3A_140 = arith.constant 80 : i32
        %mul3A_141 = arith.muli %add3A_139, %mul3A_140 : i32
        %add3A_142 = arith.addi %mul3A_2, %mul3A_141 : i32
        %dma_start3A_143 = tpu.memref_slice %arg3[%add3A_142] : memref<322560xi32, #tpu.memory_space<hbm>> -> memref<80xi32, #tpu.memory_space<hbm>>
        %dma_start3A_144 = tpu.memref_slice %arg3[%add3A_142] : memref<322560xi32, #tpu.memory_space<hbm>> -> memref<80xi32, #tpu.memory_space<hbm>>
        tpu.enqueue_dma source(%dma_start3A_144 : memref<80xi32, #tpu.memory_space<hbm>>) target(%arg9 : memref<80xi32, #tpu.memory_space<vmem>>) target_semaphore(%arg19 : memref<!tpu.dma_semaphore, #tpu.memory_space<semaphore_mem>>)
        %dma_start3A_145 = tpu.memref_slice %arg5[%add3A_142] : memref<322560xf32, #tpu.memory_space<hbm>> -> memref<80xf32, #tpu.memory_space<hbm>>
        %dma_start3A_146 = tpu.memref_slice %arg5[%add3A_142] : memref<322560xf32, #tpu.memory_space<hbm>> -> memref<80xf32, #tpu.memory_space<hbm>>
        tpu.enqueue_dma source(%dma_start3A_146 : memref<80xf32, #tpu.memory_space<hbm>>) target(%arg12 : memref<80xf32, #tpu.memory_space<vmem>>) target_semaphore(%arg19 : memref<!tpu.dma_semaphore, #tpu.memory_space<semaphore_mem>>)
      } else {
      }
      %add3A_91 = arith.constant 1 : i32
      %add3A_92 = arith.addi %add3A_83, %add3A_91 : i32
      %le3A_93 = arith.constant 125 : i32
      %le3A_94 = arith.cmpi sle, %add3A_92, %le3A_93 : i32
      %convert_element_type3A_95 = arith.extui %le3A_94 : i1 to i32
      %cond3A_96 = arith.constant 0 : i32
      %cond3A_97 = arith.cmpi ne, %convert_element_type3A_95, %cond3A_96 : i32
      scf.if %cond3A_97 {
        %ge3A = arith.constant 2 : i32
        %ge3A_138 = arith.cmpi sge, %add3A_83, %ge3A : i32
        %convert_element_type3A_139 = arith.extui %ge3A_138 : i1 to i32
        %cond3A_140 = arith.constant 0 : i32
        %cond3A_141 = arith.cmpi ne, %convert_element_type3A_139, %cond3A_140 : i32
        scf.if %cond3A_141 {
          %dma_wait3A_153 = arith.constant 0 : i32
          %dma_wait3A_154 = arith.constant 0 : i32
          %dma_wait3A_155 = tpu.memref_slice %arg6[%dma_wait3A_153, %dma_wait3A_154] : memref<640x128xf32, #tpu.memory_space<hbm>> -> memref<80x128xf32, #tpu.memory_space<hbm>>
          %dma_wait3A_156 = arith.constant 0 : i32
          %dma_wait3A_157 = arith.constant 0 : i32
          %dma_wait3A_158 = tpu.memref_slice %arg6[%dma_wait3A_156, %dma_wait3A_157] : memref<640x128xf32, #tpu.memory_space<hbm>> -> memref<80x128xf32, #tpu.memory_space<hbm>>
          tpu.wait_dma2 semaphore(%arg27 : memref<!tpu.dma_semaphore, #tpu.memory_space<semaphore_mem>>) src(%dma_wait3A_158 : memref<80x128xf32, #tpu.memory_space<hbm>>) dst(%arg17 : memref<80x128xf32, #tpu.memory_space<vmem>>)
        } else {
        }
        %dma_wait3A_142 = arith.constant 0 : i32
        %dma_wait3A_143 = tpu.memref_slice %arg3[%dma_wait3A_142] : memref<322560xi32, #tpu.memory_space<hbm>> -> memref<80xi32, #tpu.memory_space<hbm>>
        %dma_wait3A_144 = arith.constant 0 : i32
        %dma_wait3A_145 = tpu.memref_slice %arg3[%dma_wait3A_144] : memref<322560xi32, #tpu.memory_space<hbm>> -> memref<80xi32, #tpu.memory_space<hbm>>
        tpu.wait_dma2 semaphore(%arg21 : memref<!tpu.dma_semaphore, #tpu.memory_space<semaphore_mem>>) src(%dma_wait3A_145 : memref<80xi32, #tpu.memory_space<hbm>>) dst(%arg11 : memref<80xi32, #tpu.memory_space<vmem>>)
        %dma_wait3A_146 = arith.constant 0 : i32
        %dma_wait3A_147 = tpu.memref_slice %arg5[%dma_wait3A_146] : memref<322560xf32, #tpu.memory_space<hbm>> -> memref<80xf32, #tpu.memory_space<hbm>>
        %dma_wait3A_148 = arith.constant 0 : i32
        %dma_wait3A_149 = tpu.memref_slice %arg5[%dma_wait3A_148] : memref<322560xf32, #tpu.memory_space<hbm>> -> memref<80xf32, #tpu.memory_space<hbm>>
        tpu.wait_dma2 semaphore(%arg21 : memref<!tpu.dma_semaphore, #tpu.memory_space<semaphore_mem>>) src(%dma_wait3A_149 : memref<80xf32, #tpu.memory_space<hbm>>) dst(%arg14 : memref<80xf32, #tpu.memory_space<vmem>>)
        %dma_start3A_150 = arith.constant 0 : i32
        %dma_start3A_151 = arith.constant 0 : i32
        %dma_start3A_152 = tpu.memref_slice %arg2[%dma_start3A_150, %dma_start3A_151] : memref<10000x128xf32, #tpu.memory_space<hbm>> -> memref<10000x128xf32, #tpu.memory_space<hbm>>
        tpu.enqueue_indirect_dma source(%dma_start3A_152 : memref<10000x128xf32, #tpu.memory_space<hbm>>) target(%arg17 : memref<80x128xf32, #tpu.memory_space<vmem>>) offsets(%arg11 : memref<80xi32, #tpu.memory_space<vmem>>) semaphore(%arg24 : memref<!tpu.dma_semaphore, #tpu.memory_space<semaphore_mem>>)
      } else {
      }
      %dma_wait3A_98 = arith.constant 0 : i32
      %dma_wait3A_99 = arith.constant 0 : i32
      %dma_wait3A_100 = tpu.memref_slice %arg2[%dma_wait3A_98, %dma_wait3A_99] : memref<10000x128xf32, #tpu.memory_space<hbm>> -> memref<10000x128xf32, #tpu.memory_space<hbm>>
      tpu.wait_indirect_dma semaphore(%arg23 : memref<!tpu.dma_semaphore, #tpu.memory_space<semaphore_mem>>) src(%dma_wait3A_100 : memref<10000x128xf32, #tpu.memory_space<hbm>>) dst(%arg16 : memref<80x128xf32, #tpu.memory_space<vmem>>)
      %parallel_loop3A_101 = arith.constant 0 : i32
      %parallel_loop3A_102 = arith.constant 80 : i32
      %parallel_loop3A_103 = arith.constant 1 : i32
      scf.for %parallel_loop3A_138 = %parallel_loop3A_101 to %parallel_loop3A_102 step %parallel_loop3A_103  : i32 {
        %parallel_loop3A_139 = vector.broadcast %parallel_loop3A_138 : i32 to vector<16xi32>
        %parallel_loop3A_140 = tpu.vector_load_idx %arg13[%parallel_loop3A_139] : memref<80xf32, #tpu.memory_space<vmem>>[vector<16xi32>], vector<16xf32>,
        %parallel_loop3A_141 = arith.index_cast %parallel_loop3A_138 : i32 to index
        %parallel_loop3A_142 = arith.constant 0 : index
        %parallel_loop3A_143 = tpu.vector_load %arg16[%parallel_loop3A_141, %parallel_loop3A_142] {strides = array<i32>} : memref<80x128xf32, #tpu.memory_space<vmem>>, vector<16xf32>,
        %parallel_loop3A_144 = arith.mulf %parallel_loop3A_143, %parallel_loop3A_140 : vector<16xf32>
        %parallel_loop3A_145 = arith.index_cast %parallel_loop3A_138 : i32 to index
        %parallel_loop3A_146 = arith.constant 0 : index
        %parallel_loop3A_147 = tpu.vector_load %arg16[%parallel_loop3A_145, %parallel_loop3A_146] {strides = array<i32>} : memref<80x128xf32, #tpu.memory_space<vmem>>, vector<16xf32>,
        tpu.vector_store %arg16[%parallel_loop3A_145, %parallel_loop3A_146], %parallel_loop3A_144 {strides = array<i32>} : memref<80x128xf32, #tpu.memory_space<vmem>>, vector<16xf32>,
        %parallel_loop3A_148 = arith.index_cast %parallel_loop3A_138 : i32 to index
        %parallel_loop3A_149 = arith.constant 16 : index
        %parallel_loop3A_150 = tpu.vector_load %arg16[%parallel_loop3A_148, %parallel_loop3A_149] {strides = array<i32>} : memref<80x128xf32, #tpu.memory_space<vmem>>, vector<16xf32>,
        %parallel_loop3A_151 = arith.mulf %parallel_loop3A_150, %parallel_loop3A_140 : vector<16xf32>
        %parallel_loop3A_152 = arith.index_cast %parallel_loop3A_138 : i32 to index
        %parallel_loop3A_153 = arith.constant 16 : index
        %parallel_loop3A_154 = tpu.vector_load %arg16[%parallel_loop3A_152, %parallel_loop3A_153] {strides = array<i32>} : memref<80x128xf32, #tpu.memory_space<vmem>>, vector<16xf32>,
        tpu.vector_store %arg16[%parallel_loop3A_152, %parallel_loop3A_153], %parallel_loop3A_151 {strides = array<i32>} : memref<80x128xf32, #tpu.memory_space<vmem>>, vector<16xf32>,
        %parallel_loop3A_155 = arith.index_cast %parallel_loop3A_138 : i32 to index
        %parallel_loop3A_156 = arith.constant 32 : index
        %parallel_loop3A_157 = tpu.vector_load %arg16[%parallel_loop3A_155, %parallel_loop3A_156] {strides = array<i32>} : memref<80x128xf32, #tpu.memory_space<vmem>>, vector<16xf32>,
        %parallel_loop3A_158 = arith.mulf %parallel_loop3A_157, %parallel_loop3A_140 : vector<16xf32>
        %parallel_loop3A_159 = arith.index_cast %parallel_loop3A_138 : i32 to index
        %parallel_loop3A_160 = arith.constant 32 : index
        %parallel_loop3A_161 = tpu.vector_load %arg16[%parallel_loop3A_159, %parallel_loop3A_160] {strides = array<i32>} : memref<80x128xf32, #tpu.memory_space<vmem>>, vector<16xf32>,
        tpu.vector_store %arg16[%parallel_loop3A_159, %parallel_loop3A_160], %parallel_loop3A_158 {strides = array<i32>} : memref<80x128xf32, #tpu.memory_space<vmem>>, vector<16xf32>,
        %parallel_loop3A_162 = arith.index_cast %parallel_loop3A_138 : i32 to index
        %parallel_loop3A_163 = arith.constant 48 : index
        %parallel_loop3A_164 = tpu.vector_load %arg16[%parallel_loop3A_162, %parallel_loop3A_163] {strides = array<i32>} : memref<80x128xf32, #tpu.memory_space<vmem>>, vector<16xf32>,
        %parallel_loop3A_165 = arith.mulf %parallel_loop3A_164, %parallel_loop3A_140 : vector<16xf32>
        %parallel_loop3A_166 = arith.index_cast %parallel_loop3A_138 : i32 to index
        %parallel_loop3A_167 = arith.constant 48 : index
        %parallel_loop3A_168 = tpu.vector_load %arg16[%parallel_loop3A_166, %parallel_loop3A_167] {strides = array<i32>} : memref<80x128xf32, #tpu.memory_space<vmem>>, vector<16xf32>,
        tpu.vector_store %arg16[%parallel_loop3A_166, %parallel_loop3A_167], %parallel_loop3A_165 {strides = array<i32>} : memref<80x128xf32, #tpu.memory_space<vmem>>, vector<16xf32>,
        %parallel_loop3A_169 = arith.index_cast %parallel_loop3A_138 : i32 to index
        %parallel_loop3A_170 = arith.constant 64 : index
        %parallel_loop3A_171 = tpu.vector_load %arg16[%parallel_loop3A_169, %parallel_loop3A_170] {strides = array<i32>} : memref<80x128xf32, #tpu.memory_space<vmem>>, vector<16xf32>,
        %parallel_loop3A_172 = arith.mulf %parallel_loop3A_171, %parallel_loop3A_140 : vector<16xf32>
        %parallel_loop3A_173 = arith.index_cast %parallel_loop3A_138 : i32 to index
        %parallel_loop3A_174 = arith.constant 64 : index
        %parallel_loop3A_175 = tpu.vector_load %arg16[%parallel_loop3A_173, %parallel_loop3A_174] {strides = array<i32>} : memref<80x128xf32, #tpu.memory_space<vmem>>, vector<16xf32>,
        tpu.vector_store %arg16[%parallel_loop3A_173, %parallel_loop3A_174], %parallel_loop3A_172 {strides = array<i32>} : memref<80x128xf32, #tpu.memory_space<vmem>>, vector<16xf32>,
        %parallel_loop3A_176 = arith.index_cast %parallel_loop3A_138 : i32 to index
        %parallel_loop3A_177 = arith.constant 80 : index
        %parallel_loop3A_178 = tpu.vector_load %arg16[%parallel_loop3A_176, %parallel_loop3A_177] {strides = array<i32>} : memref<80x128xf32, #tpu.memory_space<vmem>>, vector<16xf32>,
        %parallel_loop3A_179 = arith.mulf %parallel_loop3A_178, %parallel_loop3A_140 : vector<16xf32>
        %parallel_loop3A_180 = arith.index_cast %parallel_loop3A_138 : i32 to index
        %parallel_loop3A_181 = arith.constant 80 : index
        %parallel_loop3A_182 = tpu.vector_load %arg16[%parallel_loop3A_180, %parallel_loop3A_181] {strides = array<i32>} : memref<80x128xf32, #tpu.memory_space<vmem>>, vector<16xf32>,
        tpu.vector_store %arg16[%parallel_loop3A_180, %parallel_loop3A_181], %parallel_loop3A_179 {strides = array<i32>} : memref<80x128xf32, #tpu.memory_space<vmem>>, vector<16xf32>,
        %parallel_loop3A_183 = arith.index_cast %parallel_loop3A_138 : i32 to index
        %parallel_loop3A_184 = arith.constant 96 : index
        %parallel_loop3A_185 = tpu.vector_load %arg16[%parallel_loop3A_183, %parallel_loop3A_184] {strides = array<i32>} : memref<80x128xf32, #tpu.memory_space<vmem>>, vector<16xf32>,
        %parallel_loop3A_186 = arith.mulf %parallel_loop3A_185, %parallel_loop3A_140 : vector<16xf32>
        %parallel_loop3A_187 = arith.index_cast %parallel_loop3A_138 : i32 to index
        %parallel_loop3A_188 = arith.constant 96 : index
        %parallel_loop3A_189 = tpu.vector_load %arg16[%parallel_loop3A_187, %parallel_loop3A_188] {strides = array<i32>} : memref<80x128xf32, #tpu.memory_space<vmem>>, vector<16xf32>,
        tpu.vector_store %arg16[%parallel_loop3A_187, %parallel_loop3A_188], %parallel_loop3A_186 {strides = array<i32>} : memref<80x128xf32, #tpu.memory_space<vmem>>, vector<16xf32>,
        %parallel_loop3A_190 = arith.index_cast %parallel_loop3A_138 : i32 to index
        %parallel_loop3A_191 = arith.constant 112 : index
        %parallel_loop3A_192 = tpu.vector_load %arg16[%parallel_loop3A_190, %parallel_loop3A_191] {strides = array<i32>} : memref<80x128xf32, #tpu.memory_space<vmem>>, vector<16xf32>,
        %parallel_loop3A_193 = arith.mulf %parallel_loop3A_192, %parallel_loop3A_140 : vector<16xf32>
        %parallel_loop3A_194 = arith.index_cast %parallel_loop3A_138 : i32 to index
        %parallel_loop3A_195 = arith.constant 112 : index
        %parallel_loop3A_196 = tpu.vector_load %arg16[%parallel_loop3A_194, %parallel_loop3A_195] {strides = array<i32>} : memref<80x128xf32, #tpu.memory_space<vmem>>, vector<16xf32>,
        tpu.vector_store %arg16[%parallel_loop3A_194, %parallel_loop3A_195], %parallel_loop3A_193 {strides = array<i32>} : memref<80x128xf32, #tpu.memory_space<vmem>>, vector<16xf32>,
      } {sc.loop_unroll_factor = 4 : i64, sc.parallel_access}
      %dma_start3A_104 = arith.constant 0 : i32
      %dma_start3A_105 = tpu.memref_slice %arg8[%add3A_83, %dma_start3A_104] : memref<126x80xi32, #tpu.memory_space<vmem>> -> memref<1x80xi32, #tpu.memory_space<vmem>>
      %dma_start3A_106 = tpu.memref_squeeze %dma_start3A_105 : memref<1x80xi32, #tpu.memory_space<vmem>> -> memref<80xi32, #tpu.memory_space<vmem>>
      %dma_start3A_107 = arith.constant 0 : i32
      %dma_start3A_108 = arith.constant 0 : i32
      %dma_start3A_109 = tpu.memref_slice %arg18[%dma_start3A_107, %dma_start3A_108] : memref<10240x128xf32, #tpu.memory_space<vmem_shared>> -> memref<10240x128xf32, #tpu.memory_space<vmem_shared>>
      tpu.enqueue_indirect_dma source(%arg16 : memref<80x128xf32, #tpu.memory_space<vmem>>) target(%dma_start3A_109 : memref<10240x128xf32, #tpu.memory_space<vmem_shared>>) offsets(%dma_start3A_106 : memref<80xi32, #tpu.memory_space<vmem>>) semaphore(%arg26 : memref<!tpu.dma_semaphore, #tpu.memory_space<semaphore_mem>>) {add = true}
      %add3A_110 = arith.constant 2 : i32
      %add3A_111 = arith.addi %mul3A_59, %add3A_110 : i32
      %add3A_112 = arith.constant 2 : i32
      %add3A_113 = arith.addi %add3A_111, %add3A_112 : i32
      %le3A_114 = arith.constant 125 : i32
      %le3A_115 = arith.cmpi sle, %add3A_113, %le3A_114 : i32
      %convert_element_type3A_116 = arith.extui %le3A_115 : i1 to i32
      %cond3A_117 = arith.constant 0 : i32
      %cond3A_118 = arith.cmpi ne, %convert_element_type3A_116, %cond3A_117 : i32
      scf.if %cond3A_118 {
        %add3A_138 = arith.constant 2 : i32
        %add3A_139 = arith.addi %add3A_111, %add3A_138 : i32
        %mul3A_140 = arith.constant 80 : i32
        %mul3A_141 = arith.muli %add3A_139, %mul3A_140 : i32
        %add3A_142 = arith.addi %mul3A_2, %mul3A_141 : i32
        %dma_start3A_143 = tpu.memref_slice %arg3[%add3A_142] : memref<322560xi32, #tpu.memory_space<hbm>> -> memref<80xi32, #tpu.memory_space<hbm>>
        %dma_start3A_144 = tpu.memref_slice %arg3[%add3A_142] : memref<322560xi32, #tpu.memory_space<hbm>> -> memref<80xi32, #tpu.memory_space<hbm>>
        tpu.enqueue_dma source(%dma_start3A_144 : memref<80xi32, #tpu.memory_space<hbm>>) target(%arg10 : memref<80xi32, #tpu.memory_space<vmem>>) target_semaphore(%arg20 : memref<!tpu.dma_semaphore, #tpu.memory_space<semaphore_mem>>)
        %dma_start3A_145 = tpu.memref_slice %arg5[%add3A_142] : memref<322560xf32, #tpu.memory_space<hbm>> -> memref<80xf32, #tpu.memory_space<hbm>>
        %dma_start3A_146 = tpu.memref_slice %arg5[%add3A_142] : memref<322560xf32, #tpu.memory_space<hbm>> -> memref<80xf32, #tpu.memory_space<hbm>>
        tpu.enqueue_dma source(%dma_start3A_146 : memref<80xf32, #tpu.memory_space<hbm>>) target(%arg13 : memref<80xf32, #tpu.memory_space<vmem>>) target_semaphore(%arg20 : memref<!tpu.dma_semaphore, #tpu.memory_space<semaphore_mem>>)
      } else {
      }
      %add3A_119 = arith.constant 1 : i32
      %add3A_120 = arith.addi %add3A_111, %add3A_119 : i32
      %le3A_121 = arith.constant 125 : i32
      %le3A_122 = arith.cmpi sle, %add3A_120, %le3A_121 : i32
      %convert_element_type3A_123 = arith.extui %le3A_122 : i1 to i32
      %cond3A_124 = arith.constant 0 : i32
      %cond3A_125 = arith.cmpi ne, %convert_element_type3A_123, %cond3A_124 : i32
      scf.if %cond3A_125 {
        %ge3A = arith.constant 2 : i32
        %ge3A_138 = arith.cmpi sge, %add3A_111, %ge3A : i32
        %convert_element_type3A_139 = arith.extui %ge3A_138 : i1 to i32
        %cond3A_140 = arith.constant 0 : i32
        %cond3A_141 = arith.cmpi ne, %convert_element_type3A_139, %cond3A_140 : i32
        scf.if %cond3A_141 {
          %dma_wait3A_153 = arith.constant 0 : i32
          %dma_wait3A_154 = arith.constant 0 : i32
          %dma_wait3A_155 = tpu.memref_slice %arg6[%dma_wait3A_153, %dma_wait3A_154] : memref<640x128xf32, #tpu.memory_space<hbm>> -> memref<80x128xf32, #tpu.memory_space<hbm>>
          %dma_wait3A_156 = arith.constant 0 : i32
          %dma_wait3A_157 = arith.constant 0 : i32
          %dma_wait3A_158 = tpu.memref_slice %arg6[%dma_wait3A_156, %dma_wait3A_157] : memref<640x128xf32, #tpu.memory_space<hbm>> -> memref<80x128xf32, #tpu.memory_space<hbm>>
          tpu.wait_dma2 semaphore(%arg25 : memref<!tpu.dma_semaphore, #tpu.memory_space<semaphore_mem>>) src(%dma_wait3A_158 : memref<80x128xf32, #tpu.memory_space<hbm>>) dst(%arg15 : memref<80x128xf32, #tpu.memory_space<vmem>>)
        } else {
        }
        %dma_wait3A_142 = arith.constant 0 : i32
        %dma_wait3A_143 = tpu.memref_slice %arg3[%dma_wait3A_142] : memref<322560xi32, #tpu.memory_space<hbm>> -> memref<80xi32, #tpu.memory_space<hbm>>
        %dma_wait3A_144 = arith.constant 0 : i32
        %dma_wait3A_145 = tpu.memref_slice %arg3[%dma_wait3A_144] : memref<322560xi32, #tpu.memory_space<hbm>> -> memref<80xi32, #tpu.memory_space<hbm>>
        tpu.wait_dma2 semaphore(%arg19 : memref<!tpu.dma_semaphore, #tpu.memory_space<semaphore_mem>>) src(%dma_wait3A_145 : memref<80xi32, #tpu.memory_space<hbm>>) dst(%arg9 : memref<80xi32, #tpu.memory_space<vmem>>)
        %dma_wait3A_146 = arith.constant 0 : i32
        %dma_wait3A_147 = tpu.memref_slice %arg5[%dma_wait3A_146] : memref<322560xf32, #tpu.memory_space<hbm>> -> memref<80xf32, #tpu.memory_space<hbm>>
        %dma_wait3A_148 = arith.constant 0 : i32
        %dma_wait3A_149 = tpu.memref_slice %arg5[%dma_wait3A_148] : memref<322560xf32, #tpu.memory_space<hbm>> -> memref<80xf32, #tpu.memory_space<hbm>>
        tpu.wait_dma2 semaphore(%arg19 : memref<!tpu.dma_semaphore, #tpu.memory_space<semaphore_mem>>) src(%dma_wait3A_149 : memref<80xf32, #tpu.memory_space<hbm>>) dst(%arg12 : memref<80xf32, #tpu.memory_space<vmem>>)
        %dma_start3A_150 = arith.constant 0 : i32
        %dma_start3A_151 = arith.constant 0 : i32
        %dma_start3A_152 = tpu.memref_slice %arg2[%dma_start3A_150, %dma_start3A_151] : memref<10000x128xf32, #tpu.memory_space<hbm>> -> memref<10000x128xf32, #tpu.memory_space<hbm>>
        tpu.enqueue_indirect_dma source(%dma_start3A_152 : memref<10000x128xf32, #tpu.memory_space<hbm>>) target(%arg15 : memref<80x128xf32, #tpu.memory_space<vmem>>) offsets(%arg9 : memref<80xi32, #tpu.memory_space<vmem>>) semaphore(%arg22 : memref<!tpu.dma_semaphore, #tpu.memory_space<semaphore_mem>>)
      } else {
      }
      %dma_wait3A_126 = arith.constant 0 : i32
      %dma_wait3A_127 = arith.constant 0 : i32
      %dma_wait3A_128 = tpu.memref_slice %arg2[%dma_wait3A_126, %dma_wait3A_127] : memref<10000x128xf32, #tpu.memory_space<hbm>> -> memref<10000x128xf32, #tpu.memory_space<hbm>>
      tpu.wait_indirect_dma semaphore(%arg24 : memref<!tpu.dma_semaphore, #tpu.memory_space<semaphore_mem>>) src(%dma_wait3A_128 : memref<10000x128xf32, #tpu.memory_space<hbm>>) dst(%arg17 : memref<80x128xf32, #tpu.memory_space<vmem>>)
      %parallel_loop3A_129 = arith.constant 0 : i32
      %parallel_loop3A_130 = arith.constant 80 : i32
      %parallel_loop3A_131 = arith.constant 1 : i32
      scf.for %parallel_loop3A_138 = %parallel_loop3A_129 to %parallel_loop3A_130 step %parallel_loop3A_131  : i32 {
        %parallel_loop3A_139 = vector.broadcast %parallel_loop3A_138 : i32 to vector<16xi32>
        %parallel_loop3A_140 = tpu.vector_load_idx %arg14[%parallel_loop3A_139] : memref<80xf32, #tpu.memory_space<vmem>>[vector<16xi32>], vector<16xf32>,
        %parallel_loop3A_141 = arith.index_cast %parallel_loop3A_138 : i32 to index
        %parallel_loop3A_142 = arith.constant 0 : index
        %parallel_loop3A_143 = tpu.vector_load %arg17[%parallel_loop3A_141, %parallel_loop3A_142] {strides = array<i32>} : memref<80x128xf32, #tpu.memory_space<vmem>>, vector<16xf32>,
        %parallel_loop3A_144 = arith.mulf %parallel_loop3A_143, %parallel_loop3A_140 : vector<16xf32>
        %parallel_loop3A_145 = arith.index_cast %parallel_loop3A_138 : i32 to index
        %parallel_loop3A_146 = arith.constant 0 : index
        %parallel_loop3A_147 = tpu.vector_load %arg17[%parallel_loop3A_145, %parallel_loop3A_146] {strides = array<i32>} : memref<80x128xf32, #tpu.memory_space<vmem>>, vector<16xf32>,
        tpu.vector_store %arg17[%parallel_loop3A_145, %parallel_loop3A_146], %parallel_loop3A_144 {strides = array<i32>} : memref<80x128xf32, #tpu.memory_space<vmem>>, vector<16xf32>,
        %parallel_loop3A_148 = arith.index_cast %parallel_loop3A_138 : i32 to index
        %parallel_loop3A_149 = arith.constant 16 : index
        %parallel_loop3A_150 = tpu.vector_load %arg17[%parallel_loop3A_148, %parallel_loop3A_149] {strides = array<i32>} : memref<80x128xf32, #tpu.memory_space<vmem>>, vector<16xf32>,
        %parallel_loop3A_151 = arith.mulf %parallel_loop3A_150, %parallel_loop3A_140 : vector<16xf32>
        %parallel_loop3A_152 = arith.index_cast %parallel_loop3A_138 : i32 to index
        %parallel_loop3A_153 = arith.constant 16 : index
        %parallel_loop3A_154 = tpu.vector_load %arg17[%parallel_loop3A_152, %parallel_loop3A_153] {strides = array<i32>} : memref<80x128xf32, #tpu.memory_space<vmem>>, vector<16xf32>,
        tpu.vector_store %arg17[%parallel_loop3A_152, %parallel_loop3A_153], %parallel_loop3A_151 {strides = array<i32>} : memref<80x128xf32, #tpu.memory_space<vmem>>, vector<16xf32>,
        %parallel_loop3A_155 = arith.index_cast %parallel_loop3A_138 : i32 to index
        %parallel_loop3A_156 = arith.constant 32 : index
        %parallel_loop3A_157 = tpu.vector_load %arg17[%parallel_loop3A_155, %parallel_loop3A_156] {strides = array<i32>} : memref<80x128xf32, #tpu.memory_space<vmem>>, vector<16xf32>,
        %parallel_loop3A_158 = arith.mulf %parallel_loop3A_157, %parallel_loop3A_140 : vector<16xf32>
        %parallel_loop3A_159 = arith.index_cast %parallel_loop3A_138 : i32 to index
        %parallel_loop3A_160 = arith.constant 32 : index
        %parallel_loop3A_161 = tpu.vector_load %arg17[%parallel_loop3A_159, %parallel_loop3A_160] {strides = array<i32>} : memref<80x128xf32, #tpu.memory_space<vmem>>, vector<16xf32>,
        tpu.vector_store %arg17[%parallel_loop3A_159, %parallel_loop3A_160], %parallel_loop3A_158 {strides = array<i32>} : memref<80x128xf32, #tpu.memory_space<vmem>>, vector<16xf32>,
        %parallel_loop3A_162 = arith.index_cast %parallel_loop3A_138 : i32 to index
        %parallel_loop3A_163 = arith.constant 48 : index
        %parallel_loop3A_164 = tpu.vector_load %arg17[%parallel_loop3A_162, %parallel_loop3A_163] {strides = array<i32>} : memref<80x128xf32, #tpu.memory_space<vmem>>, vector<16xf32>,
        %parallel_loop3A_165 = arith.mulf %parallel_loop3A_164, %parallel_loop3A_140 : vector<16xf32>
        %parallel_loop3A_166 = arith.index_cast %parallel_loop3A_138 : i32 to index
        %parallel_loop3A_167 = arith.constant 48 : index
        %parallel_loop3A_168 = tpu.vector_load %arg17[%parallel_loop3A_166, %parallel_loop3A_167] {strides = array<i32>} : memref<80x128xf32, #tpu.memory_space<vmem>>, vector<16xf32>,
        tpu.vector_store %arg17[%parallel_loop3A_166, %parallel_loop3A_167], %parallel_loop3A_165 {strides = array<i32>} : memref<80x128xf32, #tpu.memory_space<vmem>>, vector<16xf32>,
        %parallel_loop3A_169 = arith.index_cast %parallel_loop3A_138 : i32 to index
        %parallel_loop3A_170 = arith.constant 64 : index
        %parallel_loop3A_171 = tpu.vector_load %arg17[%parallel_loop3A_169, %parallel_loop3A_170] {strides = array<i32>} : memref<80x128xf32, #tpu.memory_space<vmem>>, vector<16xf32>,
        %parallel_loop3A_172 = arith.mulf %parallel_loop3A_171, %parallel_loop3A_140 : vector<16xf32>
        %parallel_loop3A_173 = arith.index_cast %parallel_loop3A_138 : i32 to index
        %parallel_loop3A_174 = arith.constant 64 : index
        %parallel_loop3A_175 = tpu.vector_load %arg17[%parallel_loop3A_173, %parallel_loop3A_174] {strides = array<i32>} : memref<80x128xf32, #tpu.memory_space<vmem>>, vector<16xf32>,
        tpu.vector_store %arg17[%parallel_loop3A_173, %parallel_loop3A_174], %parallel_loop3A_172 {strides = array<i32>} : memref<80x128xf32, #tpu.memory_space<vmem>>, vector<16xf32>,
        %parallel_loop3A_176 = arith.index_cast %parallel_loop3A_138 : i32 to index
        %parallel_loop3A_177 = arith.constant 80 : index
        %parallel_loop3A_178 = tpu.vector_load %arg17[%parallel_loop3A_176, %parallel_loop3A_177] {strides = array<i32>} : memref<80x128xf32, #tpu.memory_space<vmem>>, vector<16xf32>,
        %parallel_loop3A_179 = arith.mulf %parallel_loop3A_178, %parallel_loop3A_140 : vector<16xf32>
        %parallel_loop3A_180 = arith.index_cast %parallel_loop3A_138 : i32 to index
        %parallel_loop3A_181 = arith.constant 80 : index
        %parallel_loop3A_182 = tpu.vector_load %arg17[%parallel_loop3A_180, %parallel_loop3A_181] {strides = array<i32>} : memref<80x128xf32, #tpu.memory_space<vmem>>, vector<16xf32>,
        tpu.vector_store %arg17[%parallel_loop3A_180, %parallel_loop3A_181], %parallel_loop3A_179 {strides = array<i32>} : memref<80x128xf32, #tpu.memory_space<vmem>>, vector<16xf32>,
        %parallel_loop3A_183 = arith.index_cast %parallel_loop3A_138 : i32 to index
        %parallel_loop3A_184 = arith.constant 96 : index
        %parallel_loop3A_185 = tpu.vector_load %arg17[%parallel_loop3A_183, %parallel_loop3A_184] {strides = array<i32>} : memref<80x128xf32, #tpu.memory_space<vmem>>, vector<16xf32>,
        %parallel_loop3A_186 = arith.mulf %parallel_loop3A_185, %parallel_loop3A_140 : vector<16xf32>
        %parallel_loop3A_187 = arith.index_cast %parallel_loop3A_138 : i32 to index
        %parallel_loop3A_188 = arith.constant 96 : index
        %parallel_loop3A_189 = tpu.vector_load %arg17[%parallel_loop3A_187, %parallel_loop3A_188] {strides = array<i32>} : memref<80x128xf32, #tpu.memory_space<vmem>>, vector<16xf32>,
        tpu.vector_store %arg17[%parallel_loop3A_187, %parallel_loop3A_188], %parallel_loop3A_186 {strides = array<i32>} : memref<80x128xf32, #tpu.memory_space<vmem>>, vector<16xf32>,
        %parallel_loop3A_190 = arith.index_cast %parallel_loop3A_138 : i32 to index
        %parallel_loop3A_191 = arith.constant 112 : index
        %parallel_loop3A_192 = tpu.vector_load %arg17[%parallel_loop3A_190, %parallel_loop3A_191] {strides = array<i32>} : memref<80x128xf32, #tpu.memory_space<vmem>>, vector<16xf32>,
        %parallel_loop3A_193 = arith.mulf %parallel_loop3A_192, %parallel_loop3A_140 : vector<16xf32>
        %parallel_loop3A_194 = arith.index_cast %parallel_loop3A_138 : i32 to index
        %parallel_loop3A_195 = arith.constant 112 : index
        %parallel_loop3A_196 = tpu.vector_load %arg17[%parallel_loop3A_194, %parallel_loop3A_195] {strides = array<i32>} : memref<80x128xf32, #tpu.memory_space<vmem>>, vector<16xf32>,
        tpu.vector_store %arg17[%parallel_loop3A_194, %parallel_loop3A_195], %parallel_loop3A_193 {strides = array<i32>} : memref<80x128xf32, #tpu.memory_space<vmem>>, vector<16xf32>,
      } {sc.loop_unroll_factor = 4 : i64, sc.parallel_access}
      %dma_start3A_132 = arith.constant 0 : i32
      %dma_start3A_133 = tpu.memref_slice %arg8[%add3A_111, %dma_start3A_132] : memref<126x80xi32, #tpu.memory_space<vmem>> -> memref<1x80xi32, #tpu.memory_space<vmem>>
      %dma_start3A_134 = tpu.memref_squeeze %dma_start3A_133 : memref<1x80xi32, #tpu.memory_space<vmem>> -> memref<80xi32, #tpu.memory_space<vmem>>
      %dma_start3A_135 = arith.constant 0 : i32
      %dma_start3A_136 = arith.constant 0 : i32
      %dma_start3A_137 = tpu.memref_slice %arg18[%dma_start3A_135, %dma_start3A_136] : memref<10240x128xf32, #tpu.memory_space<vmem_shared>> -> memref<10240x128xf32, #tpu.memory_space<vmem_shared>>
      tpu.enqueue_indirect_dma source(%arg17 : memref<80x128xf32, #tpu.memory_space<vmem>>) target(%dma_start3A_137 : memref<10240x128xf32, #tpu.memory_space<vmem_shared>>) offsets(%dma_start3A_134 : memref<80xi32, #tpu.memory_space<vmem>>) semaphore(%arg27 : memref<!tpu.dma_semaphore, #tpu.memory_space<semaphore_mem>>) {add = true}
    }
    %scan3A_29 = arith.constant 42 : i32
    %dma_wait3A_30 = arith.constant 0 : i32
    %dma_wait3A_31 = arith.constant 0 : i32
    %dma_wait3A_32 = tpu.memref_slice %arg6[%dma_wait3A_30, %dma_wait3A_31] : memref<640x128xf32, #tpu.memory_space<hbm>> -> memref<80x128xf32, #tpu.memory_space<hbm>>
    %dma_wait3A_33 = arith.constant 0 : i32
    %dma_wait3A_34 = arith.constant 0 : i32
    %dma_wait3A_35 = tpu.memref_slice %arg6[%dma_wait3A_33, %dma_wait3A_34] : memref<640x128xf32, #tpu.memory_space<hbm>> -> memref<80x128xf32, #tpu.memory_space<hbm>>
    tpu.wait_dma2 semaphore(%arg25 : memref<!tpu.dma_semaphore, #tpu.memory_space<semaphore_mem>>) src(%dma_wait3A_35 : memref<80x128xf32, #tpu.memory_space<hbm>>) dst(%arg15 : memref<80x128xf32, #tpu.memory_space<vmem>>)
    %dma_wait3A_36 = arith.constant 0 : i32
    %dma_wait3A_37 = arith.constant 0 : i32
    %dma_wait3A_38 = tpu.memref_slice %arg6[%dma_wait3A_36, %dma_wait3A_37] : memref<640x128xf32, #tpu.memory_space<hbm>> -> memref<80x128xf32, #tpu.memory_space<hbm>>
    %dma_wait3A_39 = arith.constant 0 : i32
    %dma_wait3A_40 = arith.constant 0 : i32
    %dma_wait3A_41 = tpu.memref_slice %arg6[%dma_wait3A_39, %dma_wait3A_40] : memref<640x128xf32, #tpu.memory_space<hbm>> -> memref<80x128xf32, #tpu.memory_space<hbm>>
    tpu.wait_dma2 semaphore(%arg26 : memref<!tpu.dma_semaphore, #tpu.memory_space<semaphore_mem>>) src(%dma_wait3A_41 : memref<80x128xf32, #tpu.memory_space<hbm>>) dst(%arg16 : memref<80x128xf32, #tpu.memory_space<vmem>>)
    %dma_wait3A_42 = arith.constant 0 : i32
    %dma_wait3A_43 = arith.constant 0 : i32
    %dma_wait3A_44 = tpu.memref_slice %arg6[%dma_wait3A_42, %dma_wait3A_43] : memref<640x128xf32, #tpu.memory_space<hbm>> -> memref<80x128xf32, #tpu.memory_space<hbm>>
    %dma_wait3A_45 = arith.constant 0 : i32
    %dma_wait3A_46 = arith.constant 0 : i32
    %dma_wait3A_47 = tpu.memref_slice %arg6[%dma_wait3A_45, %dma_wait3A_46] : memref<640x128xf32, #tpu.memory_space<hbm>> -> memref<80x128xf32, #tpu.memory_space<hbm>>
    tpu.wait_dma2 semaphore(%arg27 : memref<!tpu.dma_semaphore, #tpu.memory_space<semaphore_mem>>) src(%dma_wait3A_47 : memref<80x128xf32, #tpu.memory_space<hbm>>) dst(%arg17 : memref<80x128xf32, #tpu.memory_space<vmem>>)
    %barrier3A_48 = arith.constant 0 : index
    tpu.barrier barrier_id(%barrier3A_48)
    %mul3A_49 = arith.constant 640 : i32
    %mul3A_50 = arith.muli %arg1, %mul3A_49 : i32
    %mul3A_51 = arith.constant 640 : i32
    %mul3A_52 = arith.muli %arg1, %mul3A_51 : i32
    "tpu.region"() ({
      %run_scoped3A = tpu.sem_alloc : memref<!tpu.dma_semaphore, #tpu.memory_space<semaphore_mem>>
      %dma_start3A_53 = arith.constant 0 : i32
      %dma_start3A_54 = tpu.memref_slice %arg7[%arg0, %mul3A_52, %dma_start3A_53] : memref<2x10240x128xf32, #tpu.memory_space<hbm>> -> memref<1x640x128xf32, #tpu.memory_space<hbm>>
      %dma_start3A_55 = tpu.memref_squeeze %dma_start3A_54 : memref<1x640x128xf32, #tpu.memory_space<hbm>> -> memref<640x128xf32, #tpu.memory_space<hbm>>
      %dma_start3A_56 = arith.constant 0 : i32
      %dma_start3A_57 = tpu.memref_slice %arg18[%mul3A_50, %dma_start3A_56] : memref<10240x128xf32, #tpu.memory_space<vmem_shared>> -> memref<640x128xf32, #tpu.memory_space<vmem_shared>>
      tpu.enqueue_dma source(%dma_start3A_57 : memref<640x128xf32, #tpu.memory_space<vmem_shared>>) target(%dma_start3A_55 : memref<640x128xf32, #tpu.memory_space<hbm>>) target_semaphore(%run_scoped3A : memref<!tpu.dma_semaphore, #tpu.memory_space<semaphore_mem>>)
      %dma_wait3A_58 = arith.constant 0 : i32
      %dma_wait3A_59 = tpu.memref_slice %arg7[%arg0, %mul3A_52, %dma_wait3A_58] : memref<2x10240x128xf32, #tpu.memory_space<hbm>> -> memref<1x640x128xf32, #tpu.memory_space<hbm>>
      %dma_wait3A_60 = tpu.memref_squeeze %dma_wait3A_59 : memref<1x640x128xf32, #tpu.memory_space<hbm>> -> memref<640x128xf32, #tpu.memory_space<hbm>>
      %dma_wait3A_61 = arith.constant 0 : i32
      %dma_wait3A_62 = tpu.memref_slice %arg18[%mul3A_50, %dma_wait3A_61] : memref<10240x128xf32, #tpu.memory_space<vmem_shared>> -> memref<640x128xf32, #tpu.memory_space<vmem_shared>>
      tpu.wait_dma2 semaphore(%run_scoped3A : memref<!tpu.dma_semaphore, #tpu.memory_space<semaphore_mem>>) src(%dma_wait3A_62 : memref<640x128xf32, #tpu.memory_space<vmem_shared>>) dst(%dma_wait3A_60 : memref<640x128xf32, #tpu.memory_space<hbm>>)
      tpu.yield
    }) : () -> ()
    return
  }
}

module attributes {stable_mosaic.version = 14 : i64} {
  func.func @body(%arg0: i32, %arg1: memref<2000x128xf32, #tpu.memory_space<vmem>>, %arg2: memref<128x128xf32, #tpu.memory_space<vmem>>, %arg3: memref<2000x128xf32, #tpu.memory_space<vmem>>) attributes {dimension_semantics = [#tpu.dimension_semantics<arbitrary>], iteration_bounds = array<i64: 5>, scalar_prefetch = 0 : i64, scratch_operands = 0 : i64, tpu.core_type = #tpu.core_type<tc>, window_params = [{transform_indices = @transform_0, window_bounds = array<i64: 2000, 128>}, {pipeline_mode = #tpu.pipeline_mode<synchronous>, transform_indices = @transform_1, window_bounds = array<i64: 128, 128>}, {transform_indices = @transform_2, window_bounds = array<i64: 2000, 128>}]} {
    %get3A = arith.constant 0 : index
    %get3A_0 = arith.constant 0 : index
    %get3A_1 = vector.load %arg1[%get3A, %get3A_0] : memref<2000x128xf32, #tpu.memory_space<vmem>>, vector<2000x128xf32>
    %get3A_2 = arith.constant 0 : index
    %get3A_3 = arith.constant 0 : index
    %get3A_4 = vector.load %arg2[%get3A_2, %get3A_3] : memref<128x128xf32, #tpu.memory_space<vmem>>, vector<128x128xf32>
    %dot_general3A = arith.constant dense<0.000000e+00> : vector<2000x128xf32>
    %dot_general3A_5 = tpu.matmul %get3A_1, %get3A_4, %dot_general3A {dimension_numbers = #tpu.dot_dimension_numbers<[1], [0], [0], [1], [0, 0, 1, 1], [], []>, transpose_lhs_hint = false} : vector<2000x128xf32>, vector<128x128xf32>, vector<2000x128xf32> -> vector<2000x128xf32>
    %swap3A = arith.constant 0 : index
    %swap3A_6 = arith.constant 0 : index
    %swap3A_7 = vector.load %arg3[%swap3A, %swap3A_6] : memref<2000x128xf32, #tpu.memory_space<vmem>>, vector<2000x128xf32>
    tpu.vector_store %arg3[%swap3A, %swap3A_6], %dot_general3A_5 {strides = array<i32>} : memref<2000x128xf32, #tpu.memory_space<vmem>>, vector<2000x128xf32>,
    return
  }
  func.func @transform_0(%arg0: i32) -> (i32, i32) {
    %c0_i32 = arith.constant 0 : i32
    %c0_i32_0 = arith.constant 0 : i32
    return %arg0, %c0_i32 : i32, i32
  }
  func.func @transform_1(%arg0: i32) -> (i32, i32) {
    %c0_i32 = arith.constant 0 : i32
    %c0_i32_0 = arith.constant 0 : i32
    %c0_i32_1 = arith.constant 0 : i32
    return %c0_i32, %c0_i32_0 : i32, i32
  }
  func.func @transform_2(%arg0: i32) -> (i32, i32) {
    %c0_i32 = arith.constant 0 : i32
    %c0_i32_0 = arith.constant 0 : i32
    return %arg0, %c0_i32 : i32, i32
  }
}

module attributes {stable_mosaic.version = 14 : i64} {
  func.func @body(%arg0: i32, %arg1: memref<2x2000x128xf32, #tpu.memory_space<vmem>>, %arg2: memref<2000x128xf32, #tpu.memory_space<vmem>>, %arg3: memref<2000x16xf32, #tpu.memory_space<vmem>>, %arg4: memref<2000x128xf32, #tpu.memory_space<vmem>>) attributes {dimension_semantics = [#tpu.dimension_semantics<arbitrary>], iteration_bounds = array<i64: 5>, scalar_prefetch = 0 : i64, scratch_operands = 0 : i64, tpu.core_type = #tpu.core_type<tc>, window_params = [{transform_indices = @transform_0, window_bounds = array<i64: 2, 2000, 128>}, {transform_indices = @transform_1, window_bounds = array<i64: 2000, 128>}, {transform_indices = @transform_2, window_bounds = array<i64: 2000, 16>}, {transform_indices = @transform_3, window_bounds = array<i64: 2000, 128>}]} {
    %get3A = arith.constant 0 : index
    %get3A_0 = arith.constant 0 : index
    %get3A_1 = arith.constant 0 : index
    %get3A_2 = vector.load %arg1[%get3A, %get3A_0, %get3A_1] : memref<2x2000x128xf32, #tpu.memory_space<vmem>>, vector<1x2000x1xf32>
    %get3A_3 = vector.shape_cast %get3A_2 : vector<1x2000x1xf32> to vector<2000x1xf32>
    %add3A = arith.constant 1.000000e+00 : f32
    %add3A_4 = vector.broadcast %add3A : f32 to vector<2000x1xf32>
    %add3A_5 = arith.addf %add3A_4, %get3A_3 : vector<2000x1xf32>
    %get3A_6 = arith.constant 1 : index
    %get3A_7 = arith.constant 0 : index
    %get3A_8 = arith.constant 0 : index
    %get3A_9 = vector.load %arg1[%get3A_6, %get3A_7, %get3A_8] : memref<2x2000x128xf32, #tpu.memory_space<vmem>>, vector<1x2000x1xf32>
    %get3A_10 = vector.shape_cast %get3A_9 : vector<1x2000x1xf32> to vector<2000x1xf32>
    %add3A_11 = arith.addf %add3A_5, %get3A_10 : vector<2000x1xf32>
    %rsqrt3A = math.rsqrt %add3A_11 : vector<2000x1xf32>
    %broadcast_in_dim3A = vector.shape_cast %rsqrt3A : vector<2000x1xf32> to vector<2000x1xf32>
    %broadcast_in_dim3A_12 = vector.broadcast %broadcast_in_dim3A : vector<2000x1xf32> to vector<2000x16xf32>
    %swap3A = arith.constant 0 : index
    %swap3A_13 = arith.constant 0 : index
    %swap3A_14 = vector.load %arg3[%swap3A, %swap3A_13] : memref<2000x16xf32, #tpu.memory_space<vmem>>, vector<2000x16xf32>
    tpu.vector_store %arg3[%swap3A, %swap3A_13], %broadcast_in_dim3A_12 {strides = array<i32>} : memref<2000x16xf32, #tpu.memory_space<vmem>>, vector<2000x16xf32>,
    %get3A_15 = arith.constant 0 : index
    %get3A_16 = arith.constant 0 : index
    %get3A_17 = vector.load %arg2[%get3A_15, %get3A_16] : memref<2000x128xf32, #tpu.memory_space<vmem>>, vector<2000x128xf32>
    %mul3A = vector.broadcast %rsqrt3A : vector<2000x1xf32> to vector<2000x128xf32>
    %mul3A_18 = arith.mulf %get3A_17, %mul3A : vector<2000x128xf32>
    %swap3A_19 = arith.constant 0 : index
    %swap3A_20 = arith.constant 0 : index
    %swap3A_21 = vector.load %arg4[%swap3A_19, %swap3A_20] : memref<2000x128xf32, #tpu.memory_space<vmem>>, vector<2000x128xf32>
    tpu.vector_store %arg4[%swap3A_19, %swap3A_20], %mul3A_18 {strides = array<i32>} : memref<2000x128xf32, #tpu.memory_space<vmem>>, vector<2000x128xf32>,
    return
  }
  func.func @transform_0(%arg0: i32) -> (i32, i32, i32) {
    %c0_i32 = arith.constant 0 : i32
    %c0_i32_0 = arith.constant 0 : i32
    %c0_i32_1 = arith.constant 0 : i32
    return %c0_i32, %arg0, %c0_i32_0 : i32, i32, i32
  }
  func.func @transform_1(%arg0: i32) -> (i32, i32) {
    %c0_i32 = arith.constant 0 : i32
    %c0_i32_0 = arith.constant 0 : i32
    return %arg0, %c0_i32 : i32, i32
  }
  func.func @transform_2(%arg0: i32) -> (i32, i32) {
    %c0_i32 = arith.constant 0 : i32
    %c0_i32_0 = arith.constant 0 : i32
    return %arg0, %c0_i32 : i32, i32
  }
  func.func @transform_3(%arg0: i32) -> (i32, i32) {
    %c0_i32 = arith.constant 0 : i32
    %c0_i32_0 = arith.constant 0 : i32
    return %arg0, %c0_i32 : i32, i32
  }
}

module attributes {stable_mosaic.version = 14 : i64} {
  func.func @body(%arg0: i32, %arg1: memref<2x2000x128xf32, #tpu.memory_space<vmem>>, %arg2: memref<2000x128xf32, #tpu.memory_space<vmem>>, %arg3: memref<2000x16xf32, #tpu.memory_space<vmem>>, %arg4: memref<1x128xf32, #tpu.memory_space<vmem>>, %arg5: memref<128x128xf32, #tpu.memory_space<vmem>>, %arg6: memref<2000x128xf32, #tpu.memory_space<vmem>>) attributes {dimension_semantics = [#tpu.dimension_semantics<arbitrary>], iteration_bounds = array<i64: 5>, scalar_prefetch = 0 : i64, scratch_operands = 0 : i64, tpu.core_type = #tpu.core_type<tc>, window_params = [{transform_indices = @transform_0, window_bounds = array<i64: 2, 2000, 128>}, {transform_indices = @transform_1, window_bounds = array<i64: 2000, 128>}, {transform_indices = @transform_2, window_bounds = array<i64: 2000, 16>}, {pipeline_mode = #tpu.pipeline_mode<synchronous>, transform_indices = @transform_3, window_bounds = array<i64: 1, 128>}, {pipeline_mode = #tpu.pipeline_mode<synchronous>, transform_indices = @transform_4, window_bounds = array<i64: 128, 128>}, {transform_indices = @transform_5, window_bounds = array<i64: 2000, 128>}]} {
    %get3A = arith.constant 0 : index
    %get3A_0 = arith.constant 0 : index
    %get3A_1 = vector.load %arg3[%get3A, %get3A_0] : memref<2000x16xf32, #tpu.memory_space<vmem>>, vector<2000x1xf32>
    %get3A_2 = arith.constant 0 : index
    %get3A_3 = arith.constant 0 : index
    %get3A_4 = arith.constant 0 : index
    %get3A_5 = vector.load %arg1[%get3A_2, %get3A_3, %get3A_4] : memref<2x2000x128xf32, #tpu.memory_space<vmem>>, vector<1x2000x128xf32>
    %get3A_6 = vector.shape_cast %get3A_5 : vector<1x2000x128xf32> to vector<2000x128xf32>
    %get3A_7 = arith.constant 1 : index
    %get3A_8 = arith.constant 0 : index
    %get3A_9 = arith.constant 0 : index
    %get3A_10 = vector.load %arg1[%get3A_7, %get3A_8, %get3A_9] : memref<2x2000x128xf32, #tpu.memory_space<vmem>>, vector<1x2000x128xf32>
    %get3A_11 = vector.shape_cast %get3A_10 : vector<1x2000x128xf32> to vector<2000x128xf32>
    %add3A = arith.addf %get3A_6, %get3A_11 : vector<2000x128xf32>
    %get3A_12 = arith.constant 0 : index
    %get3A_13 = arith.constant 0 : index
    %get3A_14 = vector.load %arg2[%get3A_12, %get3A_13] : memref<2000x128xf32, #tpu.memory_space<vmem>>, vector<2000x128xf32>
    %add3A_15 = arith.addf %add3A, %get3A_14 : vector<2000x128xf32>
    %mul3A = vector.broadcast %get3A_1 : vector<2000x1xf32> to vector<2000x128xf32>
    %mul3A_16 = arith.mulf %mul3A, %add3A_15 : vector<2000x128xf32>
    %get3A_17 = arith.constant 0 : index
    %get3A_18 = arith.constant 0 : index
    %get3A_19 = vector.load %arg4[%get3A_17, %get3A_18] : memref<1x128xf32, #tpu.memory_space<vmem>>, vector<1x128xf32>
    %add3A_20 = vector.broadcast %get3A_19 : vector<1x128xf32> to vector<2000x128xf32>
    %add3A_21 = arith.addf %mul3A_16, %add3A_20 : vector<2000x128xf32>
    %max3A = arith.constant 0.000000e+00 : f32
    %max3A_22 = vector.broadcast %max3A : f32 to vector<2000x128xf32>
    %max3A_23 = arith.maximumf %add3A_21, %max3A_22 : vector<2000x128xf32>
    %get3A_24 = arith.constant 0 : index
    %get3A_25 = arith.constant 0 : index
    %get3A_26 = vector.load %arg5[%get3A_24, %get3A_25] : memref<128x128xf32, #tpu.memory_space<vmem>>, vector<128x128xf32>
    %dot_general3A = arith.constant dense<0.000000e+00> : vector<2000x128xf32>
    %dot_general3A_27 = tpu.matmul %max3A_23, %get3A_26, %dot_general3A {dimension_numbers = #tpu.dot_dimension_numbers<[1], [0], [0], [1], [0, 0, 1, 1], [], []>, transpose_lhs_hint = false} : vector<2000x128xf32>, vector<128x128xf32>, vector<2000x128xf32> -> vector<2000x128xf32>
    %mul3A_28 = vector.broadcast %get3A_1 : vector<2000x1xf32> to vector<2000x128xf32>
    %mul3A_29 = arith.mulf %mul3A_28, %dot_general3A_27 : vector<2000x128xf32>
    %swap3A = arith.constant 0 : index
    %swap3A_30 = arith.constant 0 : index
    %swap3A_31 = vector.load %arg6[%swap3A, %swap3A_30] : memref<2000x128xf32, #tpu.memory_space<vmem>>, vector<2000x128xf32>
    tpu.vector_store %arg6[%swap3A, %swap3A_30], %mul3A_29 {strides = array<i32>} : memref<2000x128xf32, #tpu.memory_space<vmem>>, vector<2000x128xf32>,
    return
  }
  func.func @transform_0(%arg0: i32) -> (i32, i32, i32) {
    %c0_i32 = arith.constant 0 : i32
    %c0_i32_0 = arith.constant 0 : i32
    %c0_i32_1 = arith.constant 0 : i32
    return %c0_i32, %arg0, %c0_i32_0 : i32, i32, i32
  }
  func.func @transform_1(%arg0: i32) -> (i32, i32) {
    %c0_i32 = arith.constant 0 : i32
    %c0_i32_0 = arith.constant 0 : i32
    return %arg0, %c0_i32 : i32, i32
  }
  func.func @transform_2(%arg0: i32) -> (i32, i32) {
    %c0_i32 = arith.constant 0 : i32
    %c0_i32_0 = arith.constant 0 : i32
    return %arg0, %c0_i32 : i32, i32
  }
  func.func @transform_3(%arg0: i32) -> (i32, i32) {
    %c0_i32 = arith.constant 0 : i32
    %c0_i32_0 = arith.constant 0 : i32
    %c0_i32_1 = arith.constant 0 : i32
    return %c0_i32, %c0_i32_0 : i32, i32
  }
  func.func @transform_4(%arg0: i32) -> (i32, i32) {
    %c0_i32 = arith.constant 0 : i32
    %c0_i32_0 = arith.constant 0 : i32
    %c0_i32_1 = arith.constant 0 : i32
    return %c0_i32, %c0_i32_0 : i32, i32
  }
  func.func @transform_5(%arg0: i32) -> (i32, i32) {
    %c0_i32 = arith.constant 0 : i32
    %c0_i32_0 = arith.constant 0 : i32
    return %arg0, %c0_i32 : i32, i32
  }
}

module attributes {stable_mosaic.version = 14 : i64} {
  func.func @body(%arg0: i32, %arg1: memref<2x2000x128xf32, #tpu.memory_space<vmem>>, %arg2: memref<2000x128xf32, #tpu.memory_space<vmem>>, %arg3: memref<2000x16xf32, #tpu.memory_space<vmem>>, %arg4: memref<1x128xf32, #tpu.memory_space<vmem>>, %arg5: memref<2000x128xf32, #tpu.memory_space<vmem>>) attributes {dimension_semantics = [#tpu.dimension_semantics<arbitrary>], iteration_bounds = array<i64: 5>, scalar_prefetch = 0 : i64, scratch_operands = 0 : i64, tpu.core_type = #tpu.core_type<tc>, window_params = [{transform_indices = @transform_0, window_bounds = array<i64: 2, 2000, 128>}, {transform_indices = @transform_1, window_bounds = array<i64: 2000, 128>}, {transform_indices = @transform_2, window_bounds = array<i64: 2000, 16>}, {pipeline_mode = #tpu.pipeline_mode<synchronous>, transform_indices = @transform_3, window_bounds = array<i64: 1, 128>}, {transform_indices = @transform_4, window_bounds = array<i64: 2000, 128>}]} {
    %get3A = arith.constant 0 : index
    %get3A_0 = arith.constant 0 : index
    %get3A_1 = vector.load %arg3[%get3A, %get3A_0] : memref<2000x16xf32, #tpu.memory_space<vmem>>, vector<2000x1xf32>
    %get3A_2 = arith.constant 0 : index
    %get3A_3 = arith.constant 0 : index
    %get3A_4 = arith.constant 0 : index
    %get3A_5 = vector.load %arg1[%get3A_2, %get3A_3, %get3A_4] : memref<2x2000x128xf32, #tpu.memory_space<vmem>>, vector<1x2000x128xf32>
    %get3A_6 = vector.shape_cast %get3A_5 : vector<1x2000x128xf32> to vector<2000x128xf32>
    %get3A_7 = arith.constant 1 : index
    %get3A_8 = arith.constant 0 : index
    %get3A_9 = arith.constant 0 : index
    %get3A_10 = vector.load %arg1[%get3A_7, %get3A_8, %get3A_9] : memref<2x2000x128xf32, #tpu.memory_space<vmem>>, vector<1x2000x128xf32>
    %get3A_11 = vector.shape_cast %get3A_10 : vector<1x2000x128xf32> to vector<2000x128xf32>
    %add3A = arith.addf %get3A_6, %get3A_11 : vector<2000x128xf32>
    %get3A_12 = arith.constant 0 : index
    %get3A_13 = arith.constant 0 : index
    %get3A_14 = vector.load %arg2[%get3A_12, %get3A_13] : memref<2000x128xf32, #tpu.memory_space<vmem>>, vector<2000x128xf32>
    %add3A_15 = arith.addf %add3A, %get3A_14 : vector<2000x128xf32>
    %mul3A = vector.broadcast %get3A_1 : vector<2000x1xf32> to vector<2000x128xf32>
    %mul3A_16 = arith.mulf %mul3A, %add3A_15 : vector<2000x128xf32>
    %get3A_17 = arith.constant 0 : index
    %get3A_18 = arith.constant 0 : index
    %get3A_19 = vector.load %arg4[%get3A_17, %get3A_18] : memref<1x128xf32, #tpu.memory_space<vmem>>, vector<1x128xf32>
    %add3A_20 = vector.broadcast %get3A_19 : vector<1x128xf32> to vector<2000x128xf32>
    %add3A_21 = arith.addf %mul3A_16, %add3A_20 : vector<2000x128xf32>
    %swap3A = arith.constant 0 : index
    %swap3A_22 = arith.constant 0 : index
    %swap3A_23 = vector.load %arg5[%swap3A, %swap3A_22] : memref<2000x128xf32, #tpu.memory_space<vmem>>, vector<2000x128xf32>
    tpu.vector_store %arg5[%swap3A, %swap3A_22], %add3A_21 {strides = array<i32>} : memref<2000x128xf32, #tpu.memory_space<vmem>>, vector<2000x128xf32>,
    return
  }
  func.func @transform_0(%arg0: i32) -> (i32, i32, i32) {
    %c0_i32 = arith.constant 0 : i32
    %c0_i32_0 = arith.constant 0 : i32
    %c0_i32_1 = arith.constant 0 : i32
    return %c0_i32, %arg0, %c0_i32_0 : i32, i32, i32
  }
  func.func @transform_1(%arg0: i32) -> (i32, i32) {
    %c0_i32 = arith.constant 0 : i32
    %c0_i32_0 = arith.constant 0 : i32
    return %arg0, %c0_i32 : i32, i32
  }
  func.func @transform_2(%arg0: i32) -> (i32, i32) {
    %c0_i32 = arith.constant 0 : i32
    %c0_i32_0 = arith.constant 0 : i32
    return %arg0, %c0_i32 : i32, i32
  }
  func.func @transform_3(%arg0: i32) -> (i32, i32) {
    %c0_i32 = arith.constant 0 : i32
    %c0_i32_0 = arith.constant 0 : i32
    %c0_i32_1 = arith.constant 0 : i32
    return %c0_i32, %c0_i32_0 : i32, i32
  }
  func.func @transform_4(%arg0: i32) -> (i32, i32) {
    %c0_i32 = arith.constant 0 : i32
    %c0_i32_0 = arith.constant 0 : i32
    return %arg0, %c0_i32 : i32, i32
  }
}

</mosaic_0001>

<sc_bundles>
// kernel: kernel.12.cloned.1.call-start
scs
__scs_entry_jumppad:
0x0: {  	(pc) =	sbr.rel $0x88, $3  }
0x1: {  	(tag) =	ssettag $0x0;
	lr =	simm.s32 $0x1  }
0x2: {  	[smem:$0x3F9A] =	sst lr;
	_ =	strace $0xD0000000  }
0x3: {  	_ = 	snop  }
0x4: {  	_ = 	snop  }
0x5: {  	_ = 	snop  }
0x6: {  	_ = 	snop  }
0x7: {  	_ = 	snop  }
__scs_overlays_trampoline_lowered:
0x8: {  	[smem:$0x3FA9] =	sst s0  }
0x9: {  	[smem:$0x3FAA] =	sst s1  }
0xa: {  	[smem:$0x3FAB] =	sst s2  }
0xb: {  	[smem:$0x3FAC] =	sst s3  }
0xc: {  	[smem:$0x3FAD] =	sst s4  }
0xd: {  	[smem:$0x3FAE] =	sst s5  }
0xe: {  	[smem:$0x3FAF] =	sst s6  }
0xf: {  	[smem:$0x3FB0] =	sst s7  }
0x10: {  	[smem:$0x3FB1] =	sst s8  }
0x11: {  	[smem:$0x3FB2] =	sst s9;
	s0 =	simm.s32 @!p0 $0x0  }
0x12: {  	s1 =	sld [smem:$0x3F98];
	s0 =	simm.s32 @p0 $0x1  }
0x13: {  	[smem:$0x3FB3] =	sst s0;
	s0 =	simm.s32 @!p1 $0x0  }
0x14: {  	s2 =	sld [smem:$0x3F97];
	s0 =	simm.s32 @p1 $0x1  }
0x15: {  	[smem:$0x3FB4] =	sst s0;
	s0 =	simm.s32 @!p2 $0x0  }
0x16: {  	s3 =	sld [smem:$0x3FDB];
	s0 =	simm.s32 @p2 $0x1  }
0x17: {  	s4 =	simm.s32 $0x1BF5;
	[smem:$0x3FB6] =	sst s0  }
0x18: {  	s0 =	sld [smem:$0x3F99];
	_ =	swait.ge [sflag:s4], $0x0  }
0x19: {  	s7 =	sld [smem:$0x3F9A]  }
0x1a: {  	s8 =	sadd.s32 $0xFFFFE003, lr  }
0x1b: {  	s9 =	sadd.s32 $0xFFFFFEF7, lr;
	s5 =	simm.s32 $0xFFFFFFFF;
	p2 =	slt.u32 s8, $0xFFFFF086  }
0x1c: {  	p1 =	slt.u32 s9, $0xF7A;
	s5 =	simm.s32 @!p2 $0x0  }
0x1d: {  	s5 =	simm.s32 @p1 $0x1;
	p0 =	seq.s32 s7, s2  }
0x1e: {  	s7 =	smul.u32 @!p0 $0xF7A, s2;
	p2 =	seq.s32 @!p0 s5, $0x0  }
0x1f: {  	s9 =	smul.u32 $0xF7A, s1;
	s8 =	simm.s32 @!p0 $0x1BF5;
	p2 =	por !p2, p0  }
0x20: {  	[sflag:s8] =	ssyncset.s32 @!p0 $0xFFFFF086;
	s6 =	sadd.s32 @!p0 s3, s7;
	s7 =	simm.s32 @!p0 $0x108  }
0x21: {  	s3 =	sadd.s32 s3, s9;
	s6 =	sadd.s32 @!p0 $0x88, s6;
	s7 =	simm.s32 @p2 $0x1082  }
0x22: {  	[simem:s7], [sflag:s8] =	dma.local @!p0 [hbm:s6], $0xF7A  }
0x23: {  	s9 =	sor.u32 $0xD0000000, s2;
	s6 =	simm.s32 $0x108;
	_ =	swait.ge @!p0 [sflag:s8], $0x0  }
0x24: {  	s3 =	sadd.s32 $0x88, s3;
	s6 =	simm.s32 @!p1 $0x1082;
	[sflag:s4] =	ssyncset.s32 $0xFFFFF086  }
0x25: {  	[simem:s6], [sflag:s4] =	dma.local [hbm:s3], $0xF7A  }
0x26: {  	[smem:$0x3F9A] =	sst s1;
	(tag) =	ssettag s2;
	_ =	strace s9  }
0x27: {  	s1 =	sld [smem:$0x3FAA]  }
0x28: {  	s2 =	sld [smem:$0x3FAB]  }
0x29: {  	s4 =	sld [smem:$0x3FAD]  }
0x2a: {  	p0 =	seq.s32 s5, $0x0;
	s5 =	sld [smem:$0x3FAE]  }
0x2b: {  	s6 =	sld [smem:$0x3FAF]  }
0x2c: {  	s7 =	sld [smem:$0x3FB0]  }
0x2d: {  	s3 =	simm.s32 $0x108;
	s8 =	sld [smem:$0x3FB1]  }
0x2e: {  	s3 =	simm.s32 @!p0 $0x1082;
	s9 =	sld [smem:$0x3FB2]  }
0x2f: {  	lr =	sadd.s32 s0, s3;
	s0 =	sld [smem:$0x3FA9]  }
0x30: {  	s3 =	sld [smem:$0x3FAC]  }
0x31: {  	[smem:$0x3FB5] =	sst s10  }
0x32: {  	s10 =	sld [smem:$0x3FB3];
	_ =	sdelay $0x3  }
0x33: {  	p0 =	seq.s32 s10, $0x1;
	s10 =	sld [smem:$0x3FB5];
	_ =	sdelay $0x3  }
0x34: {  	[smem:$0x3FB5] =	sst s10  }
0x35: {  	s10 =	sld [smem:$0x3FB4];
	_ =	sdelay $0x3  }
0x36: {  	p1 =	seq.s32 s10, $0x1;
	s10 =	sld [smem:$0x3FB5];
	_ =	sdelay $0x3  }
0x37: {  	[smem:$0x3FB5] =	sst s10  }
0x38: {  	s10 =	sld [smem:$0x3FB6]  }
0x39: {  	_ = 	snop;
	(pc) =	sbr.ind lr, $3  }
0x3a: {  	_ = 	snop  }
0x3b: {  	_ = 	snop  }
0x3c: {  	p2 =	seq.s32 s10, $0x1;
	s10 =	sld [smem:$0x3FB5]  }
0x3d: {  	_ =	shalt  }
0x3e: {  	_ =	shalt  }
0x3f: {  	_ =	shalt  }
0x40: {  	_ =	shalt  }
0x41: {  	_ =	shalt  }
0x42: {  	_ =	shalt  }
0x43: {  	_ =	shalt  }
0x44: {  	_ =	shalt  }
0x45: {  	_ =	shalt  }
0x46: {  	_ =	shalt  }
0x47: {  	_ =	shalt  }
0x48: {  	_ =	shalt  }
0x49: {  	_ =	shalt  }
0x4a: {  	_ =	shalt  }
0x4b: {  	_ =	shalt  }
0x4c: {  	_ =	shalt  }
0x4d: {  	_ =	shalt  }
0x4e: {  	_ =	shalt  }
0x4f: {  	_ =	shalt  }
0x50: {  	_ =	shalt  }
0x51: {  	_ =	shalt  }
0x52: {  	_ =	shalt  }
0x53: {  	_ =	shalt  }
0x54: {  	_ =	shalt  }
0x55: {  	_ =	shalt  }
0x56: {  	_ =	shalt  }
0x57: {  	_ =	shalt  }
0x58: {  	_ =	shalt  }
0x59: {  	_ =	shalt  }
0x5a: {  	_ =	shalt  }
0x5b: {  	_ =	shalt  }
0x5c: {  	_ =	shalt  }
0x5d: {  	_ =	shalt  }
0x5e: {  	_ =	shalt  }
0x5f: {  	_ =	shalt  }
0x60: {  	_ =	shalt  }
0x61: {  	_ =	shalt  }
0x62: {  	_ =	shalt  }
0x63: {  	_ =	shalt  }
0x64: {  	_ =	shalt  }
0x65: {  	_ =	shalt  }
0x66: {  	_ =	shalt  }
0x67: {  	_ =	shalt  }
0x68: {  	_ =	shalt  }
0x69: {  	_ =	shalt  }
0x6a: {  	_ =	shalt  }
0x6b: {  	_ =	shalt  }
0x6c: {  	_ =	shalt  }
0x6d: {  	_ =	shalt  }
0x6e: {  	_ =	shalt  }
0x6f: {  	_ =	shalt  }
0x70: {  	_ =	shalt  }
0x71: {  	_ =	shalt  }
0x72: {  	_ =	shalt  }
0x73: {  	_ =	shalt  }
0x74: {  	_ =	shalt  }
0x75: {  	_ =	shalt  }
0x76: {  	_ =	shalt  }
0x77: {  	_ =	shalt  }
0x78: {  	_ =	shalt  }
0x79: {  	_ =	shalt  }
0x7a: {  	_ =	shalt  }
0x7b: {  	_ =	shalt  }
0x7c: {  	_ =	shalt  }
0x7d: {  	_ =	shalt  }
0x7e: {  	_ =	shalt  }
0x7f: {  	_ =	shalt  }
0x80: {  	_ =	shalt  }
0x81: {  	_ =	shalt  }
0x82: {  	_ =	shalt  }
0x83: {  	_ =	shalt  }
0x84: {  	_ =	shalt  }
0x85: {  	_ =	shalt  }
0x86: {  	_ =	shalt  }
0x87: {  	_ =	shalt  }
.Lfunc_end0:
.L_simem_size_0:
called_computation.1_lowered:
.L_overlay_start_0:
0x88: {  	s2 =	sld [smem:$0x3FD9]  }
0x89: {  	s3 =	sld [smem:$0x3FFE];
	_ =	sdelay $0x1  }
0x8a: {  	s1 =	srdreg.scid  }
0x8b: {  	s0 =	sand.u32 $0x1, s1  }
0x8c: {  	s17 =	sshll.u32 s0, $0xA;
	s2 =	sadd.s32 s3, s2  }
0x8d: {  	s2 =	sadd.s32 s2, s17  }
0x8e: {  	[smem:$0x3FC1] =	sst s2  }
0x8f: {  	_ = 	snop  }
0x90: {  	s2 =	sld [smem:$0x3FD0];
	(tm) =	ssettm $0x1  }
0x91: {  	s18 =	sld [smem:$0x3FFB];
	_ =	sdelay $0x3  }
0x92: {  	_ =	strace s18  }
0x93: {  	s3 =	sld [smem:$0x3FFC];
	_ =	sdelay $0x3  }
0x94: {  	_ =	strace s3  }
0x95: {  	s3 =	sld [smem:$0x3FFD];
	_ =	sdelay $0x3  }
0x96: {  	_ =	strace s3  }
0x97: {  	_ =	strace $0x8FFFFFFF  }
0x98: {  	s19 =	sld [smem:$0x3FDB];
	_ =	sdelay $0x1  }
0x99: {  	s4 =	simm.s32 $_scs_section_size  }
0x9a: {  	s5 =	simm.s32 $_size__tile_overlayer_lowered;
	s6 =	simm.s32 $_tile_overlayer_lowered  }
0x9b: {  	s22 =	simm.s32 $0x1BFF;
	s21 =	sshll.u32 s6, $0x1;
	s3 =	sadd.s32 s4, s19  }
0x9c: {  	s7 =	simm.s32 $0x0;
	s20 =	sshll.u32 s5, $0x1;
	s5 =	sadd.s32 s21, s3  }
0x9d: {  	[timem:s7], [sflag:s22] =	dma.local [hbm:s5], s20  }
0x9e: {  	_ =	swait.ge [sflag:s22], s20  }
0x9f: {  	s4 =	ssub.s32 $0x0, s20;
	[sflag:s22] =	ssyncset.done $0x0  }
0xa0: {  	[sflag:s22] =	ssyncadd.s32 s4;
	_ =	sdelay $0x1  }
0xa1: {  	s23 =	simm.s32 $0x1B8B  }
0xa2: {  	_ =	swait.ge [sflag:s23], $0x1  }
0xa3: {  	[sflag:s23] =	ssyncset.done $0x0  }
0xa4: {  	s25 =	simm.s32 $0x1B8E;
	s24 =	sld [smem:$0x3FFE];
	[sflag:s23] =	ssyncadd.s32 $0xFFFFFFFF  }
0xa5: {  	s26 =	simm.s32 $execute0_lowered;
	[smem:$0x3FD2] =	sst s25  }
0xa6: {  	s5 =	sshll.u32 s26, $0x1;
	_ =	strace $0x80000049;
	[dreg:$0x1] =	wrdreg $0xFFFFFFFF  }
0xa7: {  	s28 =	simm.s32 $_size_execute0_lowered;
	s3 =	sadd.s32 s3, s5;
	[dreg:$0x0] =	wrdreg $0x0  }
0xa8: {  	s5 =	sshll.u32 s28, $0x1;
	[dreg:$0x2] =	wrdreg s3  }
0xa9: {  	[dreg:$0x3] =	wrdreg s5  }
0xaa: {  	[dreg:$0x4] =	wrdreg $0xC0  }
0xab: {  	_ =	task [dreg:s7], $0x5FFFF  }
0xac: {  	[dreg:$0x1] =	wrdreg $0xFFFFFFFF  }
0xad: {  	[dreg:$0x0] =	wrdreg $0x60  }
0xae: {  	[dreg:$0x2] =	wrdreg s2  }
0xaf: {  	[dreg:$0x3] =	wrdreg s24  }
0xb0: {  	[dreg:$0x4] =	wrdreg $0xBB000  }
0xb1: {  	[dreg:$0x5] =	wrdreg $0x9  }
0xb2: {  	_ =	task.clear_ibuf [dreg:s7], $0x6FFFF;
	_ =	strace $0x90000049  }
0xb3: {  	s29 =	simm.s32 $0x9;
	_ =	strace $0x8000004B  }
0xb4: {  	_ =	swait.ge [sflag:s29], $0x1  }
0xb5: {  	[sflag:s29] =	ssyncadd.s32 $0xFFFFFFFF  }
0xb6: {  	_ =	strace $0x9000004B  }
0xb7: {  	_ =	sfence  }
0xb8: {  	s30 =	sld [smem:$0x0];
	_ =	sdelay $0x2  }
0xb9: {  	s31 =	sshll.u32 s1, $0xD;
	s1 =	sshrl.u32 s1, $0x2  }
0xba: {  	s3 =	sand.u32 $0x4000, s31;
	s1 =	sadd.s32 s1, s30  }
0xbb: {  	s0 =	sor.u32 s3, s0;
	s1 =	sshll.u32 s1, $0x11  }
0xbc: {  	s0 =	sor.u32 s1, s0  }
0xbd: {  	s0 =	sadd.s32 $0x8F2B, s0  }
0xbe: {  	[sflag:s0] =	ssyncadd.remote.s32 $0x1  }
0xbf: {  	_ =	sfence.sel $0xFFFF  }
0xc0: {  	[dreg:$0x0] =	wrdreg $0xFFFFFFFF;
	(pc) =	sbr.abs _section_cstart, $3  }
0xc1: {  	[dreg:$0x1] =	wrdreg $0xFFFFFFFF  }
0xc2: {  	_ =	task.clear_ibuf [dreg:s7], $0x2FFFF;
	_ =	strace $0x9FFFFFFF  }
0xc3: {  	(tm) =	ssettm $0x7FFFFFFF  }
tec
execute0_lowered:
.L_overlay_start_1:
0x0: {  	(tag) =	ssettag $0x1  }
0x1: {  	s1 =	rddreg [dreg:$0x0]  }
0x2: {  	s0 =	rddreg [dreg:$0x1]  }
0x3: {  	s3 =	rddreg [dreg:$0x2];
	s4 =	simm.s32 $0x0;
	s2 =	srdreg.scid  }
0x4: {  	s13 =	stileid.u32;
	s28 =	simm.s32 $0x4300;
	s29 =	simm.s32 $0x4100  }
0x5: {  	s30 =	simm.s32 $0x4280;
	s31 =	simm.s32 $0x2;
	[smem:$0x7FF] =	sst s4  }
0x6: {  	s2 =	sand.u32 $0x1, s2;
	s5 =	sshll.u32 s13, $0x1;
	s9 =	smul.u32 $0x14000, s13  }
0x7: {  	s11 =	sadd.s32 $0x1C600, s0;
	s18 =	smul.u32 $0x50000, s13;
	s26 =	sshll.u32 s13, $0x6  }
0x8: {  	s13 =	simm.s32 $0x9;
	_ =	strace $0x8000004A;
	s7 =	sor.u32 s2, s5  }
0x9: {  	s8 =	smul.u32 $0x140000, s2;
	s5 =	sadd.s32 $0x6EE00, s0;
	[dreg:$0x4] =	wrdreg s11  }
0xa: {  	s2 =	ssub.s32 $0x2, s2;
	s16 =	sor.u32 $0x1C0A, s26;
	s26 =	simm.s32 $0x50  }
0xb: {  	s6 =	sshll.u32 s7, $0xB;
	s12 =	sshrl.u32 s2, $0x1;
	s20 =	sshrl.u32 s18, $0x2  }
0xc: {  	s18 =	simm.s32 $0x0;
	[dreg:$0xc] =	wrdreg s16;
	s10 =	sadd.s32 s6, s0  }
0xd: {  	s6 =	sadd.s32 $0x12800, s0;
	s8 =	sadd.s32 s9, s8;
	s2 =	ssub.s32 s2, s12  }
0xe: {  	s12 =	simm.s32 $0xA;
	s19 =	sshrl.u32 s8, $0x3;
	s8 =	smul.u32 $0x2760, s7  }
0xf: {  	s21 =	sadd.s32 $0x2800, s10;
	s7 =	sadd.s32 s20, s3;
	s2 =	smax.u32 s2, $0x1  }
0x10: {  	s10 =	simm.s32 $0x6;
	s0 =	sadd.s32 s19, s0;
	[dreg:$0x5] =	wrdreg s21  }
0x11: {  	[dreg:$0xb] =	wrdreg s2;
	s17 =	sshrl.u32 s7, $0x3;
	s2 =	simm.s32 $0x4  }
0x12: {  	s7 =	simm.s32 $0x3;
	s21 =	simm.s32 $0x9300;
	s22 =	sshrl.u32 s8, $0x3  }
0x13: {  	s14 =	sadd.s32 $0xF0, s8;
	s0 =	sadd.s32 $0x1EE00, s0;
	[dreg:$0xd] =	wrdreg s17  }
0x14: {  	s15 =	sadd.s32 $0x140, s8;
	s23 =	sadd.s32 s5, s22;
	[dreg:$0xa] =	wrdreg s0  }
0x15: {  	s24 =	sadd.s32 s6, s22;
	s9 =	sadd.s32 $0xA, s22;
	[dreg:$0x6] =	wrdreg s23  }
0x16: {  	s22 =	simm.s32 $0x4180;
	[dreg:$0x7] =	wrdreg s24;
	s25 =	sadd.s32 s5, s9  }
0x17: {  	s0 =	simm.s32 $0x6B00;
	s9 =	sadd.s32 s6, s9;
	[dreg:$0x8] =	wrdreg s25  }
0x18: {  	s24 =	simm.s32 $0x4200;
	[dreg:$0x9] =	wrdreg s9;
	s9 =	simm.s32 $0x5  }
.LBB2_1:
0x19: {  	[dreg:$0xe] =	wrdreg s18  }
0x1a: {  	s11 =	rddreg [dreg:$0x5]  }
0x1b: {  	[tilespmem:s4], [sflag:$0xA] =	stream.linear.gather [hbm4b:s11+s4], $0x3F00, $0x38;
	[tilespmem:$0x1FB00] =	vst v63  }
0x1c: {  	_ =	swait.ge [sflag:s12], $0x3F00  }
0x1d: {  	[sflag:s12] =	ssyncset.done $0x0  }
0x1e: {  	s25 =	rddreg [dreg:$0x4];
	[sflag:s12] =	ssyncadd.s32 $0xFFFFC100  }
0x1f: {  	[spmem:s17], [sflag:s16] =	dma.local [hbm:s25], $0x2800  }
0x20: {  	_ =	swait.ge [sflag:s12], $0x2800  }
0x21: {  	[sflag:s12] =	ssyncset.done $0x0  }
0x22: {  	[sflag:s12] =	ssyncadd.s32 $0xFFFFD800  }
0x23: {  	[bflag:$0x0] =	sbarrier.arrive $0xFFFF  }
0x24: {  	s17 =	simm.s32 $0x4000;
	s16 =	rddreg [dreg:$0x6]  }
0x25: {  	[tilespmem:s17], [sflag:$0x1] =	stream.linear.gather [hbm4b:s16+s4], $0x50, $0x38;
	[tilespmem:$0x1FB00] =	vst v63  }
0x26: {  	s18 =	rddreg [dreg:$0x7]  }
0x27: {  	[tilespmem:s22], [sflag:$0x1] =	stream.linear.gather [hbm4b:s18+s4], $0x50, $0x38;
	[tilespmem:$0x1FB00] =	vst v63  }
0x28: {  	s20 =	simm.s32 $0x4080;
	s19 =	rddreg [dreg:$0x8]  }
0x29: {  	[tilespmem:s20], [sflag:$0x2] =	stream.linear.gather [hbm4b:s19+s4], $0x50, $0x38;
	[tilespmem:$0x1FB00] =	vst v63  }
0x2a: {  	s25 =	simm.s32 $0x1;
	s23 =	rddreg [dreg:$0x9]  }
0x2b: {  	[tilespmem:s24], [sflag:$0x2] =	stream.linear.gather [hbm4b:s23+s4], $0x50, $0x38;
	[tilespmem:$0x1FB00] =	vst v63  }
0x2c: {  	_ =	swait.ge [sflag:s25], $0x50  }
0x2d: {  	[sflag:s25] =	ssyncset.done $0x0  }
0x2e: {  	[sflag:s25] =	ssyncadd.s32 $0xFFFFFFB0  }
0x2f: {  	_ =	swait.ge [sflag:s25], $0x50  }
0x30: {  	[sflag:s25] =	ssyncset.done $0x0  }
0x31: {  	[sflag:s25] =	ssyncadd.s32 $0xFFFFFFB0  }
0x32: {  	[tilespmem:s28], [sflag:$0x4] =	stream.indirect.gather [hbm4b:s1+s26], $0x80, s17, s26, $0xb8;
	[tilespmem:$0x1FB00] =	vst v63  }
0x33: {  	s17 =	simm.s32 $0x0  }
.LBB2_2:
0x34: {  	s11 =	smul.u32 $0x3, s17;
	_ =	sdelay $0x1  }
0x35: {  	s11 =	sadd.s32 $0x2, s11  }
0x36: {  	s12 =	smul.u32 $0x50, s11;
	_ =	sdelay $0x1  }
0x37: {  	s12 =	sadd.s32 s8, s12  }
0x38: {  	s12 =	sshrl.u32 s12, $0x3  }
0x39: {  	s16 =	sadd.s32 s5, s12  }
0x3a: {  	[tilespmem:s29], [sflag:$0x3] =	stream.linear.gather [hbm4b:s16+s4], $0x50, $0x38;
	[tilespmem:$0x1FB00] =	vst v63  }
0x3b: {  	p0 =	seq.s32 s17, $0x0;
	s12 =	sadd.s32 s6, s12  }
0x3c: {  	[tilespmem:s30], [sflag:$0x3] =	stream.linear.gather [hbm4b:s12+s4], $0x50, $0x38;
	[tilespmem:$0x1FB00] =	vst v63  }
0x3d: {  	s12 =	simm.s32 @!p0 $0x8  }
0x3e: {  	_ =	swait.ge @!p0 [sflag:s12], $0x2800  }
0x3f: {  	[sflag:s12] =	ssyncset.done @!p0 $0x0  }
0x40: {  	[sflag:s12] =	ssyncadd.s32 @!p0 $0xFFFFD800  }
0x41: {  	_ =	swait.ge [sflag:s31], $0x50  }
0x42: {  	s25 =	simm.s32 $0x0;
	[sflag:s31] =	ssyncset.done $0x0  }
0x43: {  	v0 =	vmov s25;
	s16 =	simm.s32 $0x2;
	[sflag:s31] =	ssyncadd.s32 $0xFFFFFFB0  }
0x44: {  	v0 =	vand.u32 $0xFFFFFFFC, v0;
	v1 =	vmov s16;
	_ =	swait.ge [sflag:s31], $0x50  }
0x45: {  	v0 =	vbroadcast v0, $0x0;
	v1 =	vand.u32 $0xFFFFFFFE, v1;
	[sflag:s31] =	ssyncset.done $0x0  }
0x46: {  	s18 =	simm.s32 $0x4080;
	v1 =	vbroadcast v1, $0x0;
	[sflag:s31] =	ssyncadd.s32 $0xFFFFFFB0  }
0x47: {  	[tilespmem:s0], [sflag:$0x5] =	stream.indirect.gather [hbm4b:s1+s26], $0x80, s18, s26, $0xb8;
	[tilespmem:$0x1FB00] =	vst v63  }
0x48: {  	_ =	swait.ge [sflag:s2], $0x2800  }
0x49: {  	[sflag:s2] =	ssyncset.done $0x0  }
0x4a: {  	[sflag:s2] =	ssyncadd.s32 $0xFFFFD800  }
0x4b: {  	v0 =	vld.idx.msk [tilespmem:v0+s22+$0x0], $0xffff  }
0x4c: {  	s19 =	simm.s32 $0x1;
	s12 =	simm.s32 $0x4400;
	v1 =	vld.idx.msk [tilespmem:v1+s22+$0x0], $0xffff  }
0x4d: {  	v2 =	vmov s19;
	v3 =	vld [tilespmem:s12+$0x70]  }
0x4e: {  	v2 =	vand.u32 $0xFFFFFFFD, v2;
	v4 =	vld [tilespmem:s12+$0xFFFFFF00]  }
0x4f: {  	v2 =	vbroadcast v2, $0x0;
	v5 =	vld [tilespmem:s12+$0xFFFFFF10]  }
0x50: {  	v6 =	vld [tilespmem:s12+$0xFFFFFF20]  }
0x51: {  	v7 =	vld [tilespmem:s12+$0xFFFFFF30]  }
0x52: {  	v8 =	vld [tilespmem:s12+$0xFFFFFF40]  }
0x53: {  	v9 =	vld [tilespmem:s12+$0xFFFFFF50]  }
0x54: {  	v10 =	vld [tilespmem:s12+$0xFFFFFF60];
	v4 =	vmul.f32 v4, v0  }
0x55: {  	v2 =	vld.idx.msk [tilespmem:v2+s22+$0x0], $0xffff;
	v3 =	vmul.f32 v3, v1  }
0x56: {  	v12 =	vld [tilespmem:s12+$0x40];
	[tilespmem:s12+$0xFFFFFF00] =	vst v4;
	v4 =	vmul.f32 v5, v0  }
0x57: {  	v5 =	vld [tilespmem:s12+$0xFFFFFF70];
	[tilespmem:s12+$0x70] =	vst v3;
	v3 =	vmul.f32 v6, v0  }
0x58: {  	v6 =	vld [tilespmem:s12+$0xFFFFFF80];
	[tilespmem:s12+$0xFFFFFF10] =	vst v4;
	v4 =	vmul.f32 v7, v0  }
0x59: {  	v7 =	vld [tilespmem:s12+$0xFFFFFF90];
	[tilespmem:s12+$0xFFFFFF20] =	vst v3;
	v3 =	vmul.f32 v8, v0  }
0x5a: {  	v8 =	vld [tilespmem:s12+$0xFFFFFFA0];
	[tilespmem:s12+$0xFFFFFF30] =	vst v4;
	v4 =	vmul.f32 v9, v0  }
0x5b: {  	v9 =	vld [tilespmem:s12+$0xFFFFFFB0];
	[tilespmem:s12+$0xFFFFFF40] =	vst v3;
	v3 =	vmul.f32 v10, v0  }
0x5c: {  	v10 =	vld [tilespmem:s12+$0xFFFFFFC0];
	v5 =	vmul.f32 v5, v0;
	[tilespmem:s12+$0xFFFFFF50] =	vst v4  }
0x5d: {  	v4 =	vmul.f32 v6, v2;
	v6 =	vld [tilespmem:s12+$0xFFFFFFD0];
	[tilespmem:s12+$0xFFFFFF60] =	vst v3  }
0x5e: {  	s20 =	simm.s32 $0x3;
	v3 =	vld [tilespmem:s12+$0xFFFFFFE0];
	v7 =	vmul.f32 v7, v2;
	[tilespmem:s12+$0xFFFFFF70] =	vst v5  }
0x5f: {  	v11 =	vmov s20;
	v5 =	vld [tilespmem:s12+$0xFFFFFFF0];
	[tilespmem:s12+$0xFFFFFF80] =	vst v4;
	v4 =	vmul.f32 v8, v2  }
0x60: {  	v8 =	vld [tilespmem:s12+$0x0];
	[tilespmem:s12+$0xFFFFFF90] =	vst v7;
	v7 =	vmul.f32 v9, v2  }
0x61: {  	v9 =	vld [tilespmem:s12+$0x10];
	[tilespmem:s12+$0xFFFFFFA0] =	vst v4;
	v4 =	vmul.f32 v10, v2  }
0x62: {  	[tilespmem:s12+$0xFFFFFFB0] =	vst v7;
	v6 =	vmul.f32 v6, v2;
	v7 =	vld [tilespmem:s12+$0x20]  }
0x63: {  	v10 =	vld [tilespmem:s12+$0x30];
	v3 =	vmul.f32 v3, v2;
	[tilespmem:s12+$0xFFFFFFC0] =	vst v4  }
0x64: {  	v0 =	vld.idx.msk [tilespmem:v11+s22+$0x0], $0xffff;
	v2 =	vmul.f32 v5, v2;
	[tilespmem:s12+$0xFFFFFFD0] =	vst v6  }
0x65: {  	[tilespmem:s12+$0xFFFFFFE0] =	vst v3;
	v4 =	vmul.f32 v8, v1;
	v3 =	vld [tilespmem:s12+$0x50]  }
0x66: {  	s23 =	simm.s32 $0x4;
	[tilespmem:s12+$0xFFFFFFF0] =	vst v2;
	v5 =	vmul.f32 v9, v1;
	v2 =	vld [tilespmem:s12+$0x60]  }
0x67: {  	s25 =	simm.s32 $0x7;
	v6 =	vmov s23;
	[tilespmem:s12+$0x0] =	vst v4;
	v8 =	vmul.f32 v7, v1;
	v7 =	vld [tilespmem:s12+$0x80]  }
0x68: {  	s18 =	simm.s32 $0x5;
	v11 =	vand.u32 $0xFFFFFFFC, v6;
	v6 =	vld [tilespmem:s12+$0x90];
	v4 =	vmov s25;
	v9 =	vmul.f32 v10, v1;
	[tilespmem:s12+$0x10] =	vst v5  }
0x69: {  	s20 =	simm.s32 $0x8;
	s19 =	simm.s32 $0x4400;
	v10 =	vmul.f32 v12, v1;
	v5 =	vbroadcast v11, $0x0;
	v11 =	vmov s18;
	s18 =	simm.s32 $0x6;
	[tilespmem:s12+$0x20] =	vst v8;
	v8 =	vld [tilespmem:s12+$0xA0]  }
.LBB2_3:
0x6a: {  	p0 =	slt.u32 s20, $0x4C;
	v11 =	vand.u32 $0xFFFFFFFD, v11;
	v12 =	vmov s18;
	[tilespmem:s12+$0x30] =	vst v9;
	v3 =	vmul.f32 v3, v1;
	v9 =	vld [tilespmem:s12+$0xB0]  }
0x6b: {  	v11 =	vbroadcast v11, $0x0;
	v12 =	vand.u32 $0xFFFFFFFE, v12;
	[tilespmem:s12+$0x40] =	vst v10;
	v1 =	vmul.f32 v2, v1;
	v2 =	vld [tilespmem:s12+$0xC0]  }
0x6c: {  	v10 =	vbroadcast v12, $0x0;
	[tilespmem:s12+$0x50] =	vst v3;
	v3 =	vmul.f32 v7, v0;
	v7 =	vld [tilespmem:s12+$0xD0]  }
0x6d: {  	[tilespmem:s12+$0x60] =	vst v1;
	v1 =	vmul.f32 v6, v0;
	v6 =	vld [tilespmem:s12+$0xE0]  }
0x6e: {  	[tilespmem:s12+$0x80] =	vst v3;
	v3 =	vmul.f32 v8, v0;
	v8 =	vld [tilespmem:s12+$0xF0]  }
0x6f: {  	v4 =	vld.idx.msk [tilespmem:v4+s22+$0x0], $0xffff;
	[tilespmem:s12+$0x90] =	vst v1;
	v1 =	vmul.f32 v9, v0  }
0x70: {  	v5 =	vld.idx.msk [tilespmem:v5+s22+$0x0], $0xffff;
	[tilespmem:s12+$0xA0] =	vst v3;
	v2 =	vmul.f32 v2, v0  }
0x71: {  	v3 =	vld.idx.msk [tilespmem:v11+s22+$0x0], $0xffff;
	[tilespmem:s12+$0xB0] =	vst v1;
	v7 =	vmul.f32 v7, v0  }
0x72: {  	s12 =	sadd.s32 $0x200, s12;
	v1 =	vld.idx.msk [tilespmem:v10+s22+$0x0], $0xffff;
	[tilespmem:s19+$0xC0] =	vst v2;
	v2 =	vmul.f32 v6, v0  }
0x73: {  	v6 =	vld [tilespmem:s12+$0x70];
	[tilespmem:s19+$0xD0] =	vst v7;
	v8 =	vmul.f32 v8, v0  }
0x74: {  	v7 =	vld [tilespmem:s12+$0xFFFFFF00];
	[tilespmem:s19+$0xE0] =	vst v2  }
0x75: {  	v0 =	vmov v4;
	v2 =	vld [tilespmem:s12+$0xFFFFFF10];
	[tilespmem:s19+$0xF0] =	vst v8;
	s19 =	smov.u32 s12  }
0x76: {  	v4 =	vld [tilespmem:s12+$0xFFFFFF20]  }
0x77: {  	v8 =	vld [tilespmem:s12+$0xFFFFFF30]  }
0x78: {  	v9 =	vld [tilespmem:s12+$0xFFFFFF40];
	v6 =	vmul.f32 v6, v1  }
0x79: {  	v7 =	vmul.f32 v7, v5;
	v10 =	vld [tilespmem:s12+$0xFFFFFF50]  }
0x7a: {  	v2 =	vmul.f32 v2, v5;
	v11 =	vld [tilespmem:s12+$0xFFFFFF60];
	[tilespmem:s12+$0x70] =	vst v6  }
0x7b: {  	[tilespmem:s12+$0xFFFFFF00] =	vst v7;
	v4 =	vmul.f32 v4, v5;
	v6 =	vld [tilespmem:s12+$0xFFFFFF70]  }
0x7c: {  	[tilespmem:s12+$0xFFFFFF10] =	vst v2;
	v2 =	vmul.f32 v8, v5;
	v7 =	vld [tilespmem:s12+$0xFFFFFF80]  }
0x7d: {  	[tilespmem:s12+$0xFFFFFF20] =	vst v4;
	v4 =	vmul.f32 v9, v5;
	v8 =	vld [tilespmem:s12+$0xFFFFFF90]  }
0x7e: {  	[tilespmem:s12+$0xFFFFFF30] =	vst v2;
	v2 =	vmul.f32 v10, v5;
	v9 =	vld [tilespmem:s12+$0xFFFFFFA0]  }
0x7f: {  	[tilespmem:s12+$0xFFFFFF40] =	vst v4;
	v4 =	vmul.f32 v11, v5;
	v10 =	vld [tilespmem:s12+$0xFFFFFFB0]  }
0x80: {  	[tilespmem:s12+$0xFFFFFF50] =	vst v2;
	v2 =	vmul.f32 v6, v5;
	v5 =	vld [tilespmem:s12+$0xFFFFFFC0]  }
0x81: {  	[tilespmem:s12+$0xFFFFFF60] =	vst v4;
	v4 =	vmul.f32 v7, v3;
	v6 =	vld [tilespmem:s12+$0xFFFFFFD0]  }
0x82: {  	[tilespmem:s12+$0xFFFFFF70] =	vst v2;
	v2 =	vmul.f32 v8, v3;
	v7 =	vld [tilespmem:s12+$0xFFFFFFE0]  }
0x83: {  	[tilespmem:s12+$0xFFFFFF80] =	vst v4;
	v4 =	vmul.f32 v9, v3;
	v8 =	vld [tilespmem:s12+$0xFFFFFFF0]  }
0x84: {  	[tilespmem:s12+$0xFFFFFF90] =	vst v2;
	v2 =	vmul.f32 v10, v3;
	v9 =	vld [tilespmem:s12+$0x0]  }
0x85: {  	[tilespmem:s12+$0xFFFFFFA0] =	vst v4;
	v4 =	vmul.f32 v5, v3;
	v5 =	vld [tilespmem:s12+$0x10]  }
0x86: {  	[tilespmem:s12+$0xFFFFFFB0] =	vst v2;
	v2 =	vmul.f32 v6, v3;
	v6 =	vld [tilespmem:s12+$0x20]  }
0x87: {  	[tilespmem:s12+$0xFFFFFFC0] =	vst v4;
	v4 =	vmul.f32 v7, v3;
	v10 =	vld [tilespmem:s12+$0x30]  }
0x88: {  	[tilespmem:s12+$0xFFFFFFD0] =	vst v2;
	v2 =	vmul.f32 v8, v3;
	v8 =	vld [tilespmem:s12+$0x40]  }
.Ltmp0:
0x89: {  	[tilespmem:s12+$0xFFFFFFE0] =	vst v4;
	v4 =	vmul.f32 v9, v1;
	v3 =	vld [tilespmem:s12+$0x50];
	(pc) =	sbr.rel @p0 .LBB2_3-.Ltmp0, $4  }
0x8a: {  	[tilespmem:s12+$0xFFFFFFF0] =	vst v2;
	v5 =	vmul.f32 v5, v1;
	v2 =	vld [tilespmem:s12+$0x60]  }
0x8b: {  	s16 =	sadd.s32 $0x3, s20;
	v9 =	vmov s20;
	[tilespmem:s12+$0x0] =	vst v4;
	v12 =	vmul.f32 v6, v1;
	v7 =	vld [tilespmem:s12+$0x80]  }
0x8c: {  	s18 =	sadd.s32 $0x1, s20;
	v11 =	vand.u32 $0xFFFFFFFC, v9;
	v4 =	vmov s16;
	[tilespmem:s12+$0x10] =	vst v5;
	v9 =	vmul.f32 v10, v1;
	v6 =	vld [tilespmem:s12+$0x90]  }
0x8d: {  	v5 =	vbroadcast v11, $0x0;
	v11 =	vmov s18;
	s18 =	sadd.s32 $0x2, s20;
	s20 =	sadd.s32 $0x4, s20;
	[tilespmem:s12+$0x20] =	vst v12;
	v10 =	vmul.f32 v8, v1;
	v8 =	vld [tilespmem:s12+$0xA0]  }
0x8e: {  	v12 =	vld [tilespmem:s12+$0xB0]  }
0x8f: {  	v14 =	vld [tilespmem:s12+$0xC0]  }
0x90: {  	v13 =	vmov s18;
	v15 =	vld [tilespmem:s12+$0xD0]  }
0x91: {  	v16 =	vld [tilespmem:s12+$0xE0];
	[tilespmem:s12+$0x30] =	vst v9;
	v3 =	vmul.f32 v3, v1;
	v13 =	vand.u32 $0xFFFFFFFE, v13  }
0x92: {  	v11 =	vand.u32 $0xFFFFFFFD, v11;
	v4 =	vld.idx.msk [tilespmem:v4+s22+$0x0], $0xffff;
	[tilespmem:s12+$0x40] =	vst v10;
	v1 =	vmul.f32 v2, v1;
	v13 =	vbroadcast v13, $0x0  }
0x93: {  	s25 =	sadd.s32 $0x200, s12;
	v11 =	vbroadcast v11, $0x0;
	v2 =	vld.idx.msk [tilespmem:v5+s22+$0x0], $0xffff;
	v7 =	vmul.f32 v7, v0;
	[tilespmem:s12+$0x50] =	vst v3  }
0x94: {  	v9 =	vld [tilespmem:s25+$0xFFFFFF00];
	v3 =	vmul.f32 v6, v0;
	[tilespmem:s12+$0x60] =	vst v1  }
0x95: {  	[tilespmem:s12+$0x80] =	vst v7;
	v7 =	vld [tilespmem:s12+$0xF0];
	v1 =	vmul.f32 v8, v0  }
0x96: {  	v10 =	vld [tilespmem:s25+$0xFFFFFF10];
	[tilespmem:s12+$0x90] =	vst v3;
	v3 =	vmul.f32 v12, v0  }
0x97: {  	v8 =	vld [tilespmem:s25+$0x70];
	[tilespmem:s12+$0xA0] =	vst v1;
	v1 =	vmul.f32 v14, v0  }
0x98: {  	[tilespmem:s12+$0xB0] =	vst v3;
	v3 =	vmul.f32 v15, v0;
	v6 =	vld.idx.msk [tilespmem:v13+s22+$0x0], $0xffff  }
0x99: {  	v5 =	vld.idx.msk [tilespmem:v11+s22+$0x0], $0xffff;
	[tilespmem:s19+$0xC0] =	vst v1;
	v1 =	vmul.f32 v16, v0  }
0x9a: {  	v11 =	vld [tilespmem:s25+$0xFFFFFF20];
	[tilespmem:s19+$0xD0] =	vst v3;
	v0 =	vmul.f32 v7, v0  }
0x9b: {  	v3 =	vld [tilespmem:s25+$0xFFFFFF30];
	[tilespmem:s19+$0xE0] =	vst v1  }
0x9c: {  	v1 =	vld [tilespmem:s25+$0xFFFFFF40];
	[tilespmem:s19+$0xF0] =	vst v0;
	v0 =	vmul.f32 v9, v2  }
0x9d: {  	v7 =	vmul.f32 v8, v6;
	v8 =	vld [tilespmem:s25+$0xFFFFFF50]  }
0x9e: {  	v9 =	vmul.f32 v10, v2;
	v10 =	vld [tilespmem:s25+$0xFFFFFF60];
	[tilespmem:s25+$0xFFFFFF00] =	vst v0  }
0x9f: {  	v0 =	vmul.f32 v11, v2;
	[tilespmem:s25+$0x70] =	vst v7;
	v7 =	vld [tilespmem:s25+$0xFFFFFF70]  }
0xa0: {  	[tilespmem:s25+$0xFFFFFF10] =	vst v9;
	v9 =	vld [tilespmem:s25+$0xFFFFFF80];
	v3 =	vmul.f32 v3, v2  }
0xa1: {  	[tilespmem:s25+$0xFFFFFF20] =	vst v0;
	v0 =	vmul.f32 v1, v2;
	v1 =	vld [tilespmem:s25+$0xFFFFFF90]  }
0xa2: {  	[tilespmem:s25+$0xFFFFFF30] =	vst v3;
	v3 =	vmul.f32 v8, v2;
	v8 =	vld [tilespmem:s25+$0xFFFFFFA0]  }
0xa3: {  	[tilespmem:s25+$0xFFFFFF40] =	vst v0;
	v0 =	vmul.f32 v10, v2;
	v10 =	vld [tilespmem:s25+$0xFFFFFFB0]  }
0xa4: {  	[tilespmem:s25+$0xFFFFFF50] =	vst v3;
	v2 =	vmul.f32 v7, v2;
	v3 =	vld [tilespmem:s25+$0xFFFFFFC0]  }
0xa5: {  	[tilespmem:s25+$0xFFFFFF60] =	vst v0;
	v0 =	vmul.f32 v9, v5;
	v7 =	vld [tilespmem:s25+$0xFFFFFFD0]  }
0xa6: {  	v1 =	vmul.f32 v1, v5;
	[tilespmem:s25+$0xFFFFFF70] =	vst v2;
	v2 =	vld [tilespmem:s25+$0xFFFFFFE0]  }
0xa7: {  	[tilespmem:s25+$0xFFFFFF80] =	vst v0;
	v0 =	vmul.f32 v8, v5;
	v8 =	vld [tilespmem:s25+$0xFFFFFFF0]  }
0xa8: {  	v9 =	vld [tilespmem:s25+$0x0];
	[tilespmem:s25+$0xFFFFFF90] =	vst v1;
	v1 =	vmul.f32 v10, v5  }
0xa9: {  	[tilespmem:s25+$0xFFFFFFA0] =	vst v0;
	v0 =	vmul.f32 v3, v5;
	v3 =	vld [tilespmem:s25+$0x10]  }
0xaa: {  	[tilespmem:s25+$0xFFFFFFB0] =	vst v1;
	v1 =	vmul.f32 v7, v5;
	v7 =	vld [tilespmem:s25+$0x20]  }
0xab: {  	[tilespmem:s25+$0xFFFFFFC0] =	vst v0;
	v0 =	vmul.f32 v2, v5;
	v2 =	vld [tilespmem:s25+$0x30]  }
0xac: {  	[tilespmem:s25+$0xFFFFFFD0] =	vst v1;
	v1 =	vmul.f32 v8, v5;
	v5 =	vld [tilespmem:s25+$0x40]  }
0xad: {  	v8 =	vld [tilespmem:s25+$0x50];
	[tilespmem:s25+$0xFFFFFFE0] =	vst v0;
	v0 =	vmul.f32 v9, v6  }
0xae: {  	[tilespmem:s25+$0xFFFFFFF0] =	vst v1;
	v1 =	vmul.f32 v3, v6;
	v3 =	vld [tilespmem:s25+$0x60]  }
0xaf: {  	[tilespmem:s25+$0x0] =	vst v0;
	v0 =	vmul.f32 v7, v6;
	v7 =	vld [tilespmem:s25+$0x80]  }
0xb0: {  	[tilespmem:s25+$0x10] =	vst v1;
	v1 =	vmul.f32 v2, v6;
	v2 =	vld [tilespmem:s25+$0x90]  }
0xb1: {  	[tilespmem:s25+$0x20] =	vst v0;
	v0 =	vmul.f32 v5, v6;
	v5 =	vld [tilespmem:s25+$0xA0]  }
0xb2: {  	[tilespmem:s25+$0x30] =	vst v1;
	v1 =	vmul.f32 v8, v6;
	v8 =	vld [tilespmem:s25+$0xB0]  }
0xb3: {  	[tilespmem:s25+$0x40] =	vst v0;
	v0 =	vmul.f32 v3, v6;
	v3 =	vld [tilespmem:s25+$0xC0]  }
0xb4: {  	v6 =	vld [tilespmem:s25+$0xD0];
	[tilespmem:s25+$0x50] =	vst v1;
	v1 =	vmul.f32 v7, v4  }
0xb5: {  	[tilespmem:s25+$0x60] =	vst v0;
	v0 =	vmul.f32 v2, v4;
	v2 =	vld [tilespmem:s25+$0xE0]  }
0xb6: {  	[tilespmem:s25+$0x80] =	vst v1;
	v1 =	vmul.f32 v5, v4;
	v5 =	vld [tilespmem:s25+$0xF0]  }
0xb7: {  	[tilespmem:s25+$0x90] =	vst v0;
	v0 =	vmul.f32 v8, v4  }
0xb8: {  	[tilespmem:s25+$0xA0] =	vst v1;
	v1 =	vmul.f32 v3, v4  }
0xb9: {  	s16 =	smul.u32 $0x600, s17;
	p0 =	seq.s32 s17, $0x29;
	[tilespmem:s25+$0xB0] =	vst v0;
	v0 =	vmul.f32 v6, v4  }
0xba: {  	s12 =	smul.u32 @!p0 $0xF0, s17;
	[tilespmem:s25+$0xC0] =	vst v1;
	v1 =	vmul.f32 v2, v4  }
0xbb: {  	[tilespmem:s25+$0xD0] =	vst v0;
	v0 =	vmul.f32 v5, v4  }
0xbc: {  	s19 =	sshra.s32 s16, $0x2;
	s16 =	sadd.s32 @!p0 s12, s14;
	[tilespmem:s25+$0xE0] =	vst v1  }
0xbd: {  	s20 =	simm.s32 @!p0 $0x0;
	s16 =	sshrl.u32 @!p0 s16, $0x3;
	[tilespmem:s25+$0xF0] =	vst v0  }
0xbe: {  	[spmem:s3] =	stream.indirect.scatter.add.f32 [tilespmem:s28], [sflag:$0x7], $0x80, s19, s26, $0xb8;
	[tilespmem:$0x1FB00] =	vst v63  }
0xbf: {  	p1 =	seq.s32 @!p0 s17, $0x0;
	s18 =	sadd.s32 @!p0 s5, s16;
	s25 =	simm.s32 @!p0 $0x4000  }
0xc0: {  	[tilespmem:s25], [sflag:$0x1] =	stream.linear.gather @!p0 [hbm4b:s18+s20], $0x50, $0x38;
	[tilespmem:$0x1FB00] =	vst v63  }
0xc1: {  	p1 =	por p0, !p1;
	s16 =	sadd.s32 @!p0 s6, s16;
	s18 =	simm.s32 @!p0 $0x4180  }
0xc2: {  	[tilespmem:s18], [sflag:$0x1] =	stream.linear.gather @!p0 [hbm4b:s16+s20], $0x50, $0x38;
	[tilespmem:$0x1FB00] =	vst v63  }
0xc3: {  	_ =	swait.ge @p1 [sflag:s13], $0x2800  }
0xc4: {  	[sflag:s13] =	ssyncset.done @p1 $0x0  }
0xc5: {  	[sflag:s13] =	ssyncadd.s32 @p1 $0xFFFFD800  }
0xc6: {  	_ =	swait.ge [sflag:s7], $0x50  }
0xc7: {  	s18 =	simm.s32 $0x0;
	[sflag:s7] =	ssyncset.done $0x0  }
0xc8: {  	s20 =	simm.s32 $0x2;
	v0 =	vmov s18;
	[sflag:s7] =	ssyncadd.s32 $0xFFFFFFB0  }
0xc9: {  	v1 =	vmov s20;
	v0 =	vand.u32 $0xFFFFFFFC, v0;
	_ =	swait.ge [sflag:s7], $0x50  }
0xca: {  	v1 =	vand.u32 $0xFFFFFFFE, v1;
	v0 =	vbroadcast v0, $0x0;
	[sflag:s7] =	ssyncset.done $0x0  }
0xcb: {  	v1 =	vbroadcast v1, $0x0;
	[sflag:s7] =	ssyncadd.s32 $0xFFFFFFB0  }
0xcc: {  	[tilespmem:s21], [sflag:$0x6] =	stream.indirect.gather [hbm4b:s1+s26], $0x80, s29, s26, $0xb8;
	[tilespmem:$0x1FB00] =	vst v63  }
0xcd: {  	_ =	swait.ge [sflag:s9], $0x2800  }
0xce: {  	[sflag:s9] =	ssyncset.done $0x0  }
0xcf: {  	[sflag:s9] =	ssyncadd.s32 $0xFFFFD800  }
0xd0: {  	v0 =	vld.idx.msk [tilespmem:v0+s24+$0x0], $0xffff  }
0xd1: {  	s23 =	simm.s32 $0x1;
	s20 =	simm.s32 $0x6C00;
	v1 =	vld.idx.msk [tilespmem:v1+s24+$0x0], $0xffff  }
0xd2: {  	v2 =	vmov s23;
	v3 =	vld [tilespmem:s20+$0x70]  }
0xd3: {  	v2 =	vand.u32 $0xFFFFFFFD, v2;
	v4 =	vld [tilespmem:s20+$0xFFFFFF00]  }
0xd4: {  	v2 =	vbroadcast v2, $0x0;
	v5 =	vld [tilespmem:s20+$0xFFFFFF10]  }
0xd5: {  	v6 =	vld [tilespmem:s20+$0xFFFFFF20]  }
0xd6: {  	v7 =	vld [tilespmem:s20+$0xFFFFFF30]  }
0xd7: {  	v8 =	vld [tilespmem:s20+$0xFFFFFF40]  }
0xd8: {  	v9 =	vld [tilespmem:s20+$0xFFFFFF50]  }
0xd9: {  	v10 =	vld [tilespmem:s20+$0xFFFFFF60];
	v4 =	vmul.f32 v4, v0  }
0xda: {  	v2 =	vld.idx.msk [tilespmem:v2+s24+$0x0], $0xffff;
	v3 =	vmul.f32 v3, v1  }
0xdb: {  	v63 =	vld [tilespmem:s20+$0x40];
	[tilespmem:s20+$0xFFFFFF00] =	vst v4;
	v4 =	vmul.f32 v5, v0  }
0xdc: {  	v5 =	vld [tilespmem:s20+$0xFFFFFF70];
	[tilespmem:s20+$0x70] =	vst v3;
	v3 =	vmul.f32 v6, v0  }
0xdd: {  	v6 =	vld [tilespmem:s20+$0xFFFFFF80];
	[tilespmem:s20+$0xFFFFFF10] =	vst v4;
	v4 =	vmul.f32 v7, v0  }
0xde: {  	v7 =	vld [tilespmem:s20+$0xFFFFFF90];
	[tilespmem:s20+$0xFFFFFF20] =	vst v3;
	v3 =	vmul.f32 v8, v0  }
0xdf: {  	v8 =	vld [tilespmem:s20+$0xFFFFFFA0];
	[tilespmem:s20+$0xFFFFFF30] =	vst v4;
	v4 =	vmul.f32 v9, v0  }
0xe0: {  	v9 =	vld [tilespmem:s20+$0xFFFFFFB0];
	[tilespmem:s20+$0xFFFFFF40] =	vst v3;
	v3 =	vmul.f32 v10, v0  }
0xe1: {  	v10 =	vld [tilespmem:s20+$0xFFFFFFC0];
	v5 =	vmul.f32 v5, v0;
	[tilespmem:s20+$0xFFFFFF50] =	vst v4  }
0xe2: {  	v4 =	vmul.f32 v6, v2;
	v6 =	vld [tilespmem:s20+$0xFFFFFFD0];
	[tilespmem:s20+$0xFFFFFF60] =	vst v3  }
0xe3: {  	s25 =	simm.s32 $0x3;
	v3 =	vld [tilespmem:s20+$0xFFFFFFE0];
	v7 =	vmul.f32 v7, v2;
	[tilespmem:s20+$0xFFFFFF70] =	vst v5  }
0xe4: {  	v11 =	vmov s25;
	v5 =	vld [tilespmem:s20+$0xFFFFFFF0];
	[tilespmem:s20+$0xFFFFFF80] =	vst v4;
	v4 =	vmul.f32 v8, v2  }
0xe5: {  	v8 =	vld [tilespmem:s20+$0x0];
	[tilespmem:s20+$0xFFFFFF90] =	vst v7;
	v7 =	vmul.f32 v9, v2  }
0xe6: {  	v9 =	vld [tilespmem:s20+$0x10];
	[tilespmem:s20+$0xFFFFFFA0] =	vst v4;
	v4 =	vmul.f32 v10, v2  }
0xe7: {  	[tilespmem:s20+$0xFFFFFFB0] =	vst v7;
	v6 =	vmul.f32 v6, v2;
	v7 =	vld [tilespmem:s20+$0x20]  }
0xe8: {  	v10 =	vld [tilespmem:s20+$0x30];
	v3 =	vmul.f32 v3, v2;
	[tilespmem:s20+$0xFFFFFFC0] =	vst v4  }
0xe9: {  	v0 =	vld.idx.msk [tilespmem:v11+s24+$0x0], $0xffff;
	v2 =	vmul.f32 v5, v2;
	[tilespmem:s20+$0xFFFFFFD0] =	vst v6  }
0xea: {  	[tilespmem:s20+$0xFFFFFFE0] =	vst v3;
	v4 =	vmul.f32 v8, v1;
	v3 =	vld [tilespmem:s20+$0x50]  }
0xeb: {  	s18 =	simm.s32 $0x4;
	[tilespmem:s20+$0xFFFFFFF0] =	vst v2;
	v5 =	vmul.f32 v9, v1;
	v2 =	vld [tilespmem:s20+$0x60]  }
0xec: {  	s23 =	simm.s32 $0x7;
	v6 =	vmov s18;
	[tilespmem:s20+$0x0] =	vst v4;
	v8 =	vmul.f32 v7, v1;
	v7 =	vld [tilespmem:s20+$0x80]  }
0xed: {  	s25 =	simm.s32 $0x5;
	v11 =	vand.u32 $0xFFFFFFFC, v6;
	v6 =	vld [tilespmem:s20+$0x90];
	v4 =	vmov s23;
	v9 =	vmul.f32 v10, v1;
	[tilespmem:s20+$0x10] =	vst v5  }
0xee: {  	s16 =	simm.s32 $0x6;
	s18 =	simm.s32 $0x8;
	v10 =	vmul.f32 v63, v1;
	v5 =	vbroadcast v11, $0x0;
	v11 =	vmov s25;
	s25 =	simm.s32 $0x6C00;
	[tilespmem:s20+$0x20] =	vst v8;
	v8 =	vld [tilespmem:s20+$0xA0]  }
.LBB2_5:
0xef: {  	p1 =	slt.u32 s18, $0x4C;
	v11 =	vand.u32 $0xFFFFFFFD, v11;
	v12 =	vmov s16;
	[tilespmem:s20+$0x30] =	vst v9;
	v3 =	vmul.f32 v3, v1;
	v9 =	vld [tilespmem:s20+$0xB0]  }
0xf0: {  	v11 =	vbroadcast v11, $0x0;
	v12 =	vand.u32 $0xFFFFFFFE, v12;
	[tilespmem:s20+$0x40] =	vst v10;
	v1 =	vmul.f32 v2, v1;
	v2 =	vld [tilespmem:s20+$0xC0]  }
0xf1: {  	v10 =	vbroadcast v12, $0x0;
	[tilespmem:s20+$0x50] =	vst v3;
	v3 =	vmul.f32 v7, v0;
	v7 =	vld [tilespmem:s20+$0xD0]  }
0xf2: {  	[tilespmem:s20+$0x60] =	vst v1;
	v1 =	vmul.f32 v6, v0;
	v6 =	vld [tilespmem:s20+$0xE0]  }
0xf3: {  	[tilespmem:s20+$0x80] =	vst v3;
	v3 =	vmul.f32 v8, v0;
	v8 =	vld [tilespmem:s20+$0xF0]  }
0xf4: {  	v4 =	vld.idx.msk [tilespmem:v4+s24+$0x0], $0xffff;
	[tilespmem:s20+$0x90] =	vst v1;
	v1 =	vmul.f32 v9, v0  }
0xf5: {  	v5 =	vld.idx.msk [tilespmem:v5+s24+$0x0], $0xffff;
	[tilespmem:s20+$0xA0] =	vst v3;
	v2 =	vmul.f32 v2, v0  }
0xf6: {  	v3 =	vld.idx.msk [tilespmem:v11+s24+$0x0], $0xffff;
	[tilespmem:s20+$0xB0] =	vst v1;
	v7 =	vmul.f32 v7, v0  }
0xf7: {  	s20 =	sadd.s32 $0x200, s20;
	v1 =	vld.idx.msk [tilespmem:v10+s24+$0x0], $0xffff;
	[tilespmem:s25+$0xC0] =	vst v2;
	v2 =	vmul.f32 v6, v0  }
0xf8: {  	v6 =	vld [tilespmem:s20+$0x70];
	[tilespmem:s25+$0xD0] =	vst v7;
	v8 =	vmul.f32 v8, v0  }
0xf9: {  	v7 =	vld [tilespmem:s20+$0xFFFFFF00];
	[tilespmem:s25+$0xE0] =	vst v2  }
0xfa: {  	v0 =	vmov v4;
	v2 =	vld [tilespmem:s20+$0xFFFFFF10];
	[tilespmem:s25+$0xF0] =	vst v8;
	s25 =	smov.u32 s20  }
0xfb: {  	v4 =	vld [tilespmem:s20+$0xFFFFFF20]  }
0xfc: {  	v8 =	vld [tilespmem:s20+$0xFFFFFF30]  }
0xfd: {  	v9 =	vld [tilespmem:s20+$0xFFFFFF40];
	v6 =	vmul.f32 v6, v1  }
0xfe: {  	v7 =	vmul.f32 v7, v5;
	v10 =	vld [tilespmem:s20+$0xFFFFFF50]  }
0xff: {  	v2 =	vmul.f32 v2, v5;
	v11 =	vld [tilespmem:s20+$0xFFFFFF60];
	[tilespmem:s20+$0x70] =	vst v6  }
0x100: {  	[tilespmem:s20+$0xFFFFFF00] =	vst v7;
	v4 =	vmul.f32 v4, v5;
	v6 =	vld [tilespmem:s20+$0xFFFFFF70]  }
0x101: {  	[tilespmem:s20+$0xFFFFFF10] =	vst v2;
	v2 =	vmul.f32 v8, v5;
	v7 =	vld [tilespmem:s20+$0xFFFFFF80]  }
0x102: {  	[tilespmem:s20+$0xFFFFFF20] =	vst v4;
	v4 =	vmul.f32 v9, v5;
	v8 =	vld [tilespmem:s20+$0xFFFFFF90]  }
0x103: {  	[tilespmem:s20+$0xFFFFFF30] =	vst v2;
	v2 =	vmul.f32 v10, v5;
	v9 =	vld [tilespmem:s20+$0xFFFFFFA0]  }
0x104: {  	[tilespmem:s20+$0xFFFFFF40] =	vst v4;
	v4 =	vmul.f32 v11, v5;
	v10 =	vld [tilespmem:s20+$0xFFFFFFB0]  }
0x105: {  	[tilespmem:s20+$0xFFFFFF50] =	vst v2;
	v2 =	vmul.f32 v6, v5;
	v5 =	vld [tilespmem:s20+$0xFFFFFFC0]  }
0x106: {  	[tilespmem:s20+$0xFFFFFF60] =	vst v4;
	v4 =	vmul.f32 v7, v3;
	v6 =	vld [tilespmem:s20+$0xFFFFFFD0]  }
0x107: {  	[tilespmem:s20+$0xFFFFFF70] =	vst v2;
	v2 =	vmul.f32 v8, v3;
	v7 =	vld [tilespmem:s20+$0xFFFFFFE0]  }
0x108: {  	[tilespmem:s20+$0xFFFFFF80] =	vst v4;
	v4 =	vmul.f32 v9, v3;
	v8 =	vld [tilespmem:s20+$0xFFFFFFF0]  }
0x109: {  	[tilespmem:s20+$0xFFFFFF90] =	vst v2;
	v2 =	vmul.f32 v10, v3;
	v9 =	vld [tilespmem:s20+$0x0]  }
0x10a: {  	[tilespmem:s20+$0xFFFFFFA0] =	vst v4;
	v4 =	vmul.f32 v5, v3;
	v5 =	vld [tilespmem:s20+$0x10]  }
0x10b: {  	[tilespmem:s20+$0xFFFFFFB0] =	vst v2;
	v2 =	vmul.f32 v6, v3;
	v6 =	vld [tilespmem:s20+$0x20]  }
0x10c: {  	[tilespmem:s20+$0xFFFFFFC0] =	vst v4;
	v4 =	vmul.f32 v7, v3;
	v10 =	vld [tilespmem:s20+$0x30]  }
0x10d: {  	[tilespmem:s20+$0xFFFFFFD0] =	vst v2;
	v2 =	vmul.f32 v8, v3;
	v8 =	vld [tilespmem:s20+$0x40]  }
.Ltmp1:
0x10e: {  	[tilespmem:s20+$0xFFFFFFE0] =	vst v4;
	v4 =	vmul.f32 v9, v1;
	v3 =	vld [tilespmem:s20+$0x50];
	(pc) =	sbr.rel @p1 .LBB2_5-.Ltmp1, $4  }
0x10f: {  	[tilespmem:s20+$0xFFFFFFF0] =	vst v2;
	v5 =	vmul.f32 v5, v1;
	v2 =	vld [tilespmem:s20+$0x60]  }
0x110: {  	s16 =	sadd.s32 $0x3, s18;
	v9 =	vmov s18;
	[tilespmem:s20+$0x0] =	vst v4;
	v12 =	vmul.f32 v6, v1;
	v7 =	vld [tilespmem:s20+$0x80]  }
0x111: {  	s23 =	sadd.s32 $0x1, s18;
	v11 =	vand.u32 $0xFFFFFFFC, v9;
	v4 =	vmov s16;
	[tilespmem:s20+$0x10] =	vst v5;
	v9 =	vmul.f32 v10, v1;
	v6 =	vld [tilespmem:s20+$0x90]  }
0x112: {  	s16 =	sadd.s32 $0x2, s18;
	s18 =	sadd.s32 $0x4, s18;
	v5 =	vbroadcast v11, $0x0;
	v11 =	vmov s23;
	[tilespmem:s20+$0x20] =	vst v12;
	v10 =	vmul.f32 v8, v1;
	v8 =	vld [tilespmem:s20+$0xA0]  }
0x113: {  	v12 =	vld [tilespmem:s20+$0xB0]  }
0x114: {  	v14 =	vld [tilespmem:s20+$0xC0]  }
0x115: {  	v13 =	vmov s16;
	v15 =	vld [tilespmem:s20+$0xD0]  }
0x116: {  	v16 =	vld [tilespmem:s20+$0xE0];
	[tilespmem:s20+$0x30] =	vst v9;
	v3 =	vmul.f32 v3, v1;
	v13 =	vand.u32 $0xFFFFFFFE, v13  }
0x117: {  	v11 =	vand.u32 $0xFFFFFFFD, v11;
	v4 =	vld.idx.msk [tilespmem:v4+s24+$0x0], $0xffff;
	[tilespmem:s20+$0x40] =	vst v10;
	v1 =	vmul.f32 v2, v1;
	v13 =	vbroadcast v13, $0x0  }
0x118: {  	s18 =	sadd.s32 $0x200, s20;
	v11 =	vbroadcast v11, $0x0;
	v2 =	vld.idx.msk [tilespmem:v5+s24+$0x0], $0xffff;
	v7 =	vmul.f32 v7, v0;
	[tilespmem:s20+$0x50] =	vst v3  }
0x119: {  	v9 =	vld [tilespmem:s18+$0xFFFFFF00];
	v3 =	vmul.f32 v6, v0;
	[tilespmem:s20+$0x60] =	vst v1  }
0x11a: {  	[tilespmem:s20+$0x80] =	vst v7;
	v7 =	vld [tilespmem:s20+$0xF0];
	v1 =	vmul.f32 v8, v0  }
0x11b: {  	v10 =	vld [tilespmem:s18+$0xFFFFFF10];
	[tilespmem:s20+$0x90] =	vst v3;
	v3 =	vmul.f32 v12, v0  }
0x11c: {  	v8 =	vld [tilespmem:s18+$0x70];
	[tilespmem:s20+$0xA0] =	vst v1;
	v1 =	vmul.f32 v14, v0  }
0x11d: {  	[tilespmem:s20+$0xB0] =	vst v3;
	v3 =	vmul.f32 v15, v0;
	v6 =	vld.idx.msk [tilespmem:v13+s24+$0x0], $0xffff  }
0x11e: {  	v5 =	vld.idx.msk [tilespmem:v11+s24+$0x0], $0xffff;
	[tilespmem:s25+$0xC0] =	vst v1;
	v1 =	vmul.f32 v16, v0  }
0x11f: {  	v11 =	vld [tilespmem:s18+$0xFFFFFF20];
	[tilespmem:s25+$0xD0] =	vst v3;
	v0 =	vmul.f32 v7, v0  }
0x120: {  	v3 =	vld [tilespmem:s18+$0xFFFFFF30];
	[tilespmem:s25+$0xE0] =	vst v1  }
0x121: {  	v1 =	vld [tilespmem:s18+$0xFFFFFF40];
	[tilespmem:s25+$0xF0] =	vst v0;
	v0 =	vmul.f32 v9, v2  }
0x122: {  	v7 =	vmul.f32 v8, v6;
	v8 =	vld [tilespmem:s18+$0xFFFFFF50]  }
0x123: {  	v9 =	vmul.f32 v10, v2;
	v10 =	vld [tilespmem:s18+$0xFFFFFF60];
	[tilespmem:s18+$0xFFFFFF00] =	vst v0  }
0x124: {  	v0 =	vmul.f32 v11, v2;
	[tilespmem:s18+$0x70] =	vst v7;
	v7 =	vld [tilespmem:s18+$0xFFFFFF70]  }
0x125: {  	[tilespmem:s18+$0xFFFFFF10] =	vst v9;
	v9 =	vld [tilespmem:s18+$0xFFFFFF80];
	v3 =	vmul.f32 v3, v2  }
0x126: {  	[tilespmem:s18+$0xFFFFFF20] =	vst v0;
	v0 =	vmul.f32 v1, v2;
	v1 =	vld [tilespmem:s18+$0xFFFFFF90]  }
0x127: {  	[tilespmem:s18+$0xFFFFFF30] =	vst v3;
	v3 =	vmul.f32 v8, v2;
	v8 =	vld [tilespmem:s18+$0xFFFFFFA0]  }
0x128: {  	[tilespmem:s18+$0xFFFFFF40] =	vst v0;
	v0 =	vmul.f32 v10, v2;
	v10 =	vld [tilespmem:s18+$0xFFFFFFB0]  }
0x129: {  	[tilespmem:s18+$0xFFFFFF50] =	vst v3;
	v2 =	vmul.f32 v7, v2;
	v3 =	vld [tilespmem:s18+$0xFFFFFFC0]  }
0x12a: {  	[tilespmem:s18+$0xFFFFFF60] =	vst v0;
	v0 =	vmul.f32 v9, v5;
	v7 =	vld [tilespmem:s18+$0xFFFFFFD0]  }
0x12b: {  	v1 =	vmul.f32 v1, v5;
	[tilespmem:s18+$0xFFFFFF70] =	vst v2;
	v2 =	vld [tilespmem:s18+$0xFFFFFFE0]  }
0x12c: {  	[tilespmem:s18+$0xFFFFFF80] =	vst v0;
	v0 =	vmul.f32 v8, v5;
	v8 =	vld [tilespmem:s18+$0xFFFFFFF0]  }
0x12d: {  	v9 =	vld [tilespmem:s18+$0x0];
	[tilespmem:s18+$0xFFFFFF90] =	vst v1;
	v1 =	vmul.f32 v10, v5  }
0x12e: {  	[tilespmem:s18+$0xFFFFFFA0] =	vst v0;
	v0 =	vmul.f32 v3, v5;
	v3 =	vld [tilespmem:s18+$0x10]  }
0x12f: {  	[tilespmem:s18+$0xFFFFFFB0] =	vst v1;
	v1 =	vmul.f32 v7, v5;
	v7 =	vld [tilespmem:s18+$0x20]  }
0x130: {  	[tilespmem:s18+$0xFFFFFFC0] =	vst v0;
	v0 =	vmul.f32 v2, v5;
	v2 =	vld [tilespmem:s18+$0x30]  }
0x131: {  	[tilespmem:s18+$0xFFFFFFD0] =	vst v1;
	v1 =	vmul.f32 v8, v5;
	v5 =	vld [tilespmem:s18+$0x40]  }
0x132: {  	v8 =	vld [tilespmem:s18+$0x50];
	[tilespmem:s18+$0xFFFFFFE0] =	vst v0;
	v0 =	vmul.f32 v9, v6  }
0x133: {  	[tilespmem:s18+$0xFFFFFFF0] =	vst v1;
	v1 =	vmul.f32 v3, v6;
	v3 =	vld [tilespmem:s18+$0x60]  }
0x134: {  	[tilespmem:s18+$0x0] =	vst v0;
	v0 =	vmul.f32 v7, v6;
	v7 =	vld [tilespmem:s18+$0x80]  }
0x135: {  	[tilespmem:s18+$0x10] =	vst v1;
	v1 =	vmul.f32 v2, v6;
	v2 =	vld [tilespmem:s18+$0x90]  }
0x136: {  	[tilespmem:s18+$0x20] =	vst v0;
	v0 =	vmul.f32 v5, v6;
	v5 =	vld [tilespmem:s18+$0xA0]  }
0x137: {  	[tilespmem:s18+$0x30] =	vst v1;
	v1 =	vmul.f32 v8, v6;
	v8 =	vld [tilespmem:s18+$0xB0]  }
0x138: {  	[tilespmem:s18+$0x40] =	vst v0;
	v0 =	vmul.f32 v3, v6;
	v3 =	vld [tilespmem:s18+$0xC0]  }
0x139: {  	v6 =	vld [tilespmem:s18+$0xD0];
	[tilespmem:s18+$0x50] =	vst v1;
	v1 =	vmul.f32 v7, v4  }
0x13a: {  	[tilespmem:s18+$0x60] =	vst v0;
	v0 =	vmul.f32 v2, v4;
	v2 =	vld [tilespmem:s18+$0xE0]  }
0x13b: {  	[tilespmem:s18+$0x80] =	vst v1;
	v1 =	vmul.f32 v5, v4;
	v5 =	vld [tilespmem:s18+$0xF0]  }
0x13c: {  	[tilespmem:s18+$0x90] =	vst v0;
	v0 =	vmul.f32 v8, v4  }
0x13d: {  	[tilespmem:s18+$0xA0] =	vst v1;
	v1 =	vmul.f32 v3, v4  }
0x13e: {  	[tilespmem:s18+$0xB0] =	vst v0;
	v0 =	vmul.f32 v6, v4  }
0x13f: {  	[tilespmem:s18+$0xC0] =	vst v1;
	v1 =	vmul.f32 v2, v4  }
0x140: {  	[tilespmem:s18+$0xD0] =	vst v0;
	v0 =	vmul.f32 v5, v4  }
0x141: {  	s12 =	sadd.s32 @!p0 s12, s15;
	[tilespmem:s18+$0xE0] =	vst v1  }
0x142: {  	s12 =	sshrl.u32 @!p0 s12, $0x3;
	s20 =	sadd.s32 $0x80, s19;
	[tilespmem:s18+$0xF0] =	vst v0  }
0x143: {  	[spmem:s3] =	stream.indirect.scatter.add.f32 [tilespmem:s0], [sflag:$0x8], $0x80, s20, s26, $0xb8;
	[tilespmem:$0x1FB00] =	vst v63  }
0x144: {  	s16 =	sadd.s32 @!p0 s5, s12;
	s19 =	simm.s32 @!p0 $0x4080;
	s18 =	simm.s32 @!p0 $0x0  }
0x145: {  	[tilespmem:s19], [sflag:$0x2] =	stream.linear.gather @!p0 [hbm4b:s16+s18], $0x50, $0x38;
	[tilespmem:$0x1FB00] =	vst v63  }
0x146: {  	s12 =	sadd.s32 @!p0 s6, s12;
	s16 =	simm.s32 @!p0 $0x4200  }
0x147: {  	[tilespmem:s16], [sflag:$0x2] =	stream.linear.gather @!p0 [hbm4b:s12+s18], $0x50, $0x38;
	[tilespmem:$0x1FB00] =	vst v63  }
0x148: {  	s12 =	simm.s32 @!p0 $0x7  }
0x149: {  	_ =	swait.ge @!p0 [sflag:s12], $0x2800  }
0x14a: {  	[sflag:s12] =	ssyncset.done @!p0 $0x0  }
0x14b: {  	[sflag:s12] =	ssyncadd.s32 @!p0 $0xFFFFD800;
	s12 =	simm.s32 @!p0 $0x1  }
0x14c: {  	_ =	swait.ge @!p0 [sflag:s12], $0x50  }
0x14d: {  	s23 =	simm.s32 $0x0;
	[sflag:s12] =	ssyncset.done @!p0 $0x0  }
0x14e: {  	s25 =	simm.s32 $0x2;
	v0 =	vmov s23;
	[sflag:s12] =	ssyncadd.s32 @!p0 $0xFFFFFFB0  }
0x14f: {  	v1 =	vmov s25;
	v0 =	vand.u32 $0xFFFFFFFC, v0;
	_ =	swait.ge @!p0 [sflag:s12], $0x50  }
0x150: {  	v1 =	vand.u32 $0xFFFFFFFE, v1;
	v0 =	vbroadcast v0, $0x0;
	s16 =	simm.s32 @!p0 $0x4000;
	[sflag:s12] =	ssyncset.done @!p0 $0x0  }
0x151: {  	v1 =	vbroadcast v1, $0x0;
	s18 =	simm.s32 @!p0 $0x4300;
	[sflag:s12] =	ssyncadd.s32 @!p0 $0xFFFFFFB0;
	s12 =	simm.s32 @!p0 $0x50  }
0x152: {  	[tilespmem:s18], [sflag:$0x4] =	stream.indirect.gather @!p0 [hbm4b:s1+s12], $0x80, s16, s12, $0xb8;
	[tilespmem:$0x1FB00] =	vst v63  }
0x153: {  	_ =	swait.ge [sflag:s10], $0x2800  }
0x154: {  	[sflag:s10] =	ssyncset.done $0x0  }
0x155: {  	[sflag:s10] =	ssyncadd.s32 $0xFFFFD800  }
0x156: {  	v0 =	vld.idx.msk [tilespmem:v0+s30+$0x0], $0xffff  }
0x157: {  	s12 =	simm.s32 $0x9400;
	v1 =	vld.idx.msk [tilespmem:v1+s30+$0x0], $0xffff  }
0x158: {  	s18 =	simm.s32 $0x1;
	v3 =	vld [tilespmem:s12+$0x70]  }
0x159: {  	v2 =	vmov s18;
	v4 =	vld [tilespmem:s12+$0xFFFFFF00]  }
0x15a: {  	v2 =	vand.u32 $0xFFFFFFFD, v2;
	v5 =	vld [tilespmem:s12+$0xFFFFFF10]  }
0x15b: {  	v2 =	vbroadcast v2, $0x0;
	v6 =	vld [tilespmem:s12+$0xFFFFFF20]  }
0x15c: {  	v7 =	vld [tilespmem:s12+$0xFFFFFF30]  }
0x15d: {  	v8 =	vld [tilespmem:s12+$0xFFFFFF40]  }
0x15e: {  	v9 =	vld [tilespmem:s12+$0xFFFFFF50]  }
0x15f: {  	v10 =	vld [tilespmem:s12+$0xFFFFFF60];
	v4 =	vmul.f32 v4, v0  }
0x160: {  	v63 =	vld [tilespmem:s12+$0x40];
	v3 =	vmul.f32 v3, v1  }
0x161: {  	v2 =	vld.idx.msk [tilespmem:v2+s30+$0x0], $0xffff;
	[tilespmem:s12+$0xFFFFFF00] =	vst v4;
	v4 =	vmul.f32 v5, v0  }
0x162: {  	v5 =	vld [tilespmem:s12+$0xFFFFFF70];
	[tilespmem:s12+$0x70] =	vst v3;
	v3 =	vmul.f32 v6, v0  }
0x163: {  	v6 =	vld [tilespmem:s12+$0xFFFFFF80];
	[tilespmem:s12+$0xFFFFFF10] =	vst v4;
	v4 =	vmul.f32 v7, v0  }
0x164: {  	v7 =	vld [tilespmem:s12+$0xFFFFFF90];
	[tilespmem:s12+$0xFFFFFF20] =	vst v3;
	v3 =	vmul.f32 v8, v0  }
0x165: {  	v8 =	vld [tilespmem:s12+$0xFFFFFFA0];
	[tilespmem:s12+$0xFFFFFF30] =	vst v4;
	v4 =	vmul.f32 v9, v0  }
0x166: {  	v9 =	vld [tilespmem:s12+$0xFFFFFFB0];
	[tilespmem:s12+$0xFFFFFF40] =	vst v3;
	v3 =	vmul.f32 v10, v0  }
0x167: {  	v10 =	vld [tilespmem:s12+$0xFFFFFFC0];
	v5 =	vmul.f32 v5, v0;
	[tilespmem:s12+$0xFFFFFF50] =	vst v4  }
0x168: {  	v4 =	vmul.f32 v6, v2;
	v6 =	vld [tilespmem:s12+$0xFFFFFFD0];
	[tilespmem:s12+$0xFFFFFF60] =	vst v3  }
0x169: {  	s19 =	simm.s32 $0x3;
	v3 =	vld [tilespmem:s12+$0xFFFFFFE0];
	v7 =	vmul.f32 v7, v2;
	[tilespmem:s12+$0xFFFFFF70] =	vst v5  }
0x16a: {  	v11 =	vmov s19;
	v5 =	vld [tilespmem:s12+$0xFFFFFFF0];
	[tilespmem:s12+$0xFFFFFF80] =	vst v4;
	v4 =	vmul.f32 v8, v2  }
0x16b: {  	v8 =	vld [tilespmem:s12+$0x0];
	[tilespmem:s12+$0xFFFFFF90] =	vst v7;
	v7 =	vmul.f32 v9, v2  }
0x16c: {  	v9 =	vld [tilespmem:s12+$0x10];
	[tilespmem:s12+$0xFFFFFFA0] =	vst v4;
	v4 =	vmul.f32 v10, v2  }
0x16d: {  	[tilespmem:s12+$0xFFFFFFB0] =	vst v7;
	v6 =	vmul.f32 v6, v2;
	v7 =	vld [tilespmem:s12+$0x20]  }
0x16e: {  	v10 =	vld [tilespmem:s12+$0x30];
	v3 =	vmul.f32 v3, v2;
	[tilespmem:s12+$0xFFFFFFC0] =	vst v4  }
0x16f: {  	v0 =	vld.idx.msk [tilespmem:v11+s30+$0x0], $0xffff;
	v2 =	vmul.f32 v5, v2;
	[tilespmem:s12+$0xFFFFFFD0] =	vst v6  }
0x170: {  	[tilespmem:s12+$0xFFFFFFE0] =	vst v3;
	v4 =	vmul.f32 v8, v1;
	v3 =	vld [tilespmem:s12+$0x50]  }
0x171: {  	s20 =	simm.s32 $0x4;
	[tilespmem:s12+$0xFFFFFFF0] =	vst v2;
	v5 =	vmul.f32 v9, v1;
	v2 =	vld [tilespmem:s12+$0x60]  }
0x172: {  	s23 =	simm.s32 $0x7;
	v6 =	vmov s20;
	[tilespmem:s12+$0x0] =	vst v4;
	v8 =	vmul.f32 v7, v1;
	v7 =	vld [tilespmem:s12+$0x80]  }
0x173: {  	s25 =	simm.s32 $0x5;
	v11 =	vand.u32 $0xFFFFFFFC, v6;
	v6 =	vld [tilespmem:s12+$0x90];
	v4 =	vmov s23;
	v9 =	vmul.f32 v10, v1;
	[tilespmem:s12+$0x10] =	vst v5  }
0x174: {  	s19 =	simm.s32 $0x9400;
	s16 =	simm.s32 $0x6;
	s18 =	simm.s32 $0x8;
	v10 =	vmul.f32 v63, v1;
	v5 =	vbroadcast v11, $0x0;
	v11 =	vmov s25;
	[tilespmem:s12+$0x20] =	vst v8;
	v8 =	vld [tilespmem:s12+$0xA0]  }
.LBB2_7:
0x175: {  	p0 =	slt.u32 s18, $0x4C;
	v11 =	vand.u32 $0xFFFFFFFD, v11;
	v12 =	vmov s16;
	[tilespmem:s12+$0x30] =	vst v9;
	v3 =	vmul.f32 v3, v1;
	v9 =	vld [tilespmem:s12+$0xB0]  }
0x176: {  	v11 =	vbroadcast v11, $0x0;
	v12 =	vand.u32 $0xFFFFFFFE, v12;
	[tilespmem:s12+$0x40] =	vst v10;
	v1 =	vmul.f32 v2, v1;
	v2 =	vld [tilespmem:s12+$0xC0]  }
0x177: {  	v10 =	vbroadcast v12, $0x0;
	[tilespmem:s12+$0x50] =	vst v3;
	v3 =	vmul.f32 v7, v0;
	v7 =	vld [tilespmem:s12+$0xD0]  }
0x178: {  	[tilespmem:s12+$0x60] =	vst v1;
	v1 =	vmul.f32 v6, v0;
	v6 =	vld [tilespmem:s12+$0xE0]  }
0x179: {  	[tilespmem:s12+$0x80] =	vst v3;
	v3 =	vmul.f32 v8, v0;
	v8 =	vld [tilespmem:s12+$0xF0]  }
0x17a: {  	v4 =	vld.idx.msk [tilespmem:v4+s30+$0x0], $0xffff;
	[tilespmem:s12+$0x90] =	vst v1;
	v1 =	vmul.f32 v9, v0  }
0x17b: {  	v5 =	vld.idx.msk [tilespmem:v5+s30+$0x0], $0xffff;
	[tilespmem:s12+$0xA0] =	vst v3;
	v2 =	vmul.f32 v2, v0  }
0x17c: {  	v3 =	vld.idx.msk [tilespmem:v11+s30+$0x0], $0xffff;
	[tilespmem:s12+$0xB0] =	vst v1;
	v7 =	vmul.f32 v7, v0  }
0x17d: {  	s12 =	sadd.s32 $0x200, s12;
	v1 =	vld.idx.msk [tilespmem:v10+s30+$0x0], $0xffff;
	[tilespmem:s19+$0xC0] =	vst v2;
	v2 =	vmul.f32 v6, v0  }
0x17e: {  	v6 =	vld [tilespmem:s12+$0x70];
	[tilespmem:s19+$0xD0] =	vst v7;
	v8 =	vmul.f32 v8, v0  }
0x17f: {  	v7 =	vld [tilespmem:s12+$0xFFFFFF00];
	[tilespmem:s19+$0xE0] =	vst v2  }
0x180: {  	v0 =	vmov v4;
	v2 =	vld [tilespmem:s12+$0xFFFFFF10];
	[tilespmem:s19+$0xF0] =	vst v8;
	s19 =	smov.u32 s12  }
0x181: {  	v4 =	vld [tilespmem:s12+$0xFFFFFF20]  }
0x182: {  	v8 =	vld [tilespmem:s12+$0xFFFFFF30]  }
0x183: {  	v9 =	vld [tilespmem:s12+$0xFFFFFF40];
	v6 =	vmul.f32 v6, v1  }
0x184: {  	v7 =	vmul.f32 v7, v5;
	v10 =	vld [tilespmem:s12+$0xFFFFFF50]  }
0x185: {  	v2 =	vmul.f32 v2, v5;
	v11 =	vld [tilespmem:s12+$0xFFFFFF60];
	[tilespmem:s12+$0x70] =	vst v6  }
0x186: {  	[tilespmem:s12+$0xFFFFFF00] =	vst v7;
	v4 =	vmul.f32 v4, v5;
	v6 =	vld [tilespmem:s12+$0xFFFFFF70]  }
0x187: {  	[tilespmem:s12+$0xFFFFFF10] =	vst v2;
	v2 =	vmul.f32 v8, v5;
	v7 =	vld [tilespmem:s12+$0xFFFFFF80]  }
0x188: {  	[tilespmem:s12+$0xFFFFFF20] =	vst v4;
	v4 =	vmul.f32 v9, v5;
	v8 =	vld [tilespmem:s12+$0xFFFFFF90]  }
0x189: {  	[tilespmem:s12+$0xFFFFFF30] =	vst v2;
	v2 =	vmul.f32 v10, v5;
	v9 =	vld [tilespmem:s12+$0xFFFFFFA0]  }
0x18a: {  	[tilespmem:s12+$0xFFFFFF40] =	vst v4;
	v4 =	vmul.f32 v11, v5;
	v10 =	vld [tilespmem:s12+$0xFFFFFFB0]  }
0x18b: {  	[tilespmem:s12+$0xFFFFFF50] =	vst v2;
	v2 =	vmul.f32 v6, v5;
	v5 =	vld [tilespmem:s12+$0xFFFFFFC0]  }
0x18c: {  	[tilespmem:s12+$0xFFFFFF60] =	vst v4;
	v4 =	vmul.f32 v7, v3;
	v6 =	vld [tilespmem:s12+$0xFFFFFFD0]  }
0x18d: {  	[tilespmem:s12+$0xFFFFFF70] =	vst v2;
	v2 =	vmul.f32 v8, v3;
	v7 =	vld [tilespmem:s12+$0xFFFFFFE0]  }
0x18e: {  	[tilespmem:s12+$0xFFFFFF80] =	vst v4;
	v4 =	vmul.f32 v9, v3;
	v8 =	vld [tilespmem:s12+$0xFFFFFFF0]  }
0x18f: {  	[tilespmem:s12+$0xFFFFFF90] =	vst v2;
	v2 =	vmul.f32 v10, v3;
	v9 =	vld [tilespmem:s12+$0x0]  }
0x190: {  	[tilespmem:s12+$0xFFFFFFA0] =	vst v4;
	v4 =	vmul.f32 v5, v3;
	v5 =	vld [tilespmem:s12+$0x10]  }
0x191: {  	[tilespmem:s12+$0xFFFFFFB0] =	vst v2;
	v2 =	vmul.f32 v6, v3;
	v6 =	vld [tilespmem:s12+$0x20]  }
0x192: {  	[tilespmem:s12+$0xFFFFFFC0] =	vst v4;
	v4 =	vmul.f32 v7, v3;
	v10 =	vld [tilespmem:s12+$0x30]  }
0x193: {  	[tilespmem:s12+$0xFFFFFFD0] =	vst v2;
	v2 =	vmul.f32 v8, v3;
	v8 =	vld [tilespmem:s12+$0x40]  }
.Ltmp2:
0x194: {  	[tilespmem:s12+$0xFFFFFFE0] =	vst v4;
	v4 =	vmul.f32 v9, v1;
	v3 =	vld [tilespmem:s12+$0x50];
	(pc) =	sbr.rel @p0 .LBB2_7-.Ltmp2, $4  }
0x195: {  	[tilespmem:s12+$0xFFFFFFF0] =	vst v2;
	v5 =	vmul.f32 v5, v1;
	v2 =	vld [tilespmem:s12+$0x60]  }
0x196: {  	s16 =	sadd.s32 $0x3, s18;
	v9 =	vmov s18;
	[tilespmem:s12+$0x0] =	vst v4;
	v12 =	vmul.f32 v6, v1;
	v7 =	vld [tilespmem:s12+$0x80]  }
0x197: {  	s20 =	sadd.s32 $0x1, s18;
	v11 =	vand.u32 $0xFFFFFFFC, v9;
	v4 =	vmov s16;
	[tilespmem:s12+$0x10] =	vst v5;
	v9 =	vmul.f32 v10, v1;
	v6 =	vld [tilespmem:s12+$0x90]  }
0x198: {  	s16 =	sadd.s32 $0x2, s18;
	s18 =	sadd.s32 $0x4, s18;
	v5 =	vbroadcast v11, $0x0;
	v11 =	vmov s20;
	[tilespmem:s12+$0x20] =	vst v12;
	v10 =	vmul.f32 v8, v1;
	v8 =	vld [tilespmem:s12+$0xA0]  }
0x199: {  	v12 =	vld [tilespmem:s12+$0xB0]  }
0x19a: {  	v14 =	vld [tilespmem:s12+$0xC0]  }
0x19b: {  	v15 =	vld [tilespmem:s12+$0xD0]  }
0x19c: {  	v16 =	vld [tilespmem:s12+$0xE0]  }
0x19d: {  	v44 =	vld [tilespmem:s12+$0xF0];
	[tilespmem:s12+$0x30] =	vst v9;
	v3 =	vmul.f32 v3, v1  }
0x19e: {  	v4 =	vld.idx.msk [tilespmem:v4+s30+$0x0], $0xffff;
	[tilespmem:s12+$0x40] =	vst v10;
	v45 =	vmul.f32 v2, v1  }
0x19f: {  	s18 =	sadd.s32 $0x200, s12;
	v46 =	vld.idx.msk [tilespmem:v5+s30+$0x0], $0xffff;
	v7 =	vmul.f32 v7, v0;
	[tilespmem:s12+$0x50] =	vst v3  }
0x1a0: {  	v51 =	vld [tilespmem:s18+$0x70];
	v47 =	vmul.f32 v6, v0;
	[tilespmem:s12+$0x60] =	vst v45  }
0x1a1: {  	v53 =	vld [tilespmem:s18+$0xFFFFFF00];
	[tilespmem:s12+$0x80] =	vst v7;
	v49 =	vmul.f32 v8, v0  }
0x1a2: {  	v55 =	vld [tilespmem:s18+$0xFFFFFF10];
	[tilespmem:s12+$0x90] =	vst v47;
	v50 =	vmul.f32 v12, v0  }
0x1a3: {  	v11 =	vand.u32 $0xFFFFFFFD, v11;
	v57 =	vld [tilespmem:s18+$0xFFFFFF20];
	v52 =	vmul.f32 v14, v0;
	[tilespmem:s12+$0xA0] =	vst v49  }
0x1a4: {  	v11 =	vbroadcast v11, $0x0;
	v59 =	vld [tilespmem:s18+$0xFFFFFF30];
	v54 =	vmul.f32 v15, v0;
	[tilespmem:s12+$0xB0] =	vst v50  }
0x1a5: {  	v60 =	vld [tilespmem:s18+$0xFFFFFF40];
	v56 =	vmul.f32 v16, v0;
	[tilespmem:s19+$0xC0] =	vst v52  }
0x1a6: {  	v63 =	vld [tilespmem:s18+$0xFFFFFF50];
	v58 =	vmul.f32 v44, v0;
	[tilespmem:s19+$0xD0] =	vst v54  }
0x1a7: {  	v15 =	vld [tilespmem:s18+$0xFFFFFF70];
	v62 =	vmul.f32 v53, v46;
	[tilespmem:s19+$0xE0] =	vst v56  }
0x1a8: {  	v16 =	vld [tilespmem:s18+$0xFFFFFF80];
	v12 =	vmul.f32 v55, v46;
	[tilespmem:s19+$0xF0] =	vst v58  }
0x1a9: {  	v44 =	vld [tilespmem:s18+$0x80];
	v14 =	vmul.f32 v57, v46;
	[tilespmem:s18+$0xFFFFFF00] =	vst v62  }
0x1aa: {  	v3 =	vmul.f32 v59, v46;
	v48 =	vld.idx.msk [tilespmem:v11+s30+$0x0], $0xffff;
	[tilespmem:s18+$0xFFFFFF10] =	vst v12  }
0x1ab: {  	v13 =	vmov s16;
	v18 =	vld [tilespmem:s18+$0xFFFFFF90];
	v17 =	vmul.f32 v60, v46;
	[tilespmem:s18+$0xFFFFFF20] =	vst v14  }
0x1ac: {  	v13 =	vand.u32 $0xFFFFFFFE, v13;
	v20 =	vld [tilespmem:s18+$0xFFFFFFA0];
	v19 =	vmul.f32 v63, v46;
	[tilespmem:s18+$0xFFFFFF30] =	vst v3  }
0x1ad: {  	v22 =	vld [tilespmem:s18+$0xFFFFFFB0];
	v13 =	vbroadcast v13, $0x0;
	[tilespmem:s18+$0xFFFFFF40] =	vst v17;
	v2 =	vmul.f32 v15, v46  }
0x1ae: {  	v23 =	vld [tilespmem:s18+$0xFFFFFFC0];
	[tilespmem:s18+$0xFFFFFF50] =	vst v19;
	v53 =	vmul.f32 v44, v4  }
0x1af: {  	v25 =	vld [tilespmem:s18+$0xFFFFFFD0];
	v24 =	vmul.f32 v16, v48;
	[tilespmem:s18+$0xFFFFFF70] =	vst v2  }
0x1b0: {  	v26 =	vld [tilespmem:s18+$0xFFFFFFE0];
	v1 =	vmul.f32 v18, v48;
	[tilespmem:s18+$0x80] =	vst v53  }
0x1b1: {  	v28 =	vld [tilespmem:s18+$0xFFFFFFF0];
	v27 =	vmul.f32 v20, v48;
	[tilespmem:s18+$0xFFFFFF80] =	vst v24  }
0x1b2: {  	v50 =	vld [tilespmem:s18+$0xB0];
	v29 =	vmul.f32 v22, v48;
	[tilespmem:s18+$0xFFFFFF90] =	vst v1  }
0x1b3: {  	v6 =	vld.idx.msk [tilespmem:v13+s30+$0x0], $0xffff;
	v31 =	vmul.f32 v23, v48;
	[tilespmem:s18+$0xFFFFFFA0] =	vst v27  }
0x1b4: {  	v13 =	vld [tilespmem:s18+$0xFFFFFF60];
	v33 =	vmul.f32 v25, v48;
	[tilespmem:s18+$0xFFFFFFB0] =	vst v29  }
0x1b5: {  	v30 =	vld [tilespmem:s18+$0x0];
	v35 =	vmul.f32 v26, v48;
	[tilespmem:s18+$0xFFFFFFC0] =	vst v31  }
0x1b6: {  	v32 =	vld [tilespmem:s18+$0x10];
	v37 =	vmul.f32 v28, v48;
	[tilespmem:s18+$0xFFFFFFD0] =	vst v33  }
0x1b7: {  	v34 =	vld [tilespmem:s18+$0x20];
	v59 =	vmul.f32 v50, v4;
	[tilespmem:s18+$0xFFFFFFE0] =	vst v35  }
0x1b8: {  	v36 =	vld [tilespmem:s18+$0x30];
	v61 =	vmul.f32 v51, v6;
	[tilespmem:s18+$0xFFFFFFF0] =	vst v37  }
0x1b9: {  	v38 =	vld [tilespmem:s18+$0x40];
	v21 =	vmul.f32 v13, v46;
	[tilespmem:s18+$0xB0] =	vst v59  }
0x1ba: {  	v40 =	vld [tilespmem:s18+$0x50];
	v39 =	vmul.f32 v30, v6;
	[tilespmem:s18+$0x70] =	vst v61  }
0x1bb: {  	v42 =	vld [tilespmem:s18+$0x60];
	v41 =	vmul.f32 v32, v6;
	[tilespmem:s18+$0xFFFFFF60] =	vst v21  }
0x1bc: {  	v52 =	vld [tilespmem:s18+$0xC0];
	v43 =	vmul.f32 v34, v6;
	[tilespmem:s18+$0x0] =	vst v39  }
0x1bd: {  	v56 =	vld [tilespmem:s18+$0xE0];
	v45 =	vmul.f32 v36, v6;
	[tilespmem:s18+$0x10] =	vst v41  }
0x1be: {  	v58 =	vld [tilespmem:s18+$0xF0];
	v47 =	vmul.f32 v38, v6;
	[tilespmem:s18+$0x20] =	vst v43  }
0x1bf: {  	v54 =	vld [tilespmem:s18+$0xD0];
	v49 =	vmul.f32 v40, v6;
	[tilespmem:s18+$0x30] =	vst v45  }
0x1c0: {  	v48 =	vld [tilespmem:s18+$0xA0];
	v51 =	vmul.f32 v42, v6;
	[tilespmem:s18+$0x40] =	vst v47  }
0x1c1: {  	v46 =	vld [tilespmem:s18+$0x90];
	v60 =	vmul.f32 v52, v4;
	[tilespmem:s18+$0x50] =	vst v49  }
0x1c2: {  	v62 =	vmul.f32 v56, v4;
	[tilespmem:s18+$0x60] =	vst v51  }
0x1c3: {  	s17 =	sadd.s32 $0x1, s17;
	v63 =	vmul.f32 v58, v4;
	[tilespmem:s18+$0xC0] =	vst v60  }
0x1c4: {  	p0 =	sne.s32 s17, $0x2A;
	v61 =	vmul.f32 v54, v4;
	[tilespmem:s18+$0xE0] =	vst v62  }
.Ltmp3:
0x1c5: {  	[tilespmem:s18+$0xF0] =	vst v63;
	v57 =	vmul.f32 v48, v4;
	(pc) =	sbr.rel @p0 .LBB2_2-.Ltmp3, $4  }
0x1c6: {  	[tilespmem:s18+$0xD0] =	vst v61;
	v55 =	vmul.f32 v46, v4  }
0x1c7: {  	s11 =	sshll.u32 s11, $0x7;
	[tilespmem:s18+$0xA0] =	vst v57  }
0x1c8: {  	s11 =	sand.u32 $0x3FFFFF80, s11;
	[tilespmem:s18+$0x90] =	vst v55  }
0x1c9: {  	[spmem:s3] =	stream.indirect.scatter.add.f32 [tilespmem:s21], [sflag:$0x9], $0x80, s11, s26, $0xb8;
	[tilespmem:$0x1FB00] =	vst v63  }
0x1ca: {  	s11 =	simm.s32 $0x7  }
0x1cb: {  	_ =	swait.ge [sflag:s11], $0x2800  }
0x1cc: {  	[sflag:s11] =	ssyncset.done $0x0  }
0x1cd: {  	s20 =	simm.s32 $0x8;
	[sflag:s11] =	ssyncadd.s32 $0xFFFFD800  }
0x1ce: {  	_ =	swait.ge [sflag:s20], $0x2800  }
0x1cf: {  	[sflag:s20] =	ssyncset.done $0x0  }
0x1d0: {  	[sflag:s20] =	ssyncadd.s32 $0xFFFFD800  }
0x1d1: {  	_ =	swait.ge [sflag:s13], $0x2800  }
0x1d2: {  	[sflag:s13] =	ssyncset.done $0x0  }
0x1d3: {  	[sflag:s13] =	ssyncadd.s32 $0xFFFFD800  }
0x1d4: {  	[bflag:$0x0] =	sbarrier.arrive $0xFFFF  }
0x1d5: {  	s23 =	rddreg [dreg:$0xa]  }
0x1d6: {  	s16 =	rddreg [dreg:$0xc]  }
0x1d7: {  	s12 =	simm.s32 $0xA;
	s17 =	rddreg [dreg:$0xd]  }
0x1d8: {  	[hbm:s23], [sflag:s16] =	dma.local [spmem:s17], $0x2800  }
0x1d9: {  	_ =	swait.ge [sflag:s12], $0x2800  }
0x1da: {  	s18 =	rddreg [dreg:$0xe]  }
0x1db: {  	s25 =	rddreg [dreg:$0xb];
	s18 =	sadd.s32 $0x1, s18  }
0x1dc: {  	p0 =	sne.s32 s18, s25  }
.Ltmp4:
0x1dd: {  	_ = 	snop;
	(pc) =	sbr.rel @p0 .LBB2_1-.Ltmp4, $3  }
0x1de: {  	_ =	sdelay $0x1  }
0x1df: {  	[sflag:s12] =	ssyncset.done $0x0  }
0x1e0: {  	[sflag:s12] =	ssyncadd.s32 $0xFFFFD800  }
0x1e1: {  	_ =	sfence.sel $0x180000  }
0x1e2: {  	[bflag:$0x0] =	sbarrier.arrive $0xFFFF  }
0x1e3: {  	_ =	strace $0x9000004A  }
0x1e4: {  	s0 =	stileid.u32;
	[bflag:$0x2] =	sbarrier.arrive $0xFFFF  }
0x1e5: {  	p0 =	sne.s32 s0, $0x0;
	s0 =	rddreg [dreg:$0x3]  }
0x1e6: {  	s0 =	sadd.s32 @!p0 $0x100000, s0  }
0x1e7: {  	[sflag:s0] =	ssyncadd.tile.s32 @!p0 $0x1;
	_ =	shalt  }
.Lfunc_end2:
_tile_overlayer_lowered:
.L_overlay_start_2:
0x1e8: {  	(tag) =	ssettag $0x2  }
0x1e9: {  	s0 =	rddreg [dreg:$0x0];
	s2 =	stileid.u32  }
0x1ea: {  	s1 =	rddreg [dreg:$0x1];
	p0 =	sne.s32 s2, $0x0  }
0x1eb: {  	s3 =	rddreg [dreg:$0x2];
	[bflag:$0x3] =	sbarrier.arrive $0xFFFF;
	s2 =	simm.s32 @!p0 $0x1C0A  }
0x1ec: {  	[timem:s3], [sflag:s2] =	dma.local @!p0 [hbm:s0], s1  }
0x1ed: {  	s0 =	simm.s32 @!p0 $0xA  }
0x1ee: {  	_ =	swait.ge @!p0 [sflag:s0], s1  }
0x1ef: {  	s1 =	ssub.s32 @!p0 $0x0, s1;
	[sflag:s0] =	ssyncset.done @!p0 $0x0  }
0x1f0: {  	[sflag:s0] =	ssyncadd.s32 @!p0 s1  }
0x1f1: {  	[bflag:$0x3] =	sbarrier.arrive $0xFFFF  }
0x1f2: {  	_ =	shalt  }

// kernel: kernel.15.cloned.1.call-start
scs
__scs_entry_jumppad:
0x0: {  	(pc) =	sbr.rel $0x88, $3  }
0x1: {  	(tag) =	ssettag $0x0;
	lr =	simm.s32 $0x1  }
0x2: {  	[smem:$0x3F9A] =	sst lr;
	_ =	strace $0xD0000000  }
0x3: {  	_ = 	snop  }
0x4: {  	_ = 	snop  }
0x5: {  	_ = 	snop  }
0x6: {  	_ = 	snop  }
0x7: {  	_ = 	snop  }
__scs_overlays_trampoline_lowered:
0x8: {  	[smem:$0x3FA9] =	sst s0  }
0x9: {  	[smem:$0x3FAA] =	sst s1  }
0xa: {  	[smem:$0x3FAB] =	sst s2  }
0xb: {  	[smem:$0x3FAC] =	sst s3  }
0xc: {  	[smem:$0x3FAD] =	sst s4  }
0xd: {  	[smem:$0x3FAE] =	sst s5  }
0xe: {  	[smem:$0x3FAF] =	sst s6  }
0xf: {  	[smem:$0x3FB0] =	sst s7  }
0x10: {  	[smem:$0x3FB1] =	sst s8  }
0x11: {  	[smem:$0x3FB2] =	sst s9;
	s0 =	simm.s32 @!p0 $0x0  }
0x12: {  	s1 =	sld [smem:$0x3F98];
	s0 =	simm.s32 @p0 $0x1  }
0x13: {  	[smem:$0x3FB3] =	sst s0;
	s0 =	simm.s32 @!p1 $0x0  }
0x14: {  	s2 =	sld [smem:$0x3F97];
	s0 =	simm.s32 @p1 $0x1  }
0x15: {  	[smem:$0x3FB4] =	sst s0;
	s0 =	simm.s32 @!p2 $0x0  }
0x16: {  	s3 =	sld [smem:$0x3FDB];
	s0 =	simm.s32 @p2 $0x1  }
0x17: {  	s4 =	simm.s32 $0x1BF5;
	[smem:$0x3FB6] =	sst s0  }
0x18: {  	s0 =	sld [smem:$0x3F99];
	_ =	swait.ge [sflag:s4], $0x0  }
0x19: {  	s7 =	sld [smem:$0x3F9A]  }
0x1a: {  	s8 =	sadd.s32 $0xFFFFE003, lr  }
0x1b: {  	s9 =	sadd.s32 $0xFFFFFEF7, lr;
	s5 =	simm.s32 $0xFFFFFFFF;
	p2 =	slt.u32 s8, $0xFFFFF086  }
0x1c: {  	p1 =	slt.u32 s9, $0xF7A;
	s5 =	simm.s32 @!p2 $0x0  }
0x1d: {  	s5 =	simm.s32 @p1 $0x1;
	p0 =	seq.s32 s7, s2  }
0x1e: {  	s7 =	smul.u32 @!p0 $0xF7A, s2;
	p2 =	seq.s32 @!p0 s5, $0x0  }
0x1f: {  	s9 =	smul.u32 $0xF7A, s1;
	s8 =	simm.s32 @!p0 $0x1BF5;
	p2 =	por !p2, p0  }
0x20: {  	[sflag:s8] =	ssyncset.s32 @!p0 $0xFFFFF086;
	s6 =	sadd.s32 @!p0 s3, s7;
	s7 =	simm.s32 @!p0 $0x108  }
0x21: {  	s3 =	sadd.s32 s3, s9;
	s6 =	sadd.s32 @!p0 $0x88, s6;
	s7 =	simm.s32 @p2 $0x1082  }
0x22: {  	[simem:s7], [sflag:s8] =	dma.local @!p0 [hbm:s6], $0xF7A  }
0x23: {  	s9 =	sor.u32 $0xD0000000, s2;
	s6 =	simm.s32 $0x108;
	_ =	swait.ge @!p0 [sflag:s8], $0x0  }
0x24: {  	s3 =	sadd.s32 $0x88, s3;
	s6 =	simm.s32 @!p1 $0x1082;
	[sflag:s4] =	ssyncset.s32 $0xFFFFF086  }
0x25: {  	[simem:s6], [sflag:s4] =	dma.local [hbm:s3], $0xF7A  }
0x26: {  	[smem:$0x3F9A] =	sst s1;
	(tag) =	ssettag s2;
	_ =	strace s9  }
0x27: {  	s1 =	sld [smem:$0x3FAA]  }
0x28: {  	s2 =	sld [smem:$0x3FAB]  }
0x29: {  	s4 =	sld [smem:$0x3FAD]  }
0x2a: {  	p0 =	seq.s32 s5, $0x0;
	s5 =	sld [smem:$0x3FAE]  }
0x2b: {  	s6 =	sld [smem:$0x3FAF]  }
0x2c: {  	s7 =	sld [smem:$0x3FB0]  }
0x2d: {  	s3 =	simm.s32 $0x108;
	s8 =	sld [smem:$0x3FB1]  }
0x2e: {  	s3 =	simm.s32 @!p0 $0x1082;
	s9 =	sld [smem:$0x3FB2]  }
0x2f: {  	lr =	sadd.s32 s0, s3;
	s0 =	sld [smem:$0x3FA9]  }
0x30: {  	s3 =	sld [smem:$0x3FAC]  }
0x31: {  	[smem:$0x3FB5] =	sst s10  }
0x32: {  	s10 =	sld [smem:$0x3FB3];
	_ =	sdelay $0x3  }
0x33: {  	p0 =	seq.s32 s10, $0x1;
	s10 =	sld [smem:$0x3FB5];
	_ =	sdelay $0x3  }
0x34: {  	[smem:$0x3FB5] =	sst s10  }
0x35: {  	s10 =	sld [smem:$0x3FB4];
	_ =	sdelay $0x3  }
0x36: {  	p1 =	seq.s32 s10, $0x1;
	s10 =	sld [smem:$0x3FB5];
	_ =	sdelay $0x3  }
0x37: {  	[smem:$0x3FB5] =	sst s10  }
0x38: {  	s10 =	sld [smem:$0x3FB6]  }
0x39: {  	_ = 	snop;
	(pc) =	sbr.ind lr, $3  }
0x3a: {  	_ = 	snop  }
0x3b: {  	_ = 	snop  }
0x3c: {  	p2 =	seq.s32 s10, $0x1;
	s10 =	sld [smem:$0x3FB5]  }
0x3d: {  	_ =	shalt  }
0x3e: {  	_ =	shalt  }
0x3f: {  	_ =	shalt  }
0x40: {  	_ =	shalt  }
0x41: {  	_ =	shalt  }
0x42: {  	_ =	shalt  }
0x43: {  	_ =	shalt  }
0x44: {  	_ =	shalt  }
0x45: {  	_ =	shalt  }
0x46: {  	_ =	shalt  }
0x47: {  	_ =	shalt  }
0x48: {  	_ =	shalt  }
0x49: {  	_ =	shalt  }
0x4a: {  	_ =	shalt  }
0x4b: {  	_ =	shalt  }
0x4c: {  	_ =	shalt  }
0x4d: {  	_ =	shalt  }
0x4e: {  	_ =	shalt  }
0x4f: {  	_ =	shalt  }
0x50: {  	_ =	shalt  }
0x51: {  	_ =	shalt  }
0x52: {  	_ =	shalt  }
0x53: {  	_ =	shalt  }
0x54: {  	_ =	shalt  }
0x55: {  	_ =	shalt  }
0x56: {  	_ =	shalt  }
0x57: {  	_ =	shalt  }
0x58: {  	_ =	shalt  }
0x59: {  	_ =	shalt  }
0x5a: {  	_ =	shalt  }
0x5b: {  	_ =	shalt  }
0x5c: {  	_ =	shalt  }
0x5d: {  	_ =	shalt  }
0x5e: {  	_ =	shalt  }
0x5f: {  	_ =	shalt  }
0x60: {  	_ =	shalt  }
0x61: {  	_ =	shalt  }
0x62: {  	_ =	shalt  }
0x63: {  	_ =	shalt  }
0x64: {  	_ =	shalt  }
0x65: {  	_ =	shalt  }
0x66: {  	_ =	shalt  }
0x67: {  	_ =	shalt  }
0x68: {  	_ =	shalt  }
0x69: {  	_ =	shalt  }
0x6a: {  	_ =	shalt  }
0x6b: {  	_ =	shalt  }
0x6c: {  	_ =	shalt  }
0x6d: {  	_ =	shalt  }
0x6e: {  	_ =	shalt  }
0x6f: {  	_ =	shalt  }
0x70: {  	_ =	shalt  }
0x71: {  	_ =	shalt  }
0x72: {  	_ =	shalt  }
0x73: {  	_ =	shalt  }
0x74: {  	_ =	shalt  }
0x75: {  	_ =	shalt  }
0x76: {  	_ =	shalt  }
0x77: {  	_ =	shalt  }
0x78: {  	_ =	shalt  }
0x79: {  	_ =	shalt  }
0x7a: {  	_ =	shalt  }
0x7b: {  	_ =	shalt  }
0x7c: {  	_ =	shalt  }
0x7d: {  	_ =	shalt  }
0x7e: {  	_ =	shalt  }
0x7f: {  	_ =	shalt  }
0x80: {  	_ =	shalt  }
0x81: {  	_ =	shalt  }
0x82: {  	_ =	shalt  }
0x83: {  	_ =	shalt  }
0x84: {  	_ =	shalt  }
0x85: {  	_ =	shalt  }
0x86: {  	_ =	shalt  }
0x87: {  	_ =	shalt  }
.Lfunc_end0:
.L_simem_size_0:
called_computation.2_lowered:
.L_overlay_start_0:
0x88: {  	s2 =	sld [smem:$0x3FD9]  }
0x89: {  	s3 =	sld [smem:$0x3FFE];
	_ =	sdelay $0x1  }
0x8a: {  	s1 =	srdreg.scid  }
0x8b: {  	s0 =	sand.u32 $0x1, s1  }
0x8c: {  	s17 =	sshll.u32 s0, $0xA;
	s2 =	sadd.s32 s3, s2  }
0x8d: {  	s2 =	sadd.s32 s2, s17  }
0x8e: {  	[smem:$0x3FC1] =	sst s2  }
0x8f: {  	_ = 	snop  }
0x90: {  	s2 =	sld [smem:$0x3FD0];
	(tm) =	ssettm $0x1  }
0x91: {  	s18 =	sld [smem:$0x3FFB];
	_ =	sdelay $0x3  }
0x92: {  	_ =	strace s18  }
0x93: {  	s3 =	sld [smem:$0x3FFC];
	_ =	sdelay $0x3  }
0x94: {  	_ =	strace s3  }
0x95: {  	s3 =	sld [smem:$0x3FFD];
	_ =	sdelay $0x3  }
0x96: {  	_ =	strace s3  }
0x97: {  	_ =	strace $0x8FFFFFFF  }
0x98: {  	s19 =	sld [smem:$0x3FDB];
	_ =	sdelay $0x1  }
0x99: {  	s4 =	simm.s32 $_scs_section_size  }
0x9a: {  	s5 =	simm.s32 $_size__tile_overlayer_lowered;
	s6 =	simm.s32 $_tile_overlayer_lowered  }
0x9b: {  	s22 =	simm.s32 $0x1BFF;
	s21 =	sshll.u32 s6, $0x1;
	s3 =	sadd.s32 s4, s19  }
0x9c: {  	s7 =	simm.s32 $0x0;
	s20 =	sshll.u32 s5, $0x1;
	s5 =	sadd.s32 s21, s3  }
0x9d: {  	[timem:s7], [sflag:s22] =	dma.local [hbm:s5], s20  }
0x9e: {  	_ =	swait.ge [sflag:s22], s20  }
0x9f: {  	s4 =	ssub.s32 $0x0, s20;
	[sflag:s22] =	ssyncset.done $0x0  }
0xa0: {  	[sflag:s22] =	ssyncadd.s32 s4;
	_ =	sdelay $0x1  }
0xa1: {  	s23 =	simm.s32 $0x1B8B  }
0xa2: {  	_ =	swait.ge [sflag:s23], $0x1  }
0xa3: {  	[sflag:s23] =	ssyncset.done $0x0  }
0xa4: {  	s25 =	simm.s32 $0x1B8E;
	s24 =	sld [smem:$0x3FFE];
	[sflag:s23] =	ssyncadd.s32 $0xFFFFFFFF  }
0xa5: {  	s26 =	simm.s32 $execute0_lowered;
	[smem:$0x3FD2] =	sst s25  }
0xa6: {  	s5 =	sshll.u32 s26, $0x1;
	_ =	strace $0x8000004C;
	[dreg:$0x1] =	wrdreg $0xFFFFFFFF  }
0xa7: {  	s28 =	simm.s32 $_size_execute0_lowered;
	s3 =	sadd.s32 s3, s5;
	[dreg:$0x0] =	wrdreg $0x0  }
0xa8: {  	s5 =	sshll.u32 s28, $0x1;
	[dreg:$0x2] =	wrdreg s3  }
0xa9: {  	[dreg:$0x3] =	wrdreg s5  }
0xaa: {  	[dreg:$0x4] =	wrdreg $0xC0  }
0xab: {  	_ =	task [dreg:s7], $0x5FFFF  }
0xac: {  	[dreg:$0x1] =	wrdreg $0xFFFFFFFF  }
0xad: {  	[dreg:$0x0] =	wrdreg $0x60  }
0xae: {  	[dreg:$0x2] =	wrdreg s2  }
0xaf: {  	[dreg:$0x3] =	wrdreg s24  }
0xb0: {  	[dreg:$0x4] =	wrdreg $0xBB000  }
0xb1: {  	[dreg:$0x5] =	wrdreg $0x9  }
0xb2: {  	_ =	task.clear_ibuf [dreg:s7], $0x6FFFF;
	_ =	strace $0x9000004C  }
0xb3: {  	s29 =	simm.s32 $0x9;
	_ =	strace $0x8000004E  }
0xb4: {  	_ =	swait.ge [sflag:s29], $0x1  }
0xb5: {  	[sflag:s29] =	ssyncadd.s32 $0xFFFFFFFF  }
0xb6: {  	_ =	strace $0x9000004E  }
0xb7: {  	_ =	sfence  }
0xb8: {  	s30 =	sld [smem:$0x0];
	_ =	sdelay $0x2  }
0xb9: {  	s31 =	sshll.u32 s1, $0xD;
	s1 =	sshrl.u32 s1, $0x2  }
0xba: {  	s3 =	sand.u32 $0x4000, s31;
	s1 =	sadd.s32 s1, s30  }
0xbb: {  	s0 =	sor.u32 s3, s0;
	s1 =	sshll.u32 s1, $0x11  }
0xbc: {  	s0 =	sor.u32 s1, s0  }
0xbd: {  	s0 =	sadd.s32 $0x8F2B, s0  }
0xbe: {  	[sflag:s0] =	ssyncadd.remote.s32 $0x1  }
0xbf: {  	_ =	sfence.sel $0xFFFF  }
0xc0: {  	[dreg:$0x0] =	wrdreg $0xFFFFFFFF;
	(pc) =	sbr.abs _section_cstart, $3  }
0xc1: {  	[dreg:$0x1] =	wrdreg $0xFFFFFFFF  }
0xc2: {  	_ =	task.clear_ibuf [dreg:s7], $0x2FFFF;
	_ =	strace $0x9FFFFFFF  }
0xc3: {  	(tm) =	ssettm $0x7FFFFFFF  }
tec
execute0_lowered:
.L_overlay_start_1:
0x0: {  	(tag) =	ssettag $0x1  }
0x1: {  	s1 =	rddreg [dreg:$0x0]  }
0x2: {  	s0 =	rddreg [dreg:$0x1]  }
0x3: {  	s3 =	rddreg [dreg:$0x2];
	s4 =	simm.s32 $0x0;
	s2 =	srdreg.scid  }
0x4: {  	s13 =	stileid.u32;
	s28 =	simm.s32 $0x4300;
	s29 =	simm.s32 $0x4100  }
0x5: {  	s30 =	simm.s32 $0x4280;
	s31 =	simm.s32 $0x2;
	[smem:$0x7FF] =	sst s4  }
0x6: {  	s2 =	sand.u32 $0x1, s2;
	s5 =	sshll.u32 s13, $0x1;
	s9 =	smul.u32 $0x14000, s13  }
0x7: {  	s11 =	sadd.s32 $0x1C600, s0;
	s18 =	smul.u32 $0x50000, s13;
	s26 =	sshll.u32 s13, $0x6  }
0x8: {  	s13 =	simm.s32 $0x9;
	_ =	strace $0x8000004D;
	s7 =	sor.u32 s2, s5  }
0x9: {  	s8 =	smul.u32 $0x140000, s2;
	s5 =	sadd.s32 $0x6EE00, s0;
	[dreg:$0x4] =	wrdreg s11  }
0xa: {  	s2 =	ssub.s32 $0x2, s2;
	s16 =	sor.u32 $0x1C0A, s26;
	s26 =	simm.s32 $0x50  }
0xb: {  	s6 =	sshll.u32 s7, $0xB;
	s12 =	sshrl.u32 s2, $0x1;
	s20 =	sshrl.u32 s18, $0x2  }
0xc: {  	s18 =	simm.s32 $0x0;
	[dreg:$0xc] =	wrdreg s16;
	s10 =	sadd.s32 s6, s0  }
0xd: {  	s6 =	sadd.s32 $0x12800, s0;
	s8 =	sadd.s32 s9, s8;
	s2 =	ssub.s32 s2, s12  }
0xe: {  	s12 =	simm.s32 $0xA;
	s19 =	sshrl.u32 s8, $0x3;
	s8 =	smul.u32 $0x2760, s7  }
0xf: {  	s21 =	sadd.s32 $0x2800, s10;
	s7 =	sadd.s32 s20, s3;
	s2 =	smax.u32 s2, $0x1  }
0x10: {  	s10 =	simm.s32 $0x6;
	s0 =	sadd.s32 s19, s0;
	[dreg:$0x5] =	wrdreg s21  }
0x11: {  	[dreg:$0xb] =	wrdreg s2;
	s17 =	sshrl.u32 s7, $0x3;
	s2 =	simm.s32 $0x4  }
0x12: {  	s7 =	simm.s32 $0x3;
	s21 =	simm.s32 $0x9300;
	s22 =	sshrl.u32 s8, $0x3  }
0x13: {  	s14 =	sadd.s32 $0xF0, s8;
	s0 =	sadd.s32 $0x1EE00, s0;
	[dreg:$0xd] =	wrdreg s17  }
0x14: {  	s15 =	sadd.s32 $0x140, s8;
	s23 =	sadd.s32 s5, s22;
	[dreg:$0xa] =	wrdreg s0  }
0x15: {  	s24 =	sadd.s32 s6, s22;
	s9 =	sadd.s32 $0xA, s22;
	[dreg:$0x6] =	wrdreg s23  }
0x16: {  	s22 =	simm.s32 $0x4180;
	[dreg:$0x7] =	wrdreg s24;
	s25 =	sadd.s32 s5, s9  }
0x17: {  	s0 =	simm.s32 $0x6B00;
	s9 =	sadd.s32 s6, s9;
	[dreg:$0x8] =	wrdreg s25  }
0x18: {  	s24 =	simm.s32 $0x4200;
	[dreg:$0x9] =	wrdreg s9;
	s9 =	simm.s32 $0x5  }
.LBB2_1:
0x19: {  	[dreg:$0xe] =	wrdreg s18  }
0x1a: {  	s11 =	rddreg [dreg:$0x5]  }
0x1b: {  	[tilespmem:s4], [sflag:$0xA] =	stream.linear.gather [hbm4b:s11+s4], $0x3F00, $0x38;
	[tilespmem:$0x1FB00] =	vst v63  }
0x1c: {  	_ =	swait.ge [sflag:s12], $0x3F00  }
0x1d: {  	[sflag:s12] =	ssyncset.done $0x0  }
0x1e: {  	s25 =	rddreg [dreg:$0x4];
	[sflag:s12] =	ssyncadd.s32 $0xFFFFC100  }
0x1f: {  	[spmem:s17], [sflag:s16] =	dma.local [hbm:s25], $0x2800  }
0x20: {  	_ =	swait.ge [sflag:s12], $0x2800  }
0x21: {  	[sflag:s12] =	ssyncset.done $0x0  }
0x22: {  	[sflag:s12] =	ssyncadd.s32 $0xFFFFD800  }
0x23: {  	[bflag:$0x0] =	sbarrier.arrive $0xFFFF  }
0x24: {  	s17 =	simm.s32 $0x4000;
	s16 =	rddreg [dreg:$0x6]  }
0x25: {  	[tilespmem:s17], [sflag:$0x1] =	stream.linear.gather [hbm4b:s16+s4], $0x50, $0x38;
	[tilespmem:$0x1FB00] =	vst v63  }
0x26: {  	s18 =	rddreg [dreg:$0x7]  }
0x27: {  	[tilespmem:s22], [sflag:$0x1] =	stream.linear.gather [hbm4b:s18+s4], $0x50, $0x38;
	[tilespmem:$0x1FB00] =	vst v63  }
0x28: {  	s20 =	simm.s32 $0x4080;
	s19 =	rddreg [dreg:$0x8]  }
0x29: {  	[tilespmem:s20], [sflag:$0x2] =	stream.linear.gather [hbm4b:s19+s4], $0x50, $0x38;
	[tilespmem:$0x1FB00] =	vst v63  }
0x2a: {  	s25 =	simm.s32 $0x1;
	s23 =	rddreg [dreg:$0x9]  }
0x2b: {  	[tilespmem:s24], [sflag:$0x2] =	stream.linear.gather [hbm4b:s23+s4], $0x50, $0x38;
	[tilespmem:$0x1FB00] =	vst v63  }
0x2c: {  	_ =	swait.ge [sflag:s25], $0x50  }
0x2d: {  	[sflag:s25] =	ssyncset.done $0x0  }
0x2e: {  	[sflag:s25] =	ssyncadd.s32 $0xFFFFFFB0  }
0x2f: {  	_ =	swait.ge [sflag:s25], $0x50  }
0x30: {  	[sflag:s25] =	ssyncset.done $0x0  }
0x31: {  	[sflag:s25] =	ssyncadd.s32 $0xFFFFFFB0  }
0x32: {  	[tilespmem:s28], [sflag:$0x4] =	stream.indirect.gather [hbm4b:s1+s26], $0x80, s17, s26, $0xb8;
	[tilespmem:$0x1FB00] =	vst v63  }
0x33: {  	s17 =	simm.s32 $0x0  }
.LBB2_2:
0x34: {  	s11 =	smul.u32 $0x3, s17;
	_ =	sdelay $0x1  }
0x35: {  	s11 =	sadd.s32 $0x2, s11  }
0x36: {  	s12 =	smul.u32 $0x50, s11;
	_ =	sdelay $0x1  }
0x37: {  	s12 =	sadd.s32 s8, s12  }
0x38: {  	s12 =	sshrl.u32 s12, $0x3  }
0x39: {  	s16 =	sadd.s32 s5, s12  }
0x3a: {  	[tilespmem:s29], [sflag:$0x3] =	stream.linear.gather [hbm4b:s16+s4], $0x50, $0x38;
	[tilespmem:$0x1FB00] =	vst v63  }
0x3b: {  	p0 =	seq.s32 s17, $0x0;
	s12 =	sadd.s32 s6, s12  }
0x3c: {  	[tilespmem:s30], [sflag:$0x3] =	stream.linear.gather [hbm4b:s12+s4], $0x50, $0x38;
	[tilespmem:$0x1FB00] =	vst v63  }
0x3d: {  	s12 =	simm.s32 @!p0 $0x8  }
0x3e: {  	_ =	swait.ge @!p0 [sflag:s12], $0x2800  }
0x3f: {  	[sflag:s12] =	ssyncset.done @!p0 $0x0  }
0x40: {  	[sflag:s12] =	ssyncadd.s32 @!p0 $0xFFFFD800  }
0x41: {  	_ =	swait.ge [sflag:s31], $0x50  }
0x42: {  	s25 =	simm.s32 $0x0;
	[sflag:s31] =	ssyncset.done $0x0  }
0x43: {  	v0 =	vmov s25;
	s16 =	simm.s32 $0x2;
	[sflag:s31] =	ssyncadd.s32 $0xFFFFFFB0  }
0x44: {  	v0 =	vand.u32 $0xFFFFFFFC, v0;
	v1 =	vmov s16;
	_ =	swait.ge [sflag:s31], $0x50  }
0x45: {  	v0 =	vbroadcast v0, $0x0;
	v1 =	vand.u32 $0xFFFFFFFE, v1;
	[sflag:s31] =	ssyncset.done $0x0  }
0x46: {  	s18 =	simm.s32 $0x4080;
	v1 =	vbroadcast v1, $0x0;
	[sflag:s31] =	ssyncadd.s32 $0xFFFFFFB0  }
0x47: {  	[tilespmem:s0], [sflag:$0x5] =	stream.indirect.gather [hbm4b:s1+s26], $0x80, s18, s26, $0xb8;
	[tilespmem:$0x1FB00] =	vst v63  }
0x48: {  	_ =	swait.ge [sflag:s2], $0x2800  }
0x49: {  	[sflag:s2] =	ssyncset.done $0x0  }
0x4a: {  	[sflag:s2] =	ssyncadd.s32 $0xFFFFD800  }
0x4b: {  	v0 =	vld.idx.msk [tilespmem:v0+s22+$0x0], $0xffff  }
0x4c: {  	s19 =	simm.s32 $0x1;
	s12 =	simm.s32 $0x4400;
	v1 =	vld.idx.msk [tilespmem:v1+s22+$0x0], $0xffff  }
0x4d: {  	v2 =	vmov s19;
	v3 =	vld [tilespmem:s12+$0x70]  }
0x4e: {  	v2 =	vand.u32 $0xFFFFFFFD, v2;
	v4 =	vld [tilespmem:s12+$0xFFFFFF00]  }
0x4f: {  	v2 =	vbroadcast v2, $0x0;
	v5 =	vld [tilespmem:s12+$0xFFFFFF10]  }
0x50: {  	v6 =	vld [tilespmem:s12+$0xFFFFFF20]  }
0x51: {  	v7 =	vld [tilespmem:s12+$0xFFFFFF30]  }
0x52: {  	v8 =	vld [tilespmem:s12+$0xFFFFFF40]  }
0x53: {  	v9 =	vld [tilespmem:s12+$0xFFFFFF50]  }
0x54: {  	v10 =	vld [tilespmem:s12+$0xFFFFFF60];
	v4 =	vmul.f32 v4, v0  }
0x55: {  	v2 =	vld.idx.msk [tilespmem:v2+s22+$0x0], $0xffff;
	v3 =	vmul.f32 v3, v1  }
0x56: {  	v12 =	vld [tilespmem:s12+$0x40];
	[tilespmem:s12+$0xFFFFFF00] =	vst v4;
	v4 =	vmul.f32 v5, v0  }
0x57: {  	v5 =	vld [tilespmem:s12+$0xFFFFFF70];
	[tilespmem:s12+$0x70] =	vst v3;
	v3 =	vmul.f32 v6, v0  }
0x58: {  	v6 =	vld [tilespmem:s12+$0xFFFFFF80];
	[tilespmem:s12+$0xFFFFFF10] =	vst v4;
	v4 =	vmul.f32 v7, v0  }
0x59: {  	v7 =	vld [tilespmem:s12+$0xFFFFFF90];
	[tilespmem:s12+$0xFFFFFF20] =	vst v3;
	v3 =	vmul.f32 v8, v0  }
0x5a: {  	v8 =	vld [tilespmem:s12+$0xFFFFFFA0];
	[tilespmem:s12+$0xFFFFFF30] =	vst v4;
	v4 =	vmul.f32 v9, v0  }
0x5b: {  	v9 =	vld [tilespmem:s12+$0xFFFFFFB0];
	[tilespmem:s12+$0xFFFFFF40] =	vst v3;
	v3 =	vmul.f32 v10, v0  }
0x5c: {  	v10 =	vld [tilespmem:s12+$0xFFFFFFC0];
	v5 =	vmul.f32 v5, v0;
	[tilespmem:s12+$0xFFFFFF50] =	vst v4  }
0x5d: {  	v4 =	vmul.f32 v6, v2;
	v6 =	vld [tilespmem:s12+$0xFFFFFFD0];
	[tilespmem:s12+$0xFFFFFF60] =	vst v3  }
0x5e: {  	s20 =	simm.s32 $0x3;
	v3 =	vld [tilespmem:s12+$0xFFFFFFE0];
	v7 =	vmul.f32 v7, v2;
	[tilespmem:s12+$0xFFFFFF70] =	vst v5  }
0x5f: {  	v11 =	vmov s20;
	v5 =	vld [tilespmem:s12+$0xFFFFFFF0];
	[tilespmem:s12+$0xFFFFFF80] =	vst v4;
	v4 =	vmul.f32 v8, v2  }
0x60: {  	v8 =	vld [tilespmem:s12+$0x0];
	[tilespmem:s12+$0xFFFFFF90] =	vst v7;
	v7 =	vmul.f32 v9, v2  }
0x61: {  	v9 =	vld [tilespmem:s12+$0x10];
	[tilespmem:s12+$0xFFFFFFA0] =	vst v4;
	v4 =	vmul.f32 v10, v2  }
0x62: {  	[tilespmem:s12+$0xFFFFFFB0] =	vst v7;
	v6 =	vmul.f32 v6, v2;
	v7 =	vld [tilespmem:s12+$0x20]  }
0x63: {  	v10 =	vld [tilespmem:s12+$0x30];
	v3 =	vmul.f32 v3, v2;
	[tilespmem:s12+$0xFFFFFFC0] =	vst v4  }
0x64: {  	v0 =	vld.idx.msk [tilespmem:v11+s22+$0x0], $0xffff;
	v2 =	vmul.f32 v5, v2;
	[tilespmem:s12+$0xFFFFFFD0] =	vst v6  }
0x65: {  	[tilespmem:s12+$0xFFFFFFE0] =	vst v3;
	v4 =	vmul.f32 v8, v1;
	v3 =	vld [tilespmem:s12+$0x50]  }
0x66: {  	s23 =	simm.s32 $0x4;
	[tilespmem:s12+$0xFFFFFFF0] =	vst v2;
	v5 =	vmul.f32 v9, v1;
	v2 =	vld [tilespmem:s12+$0x60]  }
0x67: {  	s25 =	simm.s32 $0x7;
	v6 =	vmov s23;
	[tilespmem:s12+$0x0] =	vst v4;
	v8 =	vmul.f32 v7, v1;
	v7 =	vld [tilespmem:s12+$0x80]  }
0x68: {  	s18 =	simm.s32 $0x5;
	v11 =	vand.u32 $0xFFFFFFFC, v6;
	v6 =	vld [tilespmem:s12+$0x90];
	v4 =	vmov s25;
	v9 =	vmul.f32 v10, v1;
	[tilespmem:s12+$0x10] =	vst v5  }
0x69: {  	s20 =	simm.s32 $0x8;
	s19 =	simm.s32 $0x4400;
	v10 =	vmul.f32 v12, v1;
	v5 =	vbroadcast v11, $0x0;
	v11 =	vmov s18;
	s18 =	simm.s32 $0x6;
	[tilespmem:s12+$0x20] =	vst v8;
	v8 =	vld [tilespmem:s12+$0xA0]  }
.LBB2_3:
0x6a: {  	p0 =	slt.u32 s20, $0x4C;
	v11 =	vand.u32 $0xFFFFFFFD, v11;
	v12 =	vmov s18;
	[tilespmem:s12+$0x30] =	vst v9;
	v3 =	vmul.f32 v3, v1;
	v9 =	vld [tilespmem:s12+$0xB0]  }
0x6b: {  	v11 =	vbroadcast v11, $0x0;
	v12 =	vand.u32 $0xFFFFFFFE, v12;
	[tilespmem:s12+$0x40] =	vst v10;
	v1 =	vmul.f32 v2, v1;
	v2 =	vld [tilespmem:s12+$0xC0]  }
0x6c: {  	v10 =	vbroadcast v12, $0x0;
	[tilespmem:s12+$0x50] =	vst v3;
	v3 =	vmul.f32 v7, v0;
	v7 =	vld [tilespmem:s12+$0xD0]  }
0x6d: {  	[tilespmem:s12+$0x60] =	vst v1;
	v1 =	vmul.f32 v6, v0;
	v6 =	vld [tilespmem:s12+$0xE0]  }
0x6e: {  	[tilespmem:s12+$0x80] =	vst v3;
	v3 =	vmul.f32 v8, v0;
	v8 =	vld [tilespmem:s12+$0xF0]  }
0x6f: {  	v4 =	vld.idx.msk [tilespmem:v4+s22+$0x0], $0xffff;
	[tilespmem:s12+$0x90] =	vst v1;
	v1 =	vmul.f32 v9, v0  }
0x70: {  	v5 =	vld.idx.msk [tilespmem:v5+s22+$0x0], $0xffff;
	[tilespmem:s12+$0xA0] =	vst v3;
	v2 =	vmul.f32 v2, v0  }
0x71: {  	v3 =	vld.idx.msk [tilespmem:v11+s22+$0x0], $0xffff;
	[tilespmem:s12+$0xB0] =	vst v1;
	v7 =	vmul.f32 v7, v0  }
0x72: {  	s12 =	sadd.s32 $0x200, s12;
	v1 =	vld.idx.msk [tilespmem:v10+s22+$0x0], $0xffff;
	[tilespmem:s19+$0xC0] =	vst v2;
	v2 =	vmul.f32 v6, v0  }
0x73: {  	v6 =	vld [tilespmem:s12+$0x70];
	[tilespmem:s19+$0xD0] =	vst v7;
	v8 =	vmul.f32 v8, v0  }
0x74: {  	v7 =	vld [tilespmem:s12+$0xFFFFFF00];
	[tilespmem:s19+$0xE0] =	vst v2  }
0x75: {  	v0 =	vmov v4;
	v2 =	vld [tilespmem:s12+$0xFFFFFF10];
	[tilespmem:s19+$0xF0] =	vst v8;
	s19 =	smov.u32 s12  }
0x76: {  	v4 =	vld [tilespmem:s12+$0xFFFFFF20]  }
0x77: {  	v8 =	vld [tilespmem:s12+$0xFFFFFF30]  }
0x78: {  	v9 =	vld [tilespmem:s12+$0xFFFFFF40];
	v6 =	vmul.f32 v6, v1  }
0x79: {  	v7 =	vmul.f32 v7, v5;
	v10 =	vld [tilespmem:s12+$0xFFFFFF50]  }
0x7a: {  	v2 =	vmul.f32 v2, v5;
	v11 =	vld [tilespmem:s12+$0xFFFFFF60];
	[tilespmem:s12+$0x70] =	vst v6  }
0x7b: {  	[tilespmem:s12+$0xFFFFFF00] =	vst v7;
	v4 =	vmul.f32 v4, v5;
	v6 =	vld [tilespmem:s12+$0xFFFFFF70]  }
0x7c: {  	[tilespmem:s12+$0xFFFFFF10] =	vst v2;
	v2 =	vmul.f32 v8, v5;
	v7 =	vld [tilespmem:s12+$0xFFFFFF80]  }
0x7d: {  	[tilespmem:s12+$0xFFFFFF20] =	vst v4;
	v4 =	vmul.f32 v9, v5;
	v8 =	vld [tilespmem:s12+$0xFFFFFF90]  }
0x7e: {  	[tilespmem:s12+$0xFFFFFF30] =	vst v2;
	v2 =	vmul.f32 v10, v5;
	v9 =	vld [tilespmem:s12+$0xFFFFFFA0]  }
0x7f: {  	[tilespmem:s12+$0xFFFFFF40] =	vst v4;
	v4 =	vmul.f32 v11, v5;
	v10 =	vld [tilespmem:s12+$0xFFFFFFB0]  }
0x80: {  	[tilespmem:s12+$0xFFFFFF50] =	vst v2;
	v2 =	vmul.f32 v6, v5;
	v5 =	vld [tilespmem:s12+$0xFFFFFFC0]  }
0x81: {  	[tilespmem:s12+$0xFFFFFF60] =	vst v4;
	v4 =	vmul.f32 v7, v3;
	v6 =	vld [tilespmem:s12+$0xFFFFFFD0]  }
0x82: {  	[tilespmem:s12+$0xFFFFFF70] =	vst v2;
	v2 =	vmul.f32 v8, v3;
	v7 =	vld [tilespmem:s12+$0xFFFFFFE0]  }
0x83: {  	[tilespmem:s12+$0xFFFFFF80] =	vst v4;
	v4 =	vmul.f32 v9, v3;
	v8 =	vld [tilespmem:s12+$0xFFFFFFF0]  }
0x84: {  	[tilespmem:s12+$0xFFFFFF90] =	vst v2;
	v2 =	vmul.f32 v10, v3;
	v9 =	vld [tilespmem:s12+$0x0]  }
0x85: {  	[tilespmem:s12+$0xFFFFFFA0] =	vst v4;
	v4 =	vmul.f32 v5, v3;
	v5 =	vld [tilespmem:s12+$0x10]  }
0x86: {  	[tilespmem:s12+$0xFFFFFFB0] =	vst v2;
	v2 =	vmul.f32 v6, v3;
	v6 =	vld [tilespmem:s12+$0x20]  }
0x87: {  	[tilespmem:s12+$0xFFFFFFC0] =	vst v4;
	v4 =	vmul.f32 v7, v3;
	v10 =	vld [tilespmem:s12+$0x30]  }
0x88: {  	[tilespmem:s12+$0xFFFFFFD0] =	vst v2;
	v2 =	vmul.f32 v8, v3;
	v8 =	vld [tilespmem:s12+$0x40]  }
.Ltmp0:
0x89: {  	[tilespmem:s12+$0xFFFFFFE0] =	vst v4;
	v4 =	vmul.f32 v9, v1;
	v3 =	vld [tilespmem:s12+$0x50];
	(pc) =	sbr.rel @p0 .LBB2_3-.Ltmp0, $4  }
0x8a: {  	[tilespmem:s12+$0xFFFFFFF0] =	vst v2;
	v5 =	vmul.f32 v5, v1;
	v2 =	vld [tilespmem:s12+$0x60]  }
0x8b: {  	s16 =	sadd.s32 $0x3, s20;
	v9 =	vmov s20;
	[tilespmem:s12+$0x0] =	vst v4;
	v12 =	vmul.f32 v6, v1;
	v7 =	vld [tilespmem:s12+$0x80]  }
0x8c: {  	s18 =	sadd.s32 $0x1, s20;
	v11 =	vand.u32 $0xFFFFFFFC, v9;
	v4 =	vmov s16;
	[tilespmem:s12+$0x10] =	vst v5;
	v9 =	vmul.f32 v10, v1;
	v6 =	vld [tilespmem:s12+$0x90]  }
0x8d: {  	v5 =	vbroadcast v11, $0x0;
	v11 =	vmov s18;
	s18 =	sadd.s32 $0x2, s20;
	s20 =	sadd.s32 $0x4, s20;
	[tilespmem:s12+$0x20] =	vst v12;
	v10 =	vmul.f32 v8, v1;
	v8 =	vld [tilespmem:s12+$0xA0]  }
0x8e: {  	v12 =	vld [tilespmem:s12+$0xB0]  }
0x8f: {  	v14 =	vld [tilespmem:s12+$0xC0]  }
0x90: {  	v13 =	vmov s18;
	v15 =	vld [tilespmem:s12+$0xD0]  }
0x91: {  	v16 =	vld [tilespmem:s12+$0xE0];
	[tilespmem:s12+$0x30] =	vst v9;
	v3 =	vmul.f32 v3, v1;
	v13 =	vand.u32 $0xFFFFFFFE, v13  }
0x92: {  	v11 =	vand.u32 $0xFFFFFFFD, v11;
	v4 =	vld.idx.msk [tilespmem:v4+s22+$0x0], $0xffff;
	[tilespmem:s12+$0x40] =	vst v10;
	v1 =	vmul.f32 v2, v1;
	v13 =	vbroadcast v13, $0x0  }
0x93: {  	s25 =	sadd.s32 $0x200, s12;
	v11 =	vbroadcast v11, $0x0;
	v2 =	vld.idx.msk [tilespmem:v5+s22+$0x0], $0xffff;
	v7 =	vmul.f32 v7, v0;
	[tilespmem:s12+$0x50] =	vst v3  }
0x94: {  	v9 =	vld [tilespmem:s25+$0xFFFFFF00];
	v3 =	vmul.f32 v6, v0;
	[tilespmem:s12+$0x60] =	vst v1  }
0x95: {  	[tilespmem:s12+$0x80] =	vst v7;
	v7 =	vld [tilespmem:s12+$0xF0];
	v1 =	vmul.f32 v8, v0  }
0x96: {  	v10 =	vld [tilespmem:s25+$0xFFFFFF10];
	[tilespmem:s12+$0x90] =	vst v3;
	v3 =	vmul.f32 v12, v0  }
0x97: {  	v8 =	vld [tilespmem:s25+$0x70];
	[tilespmem:s12+$0xA0] =	vst v1;
	v1 =	vmul.f32 v14, v0  }
0x98: {  	[tilespmem:s12+$0xB0] =	vst v3;
	v3 =	vmul.f32 v15, v0;
	v6 =	vld.idx.msk [tilespmem:v13+s22+$0x0], $0xffff  }
0x99: {  	v5 =	vld.idx.msk [tilespmem:v11+s22+$0x0], $0xffff;
	[tilespmem:s19+$0xC0] =	vst v1;
	v1 =	vmul.f32 v16, v0  }
0x9a: {  	v11 =	vld [tilespmem:s25+$0xFFFFFF20];
	[tilespmem:s19+$0xD0] =	vst v3;
	v0 =	vmul.f32 v7, v0  }
0x9b: {  	v3 =	vld [tilespmem:s25+$0xFFFFFF30];
	[tilespmem:s19+$0xE0] =	vst v1  }
0x9c: {  	v1 =	vld [tilespmem:s25+$0xFFFFFF40];
	[tilespmem:s19+$0xF0] =	vst v0;
	v0 =	vmul.f32 v9, v2  }
0x9d: {  	v7 =	vmul.f32 v8, v6;
	v8 =	vld [tilespmem:s25+$0xFFFFFF50]  }
0x9e: {  	v9 =	vmul.f32 v10, v2;
	v10 =	vld [tilespmem:s25+$0xFFFFFF60];
	[tilespmem:s25+$0xFFFFFF00] =	vst v0  }
0x9f: {  	v0 =	vmul.f32 v11, v2;
	[tilespmem:s25+$0x70] =	vst v7;
	v7 =	vld [tilespmem:s25+$0xFFFFFF70]  }
0xa0: {  	[tilespmem:s25+$0xFFFFFF10] =	vst v9;
	v9 =	vld [tilespmem:s25+$0xFFFFFF80];
	v3 =	vmul.f32 v3, v2  }
0xa1: {  	[tilespmem:s25+$0xFFFFFF20] =	vst v0;
	v0 =	vmul.f32 v1, v2;
	v1 =	vld [tilespmem:s25+$0xFFFFFF90]  }
0xa2: {  	[tilespmem:s25+$0xFFFFFF30] =	vst v3;
	v3 =	vmul.f32 v8, v2;
	v8 =	vld [tilespmem:s25+$0xFFFFFFA0]  }
0xa3: {  	[tilespmem:s25+$0xFFFFFF40] =	vst v0;
	v0 =	vmul.f32 v10, v2;
	v10 =	vld [tilespmem:s25+$0xFFFFFFB0]  }
0xa4: {  	[tilespmem:s25+$0xFFFFFF50] =	vst v3;
	v2 =	vmul.f32 v7, v2;
	v3 =	vld [tilespmem:s25+$0xFFFFFFC0]  }
0xa5: {  	[tilespmem:s25+$0xFFFFFF60] =	vst v0;
	v0 =	vmul.f32 v9, v5;
	v7 =	vld [tilespmem:s25+$0xFFFFFFD0]  }
0xa6: {  	v1 =	vmul.f32 v1, v5;
	[tilespmem:s25+$0xFFFFFF70] =	vst v2;
	v2 =	vld [tilespmem:s25+$0xFFFFFFE0]  }
0xa7: {  	[tilespmem:s25+$0xFFFFFF80] =	vst v0;
	v0 =	vmul.f32 v8, v5;
	v8 =	vld [tilespmem:s25+$0xFFFFFFF0]  }
0xa8: {  	v9 =	vld [tilespmem:s25+$0x0];
	[tilespmem:s25+$0xFFFFFF90] =	vst v1;
	v1 =	vmul.f32 v10, v5  }
0xa9: {  	[tilespmem:s25+$0xFFFFFFA0] =	vst v0;
	v0 =	vmul.f32 v3, v5;
	v3 =	vld [tilespmem:s25+$0x10]  }
0xaa: {  	[tilespmem:s25+$0xFFFFFFB0] =	vst v1;
	v1 =	vmul.f32 v7, v5;
	v7 =	vld [tilespmem:s25+$0x20]  }
0xab: {  	[tilespmem:s25+$0xFFFFFFC0] =	vst v0;
	v0 =	vmul.f32 v2, v5;
	v2 =	vld [tilespmem:s25+$0x30]  }
0xac: {  	[tilespmem:s25+$0xFFFFFFD0] =	vst v1;
	v1 =	vmul.f32 v8, v5;
	v5 =	vld [tilespmem:s25+$0x40]  }
0xad: {  	v8 =	vld [tilespmem:s25+$0x50];
	[tilespmem:s25+$0xFFFFFFE0] =	vst v0;
	v0 =	vmul.f32 v9, v6  }
0xae: {  	[tilespmem:s25+$0xFFFFFFF0] =	vst v1;
	v1 =	vmul.f32 v3, v6;
	v3 =	vld [tilespmem:s25+$0x60]  }
0xaf: {  	[tilespmem:s25+$0x0] =	vst v0;
	v0 =	vmul.f32 v7, v6;
	v7 =	vld [tilespmem:s25+$0x80]  }
0xb0: {  	[tilespmem:s25+$0x10] =	vst v1;
	v1 =	vmul.f32 v2, v6;
	v2 =	vld [tilespmem:s25+$0x90]  }
0xb1: {  	[tilespmem:s25+$0x20] =	vst v0;
	v0 =	vmul.f32 v5, v6;
	v5 =	vld [tilespmem:s25+$0xA0]  }
0xb2: {  	[tilespmem:s25+$0x30] =	vst v1;
	v1 =	vmul.f32 v8, v6;
	v8 =	vld [tilespmem:s25+$0xB0]  }
0xb3: {  	[tilespmem:s25+$0x40] =	vst v0;
	v0 =	vmul.f32 v3, v6;
	v3 =	vld [tilespmem:s25+$0xC0]  }
0xb4: {  	v6 =	vld [tilespmem:s25+$0xD0];
	[tilespmem:s25+$0x50] =	vst v1;
	v1 =	vmul.f32 v7, v4  }
0xb5: {  	[tilespmem:s25+$0x60] =	vst v0;
	v0 =	vmul.f32 v2, v4;
	v2 =	vld [tilespmem:s25+$0xE0]  }
0xb6: {  	[tilespmem:s25+$0x80] =	vst v1;
	v1 =	vmul.f32 v5, v4;
	v5 =	vld [tilespmem:s25+$0xF0]  }
0xb7: {  	[tilespmem:s25+$0x90] =	vst v0;
	v0 =	vmul.f32 v8, v4  }
0xb8: {  	[tilespmem:s25+$0xA0] =	vst v1;
	v1 =	vmul.f32 v3, v4  }
0xb9: {  	s16 =	smul.u32 $0x600, s17;
	p0 =	seq.s32 s17, $0x29;
	[tilespmem:s25+$0xB0] =	vst v0;
	v0 =	vmul.f32 v6, v4  }
0xba: {  	s12 =	smul.u32 @!p0 $0xF0, s17;
	[tilespmem:s25+$0xC0] =	vst v1;
	v1 =	vmul.f32 v2, v4  }
0xbb: {  	[tilespmem:s25+$0xD0] =	vst v0;
	v0 =	vmul.f32 v5, v4  }
0xbc: {  	s19 =	sshra.s32 s16, $0x2;
	s16 =	sadd.s32 @!p0 s12, s14;
	[tilespmem:s25+$0xE0] =	vst v1  }
0xbd: {  	s20 =	simm.s32 @!p0 $0x0;
	s16 =	sshrl.u32 @!p0 s16, $0x3;
	[tilespmem:s25+$0xF0] =	vst v0  }
0xbe: {  	[spmem:s3] =	stream.indirect.scatter.add.f32 [tilespmem:s28], [sflag:$0x7], $0x80, s19, s26, $0xb8;
	[tilespmem:$0x1FB00] =	vst v63  }
0xbf: {  	p1 =	seq.s32 @!p0 s17, $0x0;
	s18 =	sadd.s32 @!p0 s5, s16;
	s25 =	simm.s32 @!p0 $0x4000  }
0xc0: {  	[tilespmem:s25], [sflag:$0x1] =	stream.linear.gather @!p0 [hbm4b:s18+s20], $0x50, $0x38;
	[tilespmem:$0x1FB00] =	vst v63  }
0xc1: {  	p1 =	por p0, !p1;
	s16 =	sadd.s32 @!p0 s6, s16;
	s18 =	simm.s32 @!p0 $0x4180  }
0xc2: {  	[tilespmem:s18], [sflag:$0x1] =	stream.linear.gather @!p0 [hbm4b:s16+s20], $0x50, $0x38;
	[tilespmem:$0x1FB00] =	vst v63  }
0xc3: {  	_ =	swait.ge @p1 [sflag:s13], $0x2800  }
0xc4: {  	[sflag:s13] =	ssyncset.done @p1 $0x0  }
0xc5: {  	[sflag:s13] =	ssyncadd.s32 @p1 $0xFFFFD800  }
0xc6: {  	_ =	swait.ge [sflag:s7], $0x50  }
0xc7: {  	s18 =	simm.s32 $0x0;
	[sflag:s7] =	ssyncset.done $0x0  }
0xc8: {  	s20 =	simm.s32 $0x2;
	v0 =	vmov s18;
	[sflag:s7] =	ssyncadd.s32 $0xFFFFFFB0  }
0xc9: {  	v1 =	vmov s20;
	v0 =	vand.u32 $0xFFFFFFFC, v0;
	_ =	swait.ge [sflag:s7], $0x50  }
0xca: {  	v1 =	vand.u32 $0xFFFFFFFE, v1;
	v0 =	vbroadcast v0, $0x0;
	[sflag:s7] =	ssyncset.done $0x0  }
0xcb: {  	v1 =	vbroadcast v1, $0x0;
	[sflag:s7] =	ssyncadd.s32 $0xFFFFFFB0  }
0xcc: {  	[tilespmem:s21], [sflag:$0x6] =	stream.indirect.gather [hbm4b:s1+s26], $0x80, s29, s26, $0xb8;
	[tilespmem:$0x1FB00] =	vst v63  }
0xcd: {  	_ =	swait.ge [sflag:s9], $0x2800  }
0xce: {  	[sflag:s9] =	ssyncset.done $0x0  }
0xcf: {  	[sflag:s9] =	ssyncadd.s32 $0xFFFFD800  }
0xd0: {  	v0 =	vld.idx.msk [tilespmem:v0+s24+$0x0], $0xffff  }
0xd1: {  	s23 =	simm.s32 $0x1;
	s20 =	simm.s32 $0x6C00;
	v1 =	vld.idx.msk [tilespmem:v1+s24+$0x0], $0xffff  }
0xd2: {  	v2 =	vmov s23;
	v3 =	vld [tilespmem:s20+$0x70]  }
0xd3: {  	v2 =	vand.u32 $0xFFFFFFFD, v2;
	v4 =	vld [tilespmem:s20+$0xFFFFFF00]  }
0xd4: {  	v2 =	vbroadcast v2, $0x0;
	v5 =	vld [tilespmem:s20+$0xFFFFFF10]  }
0xd5: {  	v6 =	vld [tilespmem:s20+$0xFFFFFF20]  }
0xd6: {  	v7 =	vld [tilespmem:s20+$0xFFFFFF30]  }
0xd7: {  	v8 =	vld [tilespmem:s20+$0xFFFFFF40]  }
0xd8: {  	v9 =	vld [tilespmem:s20+$0xFFFFFF50]  }
0xd9: {  	v10 =	vld [tilespmem:s20+$0xFFFFFF60];
	v4 =	vmul.f32 v4, v0  }
0xda: {  	v2 =	vld.idx.msk [tilespmem:v2+s24+$0x0], $0xffff;
	v3 =	vmul.f32 v3, v1  }
0xdb: {  	v63 =	vld [tilespmem:s20+$0x40];
	[tilespmem:s20+$0xFFFFFF00] =	vst v4;
	v4 =	vmul.f32 v5, v0  }
0xdc: {  	v5 =	vld [tilespmem:s20+$0xFFFFFF70];
	[tilespmem:s20+$0x70] =	vst v3;
	v3 =	vmul.f32 v6, v0  }
0xdd: {  	v6 =	vld [tilespmem:s20+$0xFFFFFF80];
	[tilespmem:s20+$0xFFFFFF10] =	vst v4;
	v4 =	vmul.f32 v7, v0  }
0xde: {  	v7 =	vld [tilespmem:s20+$0xFFFFFF90];
	[tilespmem:s20+$0xFFFFFF20] =	vst v3;
	v3 =	vmul.f32 v8, v0  }
0xdf: {  	v8 =	vld [tilespmem:s20+$0xFFFFFFA0];
	[tilespmem:s20+$0xFFFFFF30] =	vst v4;
	v4 =	vmul.f32 v9, v0  }
0xe0: {  	v9 =	vld [tilespmem:s20+$0xFFFFFFB0];
	[tilespmem:s20+$0xFFFFFF40] =	vst v3;
	v3 =	vmul.f32 v10, v0  }
0xe1: {  	v10 =	vld [tilespmem:s20+$0xFFFFFFC0];
	v5 =	vmul.f32 v5, v0;
	[tilespmem:s20+$0xFFFFFF50] =	vst v4  }
0xe2: {  	v4 =	vmul.f32 v6, v2;
	v6 =	vld [tilespmem:s20+$0xFFFFFFD0];
	[tilespmem:s20+$0xFFFFFF60] =	vst v3  }
0xe3: {  	s25 =	simm.s32 $0x3;
	v3 =	vld [tilespmem:s20+$0xFFFFFFE0];
	v7 =	vmul.f32 v7, v2;
	[tilespmem:s20+$0xFFFFFF70] =	vst v5  }
0xe4: {  	v11 =	vmov s25;
	v5 =	vld [tilespmem:s20+$0xFFFFFFF0];
	[tilespmem:s20+$0xFFFFFF80] =	vst v4;
	v4 =	vmul.f32 v8, v2  }
0xe5: {  	v8 =	vld [tilespmem:s20+$0x0];
	[tilespmem:s20+$0xFFFFFF90] =	vst v7;
	v7 =	vmul.f32 v9, v2  }
0xe6: {  	v9 =	vld [tilespmem:s20+$0x10];
	[tilespmem:s20+$0xFFFFFFA0] =	vst v4;
	v4 =	vmul.f32 v10, v2  }
0xe7: {  	[tilespmem:s20+$0xFFFFFFB0] =	vst v7;
	v6 =	vmul.f32 v6, v2;
	v7 =	vld [tilespmem:s20+$0x20]  }
0xe8: {  	v10 =	vld [tilespmem:s20+$0x30];
	v3 =	vmul.f32 v3, v2;
	[tilespmem:s20+$0xFFFFFFC0] =	vst v4  }
0xe9: {  	v0 =	vld.idx.msk [tilespmem:v11+s24+$0x0], $0xffff;
	v2 =	vmul.f32 v5, v2;
	[tilespmem:s20+$0xFFFFFFD0] =	vst v6  }
0xea: {  	[tilespmem:s20+$0xFFFFFFE0] =	vst v3;
	v4 =	vmul.f32 v8, v1;
	v3 =	vld [tilespmem:s20+$0x50]  }
0xeb: {  	s18 =	simm.s32 $0x4;
	[tilespmem:s20+$0xFFFFFFF0] =	vst v2;
	v5 =	vmul.f32 v9, v1;
	v2 =	vld [tilespmem:s20+$0x60]  }
0xec: {  	s23 =	simm.s32 $0x7;
	v6 =	vmov s18;
	[tilespmem:s20+$0x0] =	vst v4;
	v8 =	vmul.f32 v7, v1;
	v7 =	vld [tilespmem:s20+$0x80]  }
0xed: {  	s25 =	simm.s32 $0x5;
	v11 =	vand.u32 $0xFFFFFFFC, v6;
	v6 =	vld [tilespmem:s20+$0x90];
	v4 =	vmov s23;
	v9 =	vmul.f32 v10, v1;
	[tilespmem:s20+$0x10] =	vst v5  }
0xee: {  	s16 =	simm.s32 $0x6;
	s18 =	simm.s32 $0x8;
	v10 =	vmul.f32 v63, v1;
	v5 =	vbroadcast v11, $0x0;
	v11 =	vmov s25;
	s25 =	simm.s32 $0x6C00;
	[tilespmem:s20+$0x20] =	vst v8;
	v8 =	vld [tilespmem:s20+$0xA0]  }
.LBB2_5:
0xef: {  	p1 =	slt.u32 s18, $0x4C;
	v11 =	vand.u32 $0xFFFFFFFD, v11;
	v12 =	vmov s16;
	[tilespmem:s20+$0x30] =	vst v9;
	v3 =	vmul.f32 v3, v1;
	v9 =	vld [tilespmem:s20+$0xB0]  }
0xf0: {  	v11 =	vbroadcast v11, $0x0;
	v12 =	vand.u32 $0xFFFFFFFE, v12;
	[tilespmem:s20+$0x40] =	vst v10;
	v1 =	vmul.f32 v2, v1;
	v2 =	vld [tilespmem:s20+$0xC0]  }
0xf1: {  	v10 =	vbroadcast v12, $0x0;
	[tilespmem:s20+$0x50] =	vst v3;
	v3 =	vmul.f32 v7, v0;
	v7 =	vld [tilespmem:s20+$0xD0]  }
0xf2: {  	[tilespmem:s20+$0x60] =	vst v1;
	v1 =	vmul.f32 v6, v0;
	v6 =	vld [tilespmem:s20+$0xE0]  }
0xf3: {  	[tilespmem:s20+$0x80] =	vst v3;
	v3 =	vmul.f32 v8, v0;
	v8 =	vld [tilespmem:s20+$0xF0]  }
0xf4: {  	v4 =	vld.idx.msk [tilespmem:v4+s24+$0x0], $0xffff;
	[tilespmem:s20+$0x90] =	vst v1;
	v1 =	vmul.f32 v9, v0  }
0xf5: {  	v5 =	vld.idx.msk [tilespmem:v5+s24+$0x0], $0xffff;
	[tilespmem:s20+$0xA0] =	vst v3;
	v2 =	vmul.f32 v2, v0  }
0xf6: {  	v3 =	vld.idx.msk [tilespmem:v11+s24+$0x0], $0xffff;
	[tilespmem:s20+$0xB0] =	vst v1;
	v7 =	vmul.f32 v7, v0  }
0xf7: {  	s20 =	sadd.s32 $0x200, s20;
	v1 =	vld.idx.msk [tilespmem:v10+s24+$0x0], $0xffff;
	[tilespmem:s25+$0xC0] =	vst v2;
	v2 =	vmul.f32 v6, v0  }
0xf8: {  	v6 =	vld [tilespmem:s20+$0x70];
	[tilespmem:s25+$0xD0] =	vst v7;
	v8 =	vmul.f32 v8, v0  }
0xf9: {  	v7 =	vld [tilespmem:s20+$0xFFFFFF00];
	[tilespmem:s25+$0xE0] =	vst v2  }
0xfa: {  	v0 =	vmov v4;
	v2 =	vld [tilespmem:s20+$0xFFFFFF10];
	[tilespmem:s25+$0xF0] =	vst v8;
	s25 =	smov.u32 s20  }
0xfb: {  	v4 =	vld [tilespmem:s20+$0xFFFFFF20]  }
0xfc: {  	v8 =	vld [tilespmem:s20+$0xFFFFFF30]  }
0xfd: {  	v9 =	vld [tilespmem:s20+$0xFFFFFF40];
	v6 =	vmul.f32 v6, v1  }
0xfe: {  	v7 =	vmul.f32 v7, v5;
	v10 =	vld [tilespmem:s20+$0xFFFFFF50]  }
0xff: {  	v2 =	vmul.f32 v2, v5;
	v11 =	vld [tilespmem:s20+$0xFFFFFF60];
	[tilespmem:s20+$0x70] =	vst v6  }
0x100: {  	[tilespmem:s20+$0xFFFFFF00] =	vst v7;
	v4 =	vmul.f32 v4, v5;
	v6 =	vld [tilespmem:s20+$0xFFFFFF70]  }
0x101: {  	[tilespmem:s20+$0xFFFFFF10] =	vst v2;
	v2 =	vmul.f32 v8, v5;
	v7 =	vld [tilespmem:s20+$0xFFFFFF80]  }
0x102: {  	[tilespmem:s20+$0xFFFFFF20] =	vst v4;
	v4 =	vmul.f32 v9, v5;
	v8 =	vld [tilespmem:s20+$0xFFFFFF90]  }
0x103: {  	[tilespmem:s20+$0xFFFFFF30] =	vst v2;
	v2 =	vmul.f32 v10, v5;
	v9 =	vld [tilespmem:s20+$0xFFFFFFA0]  }
0x104: {  	[tilespmem:s20+$0xFFFFFF40] =	vst v4;
	v4 =	vmul.f32 v11, v5;
	v10 =	vld [tilespmem:s20+$0xFFFFFFB0]  }
0x105: {  	[tilespmem:s20+$0xFFFFFF50] =	vst v2;
	v2 =	vmul.f32 v6, v5;
	v5 =	vld [tilespmem:s20+$0xFFFFFFC0]  }
0x106: {  	[tilespmem:s20+$0xFFFFFF60] =	vst v4;
	v4 =	vmul.f32 v7, v3;
	v6 =	vld [tilespmem:s20+$0xFFFFFFD0]  }
0x107: {  	[tilespmem:s20+$0xFFFFFF70] =	vst v2;
	v2 =	vmul.f32 v8, v3;
	v7 =	vld [tilespmem:s20+$0xFFFFFFE0]  }
0x108: {  	[tilespmem:s20+$0xFFFFFF80] =	vst v4;
	v4 =	vmul.f32 v9, v3;
	v8 =	vld [tilespmem:s20+$0xFFFFFFF0]  }
0x109: {  	[tilespmem:s20+$0xFFFFFF90] =	vst v2;
	v2 =	vmul.f32 v10, v3;
	v9 =	vld [tilespmem:s20+$0x0]  }
0x10a: {  	[tilespmem:s20+$0xFFFFFFA0] =	vst v4;
	v4 =	vmul.f32 v5, v3;
	v5 =	vld [tilespmem:s20+$0x10]  }
0x10b: {  	[tilespmem:s20+$0xFFFFFFB0] =	vst v2;
	v2 =	vmul.f32 v6, v3;
	v6 =	vld [tilespmem:s20+$0x20]  }
0x10c: {  	[tilespmem:s20+$0xFFFFFFC0] =	vst v4;
	v4 =	vmul.f32 v7, v3;
	v10 =	vld [tilespmem:s20+$0x30]  }
0x10d: {  	[tilespmem:s20+$0xFFFFFFD0] =	vst v2;
	v2 =	vmul.f32 v8, v3;
	v8 =	vld [tilespmem:s20+$0x40]  }
.Ltmp1:
0x10e: {  	[tilespmem:s20+$0xFFFFFFE0] =	vst v4;
	v4 =	vmul.f32 v9, v1;
	v3 =	vld [tilespmem:s20+$0x50];
	(pc) =	sbr.rel @p1 .LBB2_5-.Ltmp1, $4  }
0x10f: {  	[tilespmem:s20+$0xFFFFFFF0] =	vst v2;
	v5 =	vmul.f32 v5, v1;
	v2 =	vld [tilespmem:s20+$0x60]  }
0x110: {  	s16 =	sadd.s32 $0x3, s18;
	v9 =	vmov s18;
	[tilespmem:s20+$0x0] =	vst v4;
	v12 =	vmul.f32 v6, v1;
	v7 =	vld [tilespmem:s20+$0x80]  }
0x111: {  	s23 =	sadd.s32 $0x1, s18;
	v11 =	vand.u32 $0xFFFFFFFC, v9;
	v4 =	vmov s16;
	[tilespmem:s20+$0x10] =	vst v5;
	v9 =	vmul.f32 v10, v1;
	v6 =	vld [tilespmem:s20+$0x90]  }
0x112: {  	s16 =	sadd.s32 $0x2, s18;
	s18 =	sadd.s32 $0x4, s18;
	v5 =	vbroadcast v11, $0x0;
	v11 =	vmov s23;
	[tilespmem:s20+$0x20] =	vst v12;
	v10 =	vmul.f32 v8, v1;
	v8 =	vld [tilespmem:s20+$0xA0]  }
0x113: {  	v12 =	vld [tilespmem:s20+$0xB0]  }
0x114: {  	v14 =	vld [tilespmem:s20+$0xC0]  }
0x115: {  	v13 =	vmov s16;
	v15 =	vld [tilespmem:s20+$0xD0]  }
0x116: {  	v16 =	vld [tilespmem:s20+$0xE0];
	[tilespmem:s20+$0x30] =	vst v9;
	v3 =	vmul.f32 v3, v1;
	v13 =	vand.u32 $0xFFFFFFFE, v13  }
0x117: {  	v11 =	vand.u32 $0xFFFFFFFD, v11;
	v4 =	vld.idx.msk [tilespmem:v4+s24+$0x0], $0xffff;
	[tilespmem:s20+$0x40] =	vst v10;
	v1 =	vmul.f32 v2, v1;
	v13 =	vbroadcast v13, $0x0  }
0x118: {  	s18 =	sadd.s32 $0x200, s20;
	v11 =	vbroadcast v11, $0x0;
	v2 =	vld.idx.msk [tilespmem:v5+s24+$0x0], $0xffff;
	v7 =	vmul.f32 v7, v0;
	[tilespmem:s20+$0x50] =	vst v3  }
0x119: {  	v9 =	vld [tilespmem:s18+$0xFFFFFF00];
	v3 =	vmul.f32 v6, v0;
	[tilespmem:s20+$0x60] =	vst v1  }
0x11a: {  	[tilespmem:s20+$0x80] =	vst v7;
	v7 =	vld [tilespmem:s20+$0xF0];
	v1 =	vmul.f32 v8, v0  }
0x11b: {  	v10 =	vld [tilespmem:s18+$0xFFFFFF10];
	[tilespmem:s20+$0x90] =	vst v3;
	v3 =	vmul.f32 v12, v0  }
0x11c: {  	v8 =	vld [tilespmem:s18+$0x70];
	[tilespmem:s20+$0xA0] =	vst v1;
	v1 =	vmul.f32 v14, v0  }
0x11d: {  	[tilespmem:s20+$0xB0] =	vst v3;
	v3 =	vmul.f32 v15, v0;
	v6 =	vld.idx.msk [tilespmem:v13+s24+$0x0], $0xffff  }
0x11e: {  	v5 =	vld.idx.msk [tilespmem:v11+s24+$0x0], $0xffff;
	[tilespmem:s25+$0xC0] =	vst v1;
	v1 =	vmul.f32 v16, v0  }
0x11f: {  	v11 =	vld [tilespmem:s18+$0xFFFFFF20];
	[tilespmem:s25+$0xD0] =	vst v3;
	v0 =	vmul.f32 v7, v0  }
0x120: {  	v3 =	vld [tilespmem:s18+$0xFFFFFF30];
	[tilespmem:s25+$0xE0] =	vst v1  }
0x121: {  	v1 =	vld [tilespmem:s18+$0xFFFFFF40];
	[tilespmem:s25+$0xF0] =	vst v0;
	v0 =	vmul.f32 v9, v2  }
0x122: {  	v7 =	vmul.f32 v8, v6;
	v8 =	vld [tilespmem:s18+$0xFFFFFF50]  }
0x123: {  	v9 =	vmul.f32 v10, v2;
	v10 =	vld [tilespmem:s18+$0xFFFFFF60];
	[tilespmem:s18+$0xFFFFFF00] =	vst v0  }
0x124: {  	v0 =	vmul.f32 v11, v2;
	[tilespmem:s18+$0x70] =	vst v7;
	v7 =	vld [tilespmem:s18+$0xFFFFFF70]  }
0x125: {  	[tilespmem:s18+$0xFFFFFF10] =	vst v9;
	v9 =	vld [tilespmem:s18+$0xFFFFFF80];
	v3 =	vmul.f32 v3, v2  }
0x126: {  	[tilespmem:s18+$0xFFFFFF20] =	vst v0;
	v0 =	vmul.f32 v1, v2;
	v1 =	vld [tilespmem:s18+$0xFFFFFF90]  }
0x127: {  	[tilespmem:s18+$0xFFFFFF30] =	vst v3;
	v3 =	vmul.f32 v8, v2;
	v8 =	vld [tilespmem:s18+$0xFFFFFFA0]  }
0x128: {  	[tilespmem:s18+$0xFFFFFF40] =	vst v0;
	v0 =	vmul.f32 v10, v2;
	v10 =	vld [tilespmem:s18+$0xFFFFFFB0]  }
0x129: {  	[tilespmem:s18+$0xFFFFFF50] =	vst v3;
	v2 =	vmul.f32 v7, v2;
	v3 =	vld [tilespmem:s18+$0xFFFFFFC0]  }
0x12a: {  	[tilespmem:s18+$0xFFFFFF60] =	vst v0;
	v0 =	vmul.f32 v9, v5;
	v7 =	vld [tilespmem:s18+$0xFFFFFFD0]  }
0x12b: {  	v1 =	vmul.f32 v1, v5;
	[tilespmem:s18+$0xFFFFFF70] =	vst v2;
	v2 =	vld [tilespmem:s18+$0xFFFFFFE0]  }
0x12c: {  	[tilespmem:s18+$0xFFFFFF80] =	vst v0;
	v0 =	vmul.f32 v8, v5;
	v8 =	vld [tilespmem:s18+$0xFFFFFFF0]  }
0x12d: {  	v9 =	vld [tilespmem:s18+$0x0];
	[tilespmem:s18+$0xFFFFFF90] =	vst v1;
	v1 =	vmul.f32 v10, v5  }
0x12e: {  	[tilespmem:s18+$0xFFFFFFA0] =	vst v0;
	v0 =	vmul.f32 v3, v5;
	v3 =	vld [tilespmem:s18+$0x10]  }
0x12f: {  	[tilespmem:s18+$0xFFFFFFB0] =	vst v1;
	v1 =	vmul.f32 v7, v5;
	v7 =	vld [tilespmem:s18+$0x20]  }
0x130: {  	[tilespmem:s18+$0xFFFFFFC0] =	vst v0;
	v0 =	vmul.f32 v2, v5;
	v2 =	vld [tilespmem:s18+$0x30]  }
0x131: {  	[tilespmem:s18+$0xFFFFFFD0] =	vst v1;
	v1 =	vmul.f32 v8, v5;
	v5 =	vld [tilespmem:s18+$0x40]  }
0x132: {  	v8 =	vld [tilespmem:s18+$0x50];
	[tilespmem:s18+$0xFFFFFFE0] =	vst v0;
	v0 =	vmul.f32 v9, v6  }
0x133: {  	[tilespmem:s18+$0xFFFFFFF0] =	vst v1;
	v1 =	vmul.f32 v3, v6;
	v3 =	vld [tilespmem:s18+$0x60]  }
0x134: {  	[tilespmem:s18+$0x0] =	vst v0;
	v0 =	vmul.f32 v7, v6;
	v7 =	vld [tilespmem:s18+$0x80]  }
0x135: {  	[tilespmem:s18+$0x10] =	vst v1;
	v1 =	vmul.f32 v2, v6;
	v2 =	vld [tilespmem:s18+$0x90]  }
0x136: {  	[tilespmem:s18+$0x20] =	vst v0;
	v0 =	vmul.f32 v5, v6;
	v5 =	vld [tilespmem:s18+$0xA0]  }
0x137: {  	[tilespmem:s18+$0x30] =	vst v1;
	v1 =	vmul.f32 v8, v6;
	v8 =	vld [tilespmem:s18+$0xB0]  }
0x138: {  	[tilespmem:s18+$0x40] =	vst v0;
	v0 =	vmul.f32 v3, v6;
	v3 =	vld [tilespmem:s18+$0xC0]  }
0x139: {  	v6 =	vld [tilespmem:s18+$0xD0];
	[tilespmem:s18+$0x50] =	vst v1;
	v1 =	vmul.f32 v7, v4  }
0x13a: {  	[tilespmem:s18+$0x60] =	vst v0;
	v0 =	vmul.f32 v2, v4;
	v2 =	vld [tilespmem:s18+$0xE0]  }
0x13b: {  	[tilespmem:s18+$0x80] =	vst v1;
	v1 =	vmul.f32 v5, v4;
	v5 =	vld [tilespmem:s18+$0xF0]  }
0x13c: {  	[tilespmem:s18+$0x90] =	vst v0;
	v0 =	vmul.f32 v8, v4  }
0x13d: {  	[tilespmem:s18+$0xA0] =	vst v1;
	v1 =	vmul.f32 v3, v4  }
0x13e: {  	[tilespmem:s18+$0xB0] =	vst v0;
	v0 =	vmul.f32 v6, v4  }
0x13f: {  	[tilespmem:s18+$0xC0] =	vst v1;
	v1 =	vmul.f32 v2, v4  }
0x140: {  	[tilespmem:s18+$0xD0] =	vst v0;
	v0 =	vmul.f32 v5, v4  }
0x141: {  	s12 =	sadd.s32 @!p0 s12, s15;
	[tilespmem:s18+$0xE0] =	vst v1  }
0x142: {  	s12 =	sshrl.u32 @!p0 s12, $0x3;
	s20 =	sadd.s32 $0x80, s19;
	[tilespmem:s18+$0xF0] =	vst v0  }
0x143: {  	[spmem:s3] =	stream.indirect.scatter.add.f32 [tilespmem:s0], [sflag:$0x8], $0x80, s20, s26, $0xb8;
	[tilespmem:$0x1FB00] =	vst v63  }
0x144: {  	s16 =	sadd.s32 @!p0 s5, s12;
	s19 =	simm.s32 @!p0 $0x4080;
	s18 =	simm.s32 @!p0 $0x0  }
0x145: {  	[tilespmem:s19], [sflag:$0x2] =	stream.linear.gather @!p0 [hbm4b:s16+s18], $0x50, $0x38;
	[tilespmem:$0x1FB00] =	vst v63  }
0x146: {  	s12 =	sadd.s32 @!p0 s6, s12;
	s16 =	simm.s32 @!p0 $0x4200  }
0x147: {  	[tilespmem:s16], [sflag:$0x2] =	stream.linear.gather @!p0 [hbm4b:s12+s18], $0x50, $0x38;
	[tilespmem:$0x1FB00] =	vst v63  }
0x148: {  	s12 =	simm.s32 @!p0 $0x7  }
0x149: {  	_ =	swait.ge @!p0 [sflag:s12], $0x2800  }
0x14a: {  	[sflag:s12] =	ssyncset.done @!p0 $0x0  }
0x14b: {  	[sflag:s12] =	ssyncadd.s32 @!p0 $0xFFFFD800;
	s12 =	simm.s32 @!p0 $0x1  }
0x14c: {  	_ =	swait.ge @!p0 [sflag:s12], $0x50  }
0x14d: {  	s23 =	simm.s32 $0x0;
	[sflag:s12] =	ssyncset.done @!p0 $0x0  }
0x14e: {  	s25 =	simm.s32 $0x2;
	v0 =	vmov s23;
	[sflag:s12] =	ssyncadd.s32 @!p0 $0xFFFFFFB0  }
0x14f: {  	v1 =	vmov s25;
	v0 =	vand.u32 $0xFFFFFFFC, v0;
	_ =	swait.ge @!p0 [sflag:s12], $0x50  }
0x150: {  	v1 =	vand.u32 $0xFFFFFFFE, v1;
	v0 =	vbroadcast v0, $0x0;
	s16 =	simm.s32 @!p0 $0x4000;
	[sflag:s12] =	ssyncset.done @!p0 $0x0  }
0x151: {  	v1 =	vbroadcast v1, $0x0;
	s18 =	simm.s32 @!p0 $0x4300;
	[sflag:s12] =	ssyncadd.s32 @!p0 $0xFFFFFFB0;
	s12 =	simm.s32 @!p0 $0x50  }
0x152: {  	[tilespmem:s18], [sflag:$0x4] =	stream.indirect.gather @!p0 [hbm4b:s1+s12], $0x80, s16, s12, $0xb8;
	[tilespmem:$0x1FB00] =	vst v63  }
0x153: {  	_ =	swait.ge [sflag:s10], $0x2800  }
0x154: {  	[sflag:s10] =	ssyncset.done $0x0  }
0x155: {  	[sflag:s10] =	ssyncadd.s32 $0xFFFFD800  }
0x156: {  	v0 =	vld.idx.msk [tilespmem:v0+s30+$0x0], $0xffff  }
0x157: {  	s12 =	simm.s32 $0x9400;
	v1 =	vld.idx.msk [tilespmem:v1+s30+$0x0], $0xffff  }
0x158: {  	s18 =	simm.s32 $0x1;
	v3 =	vld [tilespmem:s12+$0x70]  }
0x159: {  	v2 =	vmov s18;
	v4 =	vld [tilespmem:s12+$0xFFFFFF00]  }
0x15a: {  	v2 =	vand.u32 $0xFFFFFFFD, v2;
	v5 =	vld [tilespmem:s12+$0xFFFFFF10]  }
0x15b: {  	v2 =	vbroadcast v2, $0x0;
	v6 =	vld [tilespmem:s12+$0xFFFFFF20]  }
0x15c: {  	v7 =	vld [tilespmem:s12+$0xFFFFFF30]  }
0x15d: {  	v8 =	vld [tilespmem:s12+$0xFFFFFF40]  }
0x15e: {  	v9 =	vld [tilespmem:s12+$0xFFFFFF50]  }
0x15f: {  	v10 =	vld [tilespmem:s12+$0xFFFFFF60];
	v4 =	vmul.f32 v4, v0  }
0x160: {  	v63 =	vld [tilespmem:s12+$0x40];
	v3 =	vmul.f32 v3, v1  }
0x161: {  	v2 =	vld.idx.msk [tilespmem:v2+s30+$0x0], $0xffff;
	[tilespmem:s12+$0xFFFFFF00] =	vst v4;
	v4 =	vmul.f32 v5, v0  }
0x162: {  	v5 =	vld [tilespmem:s12+$0xFFFFFF70];
	[tilespmem:s12+$0x70] =	vst v3;
	v3 =	vmul.f32 v6, v0  }
0x163: {  	v6 =	vld [tilespmem:s12+$0xFFFFFF80];
	[tilespmem:s12+$0xFFFFFF10] =	vst v4;
	v4 =	vmul.f32 v7, v0  }
0x164: {  	v7 =	vld [tilespmem:s12+$0xFFFFFF90];
	[tilespmem:s12+$0xFFFFFF20] =	vst v3;
	v3 =	vmul.f32 v8, v0  }
0x165: {  	v8 =	vld [tilespmem:s12+$0xFFFFFFA0];
	[tilespmem:s12+$0xFFFFFF30] =	vst v4;
	v4 =	vmul.f32 v9, v0  }
0x166: {  	v9 =	vld [tilespmem:s12+$0xFFFFFFB0];
	[tilespmem:s12+$0xFFFFFF40] =	vst v3;
	v3 =	vmul.f32 v10, v0  }
0x167: {  	v10 =	vld [tilespmem:s12+$0xFFFFFFC0];
	v5 =	vmul.f32 v5, v0;
	[tilespmem:s12+$0xFFFFFF50] =	vst v4  }
0x168: {  	v4 =	vmul.f32 v6, v2;
	v6 =	vld [tilespmem:s12+$0xFFFFFFD0];
	[tilespmem:s12+$0xFFFFFF60] =	vst v3  }
0x169: {  	s19 =	simm.s32 $0x3;
	v3 =	vld [tilespmem:s12+$0xFFFFFFE0];
	v7 =	vmul.f32 v7, v2;
	[tilespmem:s12+$0xFFFFFF70] =	vst v5  }
0x16a: {  	v11 =	vmov s19;
	v5 =	vld [tilespmem:s12+$0xFFFFFFF0];
	[tilespmem:s12+$0xFFFFFF80] =	vst v4;
	v4 =	vmul.f32 v8, v2  }
0x16b: {  	v8 =	vld [tilespmem:s12+$0x0];
	[tilespmem:s12+$0xFFFFFF90] =	vst v7;
	v7 =	vmul.f32 v9, v2  }
0x16c: {  	v9 =	vld [tilespmem:s12+$0x10];
	[tilespmem:s12+$0xFFFFFFA0] =	vst v4;
	v4 =	vmul.f32 v10, v2  }
0x16d: {  	[tilespmem:s12+$0xFFFFFFB0] =	vst v7;
	v6 =	vmul.f32 v6, v2;
	v7 =	vld [tilespmem:s12+$0x20]  }
0x16e: {  	v10 =	vld [tilespmem:s12+$0x30];
	v3 =	vmul.f32 v3, v2;
	[tilespmem:s12+$0xFFFFFFC0] =	vst v4  }
0x16f: {  	v0 =	vld.idx.msk [tilespmem:v11+s30+$0x0], $0xffff;
	v2 =	vmul.f32 v5, v2;
	[tilespmem:s12+$0xFFFFFFD0] =	vst v6  }
0x170: {  	[tilespmem:s12+$0xFFFFFFE0] =	vst v3;
	v4 =	vmul.f32 v8, v1;
	v3 =	vld [tilespmem:s12+$0x50]  }
0x171: {  	s20 =	simm.s32 $0x4;
	[tilespmem:s12+$0xFFFFFFF0] =	vst v2;
	v5 =	vmul.f32 v9, v1;
	v2 =	vld [tilespmem:s12+$0x60]  }
0x172: {  	s23 =	simm.s32 $0x7;
	v6 =	vmov s20;
	[tilespmem:s12+$0x0] =	vst v4;
	v8 =	vmul.f32 v7, v1;
	v7 =	vld [tilespmem:s12+$0x80]  }
0x173: {  	s25 =	simm.s32 $0x5;
	v11 =	vand.u32 $0xFFFFFFFC, v6;
	v6 =	vld [tilespmem:s12+$0x90];
	v4 =	vmov s23;
	v9 =	vmul.f32 v10, v1;
	[tilespmem:s12+$0x10] =	vst v5  }
0x174: {  	s19 =	simm.s32 $0x9400;
	s16 =	simm.s32 $0x6;
	s18 =	simm.s32 $0x8;
	v10 =	vmul.f32 v63, v1;
	v5 =	vbroadcast v11, $0x0;
	v11 =	vmov s25;
	[tilespmem:s12+$0x20] =	vst v8;
	v8 =	vld [tilespmem:s12+$0xA0]  }
.LBB2_7:
0x175: {  	p0 =	slt.u32 s18, $0x4C;
	v11 =	vand.u32 $0xFFFFFFFD, v11;
	v12 =	vmov s16;
	[tilespmem:s12+$0x30] =	vst v9;
	v3 =	vmul.f32 v3, v1;
	v9 =	vld [tilespmem:s12+$0xB0]  }
0x176: {  	v11 =	vbroadcast v11, $0x0;
	v12 =	vand.u32 $0xFFFFFFFE, v12;
	[tilespmem:s12+$0x40] =	vst v10;
	v1 =	vmul.f32 v2, v1;
	v2 =	vld [tilespmem:s12+$0xC0]  }
0x177: {  	v10 =	vbroadcast v12, $0x0;
	[tilespmem:s12+$0x50] =	vst v3;
	v3 =	vmul.f32 v7, v0;
	v7 =	vld [tilespmem:s12+$0xD0]  }
0x178: {  	[tilespmem:s12+$0x60] =	vst v1;
	v1 =	vmul.f32 v6, v0;
	v6 =	vld [tilespmem:s12+$0xE0]  }
0x179: {  	[tilespmem:s12+$0x80] =	vst v3;
	v3 =	vmul.f32 v8, v0;
	v8 =	vld [tilespmem:s12+$0xF0]  }
0x17a: {  	v4 =	vld.idx.msk [tilespmem:v4+s30+$0x0], $0xffff;
	[tilespmem:s12+$0x90] =	vst v1;
	v1 =	vmul.f32 v9, v0  }
0x17b: {  	v5 =	vld.idx.msk [tilespmem:v5+s30+$0x0], $0xffff;
	[tilespmem:s12+$0xA0] =	vst v3;
	v2 =	vmul.f32 v2, v0  }
0x17c: {  	v3 =	vld.idx.msk [tilespmem:v11+s30+$0x0], $0xffff;
	[tilespmem:s12+$0xB0] =	vst v1;
	v7 =	vmul.f32 v7, v0  }
0x17d: {  	s12 =	sadd.s32 $0x200, s12;
	v1 =	vld.idx.msk [tilespmem:v10+s30+$0x0], $0xffff;
	[tilespmem:s19+$0xC0] =	vst v2;
	v2 =	vmul.f32 v6, v0  }
0x17e: {  	v6 =	vld [tilespmem:s12+$0x70];
	[tilespmem:s19+$0xD0] =	vst v7;
	v8 =	vmul.f32 v8, v0  }
0x17f: {  	v7 =	vld [tilespmem:s12+$0xFFFFFF00];
	[tilespmem:s19+$0xE0] =	vst v2  }
0x180: {  	v0 =	vmov v4;
	v2 =	vld [tilespmem:s12+$0xFFFFFF10];
	[tilespmem:s19+$0xF0] =	vst v8;
	s19 =	smov.u32 s12  }
0x181: {  	v4 =	vld [tilespmem:s12+$0xFFFFFF20]  }
0x182: {  	v8 =	vld [tilespmem:s12+$0xFFFFFF30]  }
0x183: {  	v9 =	vld [tilespmem:s12+$0xFFFFFF40];
	v6 =	vmul.f32 v6, v1  }
0x184: {  	v7 =	vmul.f32 v7, v5;
	v10 =	vld [tilespmem:s12+$0xFFFFFF50]  }
0x185: {  	v2 =	vmul.f32 v2, v5;
	v11 =	vld [tilespmem:s12+$0xFFFFFF60];
	[tilespmem:s12+$0x70] =	vst v6  }
0x186: {  	[tilespmem:s12+$0xFFFFFF00] =	vst v7;
	v4 =	vmul.f32 v4, v5;
	v6 =	vld [tilespmem:s12+$0xFFFFFF70]  }
0x187: {  	[tilespmem:s12+$0xFFFFFF10] =	vst v2;
	v2 =	vmul.f32 v8, v5;
	v7 =	vld [tilespmem:s12+$0xFFFFFF80]  }
0x188: {  	[tilespmem:s12+$0xFFFFFF20] =	vst v4;
	v4 =	vmul.f32 v9, v5;
	v8 =	vld [tilespmem:s12+$0xFFFFFF90]  }
0x189: {  	[tilespmem:s12+$0xFFFFFF30] =	vst v2;
	v2 =	vmul.f32 v10, v5;
	v9 =	vld [tilespmem:s12+$0xFFFFFFA0]  }
0x18a: {  	[tilespmem:s12+$0xFFFFFF40] =	vst v4;
	v4 =	vmul.f32 v11, v5;
	v10 =	vld [tilespmem:s12+$0xFFFFFFB0]  }
0x18b: {  	[tilespmem:s12+$0xFFFFFF50] =	vst v2;
	v2 =	vmul.f32 v6, v5;
	v5 =	vld [tilespmem:s12+$0xFFFFFFC0]  }
0x18c: {  	[tilespmem:s12+$0xFFFFFF60] =	vst v4;
	v4 =	vmul.f32 v7, v3;
	v6 =	vld [tilespmem:s12+$0xFFFFFFD0]  }
0x18d: {  	[tilespmem:s12+$0xFFFFFF70] =	vst v2;
	v2 =	vmul.f32 v8, v3;
	v7 =	vld [tilespmem:s12+$0xFFFFFFE0]  }
0x18e: {  	[tilespmem:s12+$0xFFFFFF80] =	vst v4;
	v4 =	vmul.f32 v9, v3;
	v8 =	vld [tilespmem:s12+$0xFFFFFFF0]  }
0x18f: {  	[tilespmem:s12+$0xFFFFFF90] =	vst v2;
	v2 =	vmul.f32 v10, v3;
	v9 =	vld [tilespmem:s12+$0x0]  }
0x190: {  	[tilespmem:s12+$0xFFFFFFA0] =	vst v4;
	v4 =	vmul.f32 v5, v3;
	v5 =	vld [tilespmem:s12+$0x10]  }
0x191: {  	[tilespmem:s12+$0xFFFFFFB0] =	vst v2;
	v2 =	vmul.f32 v6, v3;
	v6 =	vld [tilespmem:s12+$0x20]  }
0x192: {  	[tilespmem:s12+$0xFFFFFFC0] =	vst v4;
	v4 =	vmul.f32 v7, v3;
	v10 =	vld [tilespmem:s12+$0x30]  }
0x193: {  	[tilespmem:s12+$0xFFFFFFD0] =	vst v2;
	v2 =	vmul.f32 v8, v3;
	v8 =	vld [tilespmem:s12+$0x40]  }
.Ltmp2:
0x194: {  	[tilespmem:s12+$0xFFFFFFE0] =	vst v4;
	v4 =	vmul.f32 v9, v1;
	v3 =	vld [tilespmem:s12+$0x50];
	(pc) =	sbr.rel @p0 .LBB2_7-.Ltmp2, $4  }
0x195: {  	[tilespmem:s12+$0xFFFFFFF0] =	vst v2;
	v5 =	vmul.f32 v5, v1;
	v2 =	vld [tilespmem:s12+$0x60]  }
0x196: {  	s16 =	sadd.s32 $0x3, s18;
	v9 =	vmov s18;
	[tilespmem:s12+$0x0] =	vst v4;
	v12 =	vmul.f32 v6, v1;
	v7 =	vld [tilespmem:s12+$0x80]  }
0x197: {  	s20 =	sadd.s32 $0x1, s18;
	v11 =	vand.u32 $0xFFFFFFFC, v9;
	v4 =	vmov s16;
	[tilespmem:s12+$0x10] =	vst v5;
	v9 =	vmul.f32 v10, v1;
	v6 =	vld [tilespmem:s12+$0x90]  }
0x198: {  	s16 =	sadd.s32 $0x2, s18;
	s18 =	sadd.s32 $0x4, s18;
	v5 =	vbroadcast v11, $0x0;
	v11 =	vmov s20;
	[tilespmem:s12+$0x20] =	vst v12;
	v10 =	vmul.f32 v8, v1;
	v8 =	vld [tilespmem:s12+$0xA0]  }
0x199: {  	v12 =	vld [tilespmem:s12+$0xB0]  }
0x19a: {  	v14 =	vld [tilespmem:s12+$0xC0]  }
0x19b: {  	v15 =	vld [tilespmem:s12+$0xD0]  }
0x19c: {  	v16 =	vld [tilespmem:s12+$0xE0]  }
0x19d: {  	v44 =	vld [tilespmem:s12+$0xF0];
	[tilespmem:s12+$0x30] =	vst v9;
	v3 =	vmul.f32 v3, v1  }
0x19e: {  	v4 =	vld.idx.msk [tilespmem:v4+s30+$0x0], $0xffff;
	[tilespmem:s12+$0x40] =	vst v10;
	v45 =	vmul.f32 v2, v1  }
0x19f: {  	s18 =	sadd.s32 $0x200, s12;
	v46 =	vld.idx.msk [tilespmem:v5+s30+$0x0], $0xffff;
	v7 =	vmul.f32 v7, v0;
	[tilespmem:s12+$0x50] =	vst v3  }
0x1a0: {  	v51 =	vld [tilespmem:s18+$0x70];
	v47 =	vmul.f32 v6, v0;
	[tilespmem:s12+$0x60] =	vst v45  }
0x1a1: {  	v53 =	vld [tilespmem:s18+$0xFFFFFF00];
	[tilespmem:s12+$0x80] =	vst v7;
	v49 =	vmul.f32 v8, v0  }
0x1a2: {  	v55 =	vld [tilespmem:s18+$0xFFFFFF10];
	[tilespmem:s12+$0x90] =	vst v47;
	v50 =	vmul.f32 v12, v0  }
0x1a3: {  	v11 =	vand.u32 $0xFFFFFFFD, v11;
	v57 =	vld [tilespmem:s18+$0xFFFFFF20];
	v52 =	vmul.f32 v14, v0;
	[tilespmem:s12+$0xA0] =	vst v49  }
0x1a4: {  	v11 =	vbroadcast v11, $0x0;
	v59 =	vld [tilespmem:s18+$0xFFFFFF30];
	v54 =	vmul.f32 v15, v0;
	[tilespmem:s12+$0xB0] =	vst v50  }
0x1a5: {  	v60 =	vld [tilespmem:s18+$0xFFFFFF40];
	v56 =	vmul.f32 v16, v0;
	[tilespmem:s19+$0xC0] =	vst v52  }
0x1a6: {  	v63 =	vld [tilespmem:s18+$0xFFFFFF50];
	v58 =	vmul.f32 v44, v0;
	[tilespmem:s19+$0xD0] =	vst v54  }
0x1a7: {  	v15 =	vld [tilespmem:s18+$0xFFFFFF70];
	v62 =	vmul.f32 v53, v46;
	[tilespmem:s19+$0xE0] =	vst v56  }
0x1a8: {  	v16 =	vld [tilespmem:s18+$0xFFFFFF80];
	v12 =	vmul.f32 v55, v46;
	[tilespmem:s19+$0xF0] =	vst v58  }
0x1a9: {  	v44 =	vld [tilespmem:s18+$0x80];
	v14 =	vmul.f32 v57, v46;
	[tilespmem:s18+$0xFFFFFF00] =	vst v62  }
0x1aa: {  	v3 =	vmul.f32 v59, v46;
	v48 =	vld.idx.msk [tilespmem:v11+s30+$0x0], $0xffff;
	[tilespmem:s18+$0xFFFFFF10] =	vst v12  }
0x1ab: {  	v13 =	vmov s16;
	v18 =	vld [tilespmem:s18+$0xFFFFFF90];
	v17 =	vmul.f32 v60, v46;
	[tilespmem:s18+$0xFFFFFF20] =	vst v14  }
0x1ac: {  	v13 =	vand.u32 $0xFFFFFFFE, v13;
	v20 =	vld [tilespmem:s18+$0xFFFFFFA0];
	v19 =	vmul.f32 v63, v46;
	[tilespmem:s18+$0xFFFFFF30] =	vst v3  }
0x1ad: {  	v22 =	vld [tilespmem:s18+$0xFFFFFFB0];
	v13 =	vbroadcast v13, $0x0;
	[tilespmem:s18+$0xFFFFFF40] =	vst v17;
	v2 =	vmul.f32 v15, v46  }
0x1ae: {  	v23 =	vld [tilespmem:s18+$0xFFFFFFC0];
	[tilespmem:s18+$0xFFFFFF50] =	vst v19;
	v53 =	vmul.f32 v44, v4  }
0x1af: {  	v25 =	vld [tilespmem:s18+$0xFFFFFFD0];
	v24 =	vmul.f32 v16, v48;
	[tilespmem:s18+$0xFFFFFF70] =	vst v2  }
0x1b0: {  	v26 =	vld [tilespmem:s18+$0xFFFFFFE0];
	v1 =	vmul.f32 v18, v48;
	[tilespmem:s18+$0x80] =	vst v53  }
0x1b1: {  	v28 =	vld [tilespmem:s18+$0xFFFFFFF0];
	v27 =	vmul.f32 v20, v48;
	[tilespmem:s18+$0xFFFFFF80] =	vst v24  }
0x1b2: {  	v50 =	vld [tilespmem:s18+$0xB0];
	v29 =	vmul.f32 v22, v48;
	[tilespmem:s18+$0xFFFFFF90] =	vst v1  }
0x1b3: {  	v6 =	vld.idx.msk [tilespmem:v13+s30+$0x0], $0xffff;
	v31 =	vmul.f32 v23, v48;
	[tilespmem:s18+$0xFFFFFFA0] =	vst v27  }
0x1b4: {  	v13 =	vld [tilespmem:s18+$0xFFFFFF60];
	v33 =	vmul.f32 v25, v48;
	[tilespmem:s18+$0xFFFFFFB0] =	vst v29  }
0x1b5: {  	v30 =	vld [tilespmem:s18+$0x0];
	v35 =	vmul.f32 v26, v48;
	[tilespmem:s18+$0xFFFFFFC0] =	vst v31  }
0x1b6: {  	v32 =	vld [tilespmem:s18+$0x10];
	v37 =	vmul.f32 v28, v48;
	[tilespmem:s18+$0xFFFFFFD0] =	vst v33  }
0x1b7: {  	v34 =	vld [tilespmem:s18+$0x20];
	v59 =	vmul.f32 v50, v4;
	[tilespmem:s18+$0xFFFFFFE0] =	vst v35  }
0x1b8: {  	v36 =	vld [tilespmem:s18+$0x30];
	v61 =	vmul.f32 v51, v6;
	[tilespmem:s18+$0xFFFFFFF0] =	vst v37  }
0x1b9: {  	v38 =	vld [tilespmem:s18+$0x40];
	v21 =	vmul.f32 v13, v46;
	[tilespmem:s18+$0xB0] =	vst v59  }
0x1ba: {  	v40 =	vld [tilespmem:s18+$0x50];
	v39 =	vmul.f32 v30, v6;
	[tilespmem:s18+$0x70] =	vst v61  }
0x1bb: {  	v42 =	vld [tilespmem:s18+$0x60];
	v41 =	vmul.f32 v32, v6;
	[tilespmem:s18+$0xFFFFFF60] =	vst v21  }
0x1bc: {  	v52 =	vld [tilespmem:s18+$0xC0];
	v43 =	vmul.f32 v34, v6;
	[tilespmem:s18+$0x0] =	vst v39  }
0x1bd: {  	v56 =	vld [tilespmem:s18+$0xE0];
	v45 =	vmul.f32 v36, v6;
	[tilespmem:s18+$0x10] =	vst v41  }
0x1be: {  	v58 =	vld [tilespmem:s18+$0xF0];
	v47 =	vmul.f32 v38, v6;
	[tilespmem:s18+$0x20] =	vst v43  }
0x1bf: {  	v54 =	vld [tilespmem:s18+$0xD0];
	v49 =	vmul.f32 v40, v6;
	[tilespmem:s18+$0x30] =	vst v45  }
0x1c0: {  	v48 =	vld [tilespmem:s18+$0xA0];
	v51 =	vmul.f32 v42, v6;
	[tilespmem:s18+$0x40] =	vst v47  }
0x1c1: {  	v46 =	vld [tilespmem:s18+$0x90];
	v60 =	vmul.f32 v52, v4;
	[tilespmem:s18+$0x50] =	vst v49  }
0x1c2: {  	v62 =	vmul.f32 v56, v4;
	[tilespmem:s18+$0x60] =	vst v51  }
0x1c3: {  	s17 =	sadd.s32 $0x1, s17;
	v63 =	vmul.f32 v58, v4;
	[tilespmem:s18+$0xC0] =	vst v60  }
0x1c4: {  	p0 =	sne.s32 s17, $0x2A;
	v61 =	vmul.f32 v54, v4;
	[tilespmem:s18+$0xE0] =	vst v62  }
.Ltmp3:
0x1c5: {  	[tilespmem:s18+$0xF0] =	vst v63;
	v57 =	vmul.f32 v48, v4;
	(pc) =	sbr.rel @p0 .LBB2_2-.Ltmp3, $4  }
0x1c6: {  	[tilespmem:s18+$0xD0] =	vst v61;
	v55 =	vmul.f32 v46, v4  }
0x1c7: {  	s11 =	sshll.u32 s11, $0x7;
	[tilespmem:s18+$0xA0] =	vst v57  }
0x1c8: {  	s11 =	sand.u32 $0x3FFFFF80, s11;
	[tilespmem:s18+$0x90] =	vst v55  }
0x1c9: {  	[spmem:s3] =	stream.indirect.scatter.add.f32 [tilespmem:s21], [sflag:$0x9], $0x80, s11, s26, $0xb8;
	[tilespmem:$0x1FB00] =	vst v63  }
0x1ca: {  	s11 =	simm.s32 $0x7  }
0x1cb: {  	_ =	swait.ge [sflag:s11], $0x2800  }
0x1cc: {  	[sflag:s11] =	ssyncset.done $0x0  }
0x1cd: {  	s20 =	simm.s32 $0x8;
	[sflag:s11] =	ssyncadd.s32 $0xFFFFD800  }
0x1ce: {  	_ =	swait.ge [sflag:s20], $0x2800  }
0x1cf: {  	[sflag:s20] =	ssyncset.done $0x0  }
0x1d0: {  	[sflag:s20] =	ssyncadd.s32 $0xFFFFD800  }
0x1d1: {  	_ =	swait.ge [sflag:s13], $0x2800  }
0x1d2: {  	[sflag:s13] =	ssyncset.done $0x0  }
0x1d3: {  	[sflag:s13] =	ssyncadd.s32 $0xFFFFD800  }
0x1d4: {  	[bflag:$0x0] =	sbarrier.arrive $0xFFFF  }
0x1d5: {  	s23 =	rddreg [dreg:$0xa]  }
0x1d6: {  	s16 =	rddreg [dreg:$0xc]  }
0x1d7: {  	s12 =	simm.s32 $0xA;
	s17 =	rddreg [dreg:$0xd]  }
0x1d8: {  	[hbm:s23], [sflag:s16] =	dma.local [spmem:s17], $0x2800  }
0x1d9: {  	_ =	swait.ge [sflag:s12], $0x2800  }
0x1da: {  	s18 =	rddreg [dreg:$0xe]  }
0x1db: {  	s25 =	rddreg [dreg:$0xb];
	s18 =	sadd.s32 $0x1, s18  }
0x1dc: {  	p0 =	sne.s32 s18, s25  }
.Ltmp4:
0x1dd: {  	_ = 	snop;
	(pc) =	sbr.rel @p0 .LBB2_1-.Ltmp4, $3  }
0x1de: {  	_ =	sdelay $0x1  }
0x1df: {  	[sflag:s12] =	ssyncset.done $0x0  }
0x1e0: {  	[sflag:s12] =	ssyncadd.s32 $0xFFFFD800  }
0x1e1: {  	_ =	sfence.sel $0x180000  }
0x1e2: {  	[bflag:$0x0] =	sbarrier.arrive $0xFFFF  }
0x1e3: {  	_ =	strace $0x9000004D  }
0x1e4: {  	s0 =	stileid.u32;
	[bflag:$0x2] =	sbarrier.arrive $0xFFFF  }
0x1e5: {  	p0 =	sne.s32 s0, $0x0;
	s0 =	rddreg [dreg:$0x3]  }
0x1e6: {  	s0 =	sadd.s32 @!p0 $0x100000, s0  }
0x1e7: {  	[sflag:s0] =	ssyncadd.tile.s32 @!p0 $0x1;
	_ =	shalt  }
.Lfunc_end2:
_tile_overlayer_lowered:
.L_overlay_start_2:
0x1e8: {  	(tag) =	ssettag $0x2  }
0x1e9: {  	s0 =	rddreg [dreg:$0x0];
	s2 =	stileid.u32  }
0x1ea: {  	s1 =	rddreg [dreg:$0x1];
	p0 =	sne.s32 s2, $0x0  }
0x1eb: {  	s3 =	rddreg [dreg:$0x2];
	[bflag:$0x3] =	sbarrier.arrive $0xFFFF;
	s2 =	simm.s32 @!p0 $0x1C0A  }
0x1ec: {  	[timem:s3], [sflag:s2] =	dma.local @!p0 [hbm:s0], s1  }
0x1ed: {  	s0 =	simm.s32 @!p0 $0xA  }
0x1ee: {  	_ =	swait.ge @!p0 [sflag:s0], s1  }
0x1ef: {  	s1 =	ssub.s32 @!p0 $0x0, s1;
	[sflag:s0] =	ssyncset.done @!p0 $0x0  }
0x1f0: {  	[sflag:s0] =	ssyncadd.s32 @!p0 s1  }
0x1f1: {  	[bflag:$0x3] =	sbarrier.arrive $0xFFFF  }
0x1f2: {  	_ =	shalt  }

// kernel: kernel.9.cloned.1.call-start
scs
__scs_entry_jumppad:
0x0: {  	(pc) =	sbr.rel $0x88, $3  }
0x1: {  	(tag) =	ssettag $0x0;
	lr =	simm.s32 $0x1  }
0x2: {  	[smem:$0x3F9A] =	sst lr;
	_ =	strace $0xD0000000  }
0x3: {  	_ = 	snop  }
0x4: {  	_ = 	snop  }
0x5: {  	_ = 	snop  }
0x6: {  	_ = 	snop  }
0x7: {  	_ = 	snop  }
__scs_overlays_trampoline_lowered:
0x8: {  	[smem:$0x3FA9] =	sst s0  }
0x9: {  	[smem:$0x3FAA] =	sst s1  }
0xa: {  	[smem:$0x3FAB] =	sst s2  }
0xb: {  	[smem:$0x3FAC] =	sst s3  }
0xc: {  	[smem:$0x3FAD] =	sst s4  }
0xd: {  	[smem:$0x3FAE] =	sst s5  }
0xe: {  	[smem:$0x3FAF] =	sst s6  }
0xf: {  	[smem:$0x3FB0] =	sst s7  }
0x10: {  	[smem:$0x3FB1] =	sst s8  }
0x11: {  	[smem:$0x3FB2] =	sst s9;
	s0 =	simm.s32 @!p0 $0x0  }
0x12: {  	s1 =	sld [smem:$0x3F98];
	s0 =	simm.s32 @p0 $0x1  }
0x13: {  	[smem:$0x3FB3] =	sst s0;
	s0 =	simm.s32 @!p1 $0x0  }
0x14: {  	s2 =	sld [smem:$0x3F97];
	s0 =	simm.s32 @p1 $0x1  }
0x15: {  	[smem:$0x3FB4] =	sst s0;
	s0 =	simm.s32 @!p2 $0x0  }
0x16: {  	s3 =	sld [smem:$0x3FDB];
	s0 =	simm.s32 @p2 $0x1  }
0x17: {  	s4 =	simm.s32 $0x1BF5;
	[smem:$0x3FB6] =	sst s0  }
0x18: {  	s0 =	sld [smem:$0x3F99];
	_ =	swait.ge [sflag:s4], $0x0  }
0x19: {  	s7 =	sld [smem:$0x3F9A]  }
0x1a: {  	s8 =	sadd.s32 $0xFFFFE003, lr  }
0x1b: {  	s9 =	sadd.s32 $0xFFFFFEF7, lr;
	s5 =	simm.s32 $0xFFFFFFFF;
	p2 =	slt.u32 s8, $0xFFFFF086  }
0x1c: {  	p1 =	slt.u32 s9, $0xF7A;
	s5 =	simm.s32 @!p2 $0x0  }
0x1d: {  	s5 =	simm.s32 @p1 $0x1;
	p0 =	seq.s32 s7, s2  }
0x1e: {  	s7 =	smul.u32 @!p0 $0xF7A, s2;
	p2 =	seq.s32 @!p0 s5, $0x0  }
0x1f: {  	s9 =	smul.u32 $0xF7A, s1;
	s8 =	simm.s32 @!p0 $0x1BF5;
	p2 =	por !p2, p0  }
0x20: {  	[sflag:s8] =	ssyncset.s32 @!p0 $0xFFFFF086;
	s6 =	sadd.s32 @!p0 s3, s7;
	s7 =	simm.s32 @!p0 $0x108  }
0x21: {  	s3 =	sadd.s32 s3, s9;
	s6 =	sadd.s32 @!p0 $0x88, s6;
	s7 =	simm.s32 @p2 $0x1082  }
0x22: {  	[simem:s7], [sflag:s8] =	dma.local @!p0 [hbm:s6], $0xF7A  }
0x23: {  	s9 =	sor.u32 $0xD0000000, s2;
	s6 =	simm.s32 $0x108;
	_ =	swait.ge @!p0 [sflag:s8], $0x0  }
0x24: {  	s3 =	sadd.s32 $0x88, s3;
	s6 =	simm.s32 @!p1 $0x1082;
	[sflag:s4] =	ssyncset.s32 $0xFFFFF086  }
0x25: {  	[simem:s6], [sflag:s4] =	dma.local [hbm:s3], $0xF7A  }
0x26: {  	[smem:$0x3F9A] =	sst s1;
	(tag) =	ssettag s2;
	_ =	strace s9  }
0x27: {  	s1 =	sld [smem:$0x3FAA]  }
0x28: {  	s2 =	sld [smem:$0x3FAB]  }
0x29: {  	s4 =	sld [smem:$0x3FAD]  }
0x2a: {  	p0 =	seq.s32 s5, $0x0;
	s5 =	sld [smem:$0x3FAE]  }
0x2b: {  	s6 =	sld [smem:$0x3FAF]  }
0x2c: {  	s7 =	sld [smem:$0x3FB0]  }
0x2d: {  	s3 =	simm.s32 $0x108;
	s8 =	sld [smem:$0x3FB1]  }
0x2e: {  	s3 =	simm.s32 @!p0 $0x1082;
	s9 =	sld [smem:$0x3FB2]  }
0x2f: {  	lr =	sadd.s32 s0, s3;
	s0 =	sld [smem:$0x3FA9]  }
0x30: {  	s3 =	sld [smem:$0x3FAC]  }
0x31: {  	[smem:$0x3FB5] =	sst s10  }
0x32: {  	s10 =	sld [smem:$0x3FB3];
	_ =	sdelay $0x3  }
0x33: {  	p0 =	seq.s32 s10, $0x1;
	s10 =	sld [smem:$0x3FB5];
	_ =	sdelay $0x3  }
0x34: {  	[smem:$0x3FB5] =	sst s10  }
0x35: {  	s10 =	sld [smem:$0x3FB4];
	_ =	sdelay $0x3  }
0x36: {  	p1 =	seq.s32 s10, $0x1;
	s10 =	sld [smem:$0x3FB5];
	_ =	sdelay $0x3  }
0x37: {  	[smem:$0x3FB5] =	sst s10  }
0x38: {  	s10 =	sld [smem:$0x3FB6]  }
0x39: {  	_ = 	snop;
	(pc) =	sbr.ind lr, $3  }
0x3a: {  	_ = 	snop  }
0x3b: {  	_ = 	snop  }
0x3c: {  	p2 =	seq.s32 s10, $0x1;
	s10 =	sld [smem:$0x3FB5]  }
0x3d: {  	_ =	shalt  }
0x3e: {  	_ =	shalt  }
0x3f: {  	_ =	shalt  }
0x40: {  	_ =	shalt  }
0x41: {  	_ =	shalt  }
0x42: {  	_ =	shalt  }
0x43: {  	_ =	shalt  }
0x44: {  	_ =	shalt  }
0x45: {  	_ =	shalt  }
0x46: {  	_ =	shalt  }
0x47: {  	_ =	shalt  }
0x48: {  	_ =	shalt  }
0x49: {  	_ =	shalt  }
0x4a: {  	_ =	shalt  }
0x4b: {  	_ =	shalt  }
0x4c: {  	_ =	shalt  }
0x4d: {  	_ =	shalt  }
0x4e: {  	_ =	shalt  }
0x4f: {  	_ =	shalt  }
0x50: {  	_ =	shalt  }
0x51: {  	_ =	shalt  }
0x52: {  	_ =	shalt  }
0x53: {  	_ =	shalt  }
0x54: {  	_ =	shalt  }
0x55: {  	_ =	shalt  }
0x56: {  	_ =	shalt  }
0x57: {  	_ =	shalt  }
0x58: {  	_ =	shalt  }
0x59: {  	_ =	shalt  }
0x5a: {  	_ =	shalt  }
0x5b: {  	_ =	shalt  }
0x5c: {  	_ =	shalt  }
0x5d: {  	_ =	shalt  }
0x5e: {  	_ =	shalt  }
0x5f: {  	_ =	shalt  }
0x60: {  	_ =	shalt  }
0x61: {  	_ =	shalt  }
0x62: {  	_ =	shalt  }
0x63: {  	_ =	shalt  }
0x64: {  	_ =	shalt  }
0x65: {  	_ =	shalt  }
0x66: {  	_ =	shalt  }
0x67: {  	_ =	shalt  }
0x68: {  	_ =	shalt  }
0x69: {  	_ =	shalt  }
0x6a: {  	_ =	shalt  }
0x6b: {  	_ =	shalt  }
0x6c: {  	_ =	shalt  }
0x6d: {  	_ =	shalt  }
0x6e: {  	_ =	shalt  }
0x6f: {  	_ =	shalt  }
0x70: {  	_ =	shalt  }
0x71: {  	_ =	shalt  }
0x72: {  	_ =	shalt  }
0x73: {  	_ =	shalt  }
0x74: {  	_ =	shalt  }
0x75: {  	_ =	shalt  }
0x76: {  	_ =	shalt  }
0x77: {  	_ =	shalt  }
0x78: {  	_ =	shalt  }
0x79: {  	_ =	shalt  }
0x7a: {  	_ =	shalt  }
0x7b: {  	_ =	shalt  }
0x7c: {  	_ =	shalt  }
0x7d: {  	_ =	shalt  }
0x7e: {  	_ =	shalt  }
0x7f: {  	_ =	shalt  }
0x80: {  	_ =	shalt  }
0x81: {  	_ =	shalt  }
0x82: {  	_ =	shalt  }
0x83: {  	_ =	shalt  }
0x84: {  	_ =	shalt  }
0x85: {  	_ =	shalt  }
0x86: {  	_ =	shalt  }
0x87: {  	_ =	shalt  }
.Lfunc_end0:
.L_simem_size_0:
called_computation_lowered:
.L_overlay_start_0:
0x88: {  	s2 =	sld [smem:$0x3FD9]  }
0x89: {  	s3 =	sld [smem:$0x3FFE];
	_ =	sdelay $0x1  }
0x8a: {  	s1 =	srdreg.scid  }
0x8b: {  	s0 =	sand.u32 $0x1, s1  }
0x8c: {  	s16 =	sshll.u32 s0, $0xA;
	s2 =	sadd.s32 s3, s2  }
0x8d: {  	s2 =	sadd.s32 s2, s16  }
0x8e: {  	[smem:$0x3FC1] =	sst s2  }
0x8f: {  	_ = 	snop  }
0x90: {  	(tm) =	ssettm $0x1  }
0x91: {  	s17 =	sld [smem:$0x3FFB];
	_ =	sdelay $0x3  }
0x92: {  	_ =	strace s17  }
0x93: {  	s2 =	sld [smem:$0x3FFC];
	_ =	sdelay $0x3  }
0x94: {  	_ =	strace s2  }
0x95: {  	s2 =	sld [smem:$0x3FFD];
	_ =	sdelay $0x3  }
0x96: {  	_ =	strace s2  }
0x97: {  	_ =	strace $0x8FFFFFFF  }
0x98: {  	s18 =	sld [smem:$0x3FDB];
	_ =	sdelay $0x1  }
0x99: {  	s19 =	simm.s32 $_scs_section_size  }
0x9a: {  	s4 =	simm.s32 $_size__tile_overlayer_lowered;
	s5 =	simm.s32 $_tile_overlayer_lowered  }
0x9b: {  	s22 =	simm.s32 $0x1BFF;
	s21 =	sshll.u32 s5, $0x1;
	s2 =	sadd.s32 s19, s18  }
0x9c: {  	s6 =	simm.s32 $0x0;
	s20 =	sshll.u32 s4, $0x1;
	s4 =	sadd.s32 s21, s2  }
0x9d: {  	[timem:s6], [sflag:s22] =	dma.local [hbm:s4], s20  }
0x9e: {  	_ =	swait.ge [sflag:s22], s20  }
0x9f: {  	s3 =	ssub.s32 $0x0, s20;
	[sflag:s22] =	ssyncset.done $0x0  }
0xa0: {  	[sflag:s22] =	ssyncadd.s32 s3;
	_ =	sdelay $0x1  }
0xa1: {  	s23 =	simm.s32 $0x1B8B  }
0xa2: {  	_ =	swait.ge [sflag:s23], $0x1  }
0xa3: {  	[sflag:s23] =	ssyncset.done $0x0  }
0xa4: {  	s25 =	simm.s32 $0x1B8E;
	s24 =	sld [smem:$0x3FFE];
	[sflag:s23] =	ssyncadd.s32 $0xFFFFFFFF  }
0xa5: {  	s26 =	simm.s32 $execute0_lowered;
	[smem:$0x3FD2] =	sst s25  }
0xa6: {  	s4 =	sshll.u32 s26, $0x1;
	_ =	strace $0x80000046;
	[dreg:$0x1] =	wrdreg $0xFFFFFFFF  }
0xa7: {  	s28 =	simm.s32 $_size_execute0_lowered;
	s2 =	sadd.s32 s2, s4;
	[dreg:$0x0] =	wrdreg $0x0  }
0xa8: {  	s4 =	sshll.u32 s28, $0x1;
	[dreg:$0x2] =	wrdreg s2  }
0xa9: {  	[dreg:$0x3] =	wrdreg s4  }
0xaa: {  	[dreg:$0x4] =	wrdreg $0xC0  }
0xab: {  	_ =	task [dreg:s6], $0x5FFFF  }
0xac: {  	[dreg:$0x1] =	wrdreg $0xFFFFFFFF  }
0xad: {  	[dreg:$0x0] =	wrdreg $0x60  }
0xae: {  	[dreg:$0x2] =	wrdreg s24  }
0xaf: {  	[dreg:$0x3] =	wrdreg $0xB9800  }
0xb0: {  	[dreg:$0x4] =	wrdreg $0x9  }
0xb1: {  	_ =	task.clear_ibuf [dreg:s6], $0x5FFFF;
	_ =	strace $0x90000046  }
0xb2: {  	s29 =	simm.s32 $0x9;
	_ =	strace $0x80000048  }
0xb3: {  	_ =	swait.ge [sflag:s29], $0x1  }
0xb4: {  	[sflag:s29] =	ssyncadd.s32 $0xFFFFFFFF  }
0xb5: {  	_ =	strace $0x90000048  }
0xb6: {  	_ =	sfence  }
0xb7: {  	s30 =	sld [smem:$0x0];
	_ =	sdelay $0x2  }
0xb8: {  	s31 =	sshll.u32 s1, $0xD;
	s1 =	sshrl.u32 s1, $0x2  }
0xb9: {  	s3 =	sand.u32 $0x4000, s31;
	s1 =	sadd.s32 s1, s30  }
0xba: {  	s0 =	sor.u32 s3, s0;
	s1 =	sshll.u32 s1, $0x11  }
0xbb: {  	s0 =	sor.u32 s1, s0  }
0xbc: {  	s0 =	sadd.s32 $0x8F2B, s0  }
0xbd: {  	[sflag:s0] =	ssyncadd.remote.s32 $0x1  }
0xbe: {  	_ =	sfence.sel $0xFFFF  }
0xbf: {  	[dreg:$0x0] =	wrdreg $0xFFFFFFFF;
	(pc) =	sbr.abs _section_cstart, $3  }
0xc0: {  	[dreg:$0x1] =	wrdreg $0xFFFFFFFF  }
0xc1: {  	_ =	task.clear_ibuf [dreg:s6], $0x2FFFF;
	_ =	strace $0x9FFFFFFF  }
0xc2: {  	(tm) =	ssettm $0x7FFFFFFF  }
0xc3: {  	_ =	shalt  }
tec
execute0_lowered:
.L_overlay_start_1:
0x0: {  	(tag) =	ssettag $0x1  }
0x1: {  	s0 =	rddreg [dreg:$0x0]  }
0x2: {  	s2 =	rddreg [dreg:$0x1];
	s1 =	srdreg.scid  }
0x3: {  	s12 =	stileid.u32;
	s3 =	simm.s32 $0x0;
	s14 =	simm.s32 $0x7  }
0x4: {  	s17 =	simm.s32 $0x4000;
	s29 =	simm.s32 $0x5;
	s30 =	simm.s32 $0x6  }
0x5: {  	s31 =	simm.s32 $0x0;
	s1 =	sand.u32 $0x1, s1;
	s4 =	sshll.u32 s12, $0x1  }
0x6: {  	[smem:$0x7FF] =	sst s3;
	s7 =	smul.u32 $0x14000, s12;
	s9 =	sadd.s32 $0x1C600, s0  }
0x7: {  	s20 =	smul.u32 $0x50000, s12;
	s28 =	sshll.u32 s12, $0x6;
	s5 =	sor.u32 s1, s4  }
0x8: {  	s6 =	smul.u32 $0x140000, s1;
	_ =	strace $0x80000047;
	[dreg:$0x3] =	wrdreg s9  }
0x9: {  	s1 =	ssub.s32 $0x2, s1;
	s15 =	sor.u32 $0x1C07, s28;
	s4 =	sshll.u32 s5, $0xB  }
0xa: {  	s19 =	sshrl.u32 s1, $0x1;
	s23 =	sshrl.u32 s20, $0x2;
	s20 =	simm.s32 $0x1  }
0xb: {  	s8 =	sadd.s32 s4, s0;
	s4 =	sadd.s32 $0x12800, s0;
	s7 =	sadd.s32 s7, s6  }
0xc: {  	s6 =	smul.u32 $0x2760, s5;
	s1 =	ssub.s32 s1, s19;
	s25 =	sadd.s32 s23, s2  }
0xd: {  	s19 =	simm.s32 $0x4100;
	s23 =	simm.s32 $0x2;
	s18 =	sshrl.u32 s7, $0x3  }
0xe: {  	s22 =	sadd.s32 $0x2800, s8;
	s1 =	smax.u32 s1, $0x1;
	s16 =	sshrl.u32 s25, $0x3  }
0xf: {  	s25 =	simm.s32 $0x3;
	s0 =	sadd.s32 s18, s0;
	s21 =	sshrl.u32 s6, $0x3  }
0x10: {  	[dreg:$0x4] =	wrdreg s22;
	s10 =	sadd.s32 $0xF0, s6;
	s11 =	sadd.s32 $0x140, s6  }
0x11: {  	[dreg:$0x8] =	wrdreg s1;
	s18 =	simm.s32 $0x4080;
	s24 =	sadd.s32 s4, s21  }
0x12: {  	s22 =	simm.s32 $0x4180;
	s0 =	sadd.s32 $0x1EE00, s0;
	[dreg:$0x5] =	wrdreg s24  }
0x13: {  	s21 =	simm.s32 $0x50;
	s26 =	sadd.s32 $0xA, s24;
	[dreg:$0x7] =	wrdreg s0  }
0x14: {  	s24 =	simm.s32 $0x6980;
	[dreg:$0x6] =	wrdreg s26;
	s26 =	simm.s32 $0x9180  }
.LBB2_1:
0x15: {  	s0 =	rddreg [dreg:$0x4]  }
0x16: {  	[tilespmem:s3], [sflag:$0x7] =	stream.linear.gather [hbm4b:s0+s3], $0x3F00, $0x38;
	[tilespmem:$0x1F980] =	vst v63  }
0x17: {  	_ =	swait.ge [sflag:s14], $0x3F00  }
0x18: {  	[sflag:s14] =	ssyncset.done $0x0  }
0x19: {  	s12 =	rddreg [dreg:$0x3];
	[sflag:s14] =	ssyncadd.s32 $0xFFFFC100  }
0x1a: {  	[spmem:s16], [sflag:s15] =	dma.local [hbm:s12], $0x2800  }
0x1b: {  	_ =	swait.ge [sflag:s14], $0x2800  }
0x1c: {  	[sflag:s14] =	ssyncset.done $0x0  }
0x1d: {  	[sflag:s14] =	ssyncadd.s32 $0xFFFFD800  }
0x1e: {  	[bflag:$0x0] =	sbarrier.arrive $0xFFFF  }
0x1f: {  	s13 =	rddreg [dreg:$0x5]  }
0x20: {  	[tilespmem:s17], [sflag:$0x1] =	stream.linear.gather [hbm4b:s13+s3], $0x50, $0x38;
	[tilespmem:$0x1F980] =	vst v63  }
0x21: {  	s0 =	simm.s32 $0x0;
	s28 =	rddreg [dreg:$0x6]  }
0x22: {  	[tilespmem:s18], [sflag:$0x2] =	stream.linear.gather [hbm4b:s28+s3], $0x50, $0x38;
	[tilespmem:$0x1F980] =	vst v63  }
.LBB2_2:
0x23: {  	s1 =	smul.u32 $0x3, s0;
	_ =	sdelay $0x1  }
0x24: {  	s1 =	sadd.s32 $0x2, s1  }
0x25: {  	s5 =	smul.u32 $0x50, s1;
	_ =	sdelay $0x1  }
0x26: {  	s5 =	sadd.s32 s6, s5  }
0x27: {  	s13 =	simm.s32 $0x2;
	s5 =	sshrl.u32 s5, $0x3  }
0x28: {  	p0 =	seq.s32 s0, $0x0;
	s7 =	simm.s32 $0x1;
	s5 =	sadd.s32 s4, s5  }
0x29: {  	v0 =	vmov s13;
	[tilespmem:s19], [sflag:$0x3] =	stream.linear.gather [hbm4b:s5+s3], $0x50, $0x38;
	[tilespmem:$0x1F980] =	vst v63  }
0x2a: {  	v1 =	vmov s7;
	v0 =	vand.u32 $0xFFFFFFFE, v0;
	s5 =	simm.s32 @!p0 $0x4  }
0x2b: {  	v1 =	vand.u32 $0xFFFFFFFD, v1;
	v0 =	vbroadcast v0, $0x0;
	_ =	swait.ge @!p0 [sflag:s5], $0x2800  }
0x2c: {  	v1 =	vbroadcast v1, $0x0;
	[sflag:s5] =	ssyncset.done @!p0 $0x0  }
0x2d: {  	[sflag:s5] =	ssyncadd.s32 @!p0 $0xFFFFD800  }
0x2e: {  	_ =	swait.ge [sflag:s20], $0x50  }
0x2f: {  	[sflag:s20] =	ssyncset.done $0x0  }
0x30: {  	[sflag:s20] =	ssyncadd.s32 $0xFFFFFFB0  }
0x31: {  	v2 =	vld.idx.msk [tilespmem:v0+s17+$0x0], $0xffff  }
0x32: {  	v0 =	vld.idx.msk [tilespmem:v1+s17+$0x0], $0xffff;
	_ =	sdelay $0x2  }
0x33: {  	s5 =	simm.s32 $0x4280  }
0x34: {  	[tilespmem:s5+$0x70] =	vst v2  }
0x35: {  	[tilespmem:s5+$0xFFFFFF80] =	vst v0  }
0x36: {  	s28 =	simm.s32 $0x0;
	[tilespmem:s5+$0xFFFFFF90] =	vst v0  }
0x37: {  	v1 =	vmov s28;
	[tilespmem:s5+$0xFFFFFFA0] =	vst v0  }
0x38: {  	v1 =	vand.u32 $0xFFFFFFFC, v1;
	[tilespmem:s5+$0xFFFFFFB0] =	vst v0  }
0x39: {  	v1 =	vbroadcast v1, $0x0;
	[tilespmem:s5+$0xFFFFFFC0] =	vst v0  }
0x3a: {  	[tilespmem:s5+$0xFFFFFFD0] =	vst v0  }
0x3b: {  	[tilespmem:s5+$0xFFFFFFE0] =	vst v0  }
0x3c: {  	[tilespmem:s5+$0xFFFFFFF0] =	vst v0  }
0x3d: {  	[tilespmem:s5+$0x0] =	vst v2  }
0x3e: {  	[tilespmem:s5+$0x10] =	vst v2  }
0x3f: {  	[tilespmem:s5+$0x20] =	vst v2;
	v0 =	vld.idx.msk [tilespmem:v1+s17+$0x0], $0xffff  }
0x40: {  	s8 =	simm.s32 $0x3;
	[tilespmem:s5+$0x30] =	vst v2  }
0x41: {  	[tilespmem:s5+$0x40] =	vst v2;
	v1 =	vmov s8  }
0x42: {  	[tilespmem:s5+$0x50] =	vst v2  }
0x43: {  	[tilespmem:s5+$0x60] =	vst v2  }
0x44: {  	[tilespmem:s5+$0xFFFFFF00] =	vst v0  }
0x45: {  	s12 =	simm.s32 $0x6;
	s9 =	simm.s32 $0x8;
	s7 =	simm.s32 $0x4;
	[tilespmem:s5+$0xFFFFFF10] =	vst v0  }
.LBB2_3:
0x46: {  	p0 =	slt.u32 s9, $0x4C;
	s8 =	sadd.s32 $0x1, s7;
	v2 =	vmov s12;
	[tilespmem:s5+$0xFFFFFF20] =	vst v0;
	v1 =	vld.idx.msk [tilespmem:v1+s17+$0x0], $0xffff  }
0x47: {  	v3 =	vmov s8;
	v2 =	vand.u32 $0xFFFFFFFE, v2;
	[tilespmem:s5+$0xFFFFFF30] =	vst v0  }
0x48: {  	v3 =	vand.u32 $0xFFFFFFFD, v3;
	v2 =	vbroadcast v2, $0x0;
	[tilespmem:s5+$0xFFFFFF40] =	vst v0  }
0x49: {  	v3 =	vbroadcast v3, $0x0;
	[tilespmem:s5+$0xFFFFFF50] =	vst v0  }
0x4a: {  	[tilespmem:s5+$0xFFFFFF60] =	vst v0  }
0x4b: {  	[tilespmem:s5+$0xFFFFFF70] =	vst v0  }
0x4c: {  	[tilespmem:s5+$0x80] =	vst v1  }
0x4d: {  	[tilespmem:s5+$0x90] =	vst v1  }
0x4e: {  	v2 =	vld.idx.msk [tilespmem:v2+s17+$0x0], $0xffff;
	[tilespmem:s5+$0xA0] =	vst v1  }
0x4f: {  	v0 =	vld.idx.msk [tilespmem:v3+s17+$0x0], $0xffff;
	[tilespmem:s5+$0xB0] =	vst v1  }
0x50: {  	[tilespmem:s5+$0xC0] =	vst v1  }
0x51: {  	[tilespmem:s5+$0xD0] =	vst v1  }
0x52: {  	[tilespmem:s5+$0xE0] =	vst v1  }
0x53: {  	[tilespmem:s5+$0xF0] =	vst v1;
	s5 =	sadd.s32 $0x200, s5  }
0x54: {  	[tilespmem:s5+$0x70] =	vst v2  }
0x55: {  	[tilespmem:s5+$0xFFFFFF80] =	vst v0  }
0x56: {  	v1 =	vmov s7;
	[tilespmem:s5+$0xFFFFFF90] =	vst v0  }
0x57: {  	v1 =	vand.u32 $0xFFFFFFFC, v1;
	[tilespmem:s5+$0xFFFFFFA0] =	vst v0  }
0x58: {  	v1 =	vbroadcast v1, $0x0;
	[tilespmem:s5+$0xFFFFFFB0] =	vst v0  }
0x59: {  	[tilespmem:s5+$0xFFFFFFC0] =	vst v0  }
0x5a: {  	[tilespmem:s5+$0xFFFFFFD0] =	vst v0  }
0x5b: {  	[tilespmem:s5+$0xFFFFFFE0] =	vst v0  }
0x5c: {  	[tilespmem:s5+$0xFFFFFFF0] =	vst v0  }
0x5d: {  	[tilespmem:s5+$0x0] =	vst v2  }
0x5e: {  	v0 =	vld.idx.msk [tilespmem:v1+s17+$0x0], $0xffff;
	[tilespmem:s5+$0x10] =	vst v2  }
0x5f: {  	[tilespmem:s5+$0x20] =	vst v2  }
0x60: {  	s8 =	sadd.s32 $0x3, s7;
	s7 =	smov.u32 s9;
	[tilespmem:s5+$0x30] =	vst v2  }
.Ltmp0:
0x61: {  	v1 =	vmov s8;
	[tilespmem:s5+$0x40] =	vst v2;
	(pc) =	sbr.rel @p0 .LBB2_3-.Ltmp0, $4  }
0x62: {  	[tilespmem:s5+$0x50] =	vst v2  }
0x63: {  	[tilespmem:s5+$0x60] =	vst v2  }
0x64: {  	[tilespmem:s5+$0xFFFFFF00] =	vst v0  }
0x65: {  	s9 =	sadd.s32 $0x4, s9;
	s12 =	sadd.s32 $0x2, s7;
	[tilespmem:s5+$0xFFFFFF10] =	vst v0  }
0x66: {  	_ =	sdelay $0x2  }
0x67: {  	[tilespmem:s5+$0xFFFFFF20] =	vst v0  }
0x68: {  	v2 =	vmov s12;
	v1 =	vld.idx.msk [tilespmem:v1+s17+$0x0], $0xffff;
	[tilespmem:s5+$0xFFFFFF30] =	vst v0  }
0x69: {  	[tilespmem:s5+$0xFFFFFF40] =	vst v0;
	v2 =	vand.u32 $0xFFFFFFFE, v2  }
0x6a: {  	[tilespmem:s5+$0xFFFFFF50] =	vst v0;
	v2 =	vbroadcast v2, $0x0  }
0x6b: {  	[tilespmem:s5+$0xFFFFFF60] =	vst v0  }
0x6c: {  	[tilespmem:s5+$0xFFFFFF70] =	vst v0  }
0x6d: {  	[tilespmem:s5+$0x80] =	vst v1  }
0x6e: {  	s8 =	sadd.s32 $0x1, s7;
	[tilespmem:s5+$0x90] =	vst v1  }
0x6f: {  	v3 =	vmov s8;
	[tilespmem:s5+$0xA0] =	vst v1  }
0x70: {  	v3 =	vand.u32 $0xFFFFFFFD, v3;
	[tilespmem:s5+$0xB0] =	vst v1;
	v0 =	vld.idx.msk [tilespmem:v2+s17+$0x0], $0xffff  }
0x71: {  	v3 =	vbroadcast v3, $0x0;
	[tilespmem:s5+$0xC0] =	vst v1  }
0x72: {  	[tilespmem:s5+$0xD0] =	vst v1  }
0x73: {  	[tilespmem:s5+$0xE0] =	vst v1  }
0x74: {  	s13 =	sadd.s32 $0x200, s5;
	[tilespmem:s5+$0xF0] =	vst v1  }
0x75: {  	[tilespmem:s13+$0x70] =	vst v0  }
0x76: {  	[tilespmem:s13+$0x0] =	vst v0  }
0x77: {  	v2 =	vld.idx.msk [tilespmem:v3+s17+$0x0], $0xffff;
	[tilespmem:s13+$0x10] =	vst v0  }
0x78: {  	v1 =	vmov s7;
	[tilespmem:s13+$0x20] =	vst v0  }
0x79: {  	v1 =	vand.u32 $0xFFFFFFFC, v1;
	[tilespmem:s13+$0x30] =	vst v0  }
0x7a: {  	v1 =	vbroadcast v1, $0x0;
	[tilespmem:s13+$0x40] =	vst v0  }
0x7b: {  	[tilespmem:s13+$0x50] =	vst v0  }
0x7c: {  	[tilespmem:s13+$0xFFFFFF80] =	vst v2  }
0x7d: {  	[tilespmem:s13+$0xFFFFFF90] =	vst v2  }
0x7e: {  	[tilespmem:s13+$0xFFFFFFA0] =	vst v2  }
0x7f: {  	[tilespmem:s13+$0xFFFFFFB0] =	vst v2  }
0x80: {  	v1 =	vld.idx.msk [tilespmem:v1+s17+$0x0], $0xffff;
	[tilespmem:s13+$0xFFFFFFC0] =	vst v2  }
0x81: {  	[tilespmem:s13+$0xFFFFFFD0] =	vst v2  }
0x82: {  	s28 =	sadd.s32 $0x3, s7;
	[tilespmem:s13+$0xFFFFFFE0] =	vst v2  }
0x83: {  	[tilespmem:s13+$0xFFFFFFF0] =	vst v2;
	v2 =	vmov s28  }
0x84: {  	[tilespmem:s13+$0x60] =	vst v0  }
0x85: {  	[tilespmem:s13+$0xFFFFFF00] =	vst v1  }
0x86: {  	[tilespmem:s13+$0xFFFFFF10] =	vst v1  }
0x87: {  	[tilespmem:s13+$0xFFFFFF20] =	vst v1  }
0x88: {  	[tilespmem:s13+$0xFFFFFF30] =	vst v1;
	v0 =	vld.idx.msk [tilespmem:v2+s17+$0x0], $0xffff  }
0x89: {  	[tilespmem:s13+$0xFFFFFF40] =	vst v1  }
0x8a: {  	[tilespmem:s13+$0xFFFFFF50] =	vst v1  }
0x8b: {  	[tilespmem:s13+$0xFFFFFF60] =	vst v1  }
0x8c: {  	[tilespmem:s13+$0xFFFFFF70] =	vst v1  }
0x8d: {  	[tilespmem:s13+$0x80] =	vst v0  }
0x8e: {  	[tilespmem:s13+$0x90] =	vst v0  }
0x8f: {  	[tilespmem:s13+$0xA0] =	vst v0  }
0x90: {  	p0 =	seq.s32 s0, $0x29;
	s8 =	smul.u32 $0x600, s0;
	[tilespmem:s13+$0xB0] =	vst v0  }
0x91: {  	s5 =	smul.u32 @!p0 $0xF0, s0;
	[tilespmem:s13+$0xC0] =	vst v0  }
0x92: {  	[tilespmem:s13+$0xD0] =	vst v0  }
0x93: {  	s7 =	sshra.s32 s8, $0x2;
	s8 =	sadd.s32 @!p0 s5, s10;
	[tilespmem:s13+$0xE0] =	vst v0  }
0x94: {  	s8 =	sshrl.u32 @!p0 s8, $0x3;
	[tilespmem:s13+$0xF0] =	vst v0  }
0x95: {  	[spmem:s2] =	stream.indirect.scatter.add.f32 [tilespmem:s22], [sflag:$0x4], $0x80, s7, s21, $0xb8;
	[tilespmem:$0x1F980] =	vst v63  }
0x96: {  	s9 =	simm.s32 @!p0 $0x0;
	s12 =	simm.s32 @!p0 $0x4000;
	s8 =	sadd.s32 @!p0 s4, s8  }
0x97: {  	[tilespmem:s12], [sflag:$0x1] =	stream.linear.gather @!p0 [hbm4b:s8+s9], $0x50, $0x38;
	[tilespmem:$0x1F980] =	vst v63  }
0x98: {  	s9 =	simm.s32 $0x2  }
0x99: {  	p1 =	seq.s32 @!p0 s0, $0x0;
	s12 =	simm.s32 $0x1;
	v0 =	vmov s9  }
0x9a: {  	p1 =	por p0, !p1;
	v1 =	vmov s12;
	v0 =	vand.u32 $0xFFFFFFFE, v0  }
0x9b: {  	_ =	swait.ge @p1 [sflag:s29], $0x2800;
	v1 =	vand.u32 $0xFFFFFFFD, v1;
	v0 =	vbroadcast v0, $0x0  }
0x9c: {  	[sflag:s29] =	ssyncset.done @p1 $0x0;
	v1 =	vbroadcast v1, $0x0  }
0x9d: {  	[sflag:s29] =	ssyncadd.s32 @p1 $0xFFFFD800  }
0x9e: {  	_ =	swait.ge [sflag:s23], $0x50  }
0x9f: {  	[sflag:s23] =	ssyncset.done $0x0  }
0xa0: {  	[sflag:s23] =	ssyncadd.s32 $0xFFFFFFB0  }
0xa1: {  	v2 =	vld.idx.msk [tilespmem:v0+s18+$0x0], $0xffff  }
0xa2: {  	v0 =	vld.idx.msk [tilespmem:v1+s18+$0x0], $0xffff;
	_ =	sdelay $0x2  }
0xa3: {  	s9 =	simm.s32 $0x6A80  }
0xa4: {  	[tilespmem:s9+$0x70] =	vst v2  }
0xa5: {  	[tilespmem:s9+$0xFFFFFF80] =	vst v0  }
0xa6: {  	s13 =	simm.s32 $0x0;
	[tilespmem:s9+$0xFFFFFF90] =	vst v0  }
0xa7: {  	v1 =	vmov s13;
	[tilespmem:s9+$0xFFFFFFA0] =	vst v0  }
0xa8: {  	v1 =	vand.u32 $0xFFFFFFFC, v1;
	[tilespmem:s9+$0xFFFFFFB0] =	vst v0  }
0xa9: {  	v1 =	vbroadcast v1, $0x0;
	[tilespmem:s9+$0xFFFFFFC0] =	vst v0  }
0xaa: {  	[tilespmem:s9+$0xFFFFFFD0] =	vst v0  }
0xab: {  	[tilespmem:s9+$0xFFFFFFE0] =	vst v0  }
0xac: {  	[tilespmem:s9+$0xFFFFFFF0] =	vst v0  }
0xad: {  	[tilespmem:s9+$0x0] =	vst v2  }
0xae: {  	[tilespmem:s9+$0x10] =	vst v2  }
0xaf: {  	[tilespmem:s9+$0x20] =	vst v2;
	v0 =	vld.idx.msk [tilespmem:v1+s18+$0x0], $0xffff  }
0xb0: {  	s28 =	simm.s32 $0x3;
	[tilespmem:s9+$0x30] =	vst v2  }
0xb1: {  	[tilespmem:s9+$0x40] =	vst v2;
	v1 =	vmov s28  }
0xb2: {  	[tilespmem:s9+$0x50] =	vst v2  }
0xb3: {  	[tilespmem:s9+$0x60] =	vst v2  }
0xb4: {  	[tilespmem:s9+$0xFFFFFF00] =	vst v0  }
0xb5: {  	s8 =	simm.s32 $0x6;
	s12 =	simm.s32 $0x4;
	s13 =	simm.s32 $0x8;
	[tilespmem:s9+$0xFFFFFF10] =	vst v0  }
.LBB2_5:
0xb6: {  	p2 =	slt.u32 s13, $0x4C;
	s28 =	sadd.s32 $0x1, s12;
	v2 =	vmov s8;
	[tilespmem:s9+$0xFFFFFF20] =	vst v0;
	v1 =	vld.idx.msk [tilespmem:v1+s18+$0x0], $0xffff  }
0xb7: {  	v3 =	vmov s28;
	v2 =	vand.u32 $0xFFFFFFFE, v2;
	[tilespmem:s9+$0xFFFFFF30] =	vst v0  }
0xb8: {  	v3 =	vand.u32 $0xFFFFFFFD, v3;
	v2 =	vbroadcast v2, $0x0;
	[tilespmem:s9+$0xFFFFFF40] =	vst v0  }
0xb9: {  	v3 =	vbroadcast v3, $0x0;
	[tilespmem:s9+$0xFFFFFF50] =	vst v0  }
0xba: {  	[tilespmem:s9+$0xFFFFFF60] =	vst v0  }
0xbb: {  	[tilespmem:s9+$0xFFFFFF70] =	vst v0  }
0xbc: {  	[tilespmem:s9+$0x80] =	vst v1  }
0xbd: {  	[tilespmem:s9+$0x90] =	vst v1  }
0xbe: {  	v2 =	vld.idx.msk [tilespmem:v2+s18+$0x0], $0xffff;
	[tilespmem:s9+$0xA0] =	vst v1  }
0xbf: {  	v0 =	vld.idx.msk [tilespmem:v3+s18+$0x0], $0xffff;
	[tilespmem:s9+$0xB0] =	vst v1  }
0xc0: {  	[tilespmem:s9+$0xC0] =	vst v1  }
0xc1: {  	[tilespmem:s9+$0xD0] =	vst v1  }
0xc2: {  	[tilespmem:s9+$0xE0] =	vst v1  }
0xc3: {  	[tilespmem:s9+$0xF0] =	vst v1;
	s9 =	sadd.s32 $0x200, s9  }
0xc4: {  	[tilespmem:s9+$0x70] =	vst v2  }
0xc5: {  	[tilespmem:s9+$0xFFFFFF80] =	vst v0  }
0xc6: {  	v1 =	vmov s12;
	[tilespmem:s9+$0xFFFFFF90] =	vst v0  }
0xc7: {  	v1 =	vand.u32 $0xFFFFFFFC, v1;
	[tilespmem:s9+$0xFFFFFFA0] =	vst v0  }
0xc8: {  	v1 =	vbroadcast v1, $0x0;
	[tilespmem:s9+$0xFFFFFFB0] =	vst v0  }
0xc9: {  	[tilespmem:s9+$0xFFFFFFC0] =	vst v0  }
0xca: {  	[tilespmem:s9+$0xFFFFFFD0] =	vst v0  }
0xcb: {  	[tilespmem:s9+$0xFFFFFFE0] =	vst v0  }
0xcc: {  	[tilespmem:s9+$0xFFFFFFF0] =	vst v0  }
0xcd: {  	[tilespmem:s9+$0x0] =	vst v2  }
0xce: {  	v0 =	vld.idx.msk [tilespmem:v1+s18+$0x0], $0xffff;
	[tilespmem:s9+$0x10] =	vst v2  }
0xcf: {  	[tilespmem:s9+$0x20] =	vst v2  }
0xd0: {  	s8 =	sadd.s32 $0x3, s12;
	s12 =	smov.u32 s13;
	[tilespmem:s9+$0x30] =	vst v2  }
.Ltmp1:
0xd1: {  	v1 =	vmov s8;
	[tilespmem:s9+$0x40] =	vst v2;
	(pc) =	sbr.rel @p2 .LBB2_5-.Ltmp1, $4  }
0xd2: {  	[tilespmem:s9+$0x50] =	vst v2  }
0xd3: {  	[tilespmem:s9+$0x60] =	vst v2  }
0xd4: {  	[tilespmem:s9+$0xFFFFFF00] =	vst v0  }
0xd5: {  	s13 =	sadd.s32 $0x4, s13;
	s8 =	sadd.s32 $0x2, s12;
	[tilespmem:s9+$0xFFFFFF10] =	vst v0  }
0xd6: {  	_ =	sdelay $0x2  }
0xd7: {  	[tilespmem:s9+$0xFFFFFF20] =	vst v0  }
0xd8: {  	v2 =	vmov s8;
	v1 =	vld.idx.msk [tilespmem:v1+s18+$0x0], $0xffff;
	[tilespmem:s9+$0xFFFFFF30] =	vst v0  }
0xd9: {  	[tilespmem:s9+$0xFFFFFF40] =	vst v0;
	v2 =	vand.u32 $0xFFFFFFFE, v2  }
0xda: {  	[tilespmem:s9+$0xFFFFFF50] =	vst v0;
	v2 =	vbroadcast v2, $0x0  }
0xdb: {  	[tilespmem:s9+$0xFFFFFF60] =	vst v0  }
0xdc: {  	[tilespmem:s9+$0xFFFFFF70] =	vst v0  }
0xdd: {  	[tilespmem:s9+$0x80] =	vst v1  }
0xde: {  	s13 =	sadd.s32 $0x1, s12;
	[tilespmem:s9+$0x90] =	vst v1  }
0xdf: {  	v3 =	vmov s13;
	[tilespmem:s9+$0xA0] =	vst v1  }
0xe0: {  	v3 =	vand.u32 $0xFFFFFFFD, v3;
	[tilespmem:s9+$0xB0] =	vst v1;
	v0 =	vld.idx.msk [tilespmem:v2+s18+$0x0], $0xffff  }
0xe1: {  	v3 =	vbroadcast v3, $0x0;
	[tilespmem:s9+$0xC0] =	vst v1  }
0xe2: {  	[tilespmem:s9+$0xD0] =	vst v1  }
0xe3: {  	[tilespmem:s9+$0xE0] =	vst v1  }
0xe4: {  	s13 =	sadd.s32 $0x200, s9;
	[tilespmem:s9+$0xF0] =	vst v1  }
0xe5: {  	[tilespmem:s13+$0x70] =	vst v0  }
0xe6: {  	[tilespmem:s13+$0x0] =	vst v0  }
0xe7: {  	v2 =	vld.idx.msk [tilespmem:v3+s18+$0x0], $0xffff;
	[tilespmem:s13+$0x10] =	vst v0  }
0xe8: {  	v1 =	vmov s12;
	[tilespmem:s13+$0x20] =	vst v0  }
0xe9: {  	v1 =	vand.u32 $0xFFFFFFFC, v1;
	[tilespmem:s13+$0x30] =	vst v0  }
0xea: {  	v1 =	vbroadcast v1, $0x0;
	[tilespmem:s13+$0x40] =	vst v0  }
0xeb: {  	[tilespmem:s13+$0x50] =	vst v0  }
0xec: {  	[tilespmem:s13+$0xFFFFFF80] =	vst v2  }
0xed: {  	[tilespmem:s13+$0xFFFFFF90] =	vst v2  }
0xee: {  	[tilespmem:s13+$0xFFFFFFA0] =	vst v2  }
0xef: {  	[tilespmem:s13+$0xFFFFFFB0] =	vst v2  }
0xf0: {  	v1 =	vld.idx.msk [tilespmem:v1+s18+$0x0], $0xffff;
	[tilespmem:s13+$0xFFFFFFC0] =	vst v2  }
0xf1: {  	[tilespmem:s13+$0xFFFFFFD0] =	vst v2  }
0xf2: {  	s28 =	sadd.s32 $0x3, s12;
	[tilespmem:s13+$0xFFFFFFE0] =	vst v2  }
0xf3: {  	[tilespmem:s13+$0xFFFFFFF0] =	vst v2;
	v2 =	vmov s28  }
0xf4: {  	[tilespmem:s13+$0x60] =	vst v0  }
0xf5: {  	[tilespmem:s13+$0xFFFFFF00] =	vst v1  }
0xf6: {  	[tilespmem:s13+$0xFFFFFF10] =	vst v1  }
0xf7: {  	[tilespmem:s13+$0xFFFFFF20] =	vst v1  }
0xf8: {  	[tilespmem:s13+$0xFFFFFF30] =	vst v1;
	v0 =	vld.idx.msk [tilespmem:v2+s18+$0x0], $0xffff  }
0xf9: {  	[tilespmem:s13+$0xFFFFFF40] =	vst v1  }
0xfa: {  	[tilespmem:s13+$0xFFFFFF50] =	vst v1  }
0xfb: {  	[tilespmem:s13+$0xFFFFFF60] =	vst v1  }
0xfc: {  	[tilespmem:s13+$0xFFFFFF70] =	vst v1  }
0xfd: {  	[tilespmem:s13+$0x80] =	vst v0  }
0xfe: {  	[tilespmem:s13+$0x90] =	vst v0  }
0xff: {  	[tilespmem:s13+$0xA0] =	vst v0  }
0x100: {  	[tilespmem:s13+$0xB0] =	vst v0  }
0x101: {  	[tilespmem:s13+$0xC0] =	vst v0  }
0x102: {  	[tilespmem:s13+$0xD0] =	vst v0  }
0x103: {  	s7 =	sadd.s32 $0x80, s7;
	s5 =	sadd.s32 @!p0 s5, s11;
	[tilespmem:s13+$0xE0] =	vst v0  }
0x104: {  	s8 =	simm.s32 @!p0 $0x4080;
	s5 =	sshrl.u32 @!p0 s5, $0x3;
	s9 =	simm.s32 $0x2;
	[tilespmem:s13+$0xF0] =	vst v0  }
0x105: {  	[spmem:s2] =	stream.indirect.scatter.add.f32 [tilespmem:s24], [sflag:$0x5], $0x80, s7, s21, $0xb8;
	[tilespmem:$0x1F980] =	vst v63  }
0x106: {  	s5 =	sadd.s32 @!p0 s4, s5;
	s12 =	simm.s32 $0x1;
	v0 =	vmov s9;
	s7 =	simm.s32 @!p0 $0x0  }
0x107: {  	v1 =	vmov s12;
	v0 =	vand.u32 $0xFFFFFFFE, v0;
	[tilespmem:s8], [sflag:$0x2] =	stream.linear.gather @!p0 [hbm4b:s5+s7], $0x50, $0x38;
	[tilespmem:$0x1F980] =	vst v63  }
0x108: {  	v1 =	vand.u32 $0xFFFFFFFD, v1;
	v0 =	vbroadcast v0, $0x0;
	_ =	swait.ge @p1 [sflag:s30], $0x2800  }
0x109: {  	v1 =	vbroadcast v1, $0x0;
	[sflag:s30] =	ssyncset.done @p1 $0x0  }
0x10a: {  	[sflag:s30] =	ssyncadd.s32 @p1 $0xFFFFD800  }
0x10b: {  	_ =	swait.ge [sflag:s25], $0x50  }
0x10c: {  	[sflag:s25] =	ssyncset.done $0x0  }
0x10d: {  	[sflag:s25] =	ssyncadd.s32 $0xFFFFFFB0  }
0x10e: {  	v2 =	vld.idx.msk [tilespmem:v0+s19+$0x0], $0xffff  }
0x10f: {  	v0 =	vld.idx.msk [tilespmem:v1+s19+$0x0], $0xffff;
	_ =	sdelay $0x2  }
0x110: {  	s5 =	simm.s32 $0x9280  }
0x111: {  	[tilespmem:s5+$0x70] =	vst v2  }
0x112: {  	[tilespmem:s5+$0xFFFFFF80] =	vst v0  }
0x113: {  	s13 =	simm.s32 $0x0;
	[tilespmem:s5+$0xFFFFFF90] =	vst v0  }
0x114: {  	v1 =	vmov s13;
	[tilespmem:s5+$0xFFFFFFA0] =	vst v0  }
0x115: {  	v1 =	vand.u32 $0xFFFFFFFC, v1;
	[tilespmem:s5+$0xFFFFFFB0] =	vst v0  }
0x116: {  	v1 =	vbroadcast v1, $0x0;
	[tilespmem:s5+$0xFFFFFFC0] =	vst v0  }
0x117: {  	[tilespmem:s5+$0xFFFFFFD0] =	vst v0  }
0x118: {  	[tilespmem:s5+$0xFFFFFFE0] =	vst v0  }
0x119: {  	[tilespmem:s5+$0xFFFFFFF0] =	vst v0  }
0x11a: {  	[tilespmem:s5+$0x0] =	vst v2  }
0x11b: {  	[tilespmem:s5+$0x10] =	vst v2  }
0x11c: {  	[tilespmem:s5+$0x20] =	vst v2;
	v0 =	vld.idx.msk [tilespmem:v1+s19+$0x0], $0xffff  }
0x11d: {  	s28 =	simm.s32 $0x3;
	[tilespmem:s5+$0x30] =	vst v2  }
0x11e: {  	[tilespmem:s5+$0x40] =	vst v2;
	v1 =	vmov s28  }
0x11f: {  	[tilespmem:s5+$0x50] =	vst v2  }
0x120: {  	[tilespmem:s5+$0x60] =	vst v2  }
0x121: {  	[tilespmem:s5+$0xFFFFFF00] =	vst v0  }
0x122: {  	s9 =	simm.s32 $0x8;
	s7 =	simm.s32 $0x4;
	s8 =	simm.s32 $0x6;
	[tilespmem:s5+$0xFFFFFF10] =	vst v0  }
.LBB2_7:
0x123: {  	p0 =	slt.u32 s9, $0x4C;
	s12 =	sadd.s32 $0x1, s7;
	v2 =	vmov s8;
	[tilespmem:s5+$0xFFFFFF20] =	vst v0;
	v1 =	vld.idx.msk [tilespmem:v1+s19+$0x0], $0xffff  }
0x124: {  	v3 =	vmov s12;
	v2 =	vand.u32 $0xFFFFFFFE, v2;
	[tilespmem:s5+$0xFFFFFF30] =	vst v0  }
0x125: {  	v3 =	vand.u32 $0xFFFFFFFD, v3;
	v2 =	vbroadcast v2, $0x0;
	[tilespmem:s5+$0xFFFFFF40] =	vst v0  }
0x126: {  	v3 =	vbroadcast v3, $0x0;
	[tilespmem:s5+$0xFFFFFF50] =	vst v0  }
0x127: {  	[tilespmem:s5+$0xFFFFFF60] =	vst v0  }
0x128: {  	[tilespmem:s5+$0xFFFFFF70] =	vst v0  }
0x129: {  	[tilespmem:s5+$0x80] =	vst v1  }
0x12a: {  	[tilespmem:s5+$0x90] =	vst v1  }
0x12b: {  	v2 =	vld.idx.msk [tilespmem:v2+s19+$0x0], $0xffff;
	[tilespmem:s5+$0xA0] =	vst v1  }
0x12c: {  	v0 =	vld.idx.msk [tilespmem:v3+s19+$0x0], $0xffff;
	[tilespmem:s5+$0xB0] =	vst v1  }
0x12d: {  	[tilespmem:s5+$0xC0] =	vst v1  }
0x12e: {  	[tilespmem:s5+$0xD0] =	vst v1  }
0x12f: {  	[tilespmem:s5+$0xE0] =	vst v1  }
0x130: {  	[tilespmem:s5+$0xF0] =	vst v1;
	s5 =	sadd.s32 $0x200, s5  }
0x131: {  	[tilespmem:s5+$0x70] =	vst v2  }
0x132: {  	[tilespmem:s5+$0xFFFFFF80] =	vst v0  }
0x133: {  	v1 =	vmov s7;
	[tilespmem:s5+$0xFFFFFF90] =	vst v0  }
0x134: {  	v1 =	vand.u32 $0xFFFFFFFC, v1;
	[tilespmem:s5+$0xFFFFFFA0] =	vst v0  }
0x135: {  	v1 =	vbroadcast v1, $0x0;
	[tilespmem:s5+$0xFFFFFFB0] =	vst v0  }
0x136: {  	[tilespmem:s5+$0xFFFFFFC0] =	vst v0  }
0x137: {  	[tilespmem:s5+$0xFFFFFFD0] =	vst v0  }
0x138: {  	[tilespmem:s5+$0xFFFFFFE0] =	vst v0  }
0x139: {  	[tilespmem:s5+$0xFFFFFFF0] =	vst v0  }
0x13a: {  	[tilespmem:s5+$0x0] =	vst v2  }
0x13b: {  	v0 =	vld.idx.msk [tilespmem:v1+s19+$0x0], $0xffff;
	[tilespmem:s5+$0x10] =	vst v2  }
0x13c: {  	[tilespmem:s5+$0x20] =	vst v2  }
0x13d: {  	s8 =	sadd.s32 $0x3, s7;
	s7 =	smov.u32 s9;
	[tilespmem:s5+$0x30] =	vst v2  }
.Ltmp2:
0x13e: {  	v1 =	vmov s8;
	[tilespmem:s5+$0x40] =	vst v2;
	(pc) =	sbr.rel @p0 .LBB2_7-.Ltmp2, $4  }
0x13f: {  	[tilespmem:s5+$0x50] =	vst v2  }
0x140: {  	[tilespmem:s5+$0x60] =	vst v2  }
0x141: {  	[tilespmem:s5+$0xFFFFFF00] =	vst v0  }
0x142: {  	s9 =	sadd.s32 $0x4, s9;
	s8 =	sadd.s32 $0x2, s7;
	[tilespmem:s5+$0xFFFFFF10] =	vst v0  }
0x143: {  	_ =	sdelay $0x2  }
0x144: {  	[tilespmem:s5+$0xFFFFFF20] =	vst v0  }
0x145: {  	v1 =	vld.idx.msk [tilespmem:v1+s19+$0x0], $0xffff;
	[tilespmem:s5+$0xFFFFFF30] =	vst v0  }
0x146: {  	[tilespmem:s5+$0xFFFFFF40] =	vst v0  }
0x147: {  	[tilespmem:s5+$0xFFFFFF50] =	vst v0;
	s28 =	sadd.s32 $0x3, s7  }
0x148: {  	[tilespmem:s5+$0xFFFFFF60] =	vst v0;
	v62 =	vmov s28  }
0x149: {  	[tilespmem:s5+$0xFFFFFF70] =	vst v0  }
0x14a: {  	[tilespmem:s5+$0x80] =	vst v1  }
0x14b: {  	[tilespmem:s5+$0x90] =	vst v1  }
0x14c: {  	[tilespmem:s5+$0xA0] =	vst v1  }
0x14d: {  	v2 =	vmov s8;
	[tilespmem:s5+$0xB0] =	vst v1;
	v63 =	vld.idx.msk [tilespmem:v62+s19+$0x0], $0xffff  }
0x14e: {  	v2 =	vand.u32 $0xFFFFFFFE, v2;
	[tilespmem:s5+$0xC0] =	vst v1  }
0x14f: {  	v2 =	vbroadcast v2, $0x0;
	[tilespmem:s5+$0xD0] =	vst v1  }
0x150: {  	[tilespmem:s5+$0xE0] =	vst v1  }
0x151: {  	s13 =	sadd.s32 $0x200, s5;
	[tilespmem:s5+$0xF0] =	vst v1  }
0x152: {  	[tilespmem:s13+$0x80] =	vst v63  }
0x153: {  	[tilespmem:s13+$0x90] =	vst v63  }
0x154: {  	s9 =	sadd.s32 $0x1, s7;
	[tilespmem:s13+$0xA0] =	vst v63  }
0x155: {  	v3 =	vmov s9;
	v59 =	vld.idx.msk [tilespmem:v2+s19+$0x0], $0xffff;
	[tilespmem:s13+$0xB0] =	vst v63  }
0x156: {  	v3 =	vand.u32 $0xFFFFFFFD, v3;
	[tilespmem:s13+$0xC0] =	vst v63  }
0x157: {  	v3 =	vbroadcast v3, $0x0;
	[tilespmem:s13+$0xD0] =	vst v63  }
0x158: {  	[tilespmem:s13+$0xE0] =	vst v63  }
0x159: {  	[tilespmem:s13+$0xF0] =	vst v63  }
0x15a: {  	[tilespmem:s13+$0x70] =	vst v59  }
0x15b: {  	[tilespmem:s13+$0x0] =	vst v59  }
0x15c: {  	[tilespmem:s13+$0x10] =	vst v59  }
0x15d: {  	v61 =	vmov s7;
	v60 =	vld.idx.msk [tilespmem:v3+s19+$0x0], $0xffff;
	[tilespmem:s13+$0x20] =	vst v59  }
0x15e: {  	v1 =	vand.u32 $0xFFFFFFFC, v61;
	[tilespmem:s13+$0x30] =	vst v59  }
0x15f: {  	v1 =	vbroadcast v1, $0x0;
	[tilespmem:s13+$0x40] =	vst v59  }
0x160: {  	[tilespmem:s13+$0x50] =	vst v59  }
0x161: {  	[tilespmem:s13+$0x60] =	vst v59  }
0x162: {  	[tilespmem:s13+$0xFFFFFF80] =	vst v60  }
0x163: {  	[tilespmem:s13+$0xFFFFFF90] =	vst v60  }
0x164: {  	[tilespmem:s13+$0xFFFFFFA0] =	vst v60  }
0x165: {  	v1 =	vld.idx.msk [tilespmem:v1+s19+$0x0], $0xffff;
	[tilespmem:s13+$0xFFFFFFB0] =	vst v60  }
0x166: {  	[tilespmem:s13+$0xFFFFFFC0] =	vst v60  }
0x167: {  	[tilespmem:s13+$0xFFFFFFD0] =	vst v60  }
0x168: {  	[tilespmem:s13+$0xFFFFFFE0] =	vst v60  }
0x169: {  	[tilespmem:s13+$0xFFFFFFF0] =	vst v60  }
0x16a: {  	[tilespmem:s13+$0xFFFFFF00] =	vst v1  }
0x16b: {  	[tilespmem:s13+$0xFFFFFF10] =	vst v1  }
0x16c: {  	s0 =	sadd.s32 $0x1, s0;
	[tilespmem:s13+$0xFFFFFF20] =	vst v1  }
0x16d: {  	p0 =	sne.s32 s0, $0x2A;
	[tilespmem:s13+$0xFFFFFF30] =	vst v1  }
.Ltmp3:
0x16e: {  	[tilespmem:s13+$0xFFFFFF40] =	vst v1;
	(pc) =	sbr.rel @p0 .LBB2_2-.Ltmp3, $4  }
0x16f: {  	[tilespmem:s13+$0xFFFFFF50] =	vst v1  }
0x170: {  	s1 =	sshll.u32 s1, $0x7;
	[tilespmem:s13+$0xFFFFFF60] =	vst v1  }
0x171: {  	s1 =	sand.u32 $0x3FFFFF80, s1;
	[tilespmem:s13+$0xFFFFFF70] =	vst v1  }
0x172: {  	[spmem:s2] =	stream.indirect.scatter.add.f32 [tilespmem:s26], [sflag:$0x6], $0x80, s1, s21, $0xb8;
	[tilespmem:$0x1F980] =	vst v63  }
0x173: {  	s0 =	simm.s32 $0x4  }
0x174: {  	_ =	swait.ge [sflag:s0], $0x2800  }
0x175: {  	[sflag:s0] =	ssyncset.done $0x0  }
0x176: {  	[sflag:s0] =	ssyncadd.s32 $0xFFFFD800  }
0x177: {  	_ =	swait.ge [sflag:s29], $0x2800  }
0x178: {  	[sflag:s29] =	ssyncset.done $0x0  }
0x179: {  	[sflag:s29] =	ssyncadd.s32 $0xFFFFD800  }
0x17a: {  	_ =	swait.ge [sflag:s30], $0x2800  }
0x17b: {  	[sflag:s30] =	ssyncset.done $0x0  }
0x17c: {  	[sflag:s30] =	ssyncadd.s32 $0xFFFFD800  }
0x17d: {  	[bflag:$0x0] =	sbarrier.arrive $0xFFFF  }
0x17e: {  	s13 =	rddreg [dreg:$0x7]  }
0x17f: {  	[hbm:s13], [sflag:s15] =	dma.local [spmem:s16], $0x2800  }
0x180: {  	_ =	swait.ge [sflag:s14], $0x2800  }
0x181: {  	s31 =	sadd.s32 $0x1, s31;
	s28 =	rddreg [dreg:$0x8]  }
0x182: {  	p0 =	sne.s32 s31, s28  }
.Ltmp4:
0x183: {  	_ = 	snop;
	(pc) =	sbr.rel @p0 .LBB2_1-.Ltmp4, $3  }
0x184: {  	_ =	sdelay $0x1  }
0x185: {  	[sflag:s14] =	ssyncset.done $0x0  }
0x186: {  	[sflag:s14] =	ssyncadd.s32 $0xFFFFD800  }
0x187: {  	_ =	sfence.sel $0x180000  }
0x188: {  	[bflag:$0x0] =	sbarrier.arrive $0xFFFF  }
0x189: {  	_ =	strace $0x90000047  }
0x18a: {  	s0 =	stileid.u32;
	[bflag:$0x2] =	sbarrier.arrive $0xFFFF  }
0x18b: {  	p0 =	sne.s32 s0, $0x0;
	s0 =	rddreg [dreg:$0x2]  }
0x18c: {  	s0 =	sadd.s32 @!p0 $0x100000, s0  }
0x18d: {  	[sflag:s0] =	ssyncadd.tile.s32 @!p0 $0x1;
	_ =	shalt  }
.Lfunc_end2:
_tile_overlayer_lowered:
.L_overlay_start_2:
0x18e: {  	(tag) =	ssettag $0x2  }
0x18f: {  	s0 =	rddreg [dreg:$0x0];
	s2 =	stileid.u32  }
0x190: {  	s1 =	rddreg [dreg:$0x1];
	p0 =	sne.s32 s2, $0x0  }
0x191: {  	s3 =	rddreg [dreg:$0x2];
	[bflag:$0x3] =	sbarrier.arrive $0xFFFF;
	s2 =	simm.s32 @!p0 $0x1C07  }
0x192: {  	[timem:s3], [sflag:s2] =	dma.local @!p0 [hbm:s0], s1  }
0x193: {  	s0 =	simm.s32 @!p0 $0x7  }
0x194: {  	_ =	swait.ge @!p0 [sflag:s0], s1  }
0x195: {  	s1 =	ssub.s32 @!p0 $0x0, s1;
	[sflag:s0] =	ssyncset.done @!p0 $0x0  }
0x196: {  	[sflag:s0] =	ssyncadd.s32 @!p0 s1  }
0x197: {  	[bflag:$0x3] =	sbarrier.arrive $0xFFFF  }
0x198: {  	_ =	shalt  }

</sc_bundles>
